<compile_context>
chip_gen: v7x
topology: tpu7x:2x2x1
jax: 0.10.2.dev20260603
libtpu: 0.0.44.dev20260713+nightly
codegen_flags: <defaults>
</compile_context>

<pallas_src>
import functools

import jax
import jax.numpy as jnp
from jax import lax
from jax.experimental import pallas as pl
from jax.experimental.pallas import tpu as pltpu
from jax.experimental.pallas import tpu_sc as plsc

B, N0, N1, IN, D, OUT = 64, 1024, 256, 64, 64, 10
E0, EC, EI = 16384, 1024, 4096
NB = N0 * B
NBC = N1 * B
F = B * D
_GB = 8
_CB = _GB * D


_SC_MESH = plsc.VectorSubcoreMesh(core_axis_name="c", subcore_axis_name="s")


def _sc_scatter_edges(src_hbm, dst_hbm, base, n, width, ebs, ebd, ones_ref,
                      acc):
    pltpu.sync_copy(src_hbm.at[pl.ds(base, n)], ebs.at[pl.ds(0, n)])
    pltpu.sync_copy(dst_hbm.at[pl.ds(base, n)], ebd.at[pl.ds(0, n)])
    for ch in range(n // 16):
        s16 = ebs[pl.ds(ch * 16, 16)]
        d16 = ebd[pl.ds(ch * 16, 16)]
        idx16 = d16 * width + s16
        pltpu.sync_copy(ones_ref, acc.at[idx16], add=True)


@functools.partial(
    pl.kernel, mesh=_SC_MESH,
    out_type=[
        jax.ShapeDtypeStruct((N0 * N0,), jnp.float32),
        jax.ShapeDtypeStruct((N1 * N0,), jnp.float32),
        jax.ShapeDtypeStruct((N1 * N1,), jnp.float32),
    ],
    scratch_types=[
        pltpu.VMEM((E0 // 16,), jnp.int32),
        pltpu.VMEM((E0 // 16,), jnp.int32),
        pltpu.VMEM((16,), jnp.float32),
        pltpu.VMEM_SHARED((N0 * N0,), jnp.float32),
        pltpu.VMEM_SHARED((N1 * N0,), jnp.float32),
        pltpu.VMEM_SHARED((N1 * N1,), jnp.float32),
    ],
)
def _sc_build(s0, d0, sc, dc, si, di, zin, a_out, p_out, a2_out,
              ebs, ebd, ones_ref, acc_a, acc_p, acc_a2):
    sid = lax.axis_index("s")
    core = lax.axis_index("c")
    ones_ref[...] = jnp.ones((16,), jnp.float32)

    @pl.when(core == 0)
    def _z0():
        pltpu.sync_copy(zin, acc_a.at[pl.ds(sid * (N0 * N0 // 16),
                                            N0 * N0 // 16)])

    @pl.when(core == 1)
    def _z1():
        pltpu.sync_copy(zin.at[pl.ds(0, N1 * N0 // 16)],
                        acc_p.at[pl.ds(sid * (N1 * N0 // 16),
                                       N1 * N0 // 16)])
        pltpu.sync_copy(zin.at[pl.ds(0, N1 * N1 // 16)],
                        acc_a2.at[pl.ds(sid * (N1 * N1 // 16),
                                        N1 * N1 // 16)])

    plsc.subcore_barrier()

    @pl.when(core == 0)
    def _s0():
        _sc_scatter_edges(s0, d0, sid * (E0 // 16), E0 // 16, N0,
                          ebs, ebd, ones_ref, acc_a)

    @pl.when(core == 1)
    def _s1():
        _sc_scatter_edges(sc, dc, sid * (EC // 16), EC // 16, N0,
                          ebs, ebd, ones_ref, acc_p)
        _sc_scatter_edges(si, di, sid * (EI // 16), EI // 16, N1,
                          ebs, ebd, ones_ref, acc_a2)

    plsc.subcore_barrier()

    @pl.when(core == 0)
    def _w0():
        pltpu.sync_copy(acc_a.at[pl.ds(sid * (N0 * N0 // 16),
                                       N0 * N0 // 16)],
                        a_out.at[pl.ds(sid * (N0 * N0 // 16),
                                       N0 * N0 // 16)])

    @pl.when(core == 1)
    def _w1():
        pltpu.sync_copy(acc_p.at[pl.ds(sid * (N1 * N0 // 16),
                                       N1 * N0 // 16)],
                        p_out.at[pl.ds(sid * (N1 * N0 // 16),
                                       N1 * N0 // 16)])
        pltpu.sync_copy(acc_a2.at[pl.ds(sid * (N1 * N1 // 16),
                                        N1 * N1 // 16)],
                        a2_out.at[pl.ds(sid * (N1 * N1 // 16),
                                        N1 * N1 // 16)])


def _build_mats_sc(ei, ce, ie):
    zin = jnp.zeros((N0 * N0 // 16,), jnp.float32)
    a, p, a2 = _sc_build(ei[0], ei[1], ce[0], ce[1], ie[0], ie[1], zin)
    return a.reshape(N0, N0), p.reshape(N1, N0), a2.reshape(N1, N1)


def _split2(x):
    hi = x.astype(jnp.bfloat16)
    lo = (x - hi.astype(jnp.float32)).astype(jnp.bfloat16)
    return hi, lo


def _dot1(x, w):
    return jax.lax.dot_general(
        x.astype(jnp.bfloat16), w.astype(jnp.bfloat16),
        (((1,), (1,)), ((), ())), preferred_element_type=jnp.float32)


def _split_matmul(a_cnt, z):
    a_bf = a_cnt.astype(jnp.bfloat16)
    zhi, zlo = _split2(z)
    dims = (((1,), (0,)), ((), ()))
    hi = jax.lax.dot_general(a_bf, zhi, dims,
                             preferred_element_type=jnp.float32)
    lo = jax.lax.dot_general(a_bf, zlo, dims,
                             preferred_element_type=jnp.float32)
    return hi + lo


def _mix1_body(x_ref, w_ref, a_ref, b_ref, h_ref, st_ref):
    xv = jnp.concatenate([x_ref[pl.ds(k * N0, N0), :] for k in range(_GB)],
                         axis=1)
    h0 = xv + _split_matmul(a_ref[...], xv)
    h = jnp.concatenate(
        [_dot1(h0[:, k * D:(k + 1) * D], w_ref[...]) for k in range(_GB)],
        axis=1) + b_ref[...]
    h_ref[...] = h
    st_ref[0:1, :] = jnp.sum(h, axis=0, keepdims=True)
    st_ref[1:2, :] = jnp.sum(h * h, axis=0, keepdims=True)


def _mix1(x3, w1, a, b1t):
    return pl.pallas_call(
        _mix1_body,
        grid=(B // _GB,),
        in_specs=[
            pl.BlockSpec((_GB * N0, IN), lambda j: (j, 0)),
            pl.BlockSpec((D, IN), lambda j: (0, 0)),
            pl.BlockSpec((N0, N0), lambda j: (0, 0)),
            pl.BlockSpec((1, _CB), lambda j: (0, j)),
        ],
        out_specs=[
            pl.BlockSpec((N0, _CB), lambda j: (0, j)),
            pl.BlockSpec((2, _CB), lambda j: (0, j)),
        ],
        out_shape=[
            jax.ShapeDtypeStruct((N0, F), jnp.float32),
            jax.ShapeDtypeStruct((2, F), jnp.float32),
        ],
    )(x3, w1, a, b1t)


def _bn_scale_shift(st_ref, g_ref, bb_ref, nrows):
    inv = 1.0 / nrows
    mean = jnp.sum(st_ref[0:B, :], axis=0, keepdims=True) * inv
    ex2 = jnp.sum(st_ref[B:2 * B, :], axis=0, keepdims=True) * inv
    var = ex2 - mean * mean
    scale = g_ref[...] * jax.lax.rsqrt(var + 1e-5)
    shift = bb_ref[...] - mean * scale
    return jnp.tile(scale, (1, _GB)), jnp.tile(shift, (1, _GB))


def _bnpool_body(h_ref, st_ref, g_ref, bb_ref, w2_ref, b2_ref, p_ref, o_ref):
    scale, shift = _bn_scale_shift(st_ref, g_ref, bb_ref, NB)
    hb = jnp.maximum(h_ref[...] * scale + shift, 0.0)
    h2 = jnp.concatenate(
        [jnp.maximum(_dot1(hb[:, k * D:(k + 1) * D], w2_ref[...])
                     + b2_ref[...], 0.0) for k in range(_GB)], axis=1)
    p = p_ref[...]
    cnt = jnp.sum(p, axis=1, keepdims=True)
    o_ref[...] = _split_matmul(p, h2) * (1.0 / jnp.maximum(cnt, 1.0))


def _bnpool(h1, st1f, g, bb, w2, b2, pm):
    return pl.pallas_call(
        _bnpool_body,
        grid=(B // _GB,),
        in_specs=[
            pl.BlockSpec((N0, _CB), lambda j: (0, j)),
            pl.BlockSpec((2 * B, D), lambda j: (0, 0)),
            pl.BlockSpec((1, D), lambda j: (0, 0)),
            pl.BlockSpec((1, D), lambda j: (0, 0)),
            pl.BlockSpec((D, D), lambda j: (0, 0)),
            pl.BlockSpec((1, D), lambda j: (0, 0)),
            pl.BlockSpec((N1, N0), lambda j: (0, 0)),
        ],
        out_specs=pl.BlockSpec((N1, _CB), lambda j: (0, j)),
        out_shape=jax.ShapeDtypeStruct((N1, F), jnp.float32),
    )(h1, st1f, g, bb, w2, b2, pm)


def _mix2_body(hp_ref, w_ref, a_ref, b_ref, g_ref, st_ref):
    hp = hp_ref[...]
    g0 = hp + _split_matmul(a_ref[...], hp)
    g = jnp.concatenate(
        [_dot1(g0[:, k * D:(k + 1) * D], w_ref[...]) for k in range(_GB)],
        axis=1) + b_ref[...]
    g_ref[...] = g
    st_ref[0:1, :] = jnp.sum(g, axis=0, keepdims=True)
    st_ref[1:2, :] = jnp.sum(g * g, axis=0, keepdims=True)


def _mix2(hp, w1, a2, b1t):
    return pl.pallas_call(
        _mix2_body,
        grid=(B // _GB,),
        in_specs=[
            pl.BlockSpec((N1, _CB), lambda j: (0, j)),
            pl.BlockSpec((D, D), lambda j: (0, 0)),
            pl.BlockSpec((N1, N1), lambda j: (0, 0)),
            pl.BlockSpec((1, _CB), lambda j: (0, j)),
        ],
        out_specs=[
            pl.BlockSpec((N1, _CB), lambda j: (0, j)),
            pl.BlockSpec((2, _CB), lambda j: (0, j)),
        ],
        out_shape=[
            jax.ShapeDtypeStruct((N1, F), jnp.float32),
            jax.ShapeDtypeStruct((2, F), jnp.float32),
        ],
    )(hp, w1, a2, b1t)


def _bn2_body(g_ref, st_ref, gg_ref, bb_ref, w2_ref, b2_ref, o_ref):
    scale, shift = _bn_scale_shift(st_ref, gg_ref, bb_ref, NBC)
    hb = jnp.maximum(g_ref[...] * scale + shift, 0.0)
    for k in range(_GB):
        o_ref[pl.ds(k * N1, N1), :] = jnp.maximum(
            _dot1(hb[:, k * D:(k + 1) * D], w2_ref[...]) + b2_ref[...], 0.0)


def _bn2(g1, st2f, gg, bb, w2, b2):
    return pl.pallas_call(
        _bn2_body,
        grid=(B // _GB,),
        in_specs=[
            pl.BlockSpec((N1, _CB), lambda j: (0, j)),
            pl.BlockSpec((2 * B, D), lambda j: (0, 0)),
            pl.BlockSpec((1, D), lambda j: (0, 0)),
            pl.BlockSpec((1, D), lambda j: (0, 0)),
            pl.BlockSpec((D, D), lambda j: (0, 0)),
            pl.BlockSpec((1, D), lambda j: (0, 0)),
        ],
        out_specs=pl.BlockSpec((_GB * N1, D), lambda j: (j, 0)),
        out_shape=jax.ShapeDtypeStruct((NBC, D), jnp.float32),
    )(g1, st2f, gg, bb, w2, b2)


def _readout_body(h_ref, w1_ref, b1_ref, w2_ref, b2_ref, o_ref):
    t = jnp.maximum(_dot1(h_ref[...], w1_ref[...]) + b1_ref[...], 0.0)
    o_ref[...] = _dot1(t, w2_ref[...]) + b2_ref[...]


def _readout(hbm, w1, b1, w2, b2):
    return pl.pallas_call(
        _readout_body,
        in_specs=[
            pl.BlockSpec((B, N1 * D), lambda: (0, 0)),
            pl.BlockSpec((D, N1 * D), lambda: (0, 0)),
            pl.BlockSpec((1, D), lambda: (0, 0)),
            pl.BlockSpec((OUT, D), lambda: (0, 0)),
            pl.BlockSpec((1, OUT), lambda: (0, 0)),
        ],
        out_specs=pl.BlockSpec((B, OUT), lambda: (0, 0)),
        out_shape=jax.ShapeDtypeStruct((B, OUT), jnp.float32),
    )(hbm, w1, b1, w2, b2)


def kernel(x, batch, edge_index, cross_edge_index, inner_edge_index,
           c1_W1, c1_b1, c1_bn_g, c1_bn_b, c1_W2, c1_b2,
           i1_W1, i1_b1, i1_bn_g, i1_bn_b, i1_W2, i1_b2,
           lin1_W, lin1_b, lin2_W, lin2_b):
    del batch
    a, pm, a2 = _build_mats_sc(edge_index, cross_edge_index, inner_edge_index)

    h1, st1 = _mix1(x, c1_W1, a, jnp.tile(c1_b1, B)[None])
    hp = _bnpool(h1, st1.reshape(2 * B, D), c1_bn_g[None], c1_bn_b[None],
                 c1_W2, c1_b2[None], pm)
    g1, st2 = _mix2(hp, i1_W1, a2, jnp.tile(i1_b1, B)[None])
    h3 = _bn2(g1, st2.reshape(2 * B, D), i1_bn_g[None], i1_bn_b[None],
              i1_W2, i1_b2[None])
    return _readout(h3.reshape(B, N1 * D), lin1_W, lin1_b[None],
                    lin2_W, lin2_b[None])

# --- scband reference (transcript-rebuilt; emitter-appended) ---
"""Pipeline reference for scband-net-4681514352669 (READ-ONLY COPY).

The authoritative reference and input builder live on the scoring server;
editing this copy changes nothing except your own understanding.
"""

import jax, jax.numpy as jnp
import numpy as np

B, N0, N1, IN, D, OUT = 64, 1024, 256, 64, 64, 10
E0, EC, EI = 16384, 1024, 4096


def _construct_inner(ei, b, n):
    offs = jnp.arange(b, dtype=ei.dtype) * n
    return (ei[:, None, :] + offs[None, :, None]).reshape(2, -1)


def _construct_cross(ce, b, n1, n2):
    offs1 = jnp.arange(b, dtype=ce.dtype) * n1
    offs2 = jnp.arange(b, dtype=ce.dtype) * n2
    src = (ce[0][None, :] + offs1[:, None]).reshape(-1)
    dst = (ce[1][None, :] + offs2[:, None]).reshape(-1)
    return jnp.stack([src, dst])


def _bn(h, g, b):
    m = h.mean(axis=0)
    v = h.var(axis=0)
    return (h - m) / jnp.sqrt(v + 1e-5) * g + b


def _gin(x, ei, n, W1, b1, bn_g, bn_b, W2, b2):
    agg = jnp.zeros((n, x.shape[1]), x.dtype).at[ei[1]].add(x[ei[0]])
    h = x + agg
    h = h @ W1.T + b1
    h = jax.nn.relu(_bn(h, bn_g, bn_b))
    h = h @ W2.T + b2
    return jax.nn.relu(h)


def _mean_pool(x, ei, n):
    s = jnp.zeros((n, x.shape[1]), x.dtype).at[ei[1]].add(x[ei[0]])
    cnt = jnp.zeros((n,), x.dtype).at[ei[1]].add(1.0)
    return s / jnp.maximum(cnt, 1.0)[:, None]


def setup_inputs(seed: int = 0) -> dict:
    key = jax.random.key(seed)
    ks = jax.random.split(key, 12)

    def lin(k, fo, fi):
        k1, k2 = jax.random.split(k)
        bound = 1.0 / np.sqrt(fi)
        W = jax.random.uniform(k1, (fo, fi), minval=-bound, maxval=bound, dtype=jnp.float32)
        b = jax.random.uniform(k2, (fo,), minval=-bound, maxval=bound, dtype=jnp.float32)
        return W, b

    x = jax.random.normal(ks[0], (B * N0, IN), dtype=jnp.float32)
    batch = jnp.repeat(jnp.arange(B, dtype=jnp.int32), N0)
    edge_index = jax.random.randint(ks[1], (2, E0), 0, N0)
    cross_edge_index = jnp.stack([
        jax.random.randint(ks[2], (EC,), 0, N0),
        jax.random.randint(ks[3], (EC,), 0, N1),
    ])
    inner_edge_index = jax.random.randint(ks[4], (2, EI), 0, N1)
    c1_W1, c1_b1 = lin(ks[5], D, IN)
    c1_W2, c1_b2 = lin(ks[6], D, D)
    i1_W1, i1_b1 = lin(ks[7], D, D)
    i1_W2, i1_b2 = lin(ks[8], D, D)
    lin1_W, lin1_b = lin(ks[9], D, N1 * D)
    lin2_W, lin2_b = lin(ks[10], OUT, D)
    return {
        'x': x, 'batch': batch, 'edge_index': edge_index,
        'cross_edge_index': cross_edge_index, 'inner_edge_index': inner_edge_index,
        'c1_W1': c1_W1, 'c1_b1': c1_b1,
        'c1_bn_g': jnp.ones((D,), jnp.float32), 'c1_bn_b': jnp.zeros((D,), jnp.float32),
        'c1_W2': c1_W2, 'c1_b2': c1_b2,
        'i1_W1': i1_W1, 'i1_b1': i1_b1,
        'i1_bn_g': jnp.ones((D,), jnp.float32), 'i1_bn_b': jnp.zeros((D,), jnp.float32),
        'i1_W2': i1_W2, 'i1_b2': i1_b2,
        'lin1_W': lin1_W, 'lin1_b': lin1_b,
        'lin2_W': lin2_W, 'lin2_b': lin2_b,
    }


def reference(x, batch, edge_index, cross_edge_index, inner_edge_index,
              c1_W1, c1_b1, c1_bn_g, c1_bn_b, c1_W2, c1_b2,
              i1_W1, i1_b1, i1_bn_g, i1_bn_b, i1_W2, i1_b2,
              lin1_W, lin1_b, lin2_W, lin2_b):
    b = batch.shape[0] // N0
    # conv1 (GIN) on batched fine graph
    e0 = _construct_inner(edge_index, b, N0)
    h = _gin(x, e0, b * N0, c1_W1, c1_b1, c1_bn_g, c1_bn_b, c1_W2, c1_b2)
    # cross pooling (mean scatter) fine -> coarse
    ec = _construct_cross(cross_edge_index, b, N0, N1)
    h = _mean_pool(h, ec, b * N1)
    # inner conv (GIN) on batched coarse graph
    ei = _construct_inner(inner_edge_index, b, N1)
    h = _gin(h, ei, b * N1, i1_W1, i1_b1, i1_bn_g, i1_bn_b, i1_W2, i1_b2)
    # readout
    h = h.reshape(b, -1)
    h = jax.nn.relu(h @ lin1_W.T + lin1_b)
    return h @ lin2_W.T + lin2_b

if __name__ == "__main__":
    import jax
    _d = setup_inputs()
    print(jax.jit(kernel)(*tuple(_d.values())))

</pallas_src>

<mosaic_0001>
#map = affine_map<(d0, d1) -> (0)>
module attributes {stable_mosaic.version = 14 : i64} {
  func.func @_sc_build(%arg0: i32, %arg1: i32, %arg2: memref<16384xi32, #tpu.memory_space<hbm>>, %arg3: memref<16384xi32, #tpu.memory_space<hbm>>, %arg4: memref<1024xi32, #tpu.memory_space<hbm>>, %arg5: memref<1024xi32, #tpu.memory_space<hbm>>, %arg6: memref<4096xi32, #tpu.memory_space<hbm>>, %arg7: memref<4096xi32, #tpu.memory_space<hbm>>, %arg8: memref<65536xf32, #tpu.memory_space<hbm>>, %arg9: memref<1048576xf32, #tpu.memory_space<hbm>>, %arg10: memref<262144xf32, #tpu.memory_space<hbm>>, %arg11: memref<65536xf32, #tpu.memory_space<hbm>>, %arg12: memref<1024xi32, #tpu.memory_space<vmem>>, %arg13: memref<1024xi32, #tpu.memory_space<vmem>>, %arg14: memref<16xf32, #tpu.memory_space<vmem>>, %arg15: memref<1048576xf32, #tpu.memory_space<vmem_shared>>, %arg16: memref<262144xf32, #tpu.memory_space<vmem_shared>>, %arg17: memref<65536xf32, #tpu.memory_space<vmem_shared>>) attributes {dimension_semantics = [#tpu.dimension_semantics<core_parallel>, #tpu.dimension_semantics<subcore_parallel>], iteration_bounds = array<i64: 2, 16>, scalar_prefetch = 0 : i64, scratch_operands = 6 : i64, tpu.core_type = #tpu.core_type<sc_vector_subcore>, window_params = [{transform_indices = #map}, {transform_indices = #map}, {transform_indices = #map}, {transform_indices = #map}, {transform_indices = #map}, {transform_indices = #map}, {transform_indices = #map}, {transform_indices = #map}, {transform_indices = #map}, {transform_indices = #map}]} {
    %broadcast_in_dim3A = arith.constant 1.000000e+00 : f32
    %broadcast_in_dim3A_0 = vector.broadcast %broadcast_in_dim3A : f32 to vector<16xf32>
    %swap3A = arith.constant 0 : index
    %swap3A_1 = tpu.vector_load %arg14[%swap3A] {strides = array<i32>} : memref<16xf32, #tpu.memory_space<vmem>>, vector<16xf32>,
    %swap3A_2 = vector.shape_cast %swap3A_1 : vector<16xf32> to vector<16xf32>
    %swap3A_3 = vector.shape_cast %broadcast_in_dim3A_0 : vector<16xf32> to vector<16xf32>
    tpu.vector_store %arg14[%swap3A], %swap3A_3 {strides = array<i32>} : memref<16xf32, #tpu.memory_space<vmem>>, vector<16xf32>,
    %eq3A = arith.constant 0 : i32
    %eq3A_4 = arith.cmpi eq, %arg0, %eq3A : i32
    %convert_element_type3A = arith.extui %eq3A_4 : i1 to i32
    %cond3A = arith.constant 0 : i32
    %cond3A_5 = arith.cmpi ne, %convert_element_type3A, %cond3A : i32
    scf.if %cond3A_5 {
      %mul3A = arith.constant 65536 : i32
      %mul3A_32 = arith.muli %arg1, %mul3A : i32
      "tpu.region"() ({
        %run_scoped3A = tpu.sem_alloc : memref<!tpu.dma_semaphore, #tpu.memory_space<semaphore_mem>>
        %dma_start3A = tpu.memref_slice %arg15[%mul3A_32] : memref<1048576xf32, #tpu.memory_space<vmem_shared>> -> memref<65536xf32, #tpu.memory_space<vmem_shared>>
        tpu.enqueue_dma source(%arg8 : memref<65536xf32, #tpu.memory_space<hbm>>) target(%dma_start3A : memref<65536xf32, #tpu.memory_space<vmem_shared>>) target_semaphore(%run_scoped3A : memref<!tpu.dma_semaphore, #tpu.memory_space<semaphore_mem>>)
        %dma_wait3A = tpu.memref_slice %arg15[%mul3A_32] : memref<1048576xf32, #tpu.memory_space<vmem_shared>> -> memref<65536xf32, #tpu.memory_space<vmem_shared>>
        tpu.wait_dma2 semaphore(%run_scoped3A : memref<!tpu.dma_semaphore, #tpu.memory_space<semaphore_mem>>) src(%arg8 : memref<65536xf32, #tpu.memory_space<hbm>>) dst(%dma_wait3A : memref<65536xf32, #tpu.memory_space<vmem_shared>>)
        tpu.yield
      }) : () -> ()
    } else {
    }
    %eq3A_6 = arith.constant 1 : i32
    %eq3A_7 = arith.cmpi eq, %arg0, %eq3A_6 : i32
    %convert_element_type3A_8 = arith.extui %eq3A_7 : i1 to i32
    %cond3A_9 = arith.constant 0 : i32
    %cond3A_10 = arith.cmpi ne, %convert_element_type3A_8, %cond3A_9 : i32
    scf.if %cond3A_10 {
      %mul3A = arith.constant 16384 : i32
      %mul3A_32 = arith.muli %arg1, %mul3A : i32
      "tpu.region"() ({
        %run_scoped3A = tpu.sem_alloc : memref<!tpu.dma_semaphore, #tpu.memory_space<semaphore_mem>>
        %dma_start3A = tpu.memref_slice %arg16[%mul3A_32] : memref<262144xf32, #tpu.memory_space<vmem_shared>> -> memref<16384xf32, #tpu.memory_space<vmem_shared>>
        %dma_start3A_35 = arith.constant 0 : i32
        %dma_start3A_36 = tpu.memref_slice %arg8[%dma_start3A_35] : memref<65536xf32, #tpu.memory_space<hbm>> -> memref<16384xf32, #tpu.memory_space<hbm>>
        tpu.enqueue_dma source(%dma_start3A_36 : memref<16384xf32, #tpu.memory_space<hbm>>) target(%dma_start3A : memref<16384xf32, #tpu.memory_space<vmem_shared>>) target_semaphore(%run_scoped3A : memref<!tpu.dma_semaphore, #tpu.memory_space<semaphore_mem>>)
        %dma_wait3A = tpu.memref_slice %arg16[%mul3A_32] : memref<262144xf32, #tpu.memory_space<vmem_shared>> -> memref<16384xf32, #tpu.memory_space<vmem_shared>>
        %dma_wait3A_37 = arith.constant 0 : i32
        %dma_wait3A_38 = tpu.memref_slice %arg8[%dma_wait3A_37] : memref<65536xf32, #tpu.memory_space<hbm>> -> memref<16384xf32, #tpu.memory_space<hbm>>
        tpu.wait_dma2 semaphore(%run_scoped3A : memref<!tpu.dma_semaphore, #tpu.memory_space<semaphore_mem>>) src(%dma_wait3A_38 : memref<16384xf32, #tpu.memory_space<hbm>>) dst(%dma_wait3A : memref<16384xf32, #tpu.memory_space<vmem_shared>>)
        tpu.yield
      }) : () -> ()
      %mul3A_33 = arith.constant 4096 : i32
      %mul3A_34 = arith.muli %arg1, %mul3A_33 : i32
      "tpu.region"() ({
        %run_scoped3A = tpu.sem_alloc : memref<!tpu.dma_semaphore, #tpu.memory_space<semaphore_mem>>
        %dma_start3A = tpu.memref_slice %arg17[%mul3A_34] : memref<65536xf32, #tpu.memory_space<vmem_shared>> -> memref<4096xf32, #tpu.memory_space<vmem_shared>>
        %dma_start3A_35 = arith.constant 0 : i32
        %dma_start3A_36 = tpu.memref_slice %arg8[%dma_start3A_35] : memref<65536xf32, #tpu.memory_space<hbm>> -> memref<4096xf32, #tpu.memory_space<hbm>>
        tpu.enqueue_dma source(%dma_start3A_36 : memref<4096xf32, #tpu.memory_space<hbm>>) target(%dma_start3A : memref<4096xf32, #tpu.memory_space<vmem_shared>>) target_semaphore(%run_scoped3A : memref<!tpu.dma_semaphore, #tpu.memory_space<semaphore_mem>>)
        %dma_wait3A = tpu.memref_slice %arg17[%mul3A_34] : memref<65536xf32, #tpu.memory_space<vmem_shared>> -> memref<4096xf32, #tpu.memory_space<vmem_shared>>
        %dma_wait3A_37 = arith.constant 0 : i32
        %dma_wait3A_38 = tpu.memref_slice %arg8[%dma_wait3A_37] : memref<65536xf32, #tpu.memory_space<hbm>> -> memref<4096xf32, #tpu.memory_space<hbm>>
        tpu.wait_dma2 semaphore(%run_scoped3A : memref<!tpu.dma_semaphore, #tpu.memory_space<semaphore_mem>>) src(%dma_wait3A_38 : memref<4096xf32, #tpu.memory_space<hbm>>) dst(%dma_wait3A : memref<4096xf32, #tpu.memory_space<vmem_shared>>)
        tpu.yield
      }) : () -> ()
    } else {
    }
    %barrier3A = arith.constant 0 : index
    tpu.barrier barrier_id(%barrier3A)
    %eq3A_11 = arith.constant 0 : i32
    %eq3A_12 = arith.cmpi eq, %arg0, %eq3A_11 : i32
    %convert_element_type3A_13 = arith.extui %eq3A_12 : i1 to i32
    %cond3A_14 = arith.constant 0 : i32
    %cond3A_15 = arith.cmpi ne, %convert_element_type3A_13, %cond3A_14 : i32
    scf.if %cond3A_15 {
      %mul3A = arith.constant 1024 : i32
      %mul3A_32 = arith.muli %arg1, %mul3A : i32
      "tpu.region"() ({
        %run_scoped3A = tpu.sem_alloc : memref<!tpu.dma_semaphore, #tpu.memory_space<semaphore_mem>>
        %dma_start3A = arith.constant 0 : i32
        %dma_start3A_671 = tpu.memref_slice %arg12[%dma_start3A] : memref<1024xi32, #tpu.memory_space<vmem>> -> memref<1024xi32, #tpu.memory_space<vmem>>
        %dma_start3A_672 = tpu.memref_slice %arg2[%mul3A_32] : memref<16384xi32, #tpu.memory_space<hbm>> -> memref<1024xi32, #tpu.memory_space<hbm>>
        %dma_start3A_673 = arith.constant 0 : i32
        %dma_start3A_674 = tpu.memref_slice %arg12[%dma_start3A_673] : memref<1024xi32, #tpu.memory_space<vmem>> -> memref<1024xi32, #tpu.memory_space<vmem>>
        %dma_start3A_675 = tpu.memref_slice %arg2[%mul3A_32] : memref<16384xi32, #tpu.memory_space<hbm>> -> memref<1024xi32, #tpu.memory_space<hbm>>
        tpu.enqueue_dma source(%dma_start3A_675 : memref<1024xi32, #tpu.memory_space<hbm>>) target(%dma_start3A_674 : memref<1024xi32, #tpu.memory_space<vmem>>) target_semaphore(%run_scoped3A : memref<!tpu.dma_semaphore, #tpu.memory_space<semaphore_mem>>)
        %dma_wait3A = arith.constant 0 : i32
        %dma_wait3A_676 = tpu.memref_slice %arg12[%dma_wait3A] : memref<1024xi32, #tpu.memory_space<vmem>> -> memref<1024xi32, #tpu.memory_space<vmem>>
        %dma_wait3A_677 = tpu.memref_slice %arg2[%mul3A_32] : memref<16384xi32, #tpu.memory_space<hbm>> -> memref<1024xi32, #tpu.memory_space<hbm>>
        %dma_wait3A_678 = arith.constant 0 : i32
        %dma_wait3A_679 = tpu.memref_slice %arg12[%dma_wait3A_678] : memref<1024xi32, #tpu.memory_space<vmem>> -> memref<1024xi32, #tpu.memory_space<vmem>>
        %dma_wait3A_680 = tpu.memref_slice %arg2[%mul3A_32] : memref<16384xi32, #tpu.memory_space<hbm>> -> memref<1024xi32, #tpu.memory_space<hbm>>
        tpu.wait_dma2 semaphore(%run_scoped3A : memref<!tpu.dma_semaphore, #tpu.memory_space<semaphore_mem>>) src(%dma_wait3A_680 : memref<1024xi32, #tpu.memory_space<hbm>>) dst(%dma_wait3A_679 : memref<1024xi32, #tpu.memory_space<vmem>>)
        tpu.yield
      }) : () -> ()
      "tpu.region"() ({
        %run_scoped3A = tpu.sem_alloc : memref<!tpu.dma_semaphore, #tpu.memory_space<semaphore_mem>>
        %dma_start3A = arith.constant 0 : i32
        %dma_start3A_671 = tpu.memref_slice %arg13[%dma_start3A] : memref<1024xi32, #tpu.memory_space<vmem>> -> memref<1024xi32, #tpu.memory_space<vmem>>
        %dma_start3A_672 = tpu.memref_slice %arg3[%mul3A_32] : memref<16384xi32, #tpu.memory_space<hbm>> -> memref<1024xi32, #tpu.memory_space<hbm>>
        %dma_start3A_673 = arith.constant 0 : i32
        %dma_start3A_674 = tpu.memref_slice %arg13[%dma_start3A_673] : memref<1024xi32, #tpu.memory_space<vmem>> -> memref<1024xi32, #tpu.memory_space<vmem>>
        %dma_start3A_675 = tpu.memref_slice %arg3[%mul3A_32] : memref<16384xi32, #tpu.memory_space<hbm>> -> memref<1024xi32, #tpu.memory_space<hbm>>
        tpu.enqueue_dma source(%dma_start3A_675 : memref<1024xi32, #tpu.memory_space<hbm>>) target(%dma_start3A_674 : memref<1024xi32, #tpu.memory_space<vmem>>) target_semaphore(%run_scoped3A : memref<!tpu.dma_semaphore, #tpu.memory_space<semaphore_mem>>)
        %dma_wait3A = arith.constant 0 : i32
        %dma_wait3A_676 = tpu.memref_slice %arg13[%dma_wait3A] : memref<1024xi32, #tpu.memory_space<vmem>> -> memref<1024xi32, #tpu.memory_space<vmem>>
        %dma_wait3A_677 = tpu.memref_slice %arg3[%mul3A_32] : memref<16384xi32, #tpu.memory_space<hbm>> -> memref<1024xi32, #tpu.memory_space<hbm>>
        %dma_wait3A_678 = arith.constant 0 : i32
        %dma_wait3A_679 = tpu.memref_slice %arg13[%dma_wait3A_678] : memref<1024xi32, #tpu.memory_space<vmem>> -> memref<1024xi32, #tpu.memory_space<vmem>>
        %dma_wait3A_680 = tpu.memref_slice %arg3[%mul3A_32] : memref<16384xi32, #tpu.memory_space<hbm>> -> memref<1024xi32, #tpu.memory_space<hbm>>
        tpu.wait_dma2 semaphore(%run_scoped3A : memref<!tpu.dma_semaphore, #tpu.memory_space<semaphore_mem>>) src(%dma_wait3A_680 : memref<1024xi32, #tpu.memory_space<hbm>>) dst(%dma_wait3A_679 : memref<1024xi32, #tpu.memory_space<vmem>>)
        tpu.yield
      }) : () -> ()
      %get3A = arith.constant 0 : index
      %get3A_33 = tpu.vector_load %arg12[%get3A] {strides = array<i32>} : memref<1024xi32, #tpu.memory_space<vmem>>, vector<16xi32>,
      %get3A_34 = vector.shape_cast %get3A_33 : vector<16xi32> to vector<16xi32>
      %get3A_35 = arith.constant 0 : index
      %get3A_36 = tpu.vector_load %arg13[%get3A_35] {strides = array<i32>} : memref<1024xi32, #tpu.memory_space<vmem>>, vector<16xi32>,
      %get3A_37 = vector.shape_cast %get3A_36 : vector<16xi32> to vector<16xi32>
      %mul3A_38 = arith.constant 1024 : i32
      %mul3A_39 = vector.broadcast %mul3A_38 : i32 to vector<16xi32>
      %mul3A_40 = arith.muli %get3A_37, %mul3A_39 : vector<16xi32>
      %add3A = arith.addi %mul3A_40, %get3A_34 : vector<16xi32>
      "tpu.region"() ({
        %run_scoped3A = tpu.sem_alloc : memref<!tpu.dma_semaphore, #tpu.memory_space<semaphore_mem>>
        %dma_start3A = arith.constant 0 : i32
        %dma_start3A_671 = tpu.memref_slice %arg15[%dma_start3A] : memref<1048576xf32, #tpu.memory_space<vmem_shared>> -> memref<1048576xf32, #tpu.memory_space<vmem_shared>>
        tpu.enqueue_indirect_dma source(%arg14 : memref<16xf32, #tpu.memory_space<vmem>>) target(%dma_start3A_671 : memref<1048576xf32, #tpu.memory_space<vmem_shared>>) offsets(%add3A : vector<16xi32>) semaphore(%run_scoped3A : memref<!tpu.dma_semaphore, #tpu.memory_space<semaphore_mem>>) {add = true}
        %dma_wait3A = arith.constant 0 : i32
        %dma_wait3A_672 = tpu.memref_slice %arg15[%dma_wait3A] : memref<1048576xf32, #tpu.memory_space<vmem_shared>> -> memref<1048576xf32, #tpu.memory_space<vmem_shared>>
        tpu.wait_indirect_dma semaphore(%run_scoped3A : memref<!tpu.dma_semaphore, #tpu.memory_space<semaphore_mem>>) src(%arg14 : memref<16xf32, #tpu.memory_space<vmem>>) dst(%dma_wait3A_672 : memref<1048576xf32, #tpu.memory_space<vmem_shared>>)
        tpu.yield
      }) : () -> ()
      %get3A_41 = arith.constant 16 : index
      %get3A_42 = tpu.vector_load %arg12[%get3A_41] {strides = array<i32>} : memref<1024xi32, #tpu.memory_space<vmem>>, vector<16xi32>,
      %get3A_43 = vector.shape_cast %get3A_42 : vector<16xi32> to vector<16xi32>
      %get3A_44 = arith.constant 16 : index
      %get3A_45 = tpu.vector_load %arg13[%get3A_44] {strides = array<i32>} : memref<1024xi32, #tpu.memory_space<vmem>>, vector<16xi32>,
      %get3A_46 = vector.shape_cast %get3A_45 : vector<16xi32> to vector<16xi32>
      %mul3A_47 = arith.constant 1024 : i32
      %mul3A_48 = vector.broadcast %mul3A_47 : i32 to vector<16xi32>
      %mul3A_49 = arith.muli %get3A_46, %mul3A_48 : vector<16xi32>
      %add3A_50 = arith.addi %mul3A_49, %get3A_43 : vector<16xi32>
      "tpu.region"() ({
        %run_scoped3A = tpu.sem_alloc : memref<!tpu.dma_semaphore, #tpu.memory_space<semaphore_mem>>
        %dma_start3A = arith.constant 0 : i32
        %dma_start3A_671 = tpu.memref_slice %arg15[%dma_start3A] : memref<1048576xf32, #tpu.memory_space<vmem_shared>> -> memref<1048576xf32, #tpu.memory_space<vmem_shared>>
        tpu.enqueue_indirect_dma source(%arg14 : memref<16xf32, #tpu.memory_space<vmem>>) target(%dma_start3A_671 : memref<1048576xf32, #tpu.memory_space<vmem_shared>>) offsets(%add3A_50 : vector<16xi32>) semaphore(%run_scoped3A : memref<!tpu.dma_semaphore, #tpu.memory_space<semaphore_mem>>) {add = true}
        %dma_wait3A = arith.constant 0 : i32
        %dma_wait3A_672 = tpu.memref_slice %arg15[%dma_wait3A] : memref<1048576xf32, #tpu.memory_space<vmem_shared>> -> memref<1048576xf32, #tpu.memory_space<vmem_shared>>
        tpu.wait_indirect_dma semaphore(%run_scoped3A : memref<!tpu.dma_semaphore, #tpu.memory_space<semaphore_mem>>) src(%arg14 : memref<16xf32, #tpu.memory_space<vmem>>) dst(%dma_wait3A_672 : memref<1048576xf32, #tpu.memory_space<vmem_shared>>)
        tpu.yield
      }) : () -> ()
      %get3A_51 = arith.constant 32 : index
      %get3A_52 = tpu.vector_load %arg12[%get3A_51] {strides = array<i32>} : memref<1024xi32, #tpu.memory_space<vmem>>, vector<16xi32>,
      %get3A_53 = vector.shape_cast %get3A_52 : vector<16xi32> to vector<16xi32>
      %get3A_54 = arith.constant 32 : index
      %get3A_55 = tpu.vector_load %arg13[%get3A_54] {strides = array<i32>} : memref<1024xi32, #tpu.memory_space<vmem>>, vector<16xi32>,
      %get3A_56 = vector.shape_cast %get3A_55 : vector<16xi32> to vector<16xi32>
      %mul3A_57 = arith.constant 1024 : i32
      %mul3A_58 = vector.broadcast %mul3A_57 : i32 to vector<16xi32>
      %mul3A_59 = arith.muli %get3A_56, %mul3A_58 : vector<16xi32>
      %add3A_60 = arith.addi %mul3A_59, %get3A_53 : vector<16xi32>
      "tpu.region"() ({
        %run_scoped3A = tpu.sem_alloc : memref<!tpu.dma_semaphore, #tpu.memory_space<semaphore_mem>>
        %dma_start3A = arith.constant 0 : i32
        %dma_start3A_671 = tpu.memref_slice %arg15[%dma_start3A] : memref<1048576xf32, #tpu.memory_space<vmem_shared>> -> memref<1048576xf32, #tpu.memory_space<vmem_shared>>
        tpu.enqueue_indirect_dma source(%arg14 : memref<16xf32, #tpu.memory_space<vmem>>) target(%dma_start3A_671 : memref<1048576xf32, #tpu.memory_space<vmem_shared>>) offsets(%add3A_60 : vector<16xi32>) semaphore(%run_scoped3A : memref<!tpu.dma_semaphore, #tpu.memory_space<semaphore_mem>>) {add = true}
        %dma_wait3A = arith.constant 0 : i32
        %dma_wait3A_672 = tpu.memref_slice %arg15[%dma_wait3A] : memref<1048576xf32, #tpu.memory_space<vmem_shared>> -> memref<1048576xf32, #tpu.memory_space<vmem_shared>>
        tpu.wait_indirect_dma semaphore(%run_scoped3A : memref<!tpu.dma_semaphore, #tpu.memory_space<semaphore_mem>>) src(%arg14 : memref<16xf32, #tpu.memory_space<vmem>>) dst(%dma_wait3A_672 : memref<1048576xf32, #tpu.memory_space<vmem_shared>>)
        tpu.yield
      }) : () -> ()
      %get3A_61 = arith.constant 48 : index
      %get3A_62 = tpu.vector_load %arg12[%get3A_61] {strides = array<i32>} : memref<1024xi32, #tpu.memory_space<vmem>>, vector<16xi32>,
      %get3A_63 = vector.shape_cast %get3A_62 : vector<16xi32> to vector<16xi32>
      %get3A_64 = arith.constant 48 : index
      %get3A_65 = tpu.vector_load %arg13[%get3A_64] {strides = array<i32>} : memref<1024xi32, #tpu.memory_space<vmem>>, vector<16xi32>,
      %get3A_66 = vector.shape_cast %get3A_65 : vector<16xi32> to vector<16xi32>
      %mul3A_67 = arith.constant 1024 : i32
      %mul3A_68 = vector.broadcast %mul3A_67 : i32 to vector<16xi32>
      %mul3A_69 = arith.muli %get3A_66, %mul3A_68 : vector<16xi32>
      %add3A_70 = arith.addi %mul3A_69, %get3A_63 : vector<16xi32>
      "tpu.region"() ({
        %run_scoped3A = tpu.sem_alloc : memref<!tpu.dma_semaphore, #tpu.memory_space<semaphore_mem>>
        %dma_start3A = arith.constant 0 : i32
        %dma_start3A_671 = tpu.memref_slice %arg15[%dma_start3A] : memref<1048576xf32, #tpu.memory_space<vmem_shared>> -> memref<1048576xf32, #tpu.memory_space<vmem_shared>>
        tpu.enqueue_indirect_dma source(%arg14 : memref<16xf32, #tpu.memory_space<vmem>>) target(%dma_start3A_671 : memref<1048576xf32, #tpu.memory_space<vmem_shared>>) offsets(%add3A_70 : vector<16xi32>) semaphore(%run_scoped3A : memref<!tpu.dma_semaphore, #tpu.memory_space<semaphore_mem>>) {add = true}
        %dma_wait3A = arith.constant 0 : i32
        %dma_wait3A_672 = tpu.memref_slice %arg15[%dma_wait3A] : memref<1048576xf32, #tpu.memory_space<vmem_shared>> -> memref<1048576xf32, #tpu.memory_space<vmem_shared>>
        tpu.wait_indirect_dma semaphore(%run_scoped3A : memref<!tpu.dma_semaphore, #tpu.memory_space<semaphore_mem>>) src(%arg14 : memref<16xf32, #tpu.memory_space<vmem>>) dst(%dma_wait3A_672 : memref<1048576xf32, #tpu.memory_space<vmem_shared>>)
        tpu.yield
      }) : () -> ()
      %get3A_71 = arith.constant 64 : index
      %get3A_72 = tpu.vector_load %arg12[%get3A_71] {strides = array<i32>} : memref<1024xi32, #tpu.memory_space<vmem>>, vector<16xi32>,
      %get3A_73 = vector.shape_cast %get3A_72 : vector<16xi32> to vector<16xi32>
      %get3A_74 = arith.constant 64 : index
      %get3A_75 = tpu.vector_load %arg13[%get3A_74] {strides = array<i32>} : memref<1024xi32, #tpu.memory_space<vmem>>, vector<16xi32>,
      %get3A_76 = vector.shape_cast %get3A_75 : vector<16xi32> to vector<16xi32>
      %mul3A_77 = arith.constant 1024 : i32
      %mul3A_78 = vector.broadcast %mul3A_77 : i32 to vector<16xi32>
      %mul3A_79 = arith.muli %get3A_76, %mul3A_78 : vector<16xi32>
      %add3A_80 = arith.addi %mul3A_79, %get3A_73 : vector<16xi32>
      "tpu.region"() ({
        %run_scoped3A = tpu.sem_alloc : memref<!tpu.dma_semaphore, #tpu.memory_space<semaphore_mem>>
        %dma_start3A = arith.constant 0 : i32
        %dma_start3A_671 = tpu.memref_slice %arg15[%dma_start3A] : memref<1048576xf32, #tpu.memory_space<vmem_shared>> -> memref<1048576xf32, #tpu.memory_space<vmem_shared>>
        tpu.enqueue_indirect_dma source(%arg14 : memref<16xf32, #tpu.memory_space<vmem>>) target(%dma_start3A_671 : memref<1048576xf32, #tpu.memory_space<vmem_shared>>) offsets(%add3A_80 : vector<16xi32>) semaphore(%run_scoped3A : memref<!tpu.dma_semaphore, #tpu.memory_space<semaphore_mem>>) {add = true}
        %dma_wait3A = arith.constant 0 : i32
        %dma_wait3A_672 = tpu.memref_slice %arg15[%dma_wait3A] : memref<1048576xf32, #tpu.memory_space<vmem_shared>> -> memref<1048576xf32, #tpu.memory_space<vmem_shared>>
        tpu.wait_indirect_dma semaphore(%run_scoped3A : memref<!tpu.dma_semaphore, #tpu.memory_space<semaphore_mem>>) src(%arg14 : memref<16xf32, #tpu.memory_space<vmem>>) dst(%dma_wait3A_672 : memref<1048576xf32, #tpu.memory_space<vmem_shared>>)
        tpu.yield
      }) : () -> ()
      %get3A_81 = arith.constant 80 : index
      %get3A_82 = tpu.vector_load %arg12[%get3A_81] {strides = array<i32>} : memref<1024xi32, #tpu.memory_space<vmem>>, vector<16xi32>,
      %get3A_83 = vector.shape_cast %get3A_82 : vector<16xi32> to vector<16xi32>
      %get3A_84 = arith.constant 80 : index
      %get3A_85 = tpu.vector_load %arg13[%get3A_84] {strides = array<i32>} : memref<1024xi32, #tpu.memory_space<vmem>>, vector<16xi32>,
      %get3A_86 = vector.shape_cast %get3A_85 : vector<16xi32> to vector<16xi32>
      %mul3A_87 = arith.constant 1024 : i32
      %mul3A_88 = vector.broadcast %mul3A_87 : i32 to vector<16xi32>
      %mul3A_89 = arith.muli %get3A_86, %mul3A_88 : vector<16xi32>
      %add3A_90 = arith.addi %mul3A_89, %get3A_83 : vector<16xi32>
      "tpu.region"() ({
        %run_scoped3A = tpu.sem_alloc : memref<!tpu.dma_semaphore, #tpu.memory_space<semaphore_mem>>
        %dma_start3A = arith.constant 0 : i32
        %dma_start3A_671 = tpu.memref_slice %arg15[%dma_start3A] : memref<1048576xf32, #tpu.memory_space<vmem_shared>> -> memref<1048576xf32, #tpu.memory_space<vmem_shared>>
        tpu.enqueue_indirect_dma source(%arg14 : memref<16xf32, #tpu.memory_space<vmem>>) target(%dma_start3A_671 : memref<1048576xf32, #tpu.memory_space<vmem_shared>>) offsets(%add3A_90 : vector<16xi32>) semaphore(%run_scoped3A : memref<!tpu.dma_semaphore, #tpu.memory_space<semaphore_mem>>) {add = true}
        %dma_wait3A = arith.constant 0 : i32
        %dma_wait3A_672 = tpu.memref_slice %arg15[%dma_wait3A] : memref<1048576xf32, #tpu.memory_space<vmem_shared>> -> memref<1048576xf32, #tpu.memory_space<vmem_shared>>
        tpu.wait_indirect_dma semaphore(%run_scoped3A : memref<!tpu.dma_semaphore, #tpu.memory_space<semaphore_mem>>) src(%arg14 : memref<16xf32, #tpu.memory_space<vmem>>) dst(%dma_wait3A_672 : memref<1048576xf32, #tpu.memory_space<vmem_shared>>)
        tpu.yield
      }) : () -> ()
      %get3A_91 = arith.constant 96 : index
      %get3A_92 = tpu.vector_load %arg12[%get3A_91] {strides = array<i32>} : memref<1024xi32, #tpu.memory_space<vmem>>, vector<16xi32>,
      %get3A_93 = vector.shape_cast %get3A_92 : vector<16xi32> to vector<16xi32>
      %get3A_94 = arith.constant 96 : index
      %get3A_95 = tpu.vector_load %arg13[%get3A_94] {strides = array<i32>} : memref<1024xi32, #tpu.memory_space<vmem>>, vector<16xi32>,
      %get3A_96 = vector.shape_cast %get3A_95 : vector<16xi32> to vector<16xi32>
      %mul3A_97 = arith.constant 1024 : i32
      %mul3A_98 = vector.broadcast %mul3A_97 : i32 to vector<16xi32>
      %mul3A_99 = arith.muli %get3A_96, %mul3A_98 : vector<16xi32>
      %add3A_100 = arith.addi %mul3A_99, %get3A_93 : vector<16xi32>
      "tpu.region"() ({
        %run_scoped3A = tpu.sem_alloc : memref<!tpu.dma_semaphore, #tpu.memory_space<semaphore_mem>>
        %dma_start3A = arith.constant 0 : i32
        %dma_start3A_671 = tpu.memref_slice %arg15[%dma_start3A] : memref<1048576xf32, #tpu.memory_space<vmem_shared>> -> memref<1048576xf32, #tpu.memory_space<vmem_shared>>
        tpu.enqueue_indirect_dma source(%arg14 : memref<16xf32, #tpu.memory_space<vmem>>) target(%dma_start3A_671 : memref<1048576xf32, #tpu.memory_space<vmem_shared>>) offsets(%add3A_100 : vector<16xi32>) semaphore(%run_scoped3A : memref<!tpu.dma_semaphore, #tpu.memory_space<semaphore_mem>>) {add = true}
        %dma_wait3A = arith.constant 0 : i32
        %dma_wait3A_672 = tpu.memref_slice %arg15[%dma_wait3A] : memref<1048576xf32, #tpu.memory_space<vmem_shared>> -> memref<1048576xf32, #tpu.memory_space<vmem_shared>>
        tpu.wait_indirect_dma semaphore(%run_scoped3A : memref<!tpu.dma_semaphore, #tpu.memory_space<semaphore_mem>>) src(%arg14 : memref<16xf32, #tpu.memory_space<vmem>>) dst(%dma_wait3A_672 : memref<1048576xf32, #tpu.memory_space<vmem_shared>>)
        tpu.yield
      }) : () -> ()
      %get3A_101 = arith.constant 112 : index
      %get3A_102 = tpu.vector_load %arg12[%get3A_101] {strides = array<i32>} : memref<1024xi32, #tpu.memory_space<vmem>>, vector<16xi32>,
      %get3A_103 = vector.shape_cast %get3A_102 : vector<16xi32> to vector<16xi32>
      %get3A_104 = arith.constant 112 : index
      %get3A_105 = tpu.vector_load %arg13[%get3A_104] {strides = array<i32>} : memref<1024xi32, #tpu.memory_space<vmem>>, vector<16xi32>,
      %get3A_106 = vector.shape_cast %get3A_105 : vector<16xi32> to vector<16xi32>
      %mul3A_107 = arith.constant 1024 : i32
      %mul3A_108 = vector.broadcast %mul3A_107 : i32 to vector<16xi32>
      %mul3A_109 = arith.muli %get3A_106, %mul3A_108 : vector<16xi32>
      %add3A_110 = arith.addi %mul3A_109, %get3A_103 : vector<16xi32>
      "tpu.region"() ({
        %run_scoped3A = tpu.sem_alloc : memref<!tpu.dma_semaphore, #tpu.memory_space<semaphore_mem>>
        %dma_start3A = arith.constant 0 : i32
        %dma_start3A_671 = tpu.memref_slice %arg15[%dma_start3A] : memref<1048576xf32, #tpu.memory_space<vmem_shared>> -> memref<1048576xf32, #tpu.memory_space<vmem_shared>>
        tpu.enqueue_indirect_dma source(%arg14 : memref<16xf32, #tpu.memory_space<vmem>>) target(%dma_start3A_671 : memref<1048576xf32, #tpu.memory_space<vmem_shared>>) offsets(%add3A_110 : vector<16xi32>) semaphore(%run_scoped3A : memref<!tpu.dma_semaphore, #tpu.memory_space<semaphore_mem>>) {add = true}
        %dma_wait3A = arith.constant 0 : i32
        %dma_wait3A_672 = tpu.memref_slice %arg15[%dma_wait3A] : memref<1048576xf32, #tpu.memory_space<vmem_shared>> -> memref<1048576xf32, #tpu.memory_space<vmem_shared>>
        tpu.wait_indirect_dma semaphore(%run_scoped3A : memref<!tpu.dma_semaphore, #tpu.memory_space<semaphore_mem>>) src(%arg14 : memref<16xf32, #tpu.memory_space<vmem>>) dst(%dma_wait3A_672 : memref<1048576xf32, #tpu.memory_space<vmem_shared>>)
        tpu.yield
      }) : () -> ()
      %get3A_111 = arith.constant 128 : index
      %get3A_112 = tpu.vector_load %arg12[%get3A_111] {strides = array<i32>} : memref<1024xi32, #tpu.memory_space<vmem>>, vector<16xi32>,
      %get3A_113 = vector.shape_cast %get3A_112 : vector<16xi32> to vector<16xi32>
      %get3A_114 = arith.constant 128 : index
      %get3A_115 = tpu.vector_load %arg13[%get3A_114] {strides = array<i32>} : memref<1024xi32, #tpu.memory_space<vmem>>, vector<16xi32>,
      %get3A_116 = vector.shape_cast %get3A_115 : vector<16xi32> to vector<16xi32>
      %mul3A_117 = arith.constant 1024 : i32
      %mul3A_118 = vector.broadcast %mul3A_117 : i32 to vector<16xi32>
      %mul3A_119 = arith.muli %get3A_116, %mul3A_118 : vector<16xi32>
      %add3A_120 = arith.addi %mul3A_119, %get3A_113 : vector<16xi32>
      "tpu.region"() ({
        %run_scoped3A = tpu.sem_alloc : memref<!tpu.dma_semaphore, #tpu.memory_space<semaphore_mem>>
        %dma_start3A = arith.constant 0 : i32
        %dma_start3A_671 = tpu.memref_slice %arg15[%dma_start3A] : memref<1048576xf32, #tpu.memory_space<vmem_shared>> -> memref<1048576xf32, #tpu.memory_space<vmem_shared>>
        tpu.enqueue_indirect_dma source(%arg14 : memref<16xf32, #tpu.memory_space<vmem>>) target(%dma_start3A_671 : memref<1048576xf32, #tpu.memory_space<vmem_shared>>) offsets(%add3A_120 : vector<16xi32>) semaphore(%run_scoped3A : memref<!tpu.dma_semaphore, #tpu.memory_space<semaphore_mem>>) {add = true}
        %dma_wait3A = arith.constant 0 : i32
        %dma_wait3A_672 = tpu.memref_slice %arg15[%dma_wait3A] : memref<1048576xf32, #tpu.memory_space<vmem_shared>> -> memref<1048576xf32, #tpu.memory_space<vmem_shared>>
        tpu.wait_indirect_dma semaphore(%run_scoped3A : memref<!tpu.dma_semaphore, #tpu.memory_space<semaphore_mem>>) src(%arg14 : memref<16xf32, #tpu.memory_space<vmem>>) dst(%dma_wait3A_672 : memref<1048576xf32, #tpu.memory_space<vmem_shared>>)
        tpu.yield
      }) : () -> ()
      %get3A_121 = arith.constant 144 : index
      %get3A_122 = tpu.vector_load %arg12[%get3A_121] {strides = array<i32>} : memref<1024xi32, #tpu.memory_space<vmem>>, vector<16xi32>,
      %get3A_123 = vector.shape_cast %get3A_122 : vector<16xi32> to vector<16xi32>
      %get3A_124 = arith.constant 144 : index
      %get3A_125 = tpu.vector_load %arg13[%get3A_124] {strides = array<i32>} : memref<1024xi32, #tpu.memory_space<vmem>>, vector<16xi32>,
      %get3A_126 = vector.shape_cast %get3A_125 : vector<16xi32> to vector<16xi32>
      %mul3A_127 = arith.constant 1024 : i32
      %mul3A_128 = vector.broadcast %mul3A_127 : i32 to vector<16xi32>
      %mul3A_129 = arith.muli %get3A_126, %mul3A_128 : vector<16xi32>
      %add3A_130 = arith.addi %mul3A_129, %get3A_123 : vector<16xi32>
      "tpu.region"() ({
        %run_scoped3A = tpu.sem_alloc : memref<!tpu.dma_semaphore, #tpu.memory_space<semaphore_mem>>
        %dma_start3A = arith.constant 0 : i32
        %dma_start3A_671 = tpu.memref_slice %arg15[%dma_start3A] : memref<1048576xf32, #tpu.memory_space<vmem_shared>> -> memref<1048576xf32, #tpu.memory_space<vmem_shared>>
        tpu.enqueue_indirect_dma source(%arg14 : memref<16xf32, #tpu.memory_space<vmem>>) target(%dma_start3A_671 : memref<1048576xf32, #tpu.memory_space<vmem_shared>>) offsets(%add3A_130 : vector<16xi32>) semaphore(%run_scoped3A : memref<!tpu.dma_semaphore, #tpu.memory_space<semaphore_mem>>) {add = true}
        %dma_wait3A = arith.constant 0 : i32
        %dma_wait3A_672 = tpu.memref_slice %arg15[%dma_wait3A] : memref<1048576xf32, #tpu.memory_space<vmem_shared>> -> memref<1048576xf32, #tpu.memory_space<vmem_shared>>
        tpu.wait_indirect_dma semaphore(%run_scoped3A : memref<!tpu.dma_semaphore, #tpu.memory_space<semaphore_mem>>) src(%arg14 : memref<16xf32, #tpu.memory_space<vmem>>) dst(%dma_wait3A_672 : memref<1048576xf32, #tpu.memory_space<vmem_shared>>)
        tpu.yield
      }) : () -> ()
      %get3A_131 = arith.constant 160 : index
      %get3A_132 = tpu.vector_load %arg12[%get3A_131] {strides = array<i32>} : memref<1024xi32, #tpu.memory_space<vmem>>, vector<16xi32>,
      %get3A_133 = vector.shape_cast %get3A_132 : vector<16xi32> to vector<16xi32>
      %get3A_134 = arith.constant 160 : index
      %get3A_135 = tpu.vector_load %arg13[%get3A_134] {strides = array<i32>} : memref<1024xi32, #tpu.memory_space<vmem>>, vector<16xi32>,
      %get3A_136 = vector.shape_cast %get3A_135 : vector<16xi32> to vector<16xi32>
      %mul3A_137 = arith.constant 1024 : i32
      %mul3A_138 = vector.broadcast %mul3A_137 : i32 to vector<16xi32>
      %mul3A_139 = arith.muli %get3A_136, %mul3A_138 : vector<16xi32>
      %add3A_140 = arith.addi %mul3A_139, %get3A_133 : vector<16xi32>
      "tpu.region"() ({
        %run_scoped3A = tpu.sem_alloc : memref<!tpu.dma_semaphore, #tpu.memory_space<semaphore_mem>>
        %dma_start3A = arith.constant 0 : i32
        %dma_start3A_671 = tpu.memref_slice %arg15[%dma_start3A] : memref<1048576xf32, #tpu.memory_space<vmem_shared>> -> memref<1048576xf32, #tpu.memory_space<vmem_shared>>
        tpu.enqueue_indirect_dma source(%arg14 : memref<16xf32, #tpu.memory_space<vmem>>) target(%dma_start3A_671 : memref<1048576xf32, #tpu.memory_space<vmem_shared>>) offsets(%add3A_140 : vector<16xi32>) semaphore(%run_scoped3A : memref<!tpu.dma_semaphore, #tpu.memory_space<semaphore_mem>>) {add = true}
        %dma_wait3A = arith.constant 0 : i32
        %dma_wait3A_672 = tpu.memref_slice %arg15[%dma_wait3A] : memref<1048576xf32, #tpu.memory_space<vmem_shared>> -> memref<1048576xf32, #tpu.memory_space<vmem_shared>>
        tpu.wait_indirect_dma semaphore(%run_scoped3A : memref<!tpu.dma_semaphore, #tpu.memory_space<semaphore_mem>>) src(%arg14 : memref<16xf32, #tpu.memory_space<vmem>>) dst(%dma_wait3A_672 : memref<1048576xf32, #tpu.memory_space<vmem_shared>>)
        tpu.yield
      }) : () -> ()
      %get3A_141 = arith.constant 176 : index
      %get3A_142 = tpu.vector_load %arg12[%get3A_141] {strides = array<i32>} : memref<1024xi32, #tpu.memory_space<vmem>>, vector<16xi32>,
      %get3A_143 = vector.shape_cast %get3A_142 : vector<16xi32> to vector<16xi32>
      %get3A_144 = arith.constant 176 : index
      %get3A_145 = tpu.vector_load %arg13[%get3A_144] {strides = array<i32>} : memref<1024xi32, #tpu.memory_space<vmem>>, vector<16xi32>,
      %get3A_146 = vector.shape_cast %get3A_145 : vector<16xi32> to vector<16xi32>
      %mul3A_147 = arith.constant 1024 : i32
      %mul3A_148 = vector.broadcast %mul3A_147 : i32 to vector<16xi32>
      %mul3A_149 = arith.muli %get3A_146, %mul3A_148 : vector<16xi32>
      %add3A_150 = arith.addi %mul3A_149, %get3A_143 : vector<16xi32>
      "tpu.region"() ({
        %run_scoped3A = tpu.sem_alloc : memref<!tpu.dma_semaphore, #tpu.memory_space<semaphore_mem>>
        %dma_start3A = arith.constant 0 : i32
        %dma_start3A_671 = tpu.memref_slice %arg15[%dma_start3A] : memref<1048576xf32, #tpu.memory_space<vmem_shared>> -> memref<1048576xf32, #tpu.memory_space<vmem_shared>>
        tpu.enqueue_indirect_dma source(%arg14 : memref<16xf32, #tpu.memory_space<vmem>>) target(%dma_start3A_671 : memref<1048576xf32, #tpu.memory_space<vmem_shared>>) offsets(%add3A_150 : vector<16xi32>) semaphore(%run_scoped3A : memref<!tpu.dma_semaphore, #tpu.memory_space<semaphore_mem>>) {add = true}
        %dma_wait3A = arith.constant 0 : i32
        %dma_wait3A_672 = tpu.memref_slice %arg15[%dma_wait3A] : memref<1048576xf32, #tpu.memory_space<vmem_shared>> -> memref<1048576xf32, #tpu.memory_space<vmem_shared>>
        tpu.wait_indirect_dma semaphore(%run_scoped3A : memref<!tpu.dma_semaphore, #tpu.memory_space<semaphore_mem>>) src(%arg14 : memref<16xf32, #tpu.memory_space<vmem>>) dst(%dma_wait3A_672 : memref<1048576xf32, #tpu.memory_space<vmem_shared>>)
        tpu.yield
      }) : () -> ()
      %get3A_151 = arith.constant 192 : index
      %get3A_152 = tpu.vector_load %arg12[%get3A_151] {strides = array<i32>} : memref<1024xi32, #tpu.memory_space<vmem>>, vector<16xi32>,
      %get3A_153 = vector.shape_cast %get3A_152 : vector<16xi32> to vector<16xi32>
      %get3A_154 = arith.constant 192 : index
      %get3A_155 = tpu.vector_load %arg13[%get3A_154] {strides = array<i32>} : memref<1024xi32, #tpu.memory_space<vmem>>, vector<16xi32>,
      %get3A_156 = vector.shape_cast %get3A_155 : vector<16xi32> to vector<16xi32>
      %mul3A_157 = arith.constant 1024 : i32
      %mul3A_158 = vector.broadcast %mul3A_157 : i32 to vector<16xi32>
      %mul3A_159 = arith.muli %get3A_156, %mul3A_158 : vector<16xi32>
      %add3A_160 = arith.addi %mul3A_159, %get3A_153 : vector<16xi32>
      "tpu.region"() ({
        %run_scoped3A = tpu.sem_alloc : memref<!tpu.dma_semaphore, #tpu.memory_space<semaphore_mem>>
        %dma_start3A = arith.constant 0 : i32
        %dma_start3A_671 = tpu.memref_slice %arg15[%dma_start3A] : memref<1048576xf32, #tpu.memory_space<vmem_shared>> -> memref<1048576xf32, #tpu.memory_space<vmem_shared>>
        tpu.enqueue_indirect_dma source(%arg14 : memref<16xf32, #tpu.memory_space<vmem>>) target(%dma_start3A_671 : memref<1048576xf32, #tpu.memory_space<vmem_shared>>) offsets(%add3A_160 : vector<16xi32>) semaphore(%run_scoped3A : memref<!tpu.dma_semaphore, #tpu.memory_space<semaphore_mem>>) {add = true}
        %dma_wait3A = arith.constant 0 : i32
        %dma_wait3A_672 = tpu.memref_slice %arg15[%dma_wait3A] : memref<1048576xf32, #tpu.memory_space<vmem_shared>> -> memref<1048576xf32, #tpu.memory_space<vmem_shared>>
        tpu.wait_indirect_dma semaphore(%run_scoped3A : memref<!tpu.dma_semaphore, #tpu.memory_space<semaphore_mem>>) src(%arg14 : memref<16xf32, #tpu.memory_space<vmem>>) dst(%dma_wait3A_672 : memref<1048576xf32, #tpu.memory_space<vmem_shared>>)
        tpu.yield
      }) : () -> ()
      %get3A_161 = arith.constant 208 : index
      %get3A_162 = tpu.vector_load %arg12[%get3A_161] {strides = array<i32>} : memref<1024xi32, #tpu.memory_space<vmem>>, vector<16xi32>,
      %get3A_163 = vector.shape_cast %get3A_162 : vector<16xi32> to vector<16xi32>
      %get3A_164 = arith.constant 208 : index
      %get3A_165 = tpu.vector_load %arg13[%get3A_164] {strides = array<i32>} : memref<1024xi32, #tpu.memory_space<vmem>>, vector<16xi32>,
      %get3A_166 = vector.shape_cast %get3A_165 : vector<16xi32> to vector<16xi32>
      %mul3A_167 = arith.constant 1024 : i32
      %mul3A_168 = vector.broadcast %mul3A_167 : i32 to vector<16xi32>
      %mul3A_169 = arith.muli %get3A_166, %mul3A_168 : vector<16xi32>
      %add3A_170 = arith.addi %mul3A_169, %get3A_163 : vector<16xi32>
      "tpu.region"() ({
        %run_scoped3A = tpu.sem_alloc : memref<!tpu.dma_semaphore, #tpu.memory_space<semaphore_mem>>
        %dma_start3A = arith.constant 0 : i32
        %dma_start3A_671 = tpu.memref_slice %arg15[%dma_start3A] : memref<1048576xf32, #tpu.memory_space<vmem_shared>> -> memref<1048576xf32, #tpu.memory_space<vmem_shared>>
        tpu.enqueue_indirect_dma source(%arg14 : memref<16xf32, #tpu.memory_space<vmem>>) target(%dma_start3A_671 : memref<1048576xf32, #tpu.memory_space<vmem_shared>>) offsets(%add3A_170 : vector<16xi32>) semaphore(%run_scoped3A : memref<!tpu.dma_semaphore, #tpu.memory_space<semaphore_mem>>) {add = true}
        %dma_wait3A = arith.constant 0 : i32
        %dma_wait3A_672 = tpu.memref_slice %arg15[%dma_wait3A] : memref<1048576xf32, #tpu.memory_space<vmem_shared>> -> memref<1048576xf32, #tpu.memory_space<vmem_shared>>
        tpu.wait_indirect_dma semaphore(%run_scoped3A : memref<!tpu.dma_semaphore, #tpu.memory_space<semaphore_mem>>) src(%arg14 : memref<16xf32, #tpu.memory_space<vmem>>) dst(%dma_wait3A_672 : memref<1048576xf32, #tpu.memory_space<vmem_shared>>)
        tpu.yield
      }) : () -> ()
      %get3A_171 = arith.constant 224 : index
      %get3A_172 = tpu.vector_load %arg12[%get3A_171] {strides = array<i32>} : memref<1024xi32, #tpu.memory_space<vmem>>, vector<16xi32>,
      %get3A_173 = vector.shape_cast %get3A_172 : vector<16xi32> to vector<16xi32>
      %get3A_174 = arith.constant 224 : index
      %get3A_175 = tpu.vector_load %arg13[%get3A_174] {strides = array<i32>} : memref<1024xi32, #tpu.memory_space<vmem>>, vector<16xi32>,
      %get3A_176 = vector.shape_cast %get3A_175 : vector<16xi32> to vector<16xi32>
      %mul3A_177 = arith.constant 1024 : i32
      %mul3A_178 = vector.broadcast %mul3A_177 : i32 to vector<16xi32>
      %mul3A_179 = arith.muli %get3A_176, %mul3A_178 : vector<16xi32>
      %add3A_180 = arith.addi %mul3A_179, %get3A_173 : vector<16xi32>
      "tpu.region"() ({
        %run_scoped3A = tpu.sem_alloc : memref<!tpu.dma_semaphore, #tpu.memory_space<semaphore_mem>>
        %dma_start3A = arith.constant 0 : i32
        %dma_start3A_671 = tpu.memref_slice %arg15[%dma_start3A] : memref<1048576xf32, #tpu.memory_space<vmem_shared>> -> memref<1048576xf32, #tpu.memory_space<vmem_shared>>
        tpu.enqueue_indirect_dma source(%arg14 : memref<16xf32, #tpu.memory_space<vmem>>) target(%dma_start3A_671 : memref<1048576xf32, #tpu.memory_space<vmem_shared>>) offsets(%add3A_180 : vector<16xi32>) semaphore(%run_scoped3A : memref<!tpu.dma_semaphore, #tpu.memory_space<semaphore_mem>>) {add = true}
        %dma_wait3A = arith.constant 0 : i32
        %dma_wait3A_672 = tpu.memref_slice %arg15[%dma_wait3A] : memref<1048576xf32, #tpu.memory_space<vmem_shared>> -> memref<1048576xf32, #tpu.memory_space<vmem_shared>>
        tpu.wait_indirect_dma semaphore(%run_scoped3A : memref<!tpu.dma_semaphore, #tpu.memory_space<semaphore_mem>>) src(%arg14 : memref<16xf32, #tpu.memory_space<vmem>>) dst(%dma_wait3A_672 : memref<1048576xf32, #tpu.memory_space<vmem_shared>>)
        tpu.yield
      }) : () -> ()
      %get3A_181 = arith.constant 240 : index
      %get3A_182 = tpu.vector_load %arg12[%get3A_181] {strides = array<i32>} : memref<1024xi32, #tpu.memory_space<vmem>>, vector<16xi32>,
      %get3A_183 = vector.shape_cast %get3A_182 : vector<16xi32> to vector<16xi32>
      %get3A_184 = arith.constant 240 : index
      %get3A_185 = tpu.vector_load %arg13[%get3A_184] {strides = array<i32>} : memref<1024xi32, #tpu.memory_space<vmem>>, vector<16xi32>,
      %get3A_186 = vector.shape_cast %get3A_185 : vector<16xi32> to vector<16xi32>
      %mul3A_187 = arith.constant 1024 : i32
      %mul3A_188 = vector.broadcast %mul3A_187 : i32 to vector<16xi32>
      %mul3A_189 = arith.muli %get3A_186, %mul3A_188 : vector<16xi32>
      %add3A_190 = arith.addi %mul3A_189, %get3A_183 : vector<16xi32>
      "tpu.region"() ({
        %run_scoped3A = tpu.sem_alloc : memref<!tpu.dma_semaphore, #tpu.memory_space<semaphore_mem>>
        %dma_start3A = arith.constant 0 : i32
        %dma_start3A_671 = tpu.memref_slice %arg15[%dma_start3A] : memref<1048576xf32, #tpu.memory_space<vmem_shared>> -> memref<1048576xf32, #tpu.memory_space<vmem_shared>>
        tpu.enqueue_indirect_dma source(%arg14 : memref<16xf32, #tpu.memory_space<vmem>>) target(%dma_start3A_671 : memref<1048576xf32, #tpu.memory_space<vmem_shared>>) offsets(%add3A_190 : vector<16xi32>) semaphore(%run_scoped3A : memref<!tpu.dma_semaphore, #tpu.memory_space<semaphore_mem>>) {add = true}
        %dma_wait3A = arith.constant 0 : i32
        %dma_wait3A_672 = tpu.memref_slice %arg15[%dma_wait3A] : memref<1048576xf32, #tpu.memory_space<vmem_shared>> -> memref<1048576xf32, #tpu.memory_space<vmem_shared>>
        tpu.wait_indirect_dma semaphore(%run_scoped3A : memref<!tpu.dma_semaphore, #tpu.memory_space<semaphore_mem>>) src(%arg14 : memref<16xf32, #tpu.memory_space<vmem>>) dst(%dma_wait3A_672 : memref<1048576xf32, #tpu.memory_space<vmem_shared>>)
        tpu.yield
      }) : () -> ()
      %get3A_191 = arith.constant 256 : index
      %get3A_192 = tpu.vector_load %arg12[%get3A_191] {strides = array<i32>} : memref<1024xi32, #tpu.memory_space<vmem>>, vector<16xi32>,
      %get3A_193 = vector.shape_cast %get3A_192 : vector<16xi32> to vector<16xi32>
      %get3A_194 = arith.constant 256 : index
      %get3A_195 = tpu.vector_load %arg13[%get3A_194] {strides = array<i32>} : memref<1024xi32, #tpu.memory_space<vmem>>, vector<16xi32>,
      %get3A_196 = vector.shape_cast %get3A_195 : vector<16xi32> to vector<16xi32>
      %mul3A_197 = arith.constant 1024 : i32
      %mul3A_198 = vector.broadcast %mul3A_197 : i32 to vector<16xi32>
      %mul3A_199 = arith.muli %get3A_196, %mul3A_198 : vector<16xi32>
      %add3A_200 = arith.addi %mul3A_199, %get3A_193 : vector<16xi32>
      "tpu.region"() ({
        %run_scoped3A = tpu.sem_alloc : memref<!tpu.dma_semaphore, #tpu.memory_space<semaphore_mem>>
        %dma_start3A = arith.constant 0 : i32
        %dma_start3A_671 = tpu.memref_slice %arg15[%dma_start3A] : memref<1048576xf32, #tpu.memory_space<vmem_shared>> -> memref<1048576xf32, #tpu.memory_space<vmem_shared>>
        tpu.enqueue_indirect_dma source(%arg14 : memref<16xf32, #tpu.memory_space<vmem>>) target(%dma_start3A_671 : memref<1048576xf32, #tpu.memory_space<vmem_shared>>) offsets(%add3A_200 : vector<16xi32>) semaphore(%run_scoped3A : memref<!tpu.dma_semaphore, #tpu.memory_space<semaphore_mem>>) {add = true}
        %dma_wait3A = arith.constant 0 : i32
        %dma_wait3A_672 = tpu.memref_slice %arg15[%dma_wait3A] : memref<1048576xf32, #tpu.memory_space<vmem_shared>> -> memref<1048576xf32, #tpu.memory_space<vmem_shared>>
        tpu.wait_indirect_dma semaphore(%run_scoped3A : memref<!tpu.dma_semaphore, #tpu.memory_space<semaphore_mem>>) src(%arg14 : memref<16xf32, #tpu.memory_space<vmem>>) dst(%dma_wait3A_672 : memref<1048576xf32, #tpu.memory_space<vmem_shared>>)
        tpu.yield
      }) : () -> ()
      %get3A_201 = arith.constant 272 : index
      %get3A_202 = tpu.vector_load %arg12[%get3A_201] {strides = array<i32>} : memref<1024xi32, #tpu.memory_space<vmem>>, vector<16xi32>,
      %get3A_203 = vector.shape_cast %get3A_202 : vector<16xi32> to vector<16xi32>
      %get3A_204 = arith.constant 272 : index
      %get3A_205 = tpu.vector_load %arg13[%get3A_204] {strides = array<i32>} : memref<1024xi32, #tpu.memory_space<vmem>>, vector<16xi32>,
      %get3A_206 = vector.shape_cast %get3A_205 : vector<16xi32> to vector<16xi32>
      %mul3A_207 = arith.constant 1024 : i32
      %mul3A_208 = vector.broadcast %mul3A_207 : i32 to vector<16xi32>
      %mul3A_209 = arith.muli %get3A_206, %mul3A_208 : vector<16xi32>
      %add3A_210 = arith.addi %mul3A_209, %get3A_203 : vector<16xi32>
      "tpu.region"() ({
        %run_scoped3A = tpu.sem_alloc : memref<!tpu.dma_semaphore, #tpu.memory_space<semaphore_mem>>
        %dma_start3A = arith.constant 0 : i32
        %dma_start3A_671 = tpu.memref_slice %arg15[%dma_start3A] : memref<1048576xf32, #tpu.memory_space<vmem_shared>> -> memref<1048576xf32, #tpu.memory_space<vmem_shared>>
        tpu.enqueue_indirect_dma source(%arg14 : memref<16xf32, #tpu.memory_space<vmem>>) target(%dma_start3A_671 : memref<1048576xf32, #tpu.memory_space<vmem_shared>>) offsets(%add3A_210 : vector<16xi32>) semaphore(%run_scoped3A : memref<!tpu.dma_semaphore, #tpu.memory_space<semaphore_mem>>) {add = true}
        %dma_wait3A = arith.constant 0 : i32
        %dma_wait3A_672 = tpu.memref_slice %arg15[%dma_wait3A] : memref<1048576xf32, #tpu.memory_space<vmem_shared>> -> memref<1048576xf32, #tpu.memory_space<vmem_shared>>
        tpu.wait_indirect_dma semaphore(%run_scoped3A : memref<!tpu.dma_semaphore, #tpu.memory_space<semaphore_mem>>) src(%arg14 : memref<16xf32, #tpu.memory_space<vmem>>) dst(%dma_wait3A_672 : memref<1048576xf32, #tpu.memory_space<vmem_shared>>)
        tpu.yield
      }) : () -> ()
      %get3A_211 = arith.constant 288 : index
      %get3A_212 = tpu.vector_load %arg12[%get3A_211] {strides = array<i32>} : memref<1024xi32, #tpu.memory_space<vmem>>, vector<16xi32>,
      %get3A_213 = vector.shape_cast %get3A_212 : vector<16xi32> to vector<16xi32>
      %get3A_214 = arith.constant 288 : index
      %get3A_215 = tpu.vector_load %arg13[%get3A_214] {strides = array<i32>} : memref<1024xi32, #tpu.memory_space<vmem>>, vector<16xi32>,
      %get3A_216 = vector.shape_cast %get3A_215 : vector<16xi32> to vector<16xi32>
      %mul3A_217 = arith.constant 1024 : i32
      %mul3A_218 = vector.broadcast %mul3A_217 : i32 to vector<16xi32>
      %mul3A_219 = arith.muli %get3A_216, %mul3A_218 : vector<16xi32>
      %add3A_220 = arith.addi %mul3A_219, %get3A_213 : vector<16xi32>
      "tpu.region"() ({
        %run_scoped3A = tpu.sem_alloc : memref<!tpu.dma_semaphore, #tpu.memory_space<semaphore_mem>>
        %dma_start3A = arith.constant 0 : i32
        %dma_start3A_671 = tpu.memref_slice %arg15[%dma_start3A] : memref<1048576xf32, #tpu.memory_space<vmem_shared>> -> memref<1048576xf32, #tpu.memory_space<vmem_shared>>
        tpu.enqueue_indirect_dma source(%arg14 : memref<16xf32, #tpu.memory_space<vmem>>) target(%dma_start3A_671 : memref<1048576xf32, #tpu.memory_space<vmem_shared>>) offsets(%add3A_220 : vector<16xi32>) semaphore(%run_scoped3A : memref<!tpu.dma_semaphore, #tpu.memory_space<semaphore_mem>>) {add = true}
        %dma_wait3A = arith.constant 0 : i32
        %dma_wait3A_672 = tpu.memref_slice %arg15[%dma_wait3A] : memref<1048576xf32, #tpu.memory_space<vmem_shared>> -> memref<1048576xf32, #tpu.memory_space<vmem_shared>>
        tpu.wait_indirect_dma semaphore(%run_scoped3A : memref<!tpu.dma_semaphore, #tpu.memory_space<semaphore_mem>>) src(%arg14 : memref<16xf32, #tpu.memory_space<vmem>>) dst(%dma_wait3A_672 : memref<1048576xf32, #tpu.memory_space<vmem_shared>>)
        tpu.yield
      }) : () -> ()
      %get3A_221 = arith.constant 304 : index
      %get3A_222 = tpu.vector_load %arg12[%get3A_221] {strides = array<i32>} : memref<1024xi32, #tpu.memory_space<vmem>>, vector<16xi32>,
      %get3A_223 = vector.shape_cast %get3A_222 : vector<16xi32> to vector<16xi32>
      %get3A_224 = arith.constant 304 : index
      %get3A_225 = tpu.vector_load %arg13[%get3A_224] {strides = array<i32>} : memref<1024xi32, #tpu.memory_space<vmem>>, vector<16xi32>,
      %get3A_226 = vector.shape_cast %get3A_225 : vector<16xi32> to vector<16xi32>
      %mul3A_227 = arith.constant 1024 : i32
      %mul3A_228 = vector.broadcast %mul3A_227 : i32 to vector<16xi32>
      %mul3A_229 = arith.muli %get3A_226, %mul3A_228 : vector<16xi32>
      %add3A_230 = arith.addi %mul3A_229, %get3A_223 : vector<16xi32>
      "tpu.region"() ({
        %run_scoped3A = tpu.sem_alloc : memref<!tpu.dma_semaphore, #tpu.memory_space<semaphore_mem>>
        %dma_start3A = arith.constant 0 : i32
        %dma_start3A_671 = tpu.memref_slice %arg15[%dma_start3A] : memref<1048576xf32, #tpu.memory_space<vmem_shared>> -> memref<1048576xf32, #tpu.memory_space<vmem_shared>>
        tpu.enqueue_indirect_dma source(%arg14 : memref<16xf32, #tpu.memory_space<vmem>>) target(%dma_start3A_671 : memref<1048576xf32, #tpu.memory_space<vmem_shared>>) offsets(%add3A_230 : vector<16xi32>) semaphore(%run_scoped3A : memref<!tpu.dma_semaphore, #tpu.memory_space<semaphore_mem>>) {add = true}
        %dma_wait3A = arith.constant 0 : i32
        %dma_wait3A_672 = tpu.memref_slice %arg15[%dma_wait3A] : memref<1048576xf32, #tpu.memory_space<vmem_shared>> -> memref<1048576xf32, #tpu.memory_space<vmem_shared>>
        tpu.wait_indirect_dma semaphore(%run_scoped3A : memref<!tpu.dma_semaphore, #tpu.memory_space<semaphore_mem>>) src(%arg14 : memref<16xf32, #tpu.memory_space<vmem>>) dst(%dma_wait3A_672 : memref<1048576xf32, #tpu.memory_space<vmem_shared>>)
        tpu.yield
      }) : () -> ()
      %get3A_231 = arith.constant 320 : index
      %get3A_232 = tpu.vector_load %arg12[%get3A_231] {strides = array<i32>} : memref<1024xi32, #tpu.memory_space<vmem>>, vector<16xi32>,
      %get3A_233 = vector.shape_cast %get3A_232 : vector<16xi32> to vector<16xi32>
      %get3A_234 = arith.constant 320 : index
      %get3A_235 = tpu.vector_load %arg13[%get3A_234] {strides = array<i32>} : memref<1024xi32, #tpu.memory_space<vmem>>, vector<16xi32>,
      %get3A_236 = vector.shape_cast %get3A_235 : vector<16xi32> to vector<16xi32>
      %mul3A_237 = arith.constant 1024 : i32
      %mul3A_238 = vector.broadcast %mul3A_237 : i32 to vector<16xi32>
      %mul3A_239 = arith.muli %get3A_236, %mul3A_238 : vector<16xi32>
      %add3A_240 = arith.addi %mul3A_239, %get3A_233 : vector<16xi32>
      "tpu.region"() ({
        %run_scoped3A = tpu.sem_alloc : memref<!tpu.dma_semaphore, #tpu.memory_space<semaphore_mem>>
        %dma_start3A = arith.constant 0 : i32
        %dma_start3A_671 = tpu.memref_slice %arg15[%dma_start3A] : memref<1048576xf32, #tpu.memory_space<vmem_shared>> -> memref<1048576xf32, #tpu.memory_space<vmem_shared>>
        tpu.enqueue_indirect_dma source(%arg14 : memref<16xf32, #tpu.memory_space<vmem>>) target(%dma_start3A_671 : memref<1048576xf32, #tpu.memory_space<vmem_shared>>) offsets(%add3A_240 : vector<16xi32>) semaphore(%run_scoped3A : memref<!tpu.dma_semaphore, #tpu.memory_space<semaphore_mem>>) {add = true}
        %dma_wait3A = arith.constant 0 : i32
        %dma_wait3A_672 = tpu.memref_slice %arg15[%dma_wait3A] : memref<1048576xf32, #tpu.memory_space<vmem_shared>> -> memref<1048576xf32, #tpu.memory_space<vmem_shared>>
        tpu.wait_indirect_dma semaphore(%run_scoped3A : memref<!tpu.dma_semaphore, #tpu.memory_space<semaphore_mem>>) src(%arg14 : memref<16xf32, #tpu.memory_space<vmem>>) dst(%dma_wait3A_672 : memref<1048576xf32, #tpu.memory_space<vmem_shared>>)
        tpu.yield
      }) : () -> ()
      %get3A_241 = arith.constant 336 : index
      %get3A_242 = tpu.vector_load %arg12[%get3A_241] {strides = array<i32>} : memref<1024xi32, #tpu.memory_space<vmem>>, vector<16xi32>,
      %get3A_243 = vector.shape_cast %get3A_242 : vector<16xi32> to vector<16xi32>
      %get3A_244 = arith.constant 336 : index
      %get3A_245 = tpu.vector_load %arg13[%get3A_244] {strides = array<i32>} : memref<1024xi32, #tpu.memory_space<vmem>>, vector<16xi32>,
      %get3A_246 = vector.shape_cast %get3A_245 : vector<16xi32> to vector<16xi32>
      %mul3A_247 = arith.constant 1024 : i32
      %mul3A_248 = vector.broadcast %mul3A_247 : i32 to vector<16xi32>
      %mul3A_249 = arith.muli %get3A_246, %mul3A_248 : vector<16xi32>
      %add3A_250 = arith.addi %mul3A_249, %get3A_243 : vector<16xi32>
      "tpu.region"() ({
        %run_scoped3A = tpu.sem_alloc : memref<!tpu.dma_semaphore, #tpu.memory_space<semaphore_mem>>
        %dma_start3A = arith.constant 0 : i32
        %dma_start3A_671 = tpu.memref_slice %arg15[%dma_start3A] : memref<1048576xf32, #tpu.memory_space<vmem_shared>> -> memref<1048576xf32, #tpu.memory_space<vmem_shared>>
        tpu.enqueue_indirect_dma source(%arg14 : memref<16xf32, #tpu.memory_space<vmem>>) target(%dma_start3A_671 : memref<1048576xf32, #tpu.memory_space<vmem_shared>>) offsets(%add3A_250 : vector<16xi32>) semaphore(%run_scoped3A : memref<!tpu.dma_semaphore, #tpu.memory_space<semaphore_mem>>) {add = true}
        %dma_wait3A = arith.constant 0 : i32
        %dma_wait3A_672 = tpu.memref_slice %arg15[%dma_wait3A] : memref<1048576xf32, #tpu.memory_space<vmem_shared>> -> memref<1048576xf32, #tpu.memory_space<vmem_shared>>
        tpu.wait_indirect_dma semaphore(%run_scoped3A : memref<!tpu.dma_semaphore, #tpu.memory_space<semaphore_mem>>) src(%arg14 : memref<16xf32, #tpu.memory_space<vmem>>) dst(%dma_wait3A_672 : memref<1048576xf32, #tpu.memory_space<vmem_shared>>)
        tpu.yield
      }) : () -> ()
      %get3A_251 = arith.constant 352 : index
      %get3A_252 = tpu.vector_load %arg12[%get3A_251] {strides = array<i32>} : memref<1024xi32, #tpu.memory_space<vmem>>, vector<16xi32>,
      %get3A_253 = vector.shape_cast %get3A_252 : vector<16xi32> to vector<16xi32>
      %get3A_254 = arith.constant 352 : index
      %get3A_255 = tpu.vector_load %arg13[%get3A_254] {strides = array<i32>} : memref<1024xi32, #tpu.memory_space<vmem>>, vector<16xi32>,
      %get3A_256 = vector.shape_cast %get3A_255 : vector<16xi32> to vector<16xi32>
      %mul3A_257 = arith.constant 1024 : i32
      %mul3A_258 = vector.broadcast %mul3A_257 : i32 to vector<16xi32>
      %mul3A_259 = arith.muli %get3A_256, %mul3A_258 : vector<16xi32>
      %add3A_260 = arith.addi %mul3A_259, %get3A_253 : vector<16xi32>
      "tpu.region"() ({
        %run_scoped3A = tpu.sem_alloc : memref<!tpu.dma_semaphore, #tpu.memory_space<semaphore_mem>>
        %dma_start3A = arith.constant 0 : i32
        %dma_start3A_671 = tpu.memref_slice %arg15[%dma_start3A] : memref<1048576xf32, #tpu.memory_space<vmem_shared>> -> memref<1048576xf32, #tpu.memory_space<vmem_shared>>
        tpu.enqueue_indirect_dma source(%arg14 : memref<16xf32, #tpu.memory_space<vmem>>) target(%dma_start3A_671 : memref<1048576xf32, #tpu.memory_space<vmem_shared>>) offsets(%add3A_260 : vector<16xi32>) semaphore(%run_scoped3A : memref<!tpu.dma_semaphore, #tpu.memory_space<semaphore_mem>>) {add = true}
        %dma_wait3A = arith.constant 0 : i32
        %dma_wait3A_672 = tpu.memref_slice %arg15[%dma_wait3A] : memref<1048576xf32, #tpu.memory_space<vmem_shared>> -> memref<1048576xf32, #tpu.memory_space<vmem_shared>>
        tpu.wait_indirect_dma semaphore(%run_scoped3A : memref<!tpu.dma_semaphore, #tpu.memory_space<semaphore_mem>>) src(%arg14 : memref<16xf32, #tpu.memory_space<vmem>>) dst(%dma_wait3A_672 : memref<1048576xf32, #tpu.memory_space<vmem_shared>>)
        tpu.yield
      }) : () -> ()
      %get3A_261 = arith.constant 368 : index
      %get3A_262 = tpu.vector_load %arg12[%get3A_261] {strides = array<i32>} : memref<1024xi32, #tpu.memory_space<vmem>>, vector<16xi32>,
      %get3A_263 = vector.shape_cast %get3A_262 : vector<16xi32> to vector<16xi32>
      %get3A_264 = arith.constant 368 : index
      %get3A_265 = tpu.vector_load %arg13[%get3A_264] {strides = array<i32>} : memref<1024xi32, #tpu.memory_space<vmem>>, vector<16xi32>,
      %get3A_266 = vector.shape_cast %get3A_265 : vector<16xi32> to vector<16xi32>
      %mul3A_267 = arith.constant 1024 : i32
      %mul3A_268 = vector.broadcast %mul3A_267 : i32 to vector<16xi32>
      %mul3A_269 = arith.muli %get3A_266, %mul3A_268 : vector<16xi32>
      %add3A_270 = arith.addi %mul3A_269, %get3A_263 : vector<16xi32>
      "tpu.region"() ({
        %run_scoped3A = tpu.sem_alloc : memref<!tpu.dma_semaphore, #tpu.memory_space<semaphore_mem>>
        %dma_start3A = arith.constant 0 : i32
        %dma_start3A_671 = tpu.memref_slice %arg15[%dma_start3A] : memref<1048576xf32, #tpu.memory_space<vmem_shared>> -> memref<1048576xf32, #tpu.memory_space<vmem_shared>>
        tpu.enqueue_indirect_dma source(%arg14 : memref<16xf32, #tpu.memory_space<vmem>>) target(%dma_start3A_671 : memref<1048576xf32, #tpu.memory_space<vmem_shared>>) offsets(%add3A_270 : vector<16xi32>) semaphore(%run_scoped3A : memref<!tpu.dma_semaphore, #tpu.memory_space<semaphore_mem>>) {add = true}
        %dma_wait3A = arith.constant 0 : i32
        %dma_wait3A_672 = tpu.memref_slice %arg15[%dma_wait3A] : memref<1048576xf32, #tpu.memory_space<vmem_shared>> -> memref<1048576xf32, #tpu.memory_space<vmem_shared>>
        tpu.wait_indirect_dma semaphore(%run_scoped3A : memref<!tpu.dma_semaphore, #tpu.memory_space<semaphore_mem>>) src(%arg14 : memref<16xf32, #tpu.memory_space<vmem>>) dst(%dma_wait3A_672 : memref<1048576xf32, #tpu.memory_space<vmem_shared>>)
        tpu.yield
      }) : () -> ()
      %get3A_271 = arith.constant 384 : index
      %get3A_272 = tpu.vector_load %arg12[%get3A_271] {strides = array<i32>} : memref<1024xi32, #tpu.memory_space<vmem>>, vector<16xi32>,
      %get3A_273 = vector.shape_cast %get3A_272 : vector<16xi32> to vector<16xi32>
      %get3A_274 = arith.constant 384 : index
      %get3A_275 = tpu.vector_load %arg13[%get3A_274] {strides = array<i32>} : memref<1024xi32, #tpu.memory_space<vmem>>, vector<16xi32>,
      %get3A_276 = vector.shape_cast %get3A_275 : vector<16xi32> to vector<16xi32>
      %mul3A_277 = arith.constant 1024 : i32
      %mul3A_278 = vector.broadcast %mul3A_277 : i32 to vector<16xi32>
      %mul3A_279 = arith.muli %get3A_276, %mul3A_278 : vector<16xi32>
      %add3A_280 = arith.addi %mul3A_279, %get3A_273 : vector<16xi32>
      "tpu.region"() ({
        %run_scoped3A = tpu.sem_alloc : memref<!tpu.dma_semaphore, #tpu.memory_space<semaphore_mem>>
        %dma_start3A = arith.constant 0 : i32
        %dma_start3A_671 = tpu.memref_slice %arg15[%dma_start3A] : memref<1048576xf32, #tpu.memory_space<vmem_shared>> -> memref<1048576xf32, #tpu.memory_space<vmem_shared>>
        tpu.enqueue_indirect_dma source(%arg14 : memref<16xf32, #tpu.memory_space<vmem>>) target(%dma_start3A_671 : memref<1048576xf32, #tpu.memory_space<vmem_shared>>) offsets(%add3A_280 : vector<16xi32>) semaphore(%run_scoped3A : memref<!tpu.dma_semaphore, #tpu.memory_space<semaphore_mem>>) {add = true}
        %dma_wait3A = arith.constant 0 : i32
        %dma_wait3A_672 = tpu.memref_slice %arg15[%dma_wait3A] : memref<1048576xf32, #tpu.memory_space<vmem_shared>> -> memref<1048576xf32, #tpu.memory_space<vmem_shared>>
        tpu.wait_indirect_dma semaphore(%run_scoped3A : memref<!tpu.dma_semaphore, #tpu.memory_space<semaphore_mem>>) src(%arg14 : memref<16xf32, #tpu.memory_space<vmem>>) dst(%dma_wait3A_672 : memref<1048576xf32, #tpu.memory_space<vmem_shared>>)
        tpu.yield
      }) : () -> ()
      %get3A_281 = arith.constant 400 : index
      %get3A_282 = tpu.vector_load %arg12[%get3A_281] {strides = array<i32>} : memref<1024xi32, #tpu.memory_space<vmem>>, vector<16xi32>,
      %get3A_283 = vector.shape_cast %get3A_282 : vector<16xi32> to vector<16xi32>
      %get3A_284 = arith.constant 400 : index
      %get3A_285 = tpu.vector_load %arg13[%get3A_284] {strides = array<i32>} : memref<1024xi32, #tpu.memory_space<vmem>>, vector<16xi32>,
      %get3A_286 = vector.shape_cast %get3A_285 : vector<16xi32> to vector<16xi32>
      %mul3A_287 = arith.constant 1024 : i32
      %mul3A_288 = vector.broadcast %mul3A_287 : i32 to vector<16xi32>
      %mul3A_289 = arith.muli %get3A_286, %mul3A_288 : vector<16xi32>
      %add3A_290 = arith.addi %mul3A_289, %get3A_283 : vector<16xi32>
      "tpu.region"() ({
        %run_scoped3A = tpu.sem_alloc : memref<!tpu.dma_semaphore, #tpu.memory_space<semaphore_mem>>
        %dma_start3A = arith.constant 0 : i32
        %dma_start3A_671 = tpu.memref_slice %arg15[%dma_start3A] : memref<1048576xf32, #tpu.memory_space<vmem_shared>> -> memref<1048576xf32, #tpu.memory_space<vmem_shared>>
        tpu.enqueue_indirect_dma source(%arg14 : memref<16xf32, #tpu.memory_space<vmem>>) target(%dma_start3A_671 : memref<1048576xf32, #tpu.memory_space<vmem_shared>>) offsets(%add3A_290 : vector<16xi32>) semaphore(%run_scoped3A : memref<!tpu.dma_semaphore, #tpu.memory_space<semaphore_mem>>) {add = true}
        %dma_wait3A = arith.constant 0 : i32
        %dma_wait3A_672 = tpu.memref_slice %arg15[%dma_wait3A] : memref<1048576xf32, #tpu.memory_space<vmem_shared>> -> memref<1048576xf32, #tpu.memory_space<vmem_shared>>
        tpu.wait_indirect_dma semaphore(%run_scoped3A : memref<!tpu.dma_semaphore, #tpu.memory_space<semaphore_mem>>) src(%arg14 : memref<16xf32, #tpu.memory_space<vmem>>) dst(%dma_wait3A_672 : memref<1048576xf32, #tpu.memory_space<vmem_shared>>)
        tpu.yield
      }) : () -> ()
      %get3A_291 = arith.constant 416 : index
      %get3A_292 = tpu.vector_load %arg12[%get3A_291] {strides = array<i32>} : memref<1024xi32, #tpu.memory_space<vmem>>, vector<16xi32>,
      %get3A_293 = vector.shape_cast %get3A_292 : vector<16xi32> to vector<16xi32>
      %get3A_294 = arith.constant 416 : index
      %get3A_295 = tpu.vector_load %arg13[%get3A_294] {strides = array<i32>} : memref<1024xi32, #tpu.memory_space<vmem>>, vector<16xi32>,
      %get3A_296 = vector.shape_cast %get3A_295 : vector<16xi32> to vector<16xi32>
      %mul3A_297 = arith.constant 1024 : i32
      %mul3A_298 = vector.broadcast %mul3A_297 : i32 to vector<16xi32>
      %mul3A_299 = arith.muli %get3A_296, %mul3A_298 : vector<16xi32>
      %add3A_300 = arith.addi %mul3A_299, %get3A_293 : vector<16xi32>
      "tpu.region"() ({
        %run_scoped3A = tpu.sem_alloc : memref<!tpu.dma_semaphore, #tpu.memory_space<semaphore_mem>>
        %dma_start3A = arith.constant 0 : i32
        %dma_start3A_671 = tpu.memref_slice %arg15[%dma_start3A] : memref<1048576xf32, #tpu.memory_space<vmem_shared>> -> memref<1048576xf32, #tpu.memory_space<vmem_shared>>
        tpu.enqueue_indirect_dma source(%arg14 : memref<16xf32, #tpu.memory_space<vmem>>) target(%dma_start3A_671 : memref<1048576xf32, #tpu.memory_space<vmem_shared>>) offsets(%add3A_300 : vector<16xi32>) semaphore(%run_scoped3A : memref<!tpu.dma_semaphore, #tpu.memory_space<semaphore_mem>>) {add = true}
        %dma_wait3A = arith.constant 0 : i32
        %dma_wait3A_672 = tpu.memref_slice %arg15[%dma_wait3A] : memref<1048576xf32, #tpu.memory_space<vmem_shared>> -> memref<1048576xf32, #tpu.memory_space<vmem_shared>>
        tpu.wait_indirect_dma semaphore(%run_scoped3A : memref<!tpu.dma_semaphore, #tpu.memory_space<semaphore_mem>>) src(%arg14 : memref<16xf32, #tpu.memory_space<vmem>>) dst(%dma_wait3A_672 : memref<1048576xf32, #tpu.memory_space<vmem_shared>>)
        tpu.yield
      }) : () -> ()
      %get3A_301 = arith.constant 432 : index
      %get3A_302 = tpu.vector_load %arg12[%get3A_301] {strides = array<i32>} : memref<1024xi32, #tpu.memory_space<vmem>>, vector<16xi32>,
      %get3A_303 = vector.shape_cast %get3A_302 : vector<16xi32> to vector<16xi32>
      %get3A_304 = arith.constant 432 : index
      %get3A_305 = tpu.vector_load %arg13[%get3A_304] {strides = array<i32>} : memref<1024xi32, #tpu.memory_space<vmem>>, vector<16xi32>,
      %get3A_306 = vector.shape_cast %get3A_305 : vector<16xi32> to vector<16xi32>
      %mul3A_307 = arith.constant 1024 : i32
      %mul3A_308 = vector.broadcast %mul3A_307 : i32 to vector<16xi32>
      %mul3A_309 = arith.muli %get3A_306, %mul3A_308 : vector<16xi32>
      %add3A_310 = arith.addi %mul3A_309, %get3A_303 : vector<16xi32>
      "tpu.region"() ({
        %run_scoped3A = tpu.sem_alloc : memref<!tpu.dma_semaphore, #tpu.memory_space<semaphore_mem>>
        %dma_start3A = arith.constant 0 : i32
        %dma_start3A_671 = tpu.memref_slice %arg15[%dma_start3A] : memref<1048576xf32, #tpu.memory_space<vmem_shared>> -> memref<1048576xf32, #tpu.memory_space<vmem_shared>>
        tpu.enqueue_indirect_dma source(%arg14 : memref<16xf32, #tpu.memory_space<vmem>>) target(%dma_start3A_671 : memref<1048576xf32, #tpu.memory_space<vmem_shared>>) offsets(%add3A_310 : vector<16xi32>) semaphore(%run_scoped3A : memref<!tpu.dma_semaphore, #tpu.memory_space<semaphore_mem>>) {add = true}
        %dma_wait3A = arith.constant 0 : i32
        %dma_wait3A_672 = tpu.memref_slice %arg15[%dma_wait3A] : memref<1048576xf32, #tpu.memory_space<vmem_shared>> -> memref<1048576xf32, #tpu.memory_space<vmem_shared>>
        tpu.wait_indirect_dma semaphore(%run_scoped3A : memref<!tpu.dma_semaphore, #tpu.memory_space<semaphore_mem>>) src(%arg14 : memref<16xf32, #tpu.memory_space<vmem>>) dst(%dma_wait3A_672 : memref<1048576xf32, #tpu.memory_space<vmem_shared>>)
        tpu.yield
      }) : () -> ()
      %get3A_311 = arith.constant 448 : index
      %get3A_312 = tpu.vector_load %arg12[%get3A_311] {strides = array<i32>} : memref<1024xi32, #tpu.memory_space<vmem>>, vector<16xi32>,
      %get3A_313 = vector.shape_cast %get3A_312 : vector<16xi32> to vector<16xi32>
      %get3A_314 = arith.constant 448 : index
      %get3A_315 = tpu.vector_load %arg13[%get3A_314] {strides = array<i32>} : memref<1024xi32, #tpu.memory_space<vmem>>, vector<16xi32>,
      %get3A_316 = vector.shape_cast %get3A_315 : vector<16xi32> to vector<16xi32>
      %mul3A_317 = arith.constant 1024 : i32
      %mul3A_318 = vector.broadcast %mul3A_317 : i32 to vector<16xi32>
      %mul3A_319 = arith.muli %get3A_316, %mul3A_318 : vector<16xi32>
      %add3A_320 = arith.addi %mul3A_319, %get3A_313 : vector<16xi32>
      "tpu.region"() ({
        %run_scoped3A = tpu.sem_alloc : memref<!tpu.dma_semaphore, #tpu.memory_space<semaphore_mem>>
        %dma_start3A = arith.constant 0 : i32
        %dma_start3A_671 = tpu.memref_slice %arg15[%dma_start3A] : memref<1048576xf32, #tpu.memory_space<vmem_shared>> -> memref<1048576xf32, #tpu.memory_space<vmem_shared>>
        tpu.enqueue_indirect_dma source(%arg14 : memref<16xf32, #tpu.memory_space<vmem>>) target(%dma_start3A_671 : memref<1048576xf32, #tpu.memory_space<vmem_shared>>) offsets(%add3A_320 : vector<16xi32>) semaphore(%run_scoped3A : memref<!tpu.dma_semaphore, #tpu.memory_space<semaphore_mem>>) {add = true}
        %dma_wait3A = arith.constant 0 : i32
        %dma_wait3A_672 = tpu.memref_slice %arg15[%dma_wait3A] : memref<1048576xf32, #tpu.memory_space<vmem_shared>> -> memref<1048576xf32, #tpu.memory_space<vmem_shared>>
        tpu.wait_indirect_dma semaphore(%run_scoped3A : memref<!tpu.dma_semaphore, #tpu.memory_space<semaphore_mem>>) src(%arg14 : memref<16xf32, #tpu.memory_space<vmem>>) dst(%dma_wait3A_672 : memref<1048576xf32, #tpu.memory_space<vmem_shared>>)
        tpu.yield
      }) : () -> ()
      %get3A_321 = arith.constant 464 : index
      %get3A_322 = tpu.vector_load %arg12[%get3A_321] {strides = array<i32>} : memref<1024xi32, #tpu.memory_space<vmem>>, vector<16xi32>,
      %get3A_323 = vector.shape_cast %get3A_322 : vector<16xi32> to vector<16xi32>
      %get3A_324 = arith.constant 464 : index
      %get3A_325 = tpu.vector_load %arg13[%get3A_324] {strides = array<i32>} : memref<1024xi32, #tpu.memory_space<vmem>>, vector<16xi32>,
      %get3A_326 = vector.shape_cast %get3A_325 : vector<16xi32> to vector<16xi32>
      %mul3A_327 = arith.constant 1024 : i32
      %mul3A_328 = vector.broadcast %mul3A_327 : i32 to vector<16xi32>
      %mul3A_329 = arith.muli %get3A_326, %mul3A_328 : vector<16xi32>
      %add3A_330 = arith.addi %mul3A_329, %get3A_323 : vector<16xi32>
      "tpu.region"() ({
        %run_scoped3A = tpu.sem_alloc : memref<!tpu.dma_semaphore, #tpu.memory_space<semaphore_mem>>
        %dma_start3A = arith.constant 0 : i32
        %dma_start3A_671 = tpu.memref_slice %arg15[%dma_start3A] : memref<1048576xf32, #tpu.memory_space<vmem_shared>> -> memref<1048576xf32, #tpu.memory_space<vmem_shared>>
        tpu.enqueue_indirect_dma source(%arg14 : memref<16xf32, #tpu.memory_space<vmem>>) target(%dma_start3A_671 : memref<1048576xf32, #tpu.memory_space<vmem_shared>>) offsets(%add3A_330 : vector<16xi32>) semaphore(%run_scoped3A : memref<!tpu.dma_semaphore, #tpu.memory_space<semaphore_mem>>) {add = true}
        %dma_wait3A = arith.constant 0 : i32
        %dma_wait3A_672 = tpu.memref_slice %arg15[%dma_wait3A] : memref<1048576xf32, #tpu.memory_space<vmem_shared>> -> memref<1048576xf32, #tpu.memory_space<vmem_shared>>
        tpu.wait_indirect_dma semaphore(%run_scoped3A : memref<!tpu.dma_semaphore, #tpu.memory_space<semaphore_mem>>) src(%arg14 : memref<16xf32, #tpu.memory_space<vmem>>) dst(%dma_wait3A_672 : memref<1048576xf32, #tpu.memory_space<vmem_shared>>)
        tpu.yield
      }) : () -> ()
      %get3A_331 = arith.constant 480 : index
      %get3A_332 = tpu.vector_load %arg12[%get3A_331] {strides = array<i32>} : memref<1024xi32, #tpu.memory_space<vmem>>, vector<16xi32>,
      %get3A_333 = vector.shape_cast %get3A_332 : vector<16xi32> to vector<16xi32>
      %get3A_334 = arith.constant 480 : index
      %get3A_335 = tpu.vector_load %arg13[%get3A_334] {strides = array<i32>} : memref<1024xi32, #tpu.memory_space<vmem>>, vector<16xi32>,
      %get3A_336 = vector.shape_cast %get3A_335 : vector<16xi32> to vector<16xi32>
      %mul3A_337 = arith.constant 1024 : i32
      %mul3A_338 = vector.broadcast %mul3A_337 : i32 to vector<16xi32>
      %mul3A_339 = arith.muli %get3A_336, %mul3A_338 : vector<16xi32>
      %add3A_340 = arith.addi %mul3A_339, %get3A_333 : vector<16xi32>
      "tpu.region"() ({
        %run_scoped3A = tpu.sem_alloc : memref<!tpu.dma_semaphore, #tpu.memory_space<semaphore_mem>>
        %dma_start3A = arith.constant 0 : i32
        %dma_start3A_671 = tpu.memref_slice %arg15[%dma_start3A] : memref<1048576xf32, #tpu.memory_space<vmem_shared>> -> memref<1048576xf32, #tpu.memory_space<vmem_shared>>
        tpu.enqueue_indirect_dma source(%arg14 : memref<16xf32, #tpu.memory_space<vmem>>) target(%dma_start3A_671 : memref<1048576xf32, #tpu.memory_space<vmem_shared>>) offsets(%add3A_340 : vector<16xi32>) semaphore(%run_scoped3A : memref<!tpu.dma_semaphore, #tpu.memory_space<semaphore_mem>>) {add = true}
        %dma_wait3A = arith.constant 0 : i32
        %dma_wait3A_672 = tpu.memref_slice %arg15[%dma_wait3A] : memref<1048576xf32, #tpu.memory_space<vmem_shared>> -> memref<1048576xf32, #tpu.memory_space<vmem_shared>>
        tpu.wait_indirect_dma semaphore(%run_scoped3A : memref<!tpu.dma_semaphore, #tpu.memory_space<semaphore_mem>>) src(%arg14 : memref<16xf32, #tpu.memory_space<vmem>>) dst(%dma_wait3A_672 : memref<1048576xf32, #tpu.memory_space<vmem_shared>>)
        tpu.yield
      }) : () -> ()
      %get3A_341 = arith.constant 496 : index
      %get3A_342 = tpu.vector_load %arg12[%get3A_341] {strides = array<i32>} : memref<1024xi32, #tpu.memory_space<vmem>>, vector<16xi32>,
      %get3A_343 = vector.shape_cast %get3A_342 : vector<16xi32> to vector<16xi32>
      %get3A_344 = arith.constant 496 : index
      %get3A_345 = tpu.vector_load %arg13[%get3A_344] {strides = array<i32>} : memref<1024xi32, #tpu.memory_space<vmem>>, vector<16xi32>,
      %get3A_346 = vector.shape_cast %get3A_345 : vector<16xi32> to vector<16xi32>
      %mul3A_347 = arith.constant 1024 : i32
      %mul3A_348 = vector.broadcast %mul3A_347 : i32 to vector<16xi32>
      %mul3A_349 = arith.muli %get3A_346, %mul3A_348 : vector<16xi32>
      %add3A_350 = arith.addi %mul3A_349, %get3A_343 : vector<16xi32>
      "tpu.region"() ({
        %run_scoped3A = tpu.sem_alloc : memref<!tpu.dma_semaphore, #tpu.memory_space<semaphore_mem>>
        %dma_start3A = arith.constant 0 : i32
        %dma_start3A_671 = tpu.memref_slice %arg15[%dma_start3A] : memref<1048576xf32, #tpu.memory_space<vmem_shared>> -> memref<1048576xf32, #tpu.memory_space<vmem_shared>>
        tpu.enqueue_indirect_dma source(%arg14 : memref<16xf32, #tpu.memory_space<vmem>>) target(%dma_start3A_671 : memref<1048576xf32, #tpu.memory_space<vmem_shared>>) offsets(%add3A_350 : vector<16xi32>) semaphore(%run_scoped3A : memref<!tpu.dma_semaphore, #tpu.memory_space<semaphore_mem>>) {add = true}
        %dma_wait3A = arith.constant 0 : i32
        %dma_wait3A_672 = tpu.memref_slice %arg15[%dma_wait3A] : memref<1048576xf32, #tpu.memory_space<vmem_shared>> -> memref<1048576xf32, #tpu.memory_space<vmem_shared>>
        tpu.wait_indirect_dma semaphore(%run_scoped3A : memref<!tpu.dma_semaphore, #tpu.memory_space<semaphore_mem>>) src(%arg14 : memref<16xf32, #tpu.memory_space<vmem>>) dst(%dma_wait3A_672 : memref<1048576xf32, #tpu.memory_space<vmem_shared>>)
        tpu.yield
      }) : () -> ()
      %get3A_351 = arith.constant 512 : index
      %get3A_352 = tpu.vector_load %arg12[%get3A_351] {strides = array<i32>} : memref<1024xi32, #tpu.memory_space<vmem>>, vector<16xi32>,
      %get3A_353 = vector.shape_cast %get3A_352 : vector<16xi32> to vector<16xi32>
      %get3A_354 = arith.constant 512 : index
      %get3A_355 = tpu.vector_load %arg13[%get3A_354] {strides = array<i32>} : memref<1024xi32, #tpu.memory_space<vmem>>, vector<16xi32>,
      %get3A_356 = vector.shape_cast %get3A_355 : vector<16xi32> to vector<16xi32>
      %mul3A_357 = arith.constant 1024 : i32
      %mul3A_358 = vector.broadcast %mul3A_357 : i32 to vector<16xi32>
      %mul3A_359 = arith.muli %get3A_356, %mul3A_358 : vector<16xi32>
      %add3A_360 = arith.addi %mul3A_359, %get3A_353 : vector<16xi32>
      "tpu.region"() ({
        %run_scoped3A = tpu.sem_alloc : memref<!tpu.dma_semaphore, #tpu.memory_space<semaphore_mem>>
        %dma_start3A = arith.constant 0 : i32
        %dma_start3A_671 = tpu.memref_slice %arg15[%dma_start3A] : memref<1048576xf32, #tpu.memory_space<vmem_shared>> -> memref<1048576xf32, #tpu.memory_space<vmem_shared>>
        tpu.enqueue_indirect_dma source(%arg14 : memref<16xf32, #tpu.memory_space<vmem>>) target(%dma_start3A_671 : memref<1048576xf32, #tpu.memory_space<vmem_shared>>) offsets(%add3A_360 : vector<16xi32>) semaphore(%run_scoped3A : memref<!tpu.dma_semaphore, #tpu.memory_space<semaphore_mem>>) {add = true}
        %dma_wait3A = arith.constant 0 : i32
        %dma_wait3A_672 = tpu.memref_slice %arg15[%dma_wait3A] : memref<1048576xf32, #tpu.memory_space<vmem_shared>> -> memref<1048576xf32, #tpu.memory_space<vmem_shared>>
        tpu.wait_indirect_dma semaphore(%run_scoped3A : memref<!tpu.dma_semaphore, #tpu.memory_space<semaphore_mem>>) src(%arg14 : memref<16xf32, #tpu.memory_space<vmem>>) dst(%dma_wait3A_672 : memref<1048576xf32, #tpu.memory_space<vmem_shared>>)
        tpu.yield
      }) : () -> ()
      %get3A_361 = arith.constant 528 : index
      %get3A_362 = tpu.vector_load %arg12[%get3A_361] {strides = array<i32>} : memref<1024xi32, #tpu.memory_space<vmem>>, vector<16xi32>,
      %get3A_363 = vector.shape_cast %get3A_362 : vector<16xi32> to vector<16xi32>
      %get3A_364 = arith.constant 528 : index
      %get3A_365 = tpu.vector_load %arg13[%get3A_364] {strides = array<i32>} : memref<1024xi32, #tpu.memory_space<vmem>>, vector<16xi32>,
      %get3A_366 = vector.shape_cast %get3A_365 : vector<16xi32> to vector<16xi32>
      %mul3A_367 = arith.constant 1024 : i32
      %mul3A_368 = vector.broadcast %mul3A_367 : i32 to vector<16xi32>
      %mul3A_369 = arith.muli %get3A_366, %mul3A_368 : vector<16xi32>
      %add3A_370 = arith.addi %mul3A_369, %get3A_363 : vector<16xi32>
      "tpu.region"() ({
        %run_scoped3A = tpu.sem_alloc : memref<!tpu.dma_semaphore, #tpu.memory_space<semaphore_mem>>
        %dma_start3A = arith.constant 0 : i32
        %dma_start3A_671 = tpu.memref_slice %arg15[%dma_start3A] : memref<1048576xf32, #tpu.memory_space<vmem_shared>> -> memref<1048576xf32, #tpu.memory_space<vmem_shared>>
        tpu.enqueue_indirect_dma source(%arg14 : memref<16xf32, #tpu.memory_space<vmem>>) target(%dma_start3A_671 : memref<1048576xf32, #tpu.memory_space<vmem_shared>>) offsets(%add3A_370 : vector<16xi32>) semaphore(%run_scoped3A : memref<!tpu.dma_semaphore, #tpu.memory_space<semaphore_mem>>) {add = true}
        %dma_wait3A = arith.constant 0 : i32
        %dma_wait3A_672 = tpu.memref_slice %arg15[%dma_wait3A] : memref<1048576xf32, #tpu.memory_space<vmem_shared>> -> memref<1048576xf32, #tpu.memory_space<vmem_shared>>
        tpu.wait_indirect_dma semaphore(%run_scoped3A : memref<!tpu.dma_semaphore, #tpu.memory_space<semaphore_mem>>) src(%arg14 : memref<16xf32, #tpu.memory_space<vmem>>) dst(%dma_wait3A_672 : memref<1048576xf32, #tpu.memory_space<vmem_shared>>)
        tpu.yield
      }) : () -> ()
      %get3A_371 = arith.constant 544 : index
      %get3A_372 = tpu.vector_load %arg12[%get3A_371] {strides = array<i32>} : memref<1024xi32, #tpu.memory_space<vmem>>, vector<16xi32>,
      %get3A_373 = vector.shape_cast %get3A_372 : vector<16xi32> to vector<16xi32>
      %get3A_374 = arith.constant 544 : index
      %get3A_375 = tpu.vector_load %arg13[%get3A_374] {strides = array<i32>} : memref<1024xi32, #tpu.memory_space<vmem>>, vector<16xi32>,
      %get3A_376 = vector.shape_cast %get3A_375 : vector<16xi32> to vector<16xi32>
      %mul3A_377 = arith.constant 1024 : i32
      %mul3A_378 = vector.broadcast %mul3A_377 : i32 to vector<16xi32>
      %mul3A_379 = arith.muli %get3A_376, %mul3A_378 : vector<16xi32>
      %add3A_380 = arith.addi %mul3A_379, %get3A_373 : vector<16xi32>
      "tpu.region"() ({
        %run_scoped3A = tpu.sem_alloc : memref<!tpu.dma_semaphore, #tpu.memory_space<semaphore_mem>>
        %dma_start3A = arith.constant 0 : i32
        %dma_start3A_671 = tpu.memref_slice %arg15[%dma_start3A] : memref<1048576xf32, #tpu.memory_space<vmem_shared>> -> memref<1048576xf32, #tpu.memory_space<vmem_shared>>
        tpu.enqueue_indirect_dma source(%arg14 : memref<16xf32, #tpu.memory_space<vmem>>) target(%dma_start3A_671 : memref<1048576xf32, #tpu.memory_space<vmem_shared>>) offsets(%add3A_380 : vector<16xi32>) semaphore(%run_scoped3A : memref<!tpu.dma_semaphore, #tpu.memory_space<semaphore_mem>>) {add = true}
        %dma_wait3A = arith.constant 0 : i32
        %dma_wait3A_672 = tpu.memref_slice %arg15[%dma_wait3A] : memref<1048576xf32, #tpu.memory_space<vmem_shared>> -> memref<1048576xf32, #tpu.memory_space<vmem_shared>>
        tpu.wait_indirect_dma semaphore(%run_scoped3A : memref<!tpu.dma_semaphore, #tpu.memory_space<semaphore_mem>>) src(%arg14 : memref<16xf32, #tpu.memory_space<vmem>>) dst(%dma_wait3A_672 : memref<1048576xf32, #tpu.memory_space<vmem_shared>>)
        tpu.yield
      }) : () -> ()
      %get3A_381 = arith.constant 560 : index
      %get3A_382 = tpu.vector_load %arg12[%get3A_381] {strides = array<i32>} : memref<1024xi32, #tpu.memory_space<vmem>>, vector<16xi32>,
      %get3A_383 = vector.shape_cast %get3A_382 : vector<16xi32> to vector<16xi32>
      %get3A_384 = arith.constant 560 : index
      %get3A_385 = tpu.vector_load %arg13[%get3A_384] {strides = array<i32>} : memref<1024xi32, #tpu.memory_space<vmem>>, vector<16xi32>,
      %get3A_386 = vector.shape_cast %get3A_385 : vector<16xi32> to vector<16xi32>
      %mul3A_387 = arith.constant 1024 : i32
      %mul3A_388 = vector.broadcast %mul3A_387 : i32 to vector<16xi32>
      %mul3A_389 = arith.muli %get3A_386, %mul3A_388 : vector<16xi32>
      %add3A_390 = arith.addi %mul3A_389, %get3A_383 : vector<16xi32>
      "tpu.region"() ({
        %run_scoped3A = tpu.sem_alloc : memref<!tpu.dma_semaphore, #tpu.memory_space<semaphore_mem>>
        %dma_start3A = arith.constant 0 : i32
        %dma_start3A_671 = tpu.memref_slice %arg15[%dma_start3A] : memref<1048576xf32, #tpu.memory_space<vmem_shared>> -> memref<1048576xf32, #tpu.memory_space<vmem_shared>>
        tpu.enqueue_indirect_dma source(%arg14 : memref<16xf32, #tpu.memory_space<vmem>>) target(%dma_start3A_671 : memref<1048576xf32, #tpu.memory_space<vmem_shared>>) offsets(%add3A_390 : vector<16xi32>) semaphore(%run_scoped3A : memref<!tpu.dma_semaphore, #tpu.memory_space<semaphore_mem>>) {add = true}
        %dma_wait3A = arith.constant 0 : i32
        %dma_wait3A_672 = tpu.memref_slice %arg15[%dma_wait3A] : memref<1048576xf32, #tpu.memory_space<vmem_shared>> -> memref<1048576xf32, #tpu.memory_space<vmem_shared>>
        tpu.wait_indirect_dma semaphore(%run_scoped3A : memref<!tpu.dma_semaphore, #tpu.memory_space<semaphore_mem>>) src(%arg14 : memref<16xf32, #tpu.memory_space<vmem>>) dst(%dma_wait3A_672 : memref<1048576xf32, #tpu.memory_space<vmem_shared>>)
        tpu.yield
      }) : () -> ()
      %get3A_391 = arith.constant 576 : index
      %get3A_392 = tpu.vector_load %arg12[%get3A_391] {strides = array<i32>} : memref<1024xi32, #tpu.memory_space<vmem>>, vector<16xi32>,
      %get3A_393 = vector.shape_cast %get3A_392 : vector<16xi32> to vector<16xi32>
      %get3A_394 = arith.constant 576 : index
      %get3A_395 = tpu.vector_load %arg13[%get3A_394] {strides = array<i32>} : memref<1024xi32, #tpu.memory_space<vmem>>, vector<16xi32>,
      %get3A_396 = vector.shape_cast %get3A_395 : vector<16xi32> to vector<16xi32>
      %mul3A_397 = arith.constant 1024 : i32
      %mul3A_398 = vector.broadcast %mul3A_397 : i32 to vector<16xi32>
      %mul3A_399 = arith.muli %get3A_396, %mul3A_398 : vector<16xi32>
      %add3A_400 = arith.addi %mul3A_399, %get3A_393 : vector<16xi32>
      "tpu.region"() ({
        %run_scoped3A = tpu.sem_alloc : memref<!tpu.dma_semaphore, #tpu.memory_space<semaphore_mem>>
        %dma_start3A = arith.constant 0 : i32
        %dma_start3A_671 = tpu.memref_slice %arg15[%dma_start3A] : memref<1048576xf32, #tpu.memory_space<vmem_shared>> -> memref<1048576xf32, #tpu.memory_space<vmem_shared>>
        tpu.enqueue_indirect_dma source(%arg14 : memref<16xf32, #tpu.memory_space<vmem>>) target(%dma_start3A_671 : memref<1048576xf32, #tpu.memory_space<vmem_shared>>) offsets(%add3A_400 : vector<16xi32>) semaphore(%run_scoped3A : memref<!tpu.dma_semaphore, #tpu.memory_space<semaphore_mem>>) {add = true}
        %dma_wait3A = arith.constant 0 : i32
        %dma_wait3A_672 = tpu.memref_slice %arg15[%dma_wait3A] : memref<1048576xf32, #tpu.memory_space<vmem_shared>> -> memref<1048576xf32, #tpu.memory_space<vmem_shared>>
        tpu.wait_indirect_dma semaphore(%run_scoped3A : memref<!tpu.dma_semaphore, #tpu.memory_space<semaphore_mem>>) src(%arg14 : memref<16xf32, #tpu.memory_space<vmem>>) dst(%dma_wait3A_672 : memref<1048576xf32, #tpu.memory_space<vmem_shared>>)
        tpu.yield
      }) : () -> ()
      %get3A_401 = arith.constant 592 : index
      %get3A_402 = tpu.vector_load %arg12[%get3A_401] {strides = array<i32>} : memref<1024xi32, #tpu.memory_space<vmem>>, vector<16xi32>,
      %get3A_403 = vector.shape_cast %get3A_402 : vector<16xi32> to vector<16xi32>
      %get3A_404 = arith.constant 592 : index
      %get3A_405 = tpu.vector_load %arg13[%get3A_404] {strides = array<i32>} : memref<1024xi32, #tpu.memory_space<vmem>>, vector<16xi32>,
      %get3A_406 = vector.shape_cast %get3A_405 : vector<16xi32> to vector<16xi32>
      %mul3A_407 = arith.constant 1024 : i32
      %mul3A_408 = vector.broadcast %mul3A_407 : i32 to vector<16xi32>
      %mul3A_409 = arith.muli %get3A_406, %mul3A_408 : vector<16xi32>
      %add3A_410 = arith.addi %mul3A_409, %get3A_403 : vector<16xi32>
      "tpu.region"() ({
        %run_scoped3A = tpu.sem_alloc : memref<!tpu.dma_semaphore, #tpu.memory_space<semaphore_mem>>
        %dma_start3A = arith.constant 0 : i32
        %dma_start3A_671 = tpu.memref_slice %arg15[%dma_start3A] : memref<1048576xf32, #tpu.memory_space<vmem_shared>> -> memref<1048576xf32, #tpu.memory_space<vmem_shared>>
        tpu.enqueue_indirect_dma source(%arg14 : memref<16xf32, #tpu.memory_space<vmem>>) target(%dma_start3A_671 : memref<1048576xf32, #tpu.memory_space<vmem_shared>>) offsets(%add3A_410 : vector<16xi32>) semaphore(%run_scoped3A : memref<!tpu.dma_semaphore, #tpu.memory_space<semaphore_mem>>) {add = true}
        %dma_wait3A = arith.constant 0 : i32
        %dma_wait3A_672 = tpu.memref_slice %arg15[%dma_wait3A] : memref<1048576xf32, #tpu.memory_space<vmem_shared>> -> memref<1048576xf32, #tpu.memory_space<vmem_shared>>
        tpu.wait_indirect_dma semaphore(%run_scoped3A : memref<!tpu.dma_semaphore, #tpu.memory_space<semaphore_mem>>) src(%arg14 : memref<16xf32, #tpu.memory_space<vmem>>) dst(%dma_wait3A_672 : memref<1048576xf32, #tpu.memory_space<vmem_shared>>)
        tpu.yield
      }) : () -> ()
      %get3A_411 = arith.constant 608 : index
      %get3A_412 = tpu.vector_load %arg12[%get3A_411] {strides = array<i32>} : memref<1024xi32, #tpu.memory_space<vmem>>, vector<16xi32>,
      %get3A_413 = vector.shape_cast %get3A_412 : vector<16xi32> to vector<16xi32>
      %get3A_414 = arith.constant 608 : index
      %get3A_415 = tpu.vector_load %arg13[%get3A_414] {strides = array<i32>} : memref<1024xi32, #tpu.memory_space<vmem>>, vector<16xi32>,
      %get3A_416 = vector.shape_cast %get3A_415 : vector<16xi32> to vector<16xi32>
      %mul3A_417 = arith.constant 1024 : i32
      %mul3A_418 = vector.broadcast %mul3A_417 : i32 to vector<16xi32>
      %mul3A_419 = arith.muli %get3A_416, %mul3A_418 : vector<16xi32>
      %add3A_420 = arith.addi %mul3A_419, %get3A_413 : vector<16xi32>
      "tpu.region"() ({
        %run_scoped3A = tpu.sem_alloc : memref<!tpu.dma_semaphore, #tpu.memory_space<semaphore_mem>>
        %dma_start3A = arith.constant 0 : i32
        %dma_start3A_671 = tpu.memref_slice %arg15[%dma_start3A] : memref<1048576xf32, #tpu.memory_space<vmem_shared>> -> memref<1048576xf32, #tpu.memory_space<vmem_shared>>
        tpu.enqueue_indirect_dma source(%arg14 : memref<16xf32, #tpu.memory_space<vmem>>) target(%dma_start3A_671 : memref<1048576xf32, #tpu.memory_space<vmem_shared>>) offsets(%add3A_420 : vector<16xi32>) semaphore(%run_scoped3A : memref<!tpu.dma_semaphore, #tpu.memory_space<semaphore_mem>>) {add = true}
        %dma_wait3A = arith.constant 0 : i32
        %dma_wait3A_672 = tpu.memref_slice %arg15[%dma_wait3A] : memref<1048576xf32, #tpu.memory_space<vmem_shared>> -> memref<1048576xf32, #tpu.memory_space<vmem_shared>>
        tpu.wait_indirect_dma semaphore(%run_scoped3A : memref<!tpu.dma_semaphore, #tpu.memory_space<semaphore_mem>>) src(%arg14 : memref<16xf32, #tpu.memory_space<vmem>>) dst(%dma_wait3A_672 : memref<1048576xf32, #tpu.memory_space<vmem_shared>>)
        tpu.yield
      }) : () -> ()
      %get3A_421 = arith.constant 624 : index
      %get3A_422 = tpu.vector_load %arg12[%get3A_421] {strides = array<i32>} : memref<1024xi32, #tpu.memory_space<vmem>>, vector<16xi32>,
      %get3A_423 = vector.shape_cast %get3A_422 : vector<16xi32> to vector<16xi32>
      %get3A_424 = arith.constant 624 : index
      %get3A_425 = tpu.vector_load %arg13[%get3A_424] {strides = array<i32>} : memref<1024xi32, #tpu.memory_space<vmem>>, vector<16xi32>,
      %get3A_426 = vector.shape_cast %get3A_425 : vector<16xi32> to vector<16xi32>
      %mul3A_427 = arith.constant 1024 : i32
      %mul3A_428 = vector.broadcast %mul3A_427 : i32 to vector<16xi32>
      %mul3A_429 = arith.muli %get3A_426, %mul3A_428 : vector<16xi32>
      %add3A_430 = arith.addi %mul3A_429, %get3A_423 : vector<16xi32>
      "tpu.region"() ({
        %run_scoped3A = tpu.sem_alloc : memref<!tpu.dma_semaphore, #tpu.memory_space<semaphore_mem>>
        %dma_start3A = arith.constant 0 : i32
        %dma_start3A_671 = tpu.memref_slice %arg15[%dma_start3A] : memref<1048576xf32, #tpu.memory_space<vmem_shared>> -> memref<1048576xf32, #tpu.memory_space<vmem_shared>>
        tpu.enqueue_indirect_dma source(%arg14 : memref<16xf32, #tpu.memory_space<vmem>>) target(%dma_start3A_671 : memref<1048576xf32, #tpu.memory_space<vmem_shared>>) offsets(%add3A_430 : vector<16xi32>) semaphore(%run_scoped3A : memref<!tpu.dma_semaphore, #tpu.memory_space<semaphore_mem>>) {add = true}
        %dma_wait3A = arith.constant 0 : i32
        %dma_wait3A_672 = tpu.memref_slice %arg15[%dma_wait3A] : memref<1048576xf32, #tpu.memory_space<vmem_shared>> -> memref<1048576xf32, #tpu.memory_space<vmem_shared>>
        tpu.wait_indirect_dma semaphore(%run_scoped3A : memref<!tpu.dma_semaphore, #tpu.memory_space<semaphore_mem>>) src(%arg14 : memref<16xf32, #tpu.memory_space<vmem>>) dst(%dma_wait3A_672 : memref<1048576xf32, #tpu.memory_space<vmem_shared>>)
        tpu.yield
      }) : () -> ()
      %get3A_431 = arith.constant 640 : index
      %get3A_432 = tpu.vector_load %arg12[%get3A_431] {strides = array<i32>} : memref<1024xi32, #tpu.memory_space<vmem>>, vector<16xi32>,
      %get3A_433 = vector.shape_cast %get3A_432 : vector<16xi32> to vector<16xi32>
      %get3A_434 = arith.constant 640 : index
      %get3A_435 = tpu.vector_load %arg13[%get3A_434] {strides = array<i32>} : memref<1024xi32, #tpu.memory_space<vmem>>, vector<16xi32>,
      %get3A_436 = vector.shape_cast %get3A_435 : vector<16xi32> to vector<16xi32>
      %mul3A_437 = arith.constant 1024 : i32
      %mul3A_438 = vector.broadcast %mul3A_437 : i32 to vector<16xi32>
      %mul3A_439 = arith.muli %get3A_436, %mul3A_438 : vector<16xi32>
      %add3A_440 = arith.addi %mul3A_439, %get3A_433 : vector<16xi32>
      "tpu.region"() ({
        %run_scoped3A = tpu.sem_alloc : memref<!tpu.dma_semaphore, #tpu.memory_space<semaphore_mem>>
        %dma_start3A = arith.constant 0 : i32
        %dma_start3A_671 = tpu.memref_slice %arg15[%dma_start3A] : memref<1048576xf32, #tpu.memory_space<vmem_shared>> -> memref<1048576xf32, #tpu.memory_space<vmem_shared>>
        tpu.enqueue_indirect_dma source(%arg14 : memref<16xf32, #tpu.memory_space<vmem>>) target(%dma_start3A_671 : memref<1048576xf32, #tpu.memory_space<vmem_shared>>) offsets(%add3A_440 : vector<16xi32>) semaphore(%run_scoped3A : memref<!tpu.dma_semaphore, #tpu.memory_space<semaphore_mem>>) {add = true}
        %dma_wait3A = arith.constant 0 : i32
        %dma_wait3A_672 = tpu.memref_slice %arg15[%dma_wait3A] : memref<1048576xf32, #tpu.memory_space<vmem_shared>> -> memref<1048576xf32, #tpu.memory_space<vmem_shared>>
        tpu.wait_indirect_dma semaphore(%run_scoped3A : memref<!tpu.dma_semaphore, #tpu.memory_space<semaphore_mem>>) src(%arg14 : memref<16xf32, #tpu.memory_space<vmem>>) dst(%dma_wait3A_672 : memref<1048576xf32, #tpu.memory_space<vmem_shared>>)
        tpu.yield
      }) : () -> ()
      %get3A_441 = arith.constant 656 : index
      %get3A_442 = tpu.vector_load %arg12[%get3A_441] {strides = array<i32>} : memref<1024xi32, #tpu.memory_space<vmem>>, vector<16xi32>,
      %get3A_443 = vector.shape_cast %get3A_442 : vector<16xi32> to vector<16xi32>
      %get3A_444 = arith.constant 656 : index
      %get3A_445 = tpu.vector_load %arg13[%get3A_444] {strides = array<i32>} : memref<1024xi32, #tpu.memory_space<vmem>>, vector<16xi32>,
      %get3A_446 = vector.shape_cast %get3A_445 : vector<16xi32> to vector<16xi32>
      %mul3A_447 = arith.constant 1024 : i32
      %mul3A_448 = vector.broadcast %mul3A_447 : i32 to vector<16xi32>
      %mul3A_449 = arith.muli %get3A_446, %mul3A_448 : vector<16xi32>
      %add3A_450 = arith.addi %mul3A_449, %get3A_443 : vector<16xi32>
      "tpu.region"() ({
        %run_scoped3A = tpu.sem_alloc : memref<!tpu.dma_semaphore, #tpu.memory_space<semaphore_mem>>
        %dma_start3A = arith.constant 0 : i32
        %dma_start3A_671 = tpu.memref_slice %arg15[%dma_start3A] : memref<1048576xf32, #tpu.memory_space<vmem_shared>> -> memref<1048576xf32, #tpu.memory_space<vmem_shared>>
        tpu.enqueue_indirect_dma source(%arg14 : memref<16xf32, #tpu.memory_space<vmem>>) target(%dma_start3A_671 : memref<1048576xf32, #tpu.memory_space<vmem_shared>>) offsets(%add3A_450 : vector<16xi32>) semaphore(%run_scoped3A : memref<!tpu.dma_semaphore, #tpu.memory_space<semaphore_mem>>) {add = true}
        %dma_wait3A = arith.constant 0 : i32
        %dma_wait3A_672 = tpu.memref_slice %arg15[%dma_wait3A] : memref<1048576xf32, #tpu.memory_space<vmem_shared>> -> memref<1048576xf32, #tpu.memory_space<vmem_shared>>
        tpu.wait_indirect_dma semaphore(%run_scoped3A : memref<!tpu.dma_semaphore, #tpu.memory_space<semaphore_mem>>) src(%arg14 : memref<16xf32, #tpu.memory_space<vmem>>) dst(%dma_wait3A_672 : memref<1048576xf32, #tpu.memory_space<vmem_shared>>)
        tpu.yield
      }) : () -> ()
      %get3A_451 = arith.constant 672 : index
      %get3A_452 = tpu.vector_load %arg12[%get3A_451] {strides = array<i32>} : memref<1024xi32, #tpu.memory_space<vmem>>, vector<16xi32>,
      %get3A_453 = vector.shape_cast %get3A_452 : vector<16xi32> to vector<16xi32>
      %get3A_454 = arith.constant 672 : index
      %get3A_455 = tpu.vector_load %arg13[%get3A_454] {strides = array<i32>} : memref<1024xi32, #tpu.memory_space<vmem>>, vector<16xi32>,
      %get3A_456 = vector.shape_cast %get3A_455 : vector<16xi32> to vector<16xi32>
      %mul3A_457 = arith.constant 1024 : i32
      %mul3A_458 = vector.broadcast %mul3A_457 : i32 to vector<16xi32>
      %mul3A_459 = arith.muli %get3A_456, %mul3A_458 : vector<16xi32>
      %add3A_460 = arith.addi %mul3A_459, %get3A_453 : vector<16xi32>
      "tpu.region"() ({
        %run_scoped3A = tpu.sem_alloc : memref<!tpu.dma_semaphore, #tpu.memory_space<semaphore_mem>>
        %dma_start3A = arith.constant 0 : i32
        %dma_start3A_671 = tpu.memref_slice %arg15[%dma_start3A] : memref<1048576xf32, #tpu.memory_space<vmem_shared>> -> memref<1048576xf32, #tpu.memory_space<vmem_shared>>
        tpu.enqueue_indirect_dma source(%arg14 : memref<16xf32, #tpu.memory_space<vmem>>) target(%dma_start3A_671 : memref<1048576xf32, #tpu.memory_space<vmem_shared>>) offsets(%add3A_460 : vector<16xi32>) semaphore(%run_scoped3A : memref<!tpu.dma_semaphore, #tpu.memory_space<semaphore_mem>>) {add = true}
        %dma_wait3A = arith.constant 0 : i32
        %dma_wait3A_672 = tpu.memref_slice %arg15[%dma_wait3A] : memref<1048576xf32, #tpu.memory_space<vmem_shared>> -> memref<1048576xf32, #tpu.memory_space<vmem_shared>>
        tpu.wait_indirect_dma semaphore(%run_scoped3A : memref<!tpu.dma_semaphore, #tpu.memory_space<semaphore_mem>>) src(%arg14 : memref<16xf32, #tpu.memory_space<vmem>>) dst(%dma_wait3A_672 : memref<1048576xf32, #tpu.memory_space<vmem_shared>>)
        tpu.yield
      }) : () -> ()
      %get3A_461 = arith.constant 688 : index
      %get3A_462 = tpu.vector_load %arg12[%get3A_461] {strides = array<i32>} : memref<1024xi32, #tpu.memory_space<vmem>>, vector<16xi32>,
      %get3A_463 = vector.shape_cast %get3A_462 : vector<16xi32> to vector<16xi32>
      %get3A_464 = arith.constant 688 : index
      %get3A_465 = tpu.vector_load %arg13[%get3A_464] {strides = array<i32>} : memref<1024xi32, #tpu.memory_space<vmem>>, vector<16xi32>,
      %get3A_466 = vector.shape_cast %get3A_465 : vector<16xi32> to vector<16xi32>
      %mul3A_467 = arith.constant 1024 : i32
      %mul3A_468 = vector.broadcast %mul3A_467 : i32 to vector<16xi32>
      %mul3A_469 = arith.muli %get3A_466, %mul3A_468 : vector<16xi32>
      %add3A_470 = arith.addi %mul3A_469, %get3A_463 : vector<16xi32>
      "tpu.region"() ({
        %run_scoped3A = tpu.sem_alloc : memref<!tpu.dma_semaphore, #tpu.memory_space<semaphore_mem>>
        %dma_start3A = arith.constant 0 : i32
        %dma_start3A_671 = tpu.memref_slice %arg15[%dma_start3A] : memref<1048576xf32, #tpu.memory_space<vmem_shared>> -> memref<1048576xf32, #tpu.memory_space<vmem_shared>>
        tpu.enqueue_indirect_dma source(%arg14 : memref<16xf32, #tpu.memory_space<vmem>>) target(%dma_start3A_671 : memref<1048576xf32, #tpu.memory_space<vmem_shared>>) offsets(%add3A_470 : vector<16xi32>) semaphore(%run_scoped3A : memref<!tpu.dma_semaphore, #tpu.memory_space<semaphore_mem>>) {add = true}
        %dma_wait3A = arith.constant 0 : i32
        %dma_wait3A_672 = tpu.memref_slice %arg15[%dma_wait3A] : memref<1048576xf32, #tpu.memory_space<vmem_shared>> -> memref<1048576xf32, #tpu.memory_space<vmem_shared>>
        tpu.wait_indirect_dma semaphore(%run_scoped3A : memref<!tpu.dma_semaphore, #tpu.memory_space<semaphore_mem>>) src(%arg14 : memref<16xf32, #tpu.memory_space<vmem>>) dst(%dma_wait3A_672 : memref<1048576xf32, #tpu.memory_space<vmem_shared>>)
        tpu.yield
      }) : () -> ()
      %get3A_471 = arith.constant 704 : index
      %get3A_472 = tpu.vector_load %arg12[%get3A_471] {strides = array<i32>} : memref<1024xi32, #tpu.memory_space<vmem>>, vector<16xi32>,
      %get3A_473 = vector.shape_cast %get3A_472 : vector<16xi32> to vector<16xi32>
      %get3A_474 = arith.constant 704 : index
      %get3A_475 = tpu.vector_load %arg13[%get3A_474] {strides = array<i32>} : memref<1024xi32, #tpu.memory_space<vmem>>, vector<16xi32>,
      %get3A_476 = vector.shape_cast %get3A_475 : vector<16xi32> to vector<16xi32>
      %mul3A_477 = arith.constant 1024 : i32
      %mul3A_478 = vector.broadcast %mul3A_477 : i32 to vector<16xi32>
      %mul3A_479 = arith.muli %get3A_476, %mul3A_478 : vector<16xi32>
      %add3A_480 = arith.addi %mul3A_479, %get3A_473 : vector<16xi32>
      "tpu.region"() ({
        %run_scoped3A = tpu.sem_alloc : memref<!tpu.dma_semaphore, #tpu.memory_space<semaphore_mem>>
        %dma_start3A = arith.constant 0 : i32
        %dma_start3A_671 = tpu.memref_slice %arg15[%dma_start3A] : memref<1048576xf32, #tpu.memory_space<vmem_shared>> -> memref<1048576xf32, #tpu.memory_space<vmem_shared>>
        tpu.enqueue_indirect_dma source(%arg14 : memref<16xf32, #tpu.memory_space<vmem>>) target(%dma_start3A_671 : memref<1048576xf32, #tpu.memory_space<vmem_shared>>) offsets(%add3A_480 : vector<16xi32>) semaphore(%run_scoped3A : memref<!tpu.dma_semaphore, #tpu.memory_space<semaphore_mem>>) {add = true}
        %dma_wait3A = arith.constant 0 : i32
        %dma_wait3A_672 = tpu.memref_slice %arg15[%dma_wait3A] : memref<1048576xf32, #tpu.memory_space<vmem_shared>> -> memref<1048576xf32, #tpu.memory_space<vmem_shared>>
        tpu.wait_indirect_dma semaphore(%run_scoped3A : memref<!tpu.dma_semaphore, #tpu.memory_space<semaphore_mem>>) src(%arg14 : memref<16xf32, #tpu.memory_space<vmem>>) dst(%dma_wait3A_672 : memref<1048576xf32, #tpu.memory_space<vmem_shared>>)
        tpu.yield
      }) : () -> ()
      %get3A_481 = arith.constant 720 : index
      %get3A_482 = tpu.vector_load %arg12[%get3A_481] {strides = array<i32>} : memref<1024xi32, #tpu.memory_space<vmem>>, vector<16xi32>,
      %get3A_483 = vector.shape_cast %get3A_482 : vector<16xi32> to vector<16xi32>
      %get3A_484 = arith.constant 720 : index
      %get3A_485 = tpu.vector_load %arg13[%get3A_484] {strides = array<i32>} : memref<1024xi32, #tpu.memory_space<vmem>>, vector<16xi32>,
      %get3A_486 = vector.shape_cast %get3A_485 : vector<16xi32> to vector<16xi32>
      %mul3A_487 = arith.constant 1024 : i32
      %mul3A_488 = vector.broadcast %mul3A_487 : i32 to vector<16xi32>
      %mul3A_489 = arith.muli %get3A_486, %mul3A_488 : vector<16xi32>
      %add3A_490 = arith.addi %mul3A_489, %get3A_483 : vector<16xi32>
      "tpu.region"() ({
        %run_scoped3A = tpu.sem_alloc : memref<!tpu.dma_semaphore, #tpu.memory_space<semaphore_mem>>
        %dma_start3A = arith.constant 0 : i32
        %dma_start3A_671 = tpu.memref_slice %arg15[%dma_start3A] : memref<1048576xf32, #tpu.memory_space<vmem_shared>> -> memref<1048576xf32, #tpu.memory_space<vmem_shared>>
        tpu.enqueue_indirect_dma source(%arg14 : memref<16xf32, #tpu.memory_space<vmem>>) target(%dma_start3A_671 : memref<1048576xf32, #tpu.memory_space<vmem_shared>>) offsets(%add3A_490 : vector<16xi32>) semaphore(%run_scoped3A : memref<!tpu.dma_semaphore, #tpu.memory_space<semaphore_mem>>) {add = true}
        %dma_wait3A = arith.constant 0 : i32
        %dma_wait3A_672 = tpu.memref_slice %arg15[%dma_wait3A] : memref<1048576xf32, #tpu.memory_space<vmem_shared>> -> memref<1048576xf32, #tpu.memory_space<vmem_shared>>
        tpu.wait_indirect_dma semaphore(%run_scoped3A : memref<!tpu.dma_semaphore, #tpu.memory_space<semaphore_mem>>) src(%arg14 : memref<16xf32, #tpu.memory_space<vmem>>) dst(%dma_wait3A_672 : memref<1048576xf32, #tpu.memory_space<vmem_shared>>)
        tpu.yield
      }) : () -> ()
      %get3A_491 = arith.constant 736 : index
      %get3A_492 = tpu.vector_load %arg12[%get3A_491] {strides = array<i32>} : memref<1024xi32, #tpu.memory_space<vmem>>, vector<16xi32>,
      %get3A_493 = vector.shape_cast %get3A_492 : vector<16xi32> to vector<16xi32>
      %get3A_494 = arith.constant 736 : index
      %get3A_495 = tpu.vector_load %arg13[%get3A_494] {strides = array<i32>} : memref<1024xi32, #tpu.memory_space<vmem>>, vector<16xi32>,
      %get3A_496 = vector.shape_cast %get3A_495 : vector<16xi32> to vector<16xi32>
      %mul3A_497 = arith.constant 1024 : i32
      %mul3A_498 = vector.broadcast %mul3A_497 : i32 to vector<16xi32>
      %mul3A_499 = arith.muli %get3A_496, %mul3A_498 : vector<16xi32>
      %add3A_500 = arith.addi %mul3A_499, %get3A_493 : vector<16xi32>
      "tpu.region"() ({
        %run_scoped3A = tpu.sem_alloc : memref<!tpu.dma_semaphore, #tpu.memory_space<semaphore_mem>>
        %dma_start3A = arith.constant 0 : i32
        %dma_start3A_671 = tpu.memref_slice %arg15[%dma_start3A] : memref<1048576xf32, #tpu.memory_space<vmem_shared>> -> memref<1048576xf32, #tpu.memory_space<vmem_shared>>
        tpu.enqueue_indirect_dma source(%arg14 : memref<16xf32, #tpu.memory_space<vmem>>) target(%dma_start3A_671 : memref<1048576xf32, #tpu.memory_space<vmem_shared>>) offsets(%add3A_500 : vector<16xi32>) semaphore(%run_scoped3A : memref<!tpu.dma_semaphore, #tpu.memory_space<semaphore_mem>>) {add = true}
        %dma_wait3A = arith.constant 0 : i32
        %dma_wait3A_672 = tpu.memref_slice %arg15[%dma_wait3A] : memref<1048576xf32, #tpu.memory_space<vmem_shared>> -> memref<1048576xf32, #tpu.memory_space<vmem_shared>>
        tpu.wait_indirect_dma semaphore(%run_scoped3A : memref<!tpu.dma_semaphore, #tpu.memory_space<semaphore_mem>>) src(%arg14 : memref<16xf32, #tpu.memory_space<vmem>>) dst(%dma_wait3A_672 : memref<1048576xf32, #tpu.memory_space<vmem_shared>>)
        tpu.yield
      }) : () -> ()
      %get3A_501 = arith.constant 752 : index
      %get3A_502 = tpu.vector_load %arg12[%get3A_501] {strides = array<i32>} : memref<1024xi32, #tpu.memory_space<vmem>>, vector<16xi32>,
      %get3A_503 = vector.shape_cast %get3A_502 : vector<16xi32> to vector<16xi32>
      %get3A_504 = arith.constant 752 : index
      %get3A_505 = tpu.vector_load %arg13[%get3A_504] {strides = array<i32>} : memref<1024xi32, #tpu.memory_space<vmem>>, vector<16xi32>,
      %get3A_506 = vector.shape_cast %get3A_505 : vector<16xi32> to vector<16xi32>
      %mul3A_507 = arith.constant 1024 : i32
      %mul3A_508 = vector.broadcast %mul3A_507 : i32 to vector<16xi32>
      %mul3A_509 = arith.muli %get3A_506, %mul3A_508 : vector<16xi32>
      %add3A_510 = arith.addi %mul3A_509, %get3A_503 : vector<16xi32>
      "tpu.region"() ({
        %run_scoped3A = tpu.sem_alloc : memref<!tpu.dma_semaphore, #tpu.memory_space<semaphore_mem>>
        %dma_start3A = arith.constant 0 : i32
        %dma_start3A_671 = tpu.memref_slice %arg15[%dma_start3A] : memref<1048576xf32, #tpu.memory_space<vmem_shared>> -> memref<1048576xf32, #tpu.memory_space<vmem_shared>>
        tpu.enqueue_indirect_dma source(%arg14 : memref<16xf32, #tpu.memory_space<vmem>>) target(%dma_start3A_671 : memref<1048576xf32, #tpu.memory_space<vmem_shared>>) offsets(%add3A_510 : vector<16xi32>) semaphore(%run_scoped3A : memref<!tpu.dma_semaphore, #tpu.memory_space<semaphore_mem>>) {add = true}
        %dma_wait3A = arith.constant 0 : i32
        %dma_wait3A_672 = tpu.memref_slice %arg15[%dma_wait3A] : memref<1048576xf32, #tpu.memory_space<vmem_shared>> -> memref<1048576xf32, #tpu.memory_space<vmem_shared>>
        tpu.wait_indirect_dma semaphore(%run_scoped3A : memref<!tpu.dma_semaphore, #tpu.memory_space<semaphore_mem>>) src(%arg14 : memref<16xf32, #tpu.memory_space<vmem>>) dst(%dma_wait3A_672 : memref<1048576xf32, #tpu.memory_space<vmem_shared>>)
        tpu.yield
      }) : () -> ()
      %get3A_511 = arith.constant 768 : index
      %get3A_512 = tpu.vector_load %arg12[%get3A_511] {strides = array<i32>} : memref<1024xi32, #tpu.memory_space<vmem>>, vector<16xi32>,
      %get3A_513 = vector.shape_cast %get3A_512 : vector<16xi32> to vector<16xi32>
      %get3A_514 = arith.constant 768 : index
      %get3A_515 = tpu.vector_load %arg13[%get3A_514] {strides = array<i32>} : memref<1024xi32, #tpu.memory_space<vmem>>, vector<16xi32>,
      %get3A_516 = vector.shape_cast %get3A_515 : vector<16xi32> to vector<16xi32>
      %mul3A_517 = arith.constant 1024 : i32
      %mul3A_518 = vector.broadcast %mul3A_517 : i32 to vector<16xi32>
      %mul3A_519 = arith.muli %get3A_516, %mul3A_518 : vector<16xi32>
      %add3A_520 = arith.addi %mul3A_519, %get3A_513 : vector<16xi32>
      "tpu.region"() ({
        %run_scoped3A = tpu.sem_alloc : memref<!tpu.dma_semaphore, #tpu.memory_space<semaphore_mem>>
        %dma_start3A = arith.constant 0 : i32
        %dma_start3A_671 = tpu.memref_slice %arg15[%dma_start3A] : memref<1048576xf32, #tpu.memory_space<vmem_shared>> -> memref<1048576xf32, #tpu.memory_space<vmem_shared>>
        tpu.enqueue_indirect_dma source(%arg14 : memref<16xf32, #tpu.memory_space<vmem>>) target(%dma_start3A_671 : memref<1048576xf32, #tpu.memory_space<vmem_shared>>) offsets(%add3A_520 : vector<16xi32>) semaphore(%run_scoped3A : memref<!tpu.dma_semaphore, #tpu.memory_space<semaphore_mem>>) {add = true}
        %dma_wait3A = arith.constant 0 : i32
        %dma_wait3A_672 = tpu.memref_slice %arg15[%dma_wait3A] : memref<1048576xf32, #tpu.memory_space<vmem_shared>> -> memref<1048576xf32, #tpu.memory_space<vmem_shared>>
        tpu.wait_indirect_dma semaphore(%run_scoped3A : memref<!tpu.dma_semaphore, #tpu.memory_space<semaphore_mem>>) src(%arg14 : memref<16xf32, #tpu.memory_space<vmem>>) dst(%dma_wait3A_672 : memref<1048576xf32, #tpu.memory_space<vmem_shared>>)
        tpu.yield
      }) : () -> ()
      %get3A_521 = arith.constant 784 : index
      %get3A_522 = tpu.vector_load %arg12[%get3A_521] {strides = array<i32>} : memref<1024xi32, #tpu.memory_space<vmem>>, vector<16xi32>,
      %get3A_523 = vector.shape_cast %get3A_522 : vector<16xi32> to vector<16xi32>
      %get3A_524 = arith.constant 784 : index
      %get3A_525 = tpu.vector_load %arg13[%get3A_524] {strides = array<i32>} : memref<1024xi32, #tpu.memory_space<vmem>>, vector<16xi32>,
      %get3A_526 = vector.shape_cast %get3A_525 : vector<16xi32> to vector<16xi32>
      %mul3A_527 = arith.constant 1024 : i32
      %mul3A_528 = vector.broadcast %mul3A_527 : i32 to vector<16xi32>
      %mul3A_529 = arith.muli %get3A_526, %mul3A_528 : vector<16xi32>
      %add3A_530 = arith.addi %mul3A_529, %get3A_523 : vector<16xi32>
      "tpu.region"() ({
        %run_scoped3A = tpu.sem_alloc : memref<!tpu.dma_semaphore, #tpu.memory_space<semaphore_mem>>
        %dma_start3A = arith.constant 0 : i32
        %dma_start3A_671 = tpu.memref_slice %arg15[%dma_start3A] : memref<1048576xf32, #tpu.memory_space<vmem_shared>> -> memref<1048576xf32, #tpu.memory_space<vmem_shared>>
        tpu.enqueue_indirect_dma source(%arg14 : memref<16xf32, #tpu.memory_space<vmem>>) target(%dma_start3A_671 : memref<1048576xf32, #tpu.memory_space<vmem_shared>>) offsets(%add3A_530 : vector<16xi32>) semaphore(%run_scoped3A : memref<!tpu.dma_semaphore, #tpu.memory_space<semaphore_mem>>) {add = true}
        %dma_wait3A = arith.constant 0 : i32
        %dma_wait3A_672 = tpu.memref_slice %arg15[%dma_wait3A] : memref<1048576xf32, #tpu.memory_space<vmem_shared>> -> memref<1048576xf32, #tpu.memory_space<vmem_shared>>
        tpu.wait_indirect_dma semaphore(%run_scoped3A : memref<!tpu.dma_semaphore, #tpu.memory_space<semaphore_mem>>) src(%arg14 : memref<16xf32, #tpu.memory_space<vmem>>) dst(%dma_wait3A_672 : memref<1048576xf32, #tpu.memory_space<vmem_shared>>)
        tpu.yield
      }) : () -> ()
      %get3A_531 = arith.constant 800 : index
      %get3A_532 = tpu.vector_load %arg12[%get3A_531] {strides = array<i32>} : memref<1024xi32, #tpu.memory_space<vmem>>, vector<16xi32>,
      %get3A_533 = vector.shape_cast %get3A_532 : vector<16xi32> to vector<16xi32>
      %get3A_534 = arith.constant 800 : index
      %get3A_535 = tpu.vector_load %arg13[%get3A_534] {strides = array<i32>} : memref<1024xi32, #tpu.memory_space<vmem>>, vector<16xi32>,
      %get3A_536 = vector.shape_cast %get3A_535 : vector<16xi32> to vector<16xi32>
      %mul3A_537 = arith.constant 1024 : i32
      %mul3A_538 = vector.broadcast %mul3A_537 : i32 to vector<16xi32>
      %mul3A_539 = arith.muli %get3A_536, %mul3A_538 : vector<16xi32>
      %add3A_540 = arith.addi %mul3A_539, %get3A_533 : vector<16xi32>
      "tpu.region"() ({
        %run_scoped3A = tpu.sem_alloc : memref<!tpu.dma_semaphore, #tpu.memory_space<semaphore_mem>>
        %dma_start3A = arith.constant 0 : i32
        %dma_start3A_671 = tpu.memref_slice %arg15[%dma_start3A] : memref<1048576xf32, #tpu.memory_space<vmem_shared>> -> memref<1048576xf32, #tpu.memory_space<vmem_shared>>
        tpu.enqueue_indirect_dma source(%arg14 : memref<16xf32, #tpu.memory_space<vmem>>) target(%dma_start3A_671 : memref<1048576xf32, #tpu.memory_space<vmem_shared>>) offsets(%add3A_540 : vector<16xi32>) semaphore(%run_scoped3A : memref<!tpu.dma_semaphore, #tpu.memory_space<semaphore_mem>>) {add = true}
        %dma_wait3A = arith.constant 0 : i32
        %dma_wait3A_672 = tpu.memref_slice %arg15[%dma_wait3A] : memref<1048576xf32, #tpu.memory_space<vmem_shared>> -> memref<1048576xf32, #tpu.memory_space<vmem_shared>>
        tpu.wait_indirect_dma semaphore(%run_scoped3A : memref<!tpu.dma_semaphore, #tpu.memory_space<semaphore_mem>>) src(%arg14 : memref<16xf32, #tpu.memory_space<vmem>>) dst(%dma_wait3A_672 : memref<1048576xf32, #tpu.memory_space<vmem_shared>>)
        tpu.yield
      }) : () -> ()
      %get3A_541 = arith.constant 816 : index
      %get3A_542 = tpu.vector_load %arg12[%get3A_541] {strides = array<i32>} : memref<1024xi32, #tpu.memory_space<vmem>>, vector<16xi32>,
      %get3A_543 = vector.shape_cast %get3A_542 : vector<16xi32> to vector<16xi32>
      %get3A_544 = arith.constant 816 : index
      %get3A_545 = tpu.vector_load %arg13[%get3A_544] {strides = array<i32>} : memref<1024xi32, #tpu.memory_space<vmem>>, vector<16xi32>,
      %get3A_546 = vector.shape_cast %get3A_545 : vector<16xi32> to vector<16xi32>
      %mul3A_547 = arith.constant 1024 : i32
      %mul3A_548 = vector.broadcast %mul3A_547 : i32 to vector<16xi32>
      %mul3A_549 = arith.muli %get3A_546, %mul3A_548 : vector<16xi32>
      %add3A_550 = arith.addi %mul3A_549, %get3A_543 : vector<16xi32>
      "tpu.region"() ({
        %run_scoped3A = tpu.sem_alloc : memref<!tpu.dma_semaphore, #tpu.memory_space<semaphore_mem>>
        %dma_start3A = arith.constant 0 : i32
        %dma_start3A_671 = tpu.memref_slice %arg15[%dma_start3A] : memref<1048576xf32, #tpu.memory_space<vmem_shared>> -> memref<1048576xf32, #tpu.memory_space<vmem_shared>>
        tpu.enqueue_indirect_dma source(%arg14 : memref<16xf32, #tpu.memory_space<vmem>>) target(%dma_start3A_671 : memref<1048576xf32, #tpu.memory_space<vmem_shared>>) offsets(%add3A_550 : vector<16xi32>) semaphore(%run_scoped3A : memref<!tpu.dma_semaphore, #tpu.memory_space<semaphore_mem>>) {add = true}
        %dma_wait3A = arith.constant 0 : i32
        %dma_wait3A_672 = tpu.memref_slice %arg15[%dma_wait3A] : memref<1048576xf32, #tpu.memory_space<vmem_shared>> -> memref<1048576xf32, #tpu.memory_space<vmem_shared>>
        tpu.wait_indirect_dma semaphore(%run_scoped3A : memref<!tpu.dma_semaphore, #tpu.memory_space<semaphore_mem>>) src(%arg14 : memref<16xf32, #tpu.memory_space<vmem>>) dst(%dma_wait3A_672 : memref<1048576xf32, #tpu.memory_space<vmem_shared>>)
        tpu.yield
      }) : () -> ()
      %get3A_551 = arith.constant 832 : index
      %get3A_552 = tpu.vector_load %arg12[%get3A_551] {strides = array<i32>} : memref<1024xi32, #tpu.memory_space<vmem>>, vector<16xi32>,
      %get3A_553 = vector.shape_cast %get3A_552 : vector<16xi32> to vector<16xi32>
      %get3A_554 = arith.constant 832 : index
      %get3A_555 = tpu.vector_load %arg13[%get3A_554] {strides = array<i32>} : memref<1024xi32, #tpu.memory_space<vmem>>, vector<16xi32>,
      %get3A_556 = vector.shape_cast %get3A_555 : vector<16xi32> to vector<16xi32>
      %mul3A_557 = arith.constant 1024 : i32
      %mul3A_558 = vector.broadcast %mul3A_557 : i32 to vector<16xi32>
      %mul3A_559 = arith.muli %get3A_556, %mul3A_558 : vector<16xi32>
      %add3A_560 = arith.addi %mul3A_559, %get3A_553 : vector<16xi32>
      "tpu.region"() ({
        %run_scoped3A = tpu.sem_alloc : memref<!tpu.dma_semaphore, #tpu.memory_space<semaphore_mem>>
        %dma_start3A = arith.constant 0 : i32
        %dma_start3A_671 = tpu.memref_slice %arg15[%dma_start3A] : memref<1048576xf32, #tpu.memory_space<vmem_shared>> -> memref<1048576xf32, #tpu.memory_space<vmem_shared>>
        tpu.enqueue_indirect_dma source(%arg14 : memref<16xf32, #tpu.memory_space<vmem>>) target(%dma_start3A_671 : memref<1048576xf32, #tpu.memory_space<vmem_shared>>) offsets(%add3A_560 : vector<16xi32>) semaphore(%run_scoped3A : memref<!tpu.dma_semaphore, #tpu.memory_space<semaphore_mem>>) {add = true}
        %dma_wait3A = arith.constant 0 : i32
        %dma_wait3A_672 = tpu.memref_slice %arg15[%dma_wait3A] : memref<1048576xf32, #tpu.memory_space<vmem_shared>> -> memref<1048576xf32, #tpu.memory_space<vmem_shared>>
        tpu.wait_indirect_dma semaphore(%run_scoped3A : memref<!tpu.dma_semaphore, #tpu.memory_space<semaphore_mem>>) src(%arg14 : memref<16xf32, #tpu.memory_space<vmem>>) dst(%dma_wait3A_672 : memref<1048576xf32, #tpu.memory_space<vmem_shared>>)
        tpu.yield
      }) : () -> ()
      %get3A_561 = arith.constant 848 : index
      %get3A_562 = tpu.vector_load %arg12[%get3A_561] {strides = array<i32>} : memref<1024xi32, #tpu.memory_space<vmem>>, vector<16xi32>,
      %get3A_563 = vector.shape_cast %get3A_562 : vector<16xi32> to vector<16xi32>
      %get3A_564 = arith.constant 848 : index
      %get3A_565 = tpu.vector_load %arg13[%get3A_564] {strides = array<i32>} : memref<1024xi32, #tpu.memory_space<vmem>>, vector<16xi32>,
      %get3A_566 = vector.shape_cast %get3A_565 : vector<16xi32> to vector<16xi32>
      %mul3A_567 = arith.constant 1024 : i32
      %mul3A_568 = vector.broadcast %mul3A_567 : i32 to vector<16xi32>
      %mul3A_569 = arith.muli %get3A_566, %mul3A_568 : vector<16xi32>
      %add3A_570 = arith.addi %mul3A_569, %get3A_563 : vector<16xi32>
      "tpu.region"() ({
        %run_scoped3A = tpu.sem_alloc : memref<!tpu.dma_semaphore, #tpu.memory_space<semaphore_mem>>
        %dma_start3A = arith.constant 0 : i32
        %dma_start3A_671 = tpu.memref_slice %arg15[%dma_start3A] : memref<1048576xf32, #tpu.memory_space<vmem_shared>> -> memref<1048576xf32, #tpu.memory_space<vmem_shared>>
        tpu.enqueue_indirect_dma source(%arg14 : memref<16xf32, #tpu.memory_space<vmem>>) target(%dma_start3A_671 : memref<1048576xf32, #tpu.memory_space<vmem_shared>>) offsets(%add3A_570 : vector<16xi32>) semaphore(%run_scoped3A : memref<!tpu.dma_semaphore, #tpu.memory_space<semaphore_mem>>) {add = true}
        %dma_wait3A = arith.constant 0 : i32
        %dma_wait3A_672 = tpu.memref_slice %arg15[%dma_wait3A] : memref<1048576xf32, #tpu.memory_space<vmem_shared>> -> memref<1048576xf32, #tpu.memory_space<vmem_shared>>
        tpu.wait_indirect_dma semaphore(%run_scoped3A : memref<!tpu.dma_semaphore, #tpu.memory_space<semaphore_mem>>) src(%arg14 : memref<16xf32, #tpu.memory_space<vmem>>) dst(%dma_wait3A_672 : memref<1048576xf32, #tpu.memory_space<vmem_shared>>)
        tpu.yield
      }) : () -> ()
      %get3A_571 = arith.constant 864 : index
      %get3A_572 = tpu.vector_load %arg12[%get3A_571] {strides = array<i32>} : memref<1024xi32, #tpu.memory_space<vmem>>, vector<16xi32>,
      %get3A_573 = vector.shape_cast %get3A_572 : vector<16xi32> to vector<16xi32>
      %get3A_574 = arith.constant 864 : index
      %get3A_575 = tpu.vector_load %arg13[%get3A_574] {strides = array<i32>} : memref<1024xi32, #tpu.memory_space<vmem>>, vector<16xi32>,
      %get3A_576 = vector.shape_cast %get3A_575 : vector<16xi32> to vector<16xi32>
      %mul3A_577 = arith.constant 1024 : i32
      %mul3A_578 = vector.broadcast %mul3A_577 : i32 to vector<16xi32>
      %mul3A_579 = arith.muli %get3A_576, %mul3A_578 : vector<16xi32>
      %add3A_580 = arith.addi %mul3A_579, %get3A_573 : vector<16xi32>
      "tpu.region"() ({
        %run_scoped3A = tpu.sem_alloc : memref<!tpu.dma_semaphore, #tpu.memory_space<semaphore_mem>>
        %dma_start3A = arith.constant 0 : i32
        %dma_start3A_671 = tpu.memref_slice %arg15[%dma_start3A] : memref<1048576xf32, #tpu.memory_space<vmem_shared>> -> memref<1048576xf32, #tpu.memory_space<vmem_shared>>
        tpu.enqueue_indirect_dma source(%arg14 : memref<16xf32, #tpu.memory_space<vmem>>) target(%dma_start3A_671 : memref<1048576xf32, #tpu.memory_space<vmem_shared>>) offsets(%add3A_580 : vector<16xi32>) semaphore(%run_scoped3A : memref<!tpu.dma_semaphore, #tpu.memory_space<semaphore_mem>>) {add = true}
        %dma_wait3A = arith.constant 0 : i32
        %dma_wait3A_672 = tpu.memref_slice %arg15[%dma_wait3A] : memref<1048576xf32, #tpu.memory_space<vmem_shared>> -> memref<1048576xf32, #tpu.memory_space<vmem_shared>>
        tpu.wait_indirect_dma semaphore(%run_scoped3A : memref<!tpu.dma_semaphore, #tpu.memory_space<semaphore_mem>>) src(%arg14 : memref<16xf32, #tpu.memory_space<vmem>>) dst(%dma_wait3A_672 : memref<1048576xf32, #tpu.memory_space<vmem_shared>>)
        tpu.yield
      }) : () -> ()
      %get3A_581 = arith.constant 880 : index
      %get3A_582 = tpu.vector_load %arg12[%get3A_581] {strides = array<i32>} : memref<1024xi32, #tpu.memory_space<vmem>>, vector<16xi32>,
      %get3A_583 = vector.shape_cast %get3A_582 : vector<16xi32> to vector<16xi32>
      %get3A_584 = arith.constant 880 : index
      %get3A_585 = tpu.vector_load %arg13[%get3A_584] {strides = array<i32>} : memref<1024xi32, #tpu.memory_space<vmem>>, vector<16xi32>,
      %get3A_586 = vector.shape_cast %get3A_585 : vector<16xi32> to vector<16xi32>
      %mul3A_587 = arith.constant 1024 : i32
      %mul3A_588 = vector.broadcast %mul3A_587 : i32 to vector<16xi32>
      %mul3A_589 = arith.muli %get3A_586, %mul3A_588 : vector<16xi32>
      %add3A_590 = arith.addi %mul3A_589, %get3A_583 : vector<16xi32>
      "tpu.region"() ({
        %run_scoped3A = tpu.sem_alloc : memref<!tpu.dma_semaphore, #tpu.memory_space<semaphore_mem>>
        %dma_start3A = arith.constant 0 : i32
        %dma_start3A_671 = tpu.memref_slice %arg15[%dma_start3A] : memref<1048576xf32, #tpu.memory_space<vmem_shared>> -> memref<1048576xf32, #tpu.memory_space<vmem_shared>>
        tpu.enqueue_indirect_dma source(%arg14 : memref<16xf32, #tpu.memory_space<vmem>>) target(%dma_start3A_671 : memref<1048576xf32, #tpu.memory_space<vmem_shared>>) offsets(%add3A_590 : vector<16xi32>) semaphore(%run_scoped3A : memref<!tpu.dma_semaphore, #tpu.memory_space<semaphore_mem>>) {add = true}
        %dma_wait3A = arith.constant 0 : i32
        %dma_wait3A_672 = tpu.memref_slice %arg15[%dma_wait3A] : memref<1048576xf32, #tpu.memory_space<vmem_shared>> -> memref<1048576xf32, #tpu.memory_space<vmem_shared>>
        tpu.wait_indirect_dma semaphore(%run_scoped3A : memref<!tpu.dma_semaphore, #tpu.memory_space<semaphore_mem>>) src(%arg14 : memref<16xf32, #tpu.memory_space<vmem>>) dst(%dma_wait3A_672 : memref<1048576xf32, #tpu.memory_space<vmem_shared>>)
        tpu.yield
      }) : () -> ()
      %get3A_591 = arith.constant 896 : index
      %get3A_592 = tpu.vector_load %arg12[%get3A_591] {strides = array<i32>} : memref<1024xi32, #tpu.memory_space<vmem>>, vector<16xi32>,
      %get3A_593 = vector.shape_cast %get3A_592 : vector<16xi32> to vector<16xi32>
      %get3A_594 = arith.constant 896 : index
      %get3A_595 = tpu.vector_load %arg13[%get3A_594] {strides = array<i32>} : memref<1024xi32, #tpu.memory_space<vmem>>, vector<16xi32>,
      %get3A_596 = vector.shape_cast %get3A_595 : vector<16xi32> to vector<16xi32>
      %mul3A_597 = arith.constant 1024 : i32
      %mul3A_598 = vector.broadcast %mul3A_597 : i32 to vector<16xi32>
      %mul3A_599 = arith.muli %get3A_596, %mul3A_598 : vector<16xi32>
      %add3A_600 = arith.addi %mul3A_599, %get3A_593 : vector<16xi32>
      "tpu.region"() ({
        %run_scoped3A = tpu.sem_alloc : memref<!tpu.dma_semaphore, #tpu.memory_space<semaphore_mem>>
        %dma_start3A = arith.constant 0 : i32
        %dma_start3A_671 = tpu.memref_slice %arg15[%dma_start3A] : memref<1048576xf32, #tpu.memory_space<vmem_shared>> -> memref<1048576xf32, #tpu.memory_space<vmem_shared>>
        tpu.enqueue_indirect_dma source(%arg14 : memref<16xf32, #tpu.memory_space<vmem>>) target(%dma_start3A_671 : memref<1048576xf32, #tpu.memory_space<vmem_shared>>) offsets(%add3A_600 : vector<16xi32>) semaphore(%run_scoped3A : memref<!tpu.dma_semaphore, #tpu.memory_space<semaphore_mem>>) {add = true}
        %dma_wait3A = arith.constant 0 : i32
        %dma_wait3A_672 = tpu.memref_slice %arg15[%dma_wait3A] : memref<1048576xf32, #tpu.memory_space<vmem_shared>> -> memref<1048576xf32, #tpu.memory_space<vmem_shared>>
        tpu.wait_indirect_dma semaphore(%run_scoped3A : memref<!tpu.dma_semaphore, #tpu.memory_space<semaphore_mem>>) src(%arg14 : memref<16xf32, #tpu.memory_space<vmem>>) dst(%dma_wait3A_672 : memref<1048576xf32, #tpu.memory_space<vmem_shared>>)
        tpu.yield
      }) : () -> ()
      %get3A_601 = arith.constant 912 : index
      %get3A_602 = tpu.vector_load %arg12[%get3A_601] {strides = array<i32>} : memref<1024xi32, #tpu.memory_space<vmem>>, vector<16xi32>,
      %get3A_603 = vector.shape_cast %get3A_602 : vector<16xi32> to vector<16xi32>
      %get3A_604 = arith.constant 912 : index
      %get3A_605 = tpu.vector_load %arg13[%get3A_604] {strides = array<i32>} : memref<1024xi32, #tpu.memory_space<vmem>>, vector<16xi32>,
      %get3A_606 = vector.shape_cast %get3A_605 : vector<16xi32> to vector<16xi32>
      %mul3A_607 = arith.constant 1024 : i32
      %mul3A_608 = vector.broadcast %mul3A_607 : i32 to vector<16xi32>
      %mul3A_609 = arith.muli %get3A_606, %mul3A_608 : vector<16xi32>
      %add3A_610 = arith.addi %mul3A_609, %get3A_603 : vector<16xi32>
      "tpu.region"() ({
        %run_scoped3A = tpu.sem_alloc : memref<!tpu.dma_semaphore, #tpu.memory_space<semaphore_mem>>
        %dma_start3A = arith.constant 0 : i32
        %dma_start3A_671 = tpu.memref_slice %arg15[%dma_start3A] : memref<1048576xf32, #tpu.memory_space<vmem_shared>> -> memref<1048576xf32, #tpu.memory_space<vmem_shared>>
        tpu.enqueue_indirect_dma source(%arg14 : memref<16xf32, #tpu.memory_space<vmem>>) target(%dma_start3A_671 : memref<1048576xf32, #tpu.memory_space<vmem_shared>>) offsets(%add3A_610 : vector<16xi32>) semaphore(%run_scoped3A : memref<!tpu.dma_semaphore, #tpu.memory_space<semaphore_mem>>) {add = true}
        %dma_wait3A = arith.constant 0 : i32
        %dma_wait3A_672 = tpu.memref_slice %arg15[%dma_wait3A] : memref<1048576xf32, #tpu.memory_space<vmem_shared>> -> memref<1048576xf32, #tpu.memory_space<vmem_shared>>
        tpu.wait_indirect_dma semaphore(%run_scoped3A : memref<!tpu.dma_semaphore, #tpu.memory_space<semaphore_mem>>) src(%arg14 : memref<16xf32, #tpu.memory_space<vmem>>) dst(%dma_wait3A_672 : memref<1048576xf32, #tpu.memory_space<vmem_shared>>)
        tpu.yield
      }) : () -> ()
      %get3A_611 = arith.constant 928 : index
      %get3A_612 = tpu.vector_load %arg12[%get3A_611] {strides = array<i32>} : memref<1024xi32, #tpu.memory_space<vmem>>, vector<16xi32>,
      %get3A_613 = vector.shape_cast %get3A_612 : vector<16xi32> to vector<16xi32>
      %get3A_614 = arith.constant 928 : index
      %get3A_615 = tpu.vector_load %arg13[%get3A_614] {strides = array<i32>} : memref<1024xi32, #tpu.memory_space<vmem>>, vector<16xi32>,
      %get3A_616 = vector.shape_cast %get3A_615 : vector<16xi32> to vector<16xi32>
      %mul3A_617 = arith.constant 1024 : i32
      %mul3A_618 = vector.broadcast %mul3A_617 : i32 to vector<16xi32>
      %mul3A_619 = arith.muli %get3A_616, %mul3A_618 : vector<16xi32>
      %add3A_620 = arith.addi %mul3A_619, %get3A_613 : vector<16xi32>
      "tpu.region"() ({
        %run_scoped3A = tpu.sem_alloc : memref<!tpu.dma_semaphore, #tpu.memory_space<semaphore_mem>>
        %dma_start3A = arith.constant 0 : i32
        %dma_start3A_671 = tpu.memref_slice %arg15[%dma_start3A] : memref<1048576xf32, #tpu.memory_space<vmem_shared>> -> memref<1048576xf32, #tpu.memory_space<vmem_shared>>
        tpu.enqueue_indirect_dma source(%arg14 : memref<16xf32, #tpu.memory_space<vmem>>) target(%dma_start3A_671 : memref<1048576xf32, #tpu.memory_space<vmem_shared>>) offsets(%add3A_620 : vector<16xi32>) semaphore(%run_scoped3A : memref<!tpu.dma_semaphore, #tpu.memory_space<semaphore_mem>>) {add = true}
        %dma_wait3A = arith.constant 0 : i32
        %dma_wait3A_672 = tpu.memref_slice %arg15[%dma_wait3A] : memref<1048576xf32, #tpu.memory_space<vmem_shared>> -> memref<1048576xf32, #tpu.memory_space<vmem_shared>>
        tpu.wait_indirect_dma semaphore(%run_scoped3A : memref<!tpu.dma_semaphore, #tpu.memory_space<semaphore_mem>>) src(%arg14 : memref<16xf32, #tpu.memory_space<vmem>>) dst(%dma_wait3A_672 : memref<1048576xf32, #tpu.memory_space<vmem_shared>>)
        tpu.yield
      }) : () -> ()
      %get3A_621 = arith.constant 944 : index
      %get3A_622 = tpu.vector_load %arg12[%get3A_621] {strides = array<i32>} : memref<1024xi32, #tpu.memory_space<vmem>>, vector<16xi32>,
      %get3A_623 = vector.shape_cast %get3A_622 : vector<16xi32> to vector<16xi32>
      %get3A_624 = arith.constant 944 : index
      %get3A_625 = tpu.vector_load %arg13[%get3A_624] {strides = array<i32>} : memref<1024xi32, #tpu.memory_space<vmem>>, vector<16xi32>,
      %get3A_626 = vector.shape_cast %get3A_625 : vector<16xi32> to vector<16xi32>
      %mul3A_627 = arith.constant 1024 : i32
      %mul3A_628 = vector.broadcast %mul3A_627 : i32 to vector<16xi32>
      %mul3A_629 = arith.muli %get3A_626, %mul3A_628 : vector<16xi32>
      %add3A_630 = arith.addi %mul3A_629, %get3A_623 : vector<16xi32>
      "tpu.region"() ({
        %run_scoped3A = tpu.sem_alloc : memref<!tpu.dma_semaphore, #tpu.memory_space<semaphore_mem>>
        %dma_start3A = arith.constant 0 : i32
        %dma_start3A_671 = tpu.memref_slice %arg15[%dma_start3A] : memref<1048576xf32, #tpu.memory_space<vmem_shared>> -> memref<1048576xf32, #tpu.memory_space<vmem_shared>>
        tpu.enqueue_indirect_dma source(%arg14 : memref<16xf32, #tpu.memory_space<vmem>>) target(%dma_start3A_671 : memref<1048576xf32, #tpu.memory_space<vmem_shared>>) offsets(%add3A_630 : vector<16xi32>) semaphore(%run_scoped3A : memref<!tpu.dma_semaphore, #tpu.memory_space<semaphore_mem>>) {add = true}
        %dma_wait3A = arith.constant 0 : i32
        %dma_wait3A_672 = tpu.memref_slice %arg15[%dma_wait3A] : memref<1048576xf32, #tpu.memory_space<vmem_shared>> -> memref<1048576xf32, #tpu.memory_space<vmem_shared>>
        tpu.wait_indirect_dma semaphore(%run_scoped3A : memref<!tpu.dma_semaphore, #tpu.memory_space<semaphore_mem>>) src(%arg14 : memref<16xf32, #tpu.memory_space<vmem>>) dst(%dma_wait3A_672 : memref<1048576xf32, #tpu.memory_space<vmem_shared>>)
        tpu.yield
      }) : () -> ()
      %get3A_631 = arith.constant 960 : index
      %get3A_632 = tpu.vector_load %arg12[%get3A_631] {strides = array<i32>} : memref<1024xi32, #tpu.memory_space<vmem>>, vector<16xi32>,
      %get3A_633 = vector.shape_cast %get3A_632 : vector<16xi32> to vector<16xi32>
      %get3A_634 = arith.constant 960 : index
      %get3A_635 = tpu.vector_load %arg13[%get3A_634] {strides = array<i32>} : memref<1024xi32, #tpu.memory_space<vmem>>, vector<16xi32>,
      %get3A_636 = vector.shape_cast %get3A_635 : vector<16xi32> to vector<16xi32>
      %mul3A_637 = arith.constant 1024 : i32
      %mul3A_638 = vector.broadcast %mul3A_637 : i32 to vector<16xi32>
      %mul3A_639 = arith.muli %get3A_636, %mul3A_638 : vector<16xi32>
      %add3A_640 = arith.addi %mul3A_639, %get3A_633 : vector<16xi32>
      "tpu.region"() ({
        %run_scoped3A = tpu.sem_alloc : memref<!tpu.dma_semaphore, #tpu.memory_space<semaphore_mem>>
        %dma_start3A = arith.constant 0 : i32
        %dma_start3A_671 = tpu.memref_slice %arg15[%dma_start3A] : memref<1048576xf32, #tpu.memory_space<vmem_shared>> -> memref<1048576xf32, #tpu.memory_space<vmem_shared>>
        tpu.enqueue_indirect_dma source(%arg14 : memref<16xf32, #tpu.memory_space<vmem>>) target(%dma_start3A_671 : memref<1048576xf32, #tpu.memory_space<vmem_shared>>) offsets(%add3A_640 : vector<16xi32>) semaphore(%run_scoped3A : memref<!tpu.dma_semaphore, #tpu.memory_space<semaphore_mem>>) {add = true}
        %dma_wait3A = arith.constant 0 : i32
        %dma_wait3A_672 = tpu.memref_slice %arg15[%dma_wait3A] : memref<1048576xf32, #tpu.memory_space<vmem_shared>> -> memref<1048576xf32, #tpu.memory_space<vmem_shared>>
        tpu.wait_indirect_dma semaphore(%run_scoped3A : memref<!tpu.dma_semaphore, #tpu.memory_space<semaphore_mem>>) src(%arg14 : memref<16xf32, #tpu.memory_space<vmem>>) dst(%dma_wait3A_672 : memref<1048576xf32, #tpu.memory_space<vmem_shared>>)
        tpu.yield
      }) : () -> ()
      %get3A_641 = arith.constant 976 : index
      %get3A_642 = tpu.vector_load %arg12[%get3A_641] {strides = array<i32>} : memref<1024xi32, #tpu.memory_space<vmem>>, vector<16xi32>,
      %get3A_643 = vector.shape_cast %get3A_642 : vector<16xi32> to vector<16xi32>
      %get3A_644 = arith.constant 976 : index
      %get3A_645 = tpu.vector_load %arg13[%get3A_644] {strides = array<i32>} : memref<1024xi32, #tpu.memory_space<vmem>>, vector<16xi32>,
      %get3A_646 = vector.shape_cast %get3A_645 : vector<16xi32> to vector<16xi32>
      %mul3A_647 = arith.constant 1024 : i32
      %mul3A_648 = vector.broadcast %mul3A_647 : i32 to vector<16xi32>
      %mul3A_649 = arith.muli %get3A_646, %mul3A_648 : vector<16xi32>
      %add3A_650 = arith.addi %mul3A_649, %get3A_643 : vector<16xi32>
      "tpu.region"() ({
        %run_scoped3A = tpu.sem_alloc : memref<!tpu.dma_semaphore, #tpu.memory_space<semaphore_mem>>
        %dma_start3A = arith.constant 0 : i32
        %dma_start3A_671 = tpu.memref_slice %arg15[%dma_start3A] : memref<1048576xf32, #tpu.memory_space<vmem_shared>> -> memref<1048576xf32, #tpu.memory_space<vmem_shared>>
        tpu.enqueue_indirect_dma source(%arg14 : memref<16xf32, #tpu.memory_space<vmem>>) target(%dma_start3A_671 : memref<1048576xf32, #tpu.memory_space<vmem_shared>>) offsets(%add3A_650 : vector<16xi32>) semaphore(%run_scoped3A : memref<!tpu.dma_semaphore, #tpu.memory_space<semaphore_mem>>) {add = true}
        %dma_wait3A = arith.constant 0 : i32
        %dma_wait3A_672 = tpu.memref_slice %arg15[%dma_wait3A] : memref<1048576xf32, #tpu.memory_space<vmem_shared>> -> memref<1048576xf32, #tpu.memory_space<vmem_shared>>
        tpu.wait_indirect_dma semaphore(%run_scoped3A : memref<!tpu.dma_semaphore, #tpu.memory_space<semaphore_mem>>) src(%arg14 : memref<16xf32, #tpu.memory_space<vmem>>) dst(%dma_wait3A_672 : memref<1048576xf32, #tpu.memory_space<vmem_shared>>)
        tpu.yield
      }) : () -> ()
      %get3A_651 = arith.constant 992 : index
      %get3A_652 = tpu.vector_load %arg12[%get3A_651] {strides = array<i32>} : memref<1024xi32, #tpu.memory_space<vmem>>, vector<16xi32>,
      %get3A_653 = vector.shape_cast %get3A_652 : vector<16xi32> to vector<16xi32>
      %get3A_654 = arith.constant 992 : index
      %get3A_655 = tpu.vector_load %arg13[%get3A_654] {strides = array<i32>} : memref<1024xi32, #tpu.memory_space<vmem>>, vector<16xi32>,
      %get3A_656 = vector.shape_cast %get3A_655 : vector<16xi32> to vector<16xi32>
      %mul3A_657 = arith.constant 1024 : i32
      %mul3A_658 = vector.broadcast %mul3A_657 : i32 to vector<16xi32>
      %mul3A_659 = arith.muli %get3A_656, %mul3A_658 : vector<16xi32>
      %add3A_660 = arith.addi %mul3A_659, %get3A_653 : vector<16xi32>
      "tpu.region"() ({
        %run_scoped3A = tpu.sem_alloc : memref<!tpu.dma_semaphore, #tpu.memory_space<semaphore_mem>>
        %dma_start3A = arith.constant 0 : i32
        %dma_start3A_671 = tpu.memref_slice %arg15[%dma_start3A] : memref<1048576xf32, #tpu.memory_space<vmem_shared>> -> memref<1048576xf32, #tpu.memory_space<vmem_shared>>
        tpu.enqueue_indirect_dma source(%arg14 : memref<16xf32, #tpu.memory_space<vmem>>) target(%dma_start3A_671 : memref<1048576xf32, #tpu.memory_space<vmem_shared>>) offsets(%add3A_660 : vector<16xi32>) semaphore(%run_scoped3A : memref<!tpu.dma_semaphore, #tpu.memory_space<semaphore_mem>>) {add = true}
        %dma_wait3A = arith.constant 0 : i32
        %dma_wait3A_672 = tpu.memref_slice %arg15[%dma_wait3A] : memref<1048576xf32, #tpu.memory_space<vmem_shared>> -> memref<1048576xf32, #tpu.memory_space<vmem_shared>>
        tpu.wait_indirect_dma semaphore(%run_scoped3A : memref<!tpu.dma_semaphore, #tpu.memory_space<semaphore_mem>>) src(%arg14 : memref<16xf32, #tpu.memory_space<vmem>>) dst(%dma_wait3A_672 : memref<1048576xf32, #tpu.memory_space<vmem_shared>>)
        tpu.yield
      }) : () -> ()
      %get3A_661 = arith.constant 1008 : index
      %get3A_662 = tpu.vector_load %arg12[%get3A_661] {strides = array<i32>} : memref<1024xi32, #tpu.memory_space<vmem>>, vector<16xi32>,
      %get3A_663 = vector.shape_cast %get3A_662 : vector<16xi32> to vector<16xi32>
      %get3A_664 = arith.constant 1008 : index
      %get3A_665 = tpu.vector_load %arg13[%get3A_664] {strides = array<i32>} : memref<1024xi32, #tpu.memory_space<vmem>>, vector<16xi32>,
      %get3A_666 = vector.shape_cast %get3A_665 : vector<16xi32> to vector<16xi32>
      %mul3A_667 = arith.constant 1024 : i32
      %mul3A_668 = vector.broadcast %mul3A_667 : i32 to vector<16xi32>
      %mul3A_669 = arith.muli %get3A_666, %mul3A_668 : vector<16xi32>
      %add3A_670 = arith.addi %mul3A_669, %get3A_663 : vector<16xi32>
      "tpu.region"() ({
        %run_scoped3A = tpu.sem_alloc : memref<!tpu.dma_semaphore, #tpu.memory_space<semaphore_mem>>
        %dma_start3A = arith.constant 0 : i32
        %dma_start3A_671 = tpu.memref_slice %arg15[%dma_start3A] : memref<1048576xf32, #tpu.memory_space<vmem_shared>> -> memref<1048576xf32, #tpu.memory_space<vmem_shared>>
        tpu.enqueue_indirect_dma source(%arg14 : memref<16xf32, #tpu.memory_space<vmem>>) target(%dma_start3A_671 : memref<1048576xf32, #tpu.memory_space<vmem_shared>>) offsets(%add3A_670 : vector<16xi32>) semaphore(%run_scoped3A : memref<!tpu.dma_semaphore, #tpu.memory_space<semaphore_mem>>) {add = true}
        %dma_wait3A = arith.constant 0 : i32
        %dma_wait3A_672 = tpu.memref_slice %arg15[%dma_wait3A] : memref<1048576xf32, #tpu.memory_space<vmem_shared>> -> memref<1048576xf32, #tpu.memory_space<vmem_shared>>
        tpu.wait_indirect_dma semaphore(%run_scoped3A : memref<!tpu.dma_semaphore, #tpu.memory_space<semaphore_mem>>) src(%arg14 : memref<16xf32, #tpu.memory_space<vmem>>) dst(%dma_wait3A_672 : memref<1048576xf32, #tpu.memory_space<vmem_shared>>)
        tpu.yield
      }) : () -> ()
    } else {
    }
    %eq3A_16 = arith.constant 1 : i32
    %eq3A_17 = arith.cmpi eq, %arg0, %eq3A_16 : i32
    %convert_element_type3A_18 = arith.extui %eq3A_17 : i1 to i32
    %cond3A_19 = arith.constant 0 : i32
    %cond3A_20 = arith.cmpi ne, %convert_element_type3A_18, %cond3A_19 : i32
    scf.if %cond3A_20 {
      %mul3A = arith.constant 64 : i32
      %mul3A_32 = arith.muli %arg1, %mul3A : i32
      "tpu.region"() ({
        %run_scoped3A = tpu.sem_alloc : memref<!tpu.dma_semaphore, #tpu.memory_space<semaphore_mem>>
        %dma_start3A = arith.constant 0 : i32
        %dma_start3A_233 = tpu.memref_slice %arg12[%dma_start3A] : memref<1024xi32, #tpu.memory_space<vmem>> -> memref<64xi32, #tpu.memory_space<vmem>>
        %dma_start3A_234 = tpu.memref_slice %arg4[%mul3A_32] : memref<1024xi32, #tpu.memory_space<hbm>> -> memref<64xi32, #tpu.memory_space<hbm>>
        %dma_start3A_235 = arith.constant 0 : i32
        %dma_start3A_236 = tpu.memref_slice %arg12[%dma_start3A_235] : memref<1024xi32, #tpu.memory_space<vmem>> -> memref<64xi32, #tpu.memory_space<vmem>>
        %dma_start3A_237 = tpu.memref_slice %arg4[%mul3A_32] : memref<1024xi32, #tpu.memory_space<hbm>> -> memref<64xi32, #tpu.memory_space<hbm>>
        tpu.enqueue_dma source(%dma_start3A_237 : memref<64xi32, #tpu.memory_space<hbm>>) target(%dma_start3A_236 : memref<64xi32, #tpu.memory_space<vmem>>) target_semaphore(%run_scoped3A : memref<!tpu.dma_semaphore, #tpu.memory_space<semaphore_mem>>)
        %dma_wait3A = arith.constant 0 : i32
        %dma_wait3A_238 = tpu.memref_slice %arg12[%dma_wait3A] : memref<1024xi32, #tpu.memory_space<vmem>> -> memref<64xi32, #tpu.memory_space<vmem>>
        %dma_wait3A_239 = tpu.memref_slice %arg4[%mul3A_32] : memref<1024xi32, #tpu.memory_space<hbm>> -> memref<64xi32, #tpu.memory_space<hbm>>
        %dma_wait3A_240 = arith.constant 0 : i32
        %dma_wait3A_241 = tpu.memref_slice %arg12[%dma_wait3A_240] : memref<1024xi32, #tpu.memory_space<vmem>> -> memref<64xi32, #tpu.memory_space<vmem>>
        %dma_wait3A_242 = tpu.memref_slice %arg4[%mul3A_32] : memref<1024xi32, #tpu.memory_space<hbm>> -> memref<64xi32, #tpu.memory_space<hbm>>
        tpu.wait_dma2 semaphore(%run_scoped3A : memref<!tpu.dma_semaphore, #tpu.memory_space<semaphore_mem>>) src(%dma_wait3A_242 : memref<64xi32, #tpu.memory_space<hbm>>) dst(%dma_wait3A_241 : memref<64xi32, #tpu.memory_space<vmem>>)
        tpu.yield
      }) : () -> ()
      "tpu.region"() ({
        %run_scoped3A = tpu.sem_alloc : memref<!tpu.dma_semaphore, #tpu.memory_space<semaphore_mem>>
        %dma_start3A = arith.constant 0 : i32
        %dma_start3A_233 = tpu.memref_slice %arg13[%dma_start3A] : memref<1024xi32, #tpu.memory_space<vmem>> -> memref<64xi32, #tpu.memory_space<vmem>>
        %dma_start3A_234 = tpu.memref_slice %arg5[%mul3A_32] : memref<1024xi32, #tpu.memory_space<hbm>> -> memref<64xi32, #tpu.memory_space<hbm>>
        %dma_start3A_235 = arith.constant 0 : i32
        %dma_start3A_236 = tpu.memref_slice %arg13[%dma_start3A_235] : memref<1024xi32, #tpu.memory_space<vmem>> -> memref<64xi32, #tpu.memory_space<vmem>>
        %dma_start3A_237 = tpu.memref_slice %arg5[%mul3A_32] : memref<1024xi32, #tpu.memory_space<hbm>> -> memref<64xi32, #tpu.memory_space<hbm>>
        tpu.enqueue_dma source(%dma_start3A_237 : memref<64xi32, #tpu.memory_space<hbm>>) target(%dma_start3A_236 : memref<64xi32, #tpu.memory_space<vmem>>) target_semaphore(%run_scoped3A : memref<!tpu.dma_semaphore, #tpu.memory_space<semaphore_mem>>)
        %dma_wait3A = arith.constant 0 : i32
        %dma_wait3A_238 = tpu.memref_slice %arg13[%dma_wait3A] : memref<1024xi32, #tpu.memory_space<vmem>> -> memref<64xi32, #tpu.memory_space<vmem>>
        %dma_wait3A_239 = tpu.memref_slice %arg5[%mul3A_32] : memref<1024xi32, #tpu.memory_space<hbm>> -> memref<64xi32, #tpu.memory_space<hbm>>
        %dma_wait3A_240 = arith.constant 0 : i32
        %dma_wait3A_241 = tpu.memref_slice %arg13[%dma_wait3A_240] : memref<1024xi32, #tpu.memory_space<vmem>> -> memref<64xi32, #tpu.memory_space<vmem>>
        %dma_wait3A_242 = tpu.memref_slice %arg5[%mul3A_32] : memref<1024xi32, #tpu.memory_space<hbm>> -> memref<64xi32, #tpu.memory_space<hbm>>
        tpu.wait_dma2 semaphore(%run_scoped3A : memref<!tpu.dma_semaphore, #tpu.memory_space<semaphore_mem>>) src(%dma_wait3A_242 : memref<64xi32, #tpu.memory_space<hbm>>) dst(%dma_wait3A_241 : memref<64xi32, #tpu.memory_space<vmem>>)
        tpu.yield
      }) : () -> ()
      %get3A = arith.constant 0 : index
      %get3A_33 = tpu.vector_load %arg12[%get3A] {strides = array<i32>} : memref<1024xi32, #tpu.memory_space<vmem>>, vector<16xi32>,
      %get3A_34 = vector.shape_cast %get3A_33 : vector<16xi32> to vector<16xi32>
      %get3A_35 = arith.constant 0 : index
      %get3A_36 = tpu.vector_load %arg13[%get3A_35] {strides = array<i32>} : memref<1024xi32, #tpu.memory_space<vmem>>, vector<16xi32>,
      %get3A_37 = vector.shape_cast %get3A_36 : vector<16xi32> to vector<16xi32>
      %mul3A_38 = arith.constant 1024 : i32
      %mul3A_39 = vector.broadcast %mul3A_38 : i32 to vector<16xi32>
      %mul3A_40 = arith.muli %get3A_37, %mul3A_39 : vector<16xi32>
      %add3A = arith.addi %mul3A_40, %get3A_34 : vector<16xi32>
      "tpu.region"() ({
        %run_scoped3A = tpu.sem_alloc : memref<!tpu.dma_semaphore, #tpu.memory_space<semaphore_mem>>
        %dma_start3A = arith.constant 0 : i32
        %dma_start3A_233 = tpu.memref_slice %arg16[%dma_start3A] : memref<262144xf32, #tpu.memory_space<vmem_shared>> -> memref<262144xf32, #tpu.memory_space<vmem_shared>>
        tpu.enqueue_indirect_dma source(%arg14 : memref<16xf32, #tpu.memory_space<vmem>>) target(%dma_start3A_233 : memref<262144xf32, #tpu.memory_space<vmem_shared>>) offsets(%add3A : vector<16xi32>) semaphore(%run_scoped3A : memref<!tpu.dma_semaphore, #tpu.memory_space<semaphore_mem>>) {add = true}
        %dma_wait3A = arith.constant 0 : i32
        %dma_wait3A_234 = tpu.memref_slice %arg16[%dma_wait3A] : memref<262144xf32, #tpu.memory_space<vmem_shared>> -> memref<262144xf32, #tpu.memory_space<vmem_shared>>
        tpu.wait_indirect_dma semaphore(%run_scoped3A : memref<!tpu.dma_semaphore, #tpu.memory_space<semaphore_mem>>) src(%arg14 : memref<16xf32, #tpu.memory_space<vmem>>) dst(%dma_wait3A_234 : memref<262144xf32, #tpu.memory_space<vmem_shared>>)
        tpu.yield
      }) : () -> ()
      %get3A_41 = arith.constant 16 : index
      %get3A_42 = tpu.vector_load %arg12[%get3A_41] {strides = array<i32>} : memref<1024xi32, #tpu.memory_space<vmem>>, vector<16xi32>,
      %get3A_43 = vector.shape_cast %get3A_42 : vector<16xi32> to vector<16xi32>
      %get3A_44 = arith.constant 16 : index
      %get3A_45 = tpu.vector_load %arg13[%get3A_44] {strides = array<i32>} : memref<1024xi32, #tpu.memory_space<vmem>>, vector<16xi32>,
      %get3A_46 = vector.shape_cast %get3A_45 : vector<16xi32> to vector<16xi32>
      %mul3A_47 = arith.constant 1024 : i32
      %mul3A_48 = vector.broadcast %mul3A_47 : i32 to vector<16xi32>
      %mul3A_49 = arith.muli %get3A_46, %mul3A_48 : vector<16xi32>
      %add3A_50 = arith.addi %mul3A_49, %get3A_43 : vector<16xi32>
      "tpu.region"() ({
        %run_scoped3A = tpu.sem_alloc : memref<!tpu.dma_semaphore, #tpu.memory_space<semaphore_mem>>
        %dma_start3A = arith.constant 0 : i32
        %dma_start3A_233 = tpu.memref_slice %arg16[%dma_start3A] : memref<262144xf32, #tpu.memory_space<vmem_shared>> -> memref<262144xf32, #tpu.memory_space<vmem_shared>>
        tpu.enqueue_indirect_dma source(%arg14 : memref<16xf32, #tpu.memory_space<vmem>>) target(%dma_start3A_233 : memref<262144xf32, #tpu.memory_space<vmem_shared>>) offsets(%add3A_50 : vector<16xi32>) semaphore(%run_scoped3A : memref<!tpu.dma_semaphore, #tpu.memory_space<semaphore_mem>>) {add = true}
        %dma_wait3A = arith.constant 0 : i32
        %dma_wait3A_234 = tpu.memref_slice %arg16[%dma_wait3A] : memref<262144xf32, #tpu.memory_space<vmem_shared>> -> memref<262144xf32, #tpu.memory_space<vmem_shared>>
        tpu.wait_indirect_dma semaphore(%run_scoped3A : memref<!tpu.dma_semaphore, #tpu.memory_space<semaphore_mem>>) src(%arg14 : memref<16xf32, #tpu.memory_space<vmem>>) dst(%dma_wait3A_234 : memref<262144xf32, #tpu.memory_space<vmem_shared>>)
        tpu.yield
      }) : () -> ()
      %get3A_51 = arith.constant 32 : index
      %get3A_52 = tpu.vector_load %arg12[%get3A_51] {strides = array<i32>} : memref<1024xi32, #tpu.memory_space<vmem>>, vector<16xi32>,
      %get3A_53 = vector.shape_cast %get3A_52 : vector<16xi32> to vector<16xi32>
      %get3A_54 = arith.constant 32 : index
      %get3A_55 = tpu.vector_load %arg13[%get3A_54] {strides = array<i32>} : memref<1024xi32, #tpu.memory_space<vmem>>, vector<16xi32>,
      %get3A_56 = vector.shape_cast %get3A_55 : vector<16xi32> to vector<16xi32>
      %mul3A_57 = arith.constant 1024 : i32
      %mul3A_58 = vector.broadcast %mul3A_57 : i32 to vector<16xi32>
      %mul3A_59 = arith.muli %get3A_56, %mul3A_58 : vector<16xi32>
      %add3A_60 = arith.addi %mul3A_59, %get3A_53 : vector<16xi32>
      "tpu.region"() ({
        %run_scoped3A = tpu.sem_alloc : memref<!tpu.dma_semaphore, #tpu.memory_space<semaphore_mem>>
        %dma_start3A = arith.constant 0 : i32
        %dma_start3A_233 = tpu.memref_slice %arg16[%dma_start3A] : memref<262144xf32, #tpu.memory_space<vmem_shared>> -> memref<262144xf32, #tpu.memory_space<vmem_shared>>
        tpu.enqueue_indirect_dma source(%arg14 : memref<16xf32, #tpu.memory_space<vmem>>) target(%dma_start3A_233 : memref<262144xf32, #tpu.memory_space<vmem_shared>>) offsets(%add3A_60 : vector<16xi32>) semaphore(%run_scoped3A : memref<!tpu.dma_semaphore, #tpu.memory_space<semaphore_mem>>) {add = true}
        %dma_wait3A = arith.constant 0 : i32
        %dma_wait3A_234 = tpu.memref_slice %arg16[%dma_wait3A] : memref<262144xf32, #tpu.memory_space<vmem_shared>> -> memref<262144xf32, #tpu.memory_space<vmem_shared>>
        tpu.wait_indirect_dma semaphore(%run_scoped3A : memref<!tpu.dma_semaphore, #tpu.memory_space<semaphore_mem>>) src(%arg14 : memref<16xf32, #tpu.memory_space<vmem>>) dst(%dma_wait3A_234 : memref<262144xf32, #tpu.memory_space<vmem_shared>>)
        tpu.yield
      }) : () -> ()
      %get3A_61 = arith.constant 48 : index
      %get3A_62 = tpu.vector_load %arg12[%get3A_61] {strides = array<i32>} : memref<1024xi32, #tpu.memory_space<vmem>>, vector<16xi32>,
      %get3A_63 = vector.shape_cast %get3A_62 : vector<16xi32> to vector<16xi32>
      %get3A_64 = arith.constant 48 : index
      %get3A_65 = tpu.vector_load %arg13[%get3A_64] {strides = array<i32>} : memref<1024xi32, #tpu.memory_space<vmem>>, vector<16xi32>,
      %get3A_66 = vector.shape_cast %get3A_65 : vector<16xi32> to vector<16xi32>
      %mul3A_67 = arith.constant 1024 : i32
      %mul3A_68 = vector.broadcast %mul3A_67 : i32 to vector<16xi32>
      %mul3A_69 = arith.muli %get3A_66, %mul3A_68 : vector<16xi32>
      %add3A_70 = arith.addi %mul3A_69, %get3A_63 : vector<16xi32>
      "tpu.region"() ({
        %run_scoped3A = tpu.sem_alloc : memref<!tpu.dma_semaphore, #tpu.memory_space<semaphore_mem>>
        %dma_start3A = arith.constant 0 : i32
        %dma_start3A_233 = tpu.memref_slice %arg16[%dma_start3A] : memref<262144xf32, #tpu.memory_space<vmem_shared>> -> memref<262144xf32, #tpu.memory_space<vmem_shared>>
        tpu.enqueue_indirect_dma source(%arg14 : memref<16xf32, #tpu.memory_space<vmem>>) target(%dma_start3A_233 : memref<262144xf32, #tpu.memory_space<vmem_shared>>) offsets(%add3A_70 : vector<16xi32>) semaphore(%run_scoped3A : memref<!tpu.dma_semaphore, #tpu.memory_space<semaphore_mem>>) {add = true}
        %dma_wait3A = arith.constant 0 : i32
        %dma_wait3A_234 = tpu.memref_slice %arg16[%dma_wait3A] : memref<262144xf32, #tpu.memory_space<vmem_shared>> -> memref<262144xf32, #tpu.memory_space<vmem_shared>>
        tpu.wait_indirect_dma semaphore(%run_scoped3A : memref<!tpu.dma_semaphore, #tpu.memory_space<semaphore_mem>>) src(%arg14 : memref<16xf32, #tpu.memory_space<vmem>>) dst(%dma_wait3A_234 : memref<262144xf32, #tpu.memory_space<vmem_shared>>)
        tpu.yield
      }) : () -> ()
      %mul3A_71 = arith.constant 256 : i32
      %mul3A_72 = arith.muli %arg1, %mul3A_71 : i32
      "tpu.region"() ({
        %run_scoped3A = tpu.sem_alloc : memref<!tpu.dma_semaphore, #tpu.memory_space<semaphore_mem>>
        %dma_start3A = arith.constant 0 : i32
        %dma_start3A_233 = tpu.memref_slice %arg12[%dma_start3A] : memref<1024xi32, #tpu.memory_space<vmem>> -> memref<256xi32, #tpu.memory_space<vmem>>
        %dma_start3A_234 = tpu.memref_slice %arg6[%mul3A_72] : memref<4096xi32, #tpu.memory_space<hbm>> -> memref<256xi32, #tpu.memory_space<hbm>>
        %dma_start3A_235 = arith.constant 0 : i32
        %dma_start3A_236 = tpu.memref_slice %arg12[%dma_start3A_235] : memref<1024xi32, #tpu.memory_space<vmem>> -> memref<256xi32, #tpu.memory_space<vmem>>
        %dma_start3A_237 = tpu.memref_slice %arg6[%mul3A_72] : memref<4096xi32, #tpu.memory_space<hbm>> -> memref<256xi32, #tpu.memory_space<hbm>>
        tpu.enqueue_dma source(%dma_start3A_237 : memref<256xi32, #tpu.memory_space<hbm>>) target(%dma_start3A_236 : memref<256xi32, #tpu.memory_space<vmem>>) target_semaphore(%run_scoped3A : memref<!tpu.dma_semaphore, #tpu.memory_space<semaphore_mem>>)
        %dma_wait3A = arith.constant 0 : i32
        %dma_wait3A_238 = tpu.memref_slice %arg12[%dma_wait3A] : memref<1024xi32, #tpu.memory_space<vmem>> -> memref<256xi32, #tpu.memory_space<vmem>>
        %dma_wait3A_239 = tpu.memref_slice %arg6[%mul3A_72] : memref<4096xi32, #tpu.memory_space<hbm>> -> memref<256xi32, #tpu.memory_space<hbm>>
        %dma_wait3A_240 = arith.constant 0 : i32
        %dma_wait3A_241 = tpu.memref_slice %arg12[%dma_wait3A_240] : memref<1024xi32, #tpu.memory_space<vmem>> -> memref<256xi32, #tpu.memory_space<vmem>>
        %dma_wait3A_242 = tpu.memref_slice %arg6[%mul3A_72] : memref<4096xi32, #tpu.memory_space<hbm>> -> memref<256xi32, #tpu.memory_space<hbm>>
        tpu.wait_dma2 semaphore(%run_scoped3A : memref<!tpu.dma_semaphore, #tpu.memory_space<semaphore_mem>>) src(%dma_wait3A_242 : memref<256xi32, #tpu.memory_space<hbm>>) dst(%dma_wait3A_241 : memref<256xi32, #tpu.memory_space<vmem>>)
        tpu.yield
      }) : () -> ()
      "tpu.region"() ({
        %run_scoped3A = tpu.sem_alloc : memref<!tpu.dma_semaphore, #tpu.memory_space<semaphore_mem>>
        %dma_start3A = arith.constant 0 : i32
        %dma_start3A_233 = tpu.memref_slice %arg13[%dma_start3A] : memref<1024xi32, #tpu.memory_space<vmem>> -> memref<256xi32, #tpu.memory_space<vmem>>
        %dma_start3A_234 = tpu.memref_slice %arg7[%mul3A_72] : memref<4096xi32, #tpu.memory_space<hbm>> -> memref<256xi32, #tpu.memory_space<hbm>>
        %dma_start3A_235 = arith.constant 0 : i32
        %dma_start3A_236 = tpu.memref_slice %arg13[%dma_start3A_235] : memref<1024xi32, #tpu.memory_space<vmem>> -> memref<256xi32, #tpu.memory_space<vmem>>
        %dma_start3A_237 = tpu.memref_slice %arg7[%mul3A_72] : memref<4096xi32, #tpu.memory_space<hbm>> -> memref<256xi32, #tpu.memory_space<hbm>>
        tpu.enqueue_dma source(%dma_start3A_237 : memref<256xi32, #tpu.memory_space<hbm>>) target(%dma_start3A_236 : memref<256xi32, #tpu.memory_space<vmem>>) target_semaphore(%run_scoped3A : memref<!tpu.dma_semaphore, #tpu.memory_space<semaphore_mem>>)
        %dma_wait3A = arith.constant 0 : i32
        %dma_wait3A_238 = tpu.memref_slice %arg13[%dma_wait3A] : memref<1024xi32, #tpu.memory_space<vmem>> -> memref<256xi32, #tpu.memory_space<vmem>>
        %dma_wait3A_239 = tpu.memref_slice %arg7[%mul3A_72] : memref<4096xi32, #tpu.memory_space<hbm>> -> memref<256xi32, #tpu.memory_space<hbm>>
        %dma_wait3A_240 = arith.constant 0 : i32
        %dma_wait3A_241 = tpu.memref_slice %arg13[%dma_wait3A_240] : memref<1024xi32, #tpu.memory_space<vmem>> -> memref<256xi32, #tpu.memory_space<vmem>>
        %dma_wait3A_242 = tpu.memref_slice %arg7[%mul3A_72] : memref<4096xi32, #tpu.memory_space<hbm>> -> memref<256xi32, #tpu.memory_space<hbm>>
        tpu.wait_dma2 semaphore(%run_scoped3A : memref<!tpu.dma_semaphore, #tpu.memory_space<semaphore_mem>>) src(%dma_wait3A_242 : memref<256xi32, #tpu.memory_space<hbm>>) dst(%dma_wait3A_241 : memref<256xi32, #tpu.memory_space<vmem>>)
        tpu.yield
      }) : () -> ()
      %get3A_73 = arith.constant 0 : index
      %get3A_74 = tpu.vector_load %arg12[%get3A_73] {strides = array<i32>} : memref<1024xi32, #tpu.memory_space<vmem>>, vector<16xi32>,
      %get3A_75 = vector.shape_cast %get3A_74 : vector<16xi32> to vector<16xi32>
      %get3A_76 = arith.constant 0 : index
      %get3A_77 = tpu.vector_load %arg13[%get3A_76] {strides = array<i32>} : memref<1024xi32, #tpu.memory_space<vmem>>, vector<16xi32>,
      %get3A_78 = vector.shape_cast %get3A_77 : vector<16xi32> to vector<16xi32>
      %mul3A_79 = arith.constant 256 : i32
      %mul3A_80 = vector.broadcast %mul3A_79 : i32 to vector<16xi32>
      %mul3A_81 = arith.muli %get3A_78, %mul3A_80 : vector<16xi32>
      %add3A_82 = arith.addi %mul3A_81, %get3A_75 : vector<16xi32>
      "tpu.region"() ({
        %run_scoped3A = tpu.sem_alloc : memref<!tpu.dma_semaphore, #tpu.memory_space<semaphore_mem>>
        %dma_start3A = arith.constant 0 : i32
        %dma_start3A_233 = tpu.memref_slice %arg17[%dma_start3A] : memref<65536xf32, #tpu.memory_space<vmem_shared>> -> memref<65536xf32, #tpu.memory_space<vmem_shared>>
        tpu.enqueue_indirect_dma source(%arg14 : memref<16xf32, #tpu.memory_space<vmem>>) target(%dma_start3A_233 : memref<65536xf32, #tpu.memory_space<vmem_shared>>) offsets(%add3A_82 : vector<16xi32>) semaphore(%run_scoped3A : memref<!tpu.dma_semaphore, #tpu.memory_space<semaphore_mem>>) {add = true}
        %dma_wait3A = arith.constant 0 : i32
        %dma_wait3A_234 = tpu.memref_slice %arg17[%dma_wait3A] : memref<65536xf32, #tpu.memory_space<vmem_shared>> -> memref<65536xf32, #tpu.memory_space<vmem_shared>>
        tpu.wait_indirect_dma semaphore(%run_scoped3A : memref<!tpu.dma_semaphore, #tpu.memory_space<semaphore_mem>>) src(%arg14 : memref<16xf32, #tpu.memory_space<vmem>>) dst(%dma_wait3A_234 : memref<65536xf32, #tpu.memory_space<vmem_shared>>)
        tpu.yield
      }) : () -> ()
      %get3A_83 = arith.constant 16 : index
      %get3A_84 = tpu.vector_load %arg12[%get3A_83] {strides = array<i32>} : memref<1024xi32, #tpu.memory_space<vmem>>, vector<16xi32>,
      %get3A_85 = vector.shape_cast %get3A_84 : vector<16xi32> to vector<16xi32>
      %get3A_86 = arith.constant 16 : index
      %get3A_87 = tpu.vector_load %arg13[%get3A_86] {strides = array<i32>} : memref<1024xi32, #tpu.memory_space<vmem>>, vector<16xi32>,
      %get3A_88 = vector.shape_cast %get3A_87 : vector<16xi32> to vector<16xi32>
      %mul3A_89 = arith.constant 256 : i32
      %mul3A_90 = vector.broadcast %mul3A_89 : i32 to vector<16xi32>
      %mul3A_91 = arith.muli %get3A_88, %mul3A_90 : vector<16xi32>
      %add3A_92 = arith.addi %mul3A_91, %get3A_85 : vector<16xi32>
      "tpu.region"() ({
        %run_scoped3A = tpu.sem_alloc : memref<!tpu.dma_semaphore, #tpu.memory_space<semaphore_mem>>
        %dma_start3A = arith.constant 0 : i32
        %dma_start3A_233 = tpu.memref_slice %arg17[%dma_start3A] : memref<65536xf32, #tpu.memory_space<vmem_shared>> -> memref<65536xf32, #tpu.memory_space<vmem_shared>>
        tpu.enqueue_indirect_dma source(%arg14 : memref<16xf32, #tpu.memory_space<vmem>>) target(%dma_start3A_233 : memref<65536xf32, #tpu.memory_space<vmem_shared>>) offsets(%add3A_92 : vector<16xi32>) semaphore(%run_scoped3A : memref<!tpu.dma_semaphore, #tpu.memory_space<semaphore_mem>>) {add = true}
        %dma_wait3A = arith.constant 0 : i32
        %dma_wait3A_234 = tpu.memref_slice %arg17[%dma_wait3A] : memref<65536xf32, #tpu.memory_space<vmem_shared>> -> memref<65536xf32, #tpu.memory_space<vmem_shared>>
        tpu.wait_indirect_dma semaphore(%run_scoped3A : memref<!tpu.dma_semaphore, #tpu.memory_space<semaphore_mem>>) src(%arg14 : memref<16xf32, #tpu.memory_space<vmem>>) dst(%dma_wait3A_234 : memref<65536xf32, #tpu.memory_space<vmem_shared>>)
        tpu.yield
      }) : () -> ()
      %get3A_93 = arith.constant 32 : index
      %get3A_94 = tpu.vector_load %arg12[%get3A_93] {strides = array<i32>} : memref<1024xi32, #tpu.memory_space<vmem>>, vector<16xi32>,
      %get3A_95 = vector.shape_cast %get3A_94 : vector<16xi32> to vector<16xi32>
      %get3A_96 = arith.constant 32 : index
      %get3A_97 = tpu.vector_load %arg13[%get3A_96] {strides = array<i32>} : memref<1024xi32, #tpu.memory_space<vmem>>, vector<16xi32>,
      %get3A_98 = vector.shape_cast %get3A_97 : vector<16xi32> to vector<16xi32>
      %mul3A_99 = arith.constant 256 : i32
      %mul3A_100 = vector.broadcast %mul3A_99 : i32 to vector<16xi32>
      %mul3A_101 = arith.muli %get3A_98, %mul3A_100 : vector<16xi32>
      %add3A_102 = arith.addi %mul3A_101, %get3A_95 : vector<16xi32>
      "tpu.region"() ({
        %run_scoped3A = tpu.sem_alloc : memref<!tpu.dma_semaphore, #tpu.memory_space<semaphore_mem>>
        %dma_start3A = arith.constant 0 : i32
        %dma_start3A_233 = tpu.memref_slice %arg17[%dma_start3A] : memref<65536xf32, #tpu.memory_space<vmem_shared>> -> memref<65536xf32, #tpu.memory_space<vmem_shared>>
        tpu.enqueue_indirect_dma source(%arg14 : memref<16xf32, #tpu.memory_space<vmem>>) target(%dma_start3A_233 : memref<65536xf32, #tpu.memory_space<vmem_shared>>) offsets(%add3A_102 : vector<16xi32>) semaphore(%run_scoped3A : memref<!tpu.dma_semaphore, #tpu.memory_space<semaphore_mem>>) {add = true}
        %dma_wait3A = arith.constant 0 : i32
        %dma_wait3A_234 = tpu.memref_slice %arg17[%dma_wait3A] : memref<65536xf32, #tpu.memory_space<vmem_shared>> -> memref<65536xf32, #tpu.memory_space<vmem_shared>>
        tpu.wait_indirect_dma semaphore(%run_scoped3A : memref<!tpu.dma_semaphore, #tpu.memory_space<semaphore_mem>>) src(%arg14 : memref<16xf32, #tpu.memory_space<vmem>>) dst(%dma_wait3A_234 : memref<65536xf32, #tpu.memory_space<vmem_shared>>)
        tpu.yield
      }) : () -> ()
      %get3A_103 = arith.constant 48 : index
      %get3A_104 = tpu.vector_load %arg12[%get3A_103] {strides = array<i32>} : memref<1024xi32, #tpu.memory_space<vmem>>, vector<16xi32>,
      %get3A_105 = vector.shape_cast %get3A_104 : vector<16xi32> to vector<16xi32>
      %get3A_106 = arith.constant 48 : index
      %get3A_107 = tpu.vector_load %arg13[%get3A_106] {strides = array<i32>} : memref<1024xi32, #tpu.memory_space<vmem>>, vector<16xi32>,
      %get3A_108 = vector.shape_cast %get3A_107 : vector<16xi32> to vector<16xi32>
      %mul3A_109 = arith.constant 256 : i32
      %mul3A_110 = vector.broadcast %mul3A_109 : i32 to vector<16xi32>
      %mul3A_111 = arith.muli %get3A_108, %mul3A_110 : vector<16xi32>
      %add3A_112 = arith.addi %mul3A_111, %get3A_105 : vector<16xi32>
      "tpu.region"() ({
        %run_scoped3A = tpu.sem_alloc : memref<!tpu.dma_semaphore, #tpu.memory_space<semaphore_mem>>
        %dma_start3A = arith.constant 0 : i32
        %dma_start3A_233 = tpu.memref_slice %arg17[%dma_start3A] : memref<65536xf32, #tpu.memory_space<vmem_shared>> -> memref<65536xf32, #tpu.memory_space<vmem_shared>>
        tpu.enqueue_indirect_dma source(%arg14 : memref<16xf32, #tpu.memory_space<vmem>>) target(%dma_start3A_233 : memref<65536xf32, #tpu.memory_space<vmem_shared>>) offsets(%add3A_112 : vector<16xi32>) semaphore(%run_scoped3A : memref<!tpu.dma_semaphore, #tpu.memory_space<semaphore_mem>>) {add = true}
        %dma_wait3A = arith.constant 0 : i32
        %dma_wait3A_234 = tpu.memref_slice %arg17[%dma_wait3A] : memref<65536xf32, #tpu.memory_space<vmem_shared>> -> memref<65536xf32, #tpu.memory_space<vmem_shared>>
        tpu.wait_indirect_dma semaphore(%run_scoped3A : memref<!tpu.dma_semaphore, #tpu.memory_space<semaphore_mem>>) src(%arg14 : memref<16xf32, #tpu.memory_space<vmem>>) dst(%dma_wait3A_234 : memref<65536xf32, #tpu.memory_space<vmem_shared>>)
        tpu.yield
      }) : () -> ()
      %get3A_113 = arith.constant 64 : index
      %get3A_114 = tpu.vector_load %arg12[%get3A_113] {strides = array<i32>} : memref<1024xi32, #tpu.memory_space<vmem>>, vector<16xi32>,
      %get3A_115 = vector.shape_cast %get3A_114 : vector<16xi32> to vector<16xi32>
      %get3A_116 = arith.constant 64 : index
      %get3A_117 = tpu.vector_load %arg13[%get3A_116] {strides = array<i32>} : memref<1024xi32, #tpu.memory_space<vmem>>, vector<16xi32>,
      %get3A_118 = vector.shape_cast %get3A_117 : vector<16xi32> to vector<16xi32>
      %mul3A_119 = arith.constant 256 : i32
      %mul3A_120 = vector.broadcast %mul3A_119 : i32 to vector<16xi32>
      %mul3A_121 = arith.muli %get3A_118, %mul3A_120 : vector<16xi32>
      %add3A_122 = arith.addi %mul3A_121, %get3A_115 : vector<16xi32>
      "tpu.region"() ({
        %run_scoped3A = tpu.sem_alloc : memref<!tpu.dma_semaphore, #tpu.memory_space<semaphore_mem>>
        %dma_start3A = arith.constant 0 : i32
        %dma_start3A_233 = tpu.memref_slice %arg17[%dma_start3A] : memref<65536xf32, #tpu.memory_space<vmem_shared>> -> memref<65536xf32, #tpu.memory_space<vmem_shared>>
        tpu.enqueue_indirect_dma source(%arg14 : memref<16xf32, #tpu.memory_space<vmem>>) target(%dma_start3A_233 : memref<65536xf32, #tpu.memory_space<vmem_shared>>) offsets(%add3A_122 : vector<16xi32>) semaphore(%run_scoped3A : memref<!tpu.dma_semaphore, #tpu.memory_space<semaphore_mem>>) {add = true}
        %dma_wait3A = arith.constant 0 : i32
        %dma_wait3A_234 = tpu.memref_slice %arg17[%dma_wait3A] : memref<65536xf32, #tpu.memory_space<vmem_shared>> -> memref<65536xf32, #tpu.memory_space<vmem_shared>>
        tpu.wait_indirect_dma semaphore(%run_scoped3A : memref<!tpu.dma_semaphore, #tpu.memory_space<semaphore_mem>>) src(%arg14 : memref<16xf32, #tpu.memory_space<vmem>>) dst(%dma_wait3A_234 : memref<65536xf32, #tpu.memory_space<vmem_shared>>)
        tpu.yield
      }) : () -> ()
      %get3A_123 = arith.constant 80 : index
      %get3A_124 = tpu.vector_load %arg12[%get3A_123] {strides = array<i32>} : memref<1024xi32, #tpu.memory_space<vmem>>, vector<16xi32>,
      %get3A_125 = vector.shape_cast %get3A_124 : vector<16xi32> to vector<16xi32>
      %get3A_126 = arith.constant 80 : index
      %get3A_127 = tpu.vector_load %arg13[%get3A_126] {strides = array<i32>} : memref<1024xi32, #tpu.memory_space<vmem>>, vector<16xi32>,
      %get3A_128 = vector.shape_cast %get3A_127 : vector<16xi32> to vector<16xi32>
      %mul3A_129 = arith.constant 256 : i32
      %mul3A_130 = vector.broadcast %mul3A_129 : i32 to vector<16xi32>
      %mul3A_131 = arith.muli %get3A_128, %mul3A_130 : vector<16xi32>
      %add3A_132 = arith.addi %mul3A_131, %get3A_125 : vector<16xi32>
      "tpu.region"() ({
        %run_scoped3A = tpu.sem_alloc : memref<!tpu.dma_semaphore, #tpu.memory_space<semaphore_mem>>
        %dma_start3A = arith.constant 0 : i32
        %dma_start3A_233 = tpu.memref_slice %arg17[%dma_start3A] : memref<65536xf32, #tpu.memory_space<vmem_shared>> -> memref<65536xf32, #tpu.memory_space<vmem_shared>>
        tpu.enqueue_indirect_dma source(%arg14 : memref<16xf32, #tpu.memory_space<vmem>>) target(%dma_start3A_233 : memref<65536xf32, #tpu.memory_space<vmem_shared>>) offsets(%add3A_132 : vector<16xi32>) semaphore(%run_scoped3A : memref<!tpu.dma_semaphore, #tpu.memory_space<semaphore_mem>>) {add = true}
        %dma_wait3A = arith.constant 0 : i32
        %dma_wait3A_234 = tpu.memref_slice %arg17[%dma_wait3A] : memref<65536xf32, #tpu.memory_space<vmem_shared>> -> memref<65536xf32, #tpu.memory_space<vmem_shared>>
        tpu.wait_indirect_dma semaphore(%run_scoped3A : memref<!tpu.dma_semaphore, #tpu.memory_space<semaphore_mem>>) src(%arg14 : memref<16xf32, #tpu.memory_space<vmem>>) dst(%dma_wait3A_234 : memref<65536xf32, #tpu.memory_space<vmem_shared>>)
        tpu.yield
      }) : () -> ()
      %get3A_133 = arith.constant 96 : index
      %get3A_134 = tpu.vector_load %arg12[%get3A_133] {strides = array<i32>} : memref<1024xi32, #tpu.memory_space<vmem>>, vector<16xi32>,
      %get3A_135 = vector.shape_cast %get3A_134 : vector<16xi32> to vector<16xi32>
      %get3A_136 = arith.constant 96 : index
      %get3A_137 = tpu.vector_load %arg13[%get3A_136] {strides = array<i32>} : memref<1024xi32, #tpu.memory_space<vmem>>, vector<16xi32>,
      %get3A_138 = vector.shape_cast %get3A_137 : vector<16xi32> to vector<16xi32>
      %mul3A_139 = arith.constant 256 : i32
      %mul3A_140 = vector.broadcast %mul3A_139 : i32 to vector<16xi32>
      %mul3A_141 = arith.muli %get3A_138, %mul3A_140 : vector<16xi32>
      %add3A_142 = arith.addi %mul3A_141, %get3A_135 : vector<16xi32>
      "tpu.region"() ({
        %run_scoped3A = tpu.sem_alloc : memref<!tpu.dma_semaphore, #tpu.memory_space<semaphore_mem>>
        %dma_start3A = arith.constant 0 : i32
        %dma_start3A_233 = tpu.memref_slice %arg17[%dma_start3A] : memref<65536xf32, #tpu.memory_space<vmem_shared>> -> memref<65536xf32, #tpu.memory_space<vmem_shared>>
        tpu.enqueue_indirect_dma source(%arg14 : memref<16xf32, #tpu.memory_space<vmem>>) target(%dma_start3A_233 : memref<65536xf32, #tpu.memory_space<vmem_shared>>) offsets(%add3A_142 : vector<16xi32>) semaphore(%run_scoped3A : memref<!tpu.dma_semaphore, #tpu.memory_space<semaphore_mem>>) {add = true}
        %dma_wait3A = arith.constant 0 : i32
        %dma_wait3A_234 = tpu.memref_slice %arg17[%dma_wait3A] : memref<65536xf32, #tpu.memory_space<vmem_shared>> -> memref<65536xf32, #tpu.memory_space<vmem_shared>>
        tpu.wait_indirect_dma semaphore(%run_scoped3A : memref<!tpu.dma_semaphore, #tpu.memory_space<semaphore_mem>>) src(%arg14 : memref<16xf32, #tpu.memory_space<vmem>>) dst(%dma_wait3A_234 : memref<65536xf32, #tpu.memory_space<vmem_shared>>)
        tpu.yield
      }) : () -> ()
      %get3A_143 = arith.constant 112 : index
      %get3A_144 = tpu.vector_load %arg12[%get3A_143] {strides = array<i32>} : memref<1024xi32, #tpu.memory_space<vmem>>, vector<16xi32>,
      %get3A_145 = vector.shape_cast %get3A_144 : vector<16xi32> to vector<16xi32>
      %get3A_146 = arith.constant 112 : index
      %get3A_147 = tpu.vector_load %arg13[%get3A_146] {strides = array<i32>} : memref<1024xi32, #tpu.memory_space<vmem>>, vector<16xi32>,
      %get3A_148 = vector.shape_cast %get3A_147 : vector<16xi32> to vector<16xi32>
      %mul3A_149 = arith.constant 256 : i32
      %mul3A_150 = vector.broadcast %mul3A_149 : i32 to vector<16xi32>
      %mul3A_151 = arith.muli %get3A_148, %mul3A_150 : vector<16xi32>
      %add3A_152 = arith.addi %mul3A_151, %get3A_145 : vector<16xi32>
      "tpu.region"() ({
        %run_scoped3A = tpu.sem_alloc : memref<!tpu.dma_semaphore, #tpu.memory_space<semaphore_mem>>
        %dma_start3A = arith.constant 0 : i32
        %dma_start3A_233 = tpu.memref_slice %arg17[%dma_start3A] : memref<65536xf32, #tpu.memory_space<vmem_shared>> -> memref<65536xf32, #tpu.memory_space<vmem_shared>>
        tpu.enqueue_indirect_dma source(%arg14 : memref<16xf32, #tpu.memory_space<vmem>>) target(%dma_start3A_233 : memref<65536xf32, #tpu.memory_space<vmem_shared>>) offsets(%add3A_152 : vector<16xi32>) semaphore(%run_scoped3A : memref<!tpu.dma_semaphore, #tpu.memory_space<semaphore_mem>>) {add = true}
        %dma_wait3A = arith.constant 0 : i32
        %dma_wait3A_234 = tpu.memref_slice %arg17[%dma_wait3A] : memref<65536xf32, #tpu.memory_space<vmem_shared>> -> memref<65536xf32, #tpu.memory_space<vmem_shared>>
        tpu.wait_indirect_dma semaphore(%run_scoped3A : memref<!tpu.dma_semaphore, #tpu.memory_space<semaphore_mem>>) src(%arg14 : memref<16xf32, #tpu.memory_space<vmem>>) dst(%dma_wait3A_234 : memref<65536xf32, #tpu.memory_space<vmem_shared>>)
        tpu.yield
      }) : () -> ()
      %get3A_153 = arith.constant 128 : index
      %get3A_154 = tpu.vector_load %arg12[%get3A_153] {strides = array<i32>} : memref<1024xi32, #tpu.memory_space<vmem>>, vector<16xi32>,
      %get3A_155 = vector.shape_cast %get3A_154 : vector<16xi32> to vector<16xi32>
      %get3A_156 = arith.constant 128 : index
      %get3A_157 = tpu.vector_load %arg13[%get3A_156] {strides = array<i32>} : memref<1024xi32, #tpu.memory_space<vmem>>, vector<16xi32>,
      %get3A_158 = vector.shape_cast %get3A_157 : vector<16xi32> to vector<16xi32>
      %mul3A_159 = arith.constant 256 : i32
      %mul3A_160 = vector.broadcast %mul3A_159 : i32 to vector<16xi32>
      %mul3A_161 = arith.muli %get3A_158, %mul3A_160 : vector<16xi32>
      %add3A_162 = arith.addi %mul3A_161, %get3A_155 : vector<16xi32>
      "tpu.region"() ({
        %run_scoped3A = tpu.sem_alloc : memref<!tpu.dma_semaphore, #tpu.memory_space<semaphore_mem>>
        %dma_start3A = arith.constant 0 : i32
        %dma_start3A_233 = tpu.memref_slice %arg17[%dma_start3A] : memref<65536xf32, #tpu.memory_space<vmem_shared>> -> memref<65536xf32, #tpu.memory_space<vmem_shared>>
        tpu.enqueue_indirect_dma source(%arg14 : memref<16xf32, #tpu.memory_space<vmem>>) target(%dma_start3A_233 : memref<65536xf32, #tpu.memory_space<vmem_shared>>) offsets(%add3A_162 : vector<16xi32>) semaphore(%run_scoped3A : memref<!tpu.dma_semaphore, #tpu.memory_space<semaphore_mem>>) {add = true}
        %dma_wait3A = arith.constant 0 : i32
        %dma_wait3A_234 = tpu.memref_slice %arg17[%dma_wait3A] : memref<65536xf32, #tpu.memory_space<vmem_shared>> -> memref<65536xf32, #tpu.memory_space<vmem_shared>>
        tpu.wait_indirect_dma semaphore(%run_scoped3A : memref<!tpu.dma_semaphore, #tpu.memory_space<semaphore_mem>>) src(%arg14 : memref<16xf32, #tpu.memory_space<vmem>>) dst(%dma_wait3A_234 : memref<65536xf32, #tpu.memory_space<vmem_shared>>)
        tpu.yield
      }) : () -> ()
      %get3A_163 = arith.constant 144 : index
      %get3A_164 = tpu.vector_load %arg12[%get3A_163] {strides = array<i32>} : memref<1024xi32, #tpu.memory_space<vmem>>, vector<16xi32>,
      %get3A_165 = vector.shape_cast %get3A_164 : vector<16xi32> to vector<16xi32>
      %get3A_166 = arith.constant 144 : index
      %get3A_167 = tpu.vector_load %arg13[%get3A_166] {strides = array<i32>} : memref<1024xi32, #tpu.memory_space<vmem>>, vector<16xi32>,
      %get3A_168 = vector.shape_cast %get3A_167 : vector<16xi32> to vector<16xi32>
      %mul3A_169 = arith.constant 256 : i32
      %mul3A_170 = vector.broadcast %mul3A_169 : i32 to vector<16xi32>
      %mul3A_171 = arith.muli %get3A_168, %mul3A_170 : vector<16xi32>
      %add3A_172 = arith.addi %mul3A_171, %get3A_165 : vector<16xi32>
      "tpu.region"() ({
        %run_scoped3A = tpu.sem_alloc : memref<!tpu.dma_semaphore, #tpu.memory_space<semaphore_mem>>
        %dma_start3A = arith.constant 0 : i32
        %dma_start3A_233 = tpu.memref_slice %arg17[%dma_start3A] : memref<65536xf32, #tpu.memory_space<vmem_shared>> -> memref<65536xf32, #tpu.memory_space<vmem_shared>>
        tpu.enqueue_indirect_dma source(%arg14 : memref<16xf32, #tpu.memory_space<vmem>>) target(%dma_start3A_233 : memref<65536xf32, #tpu.memory_space<vmem_shared>>) offsets(%add3A_172 : vector<16xi32>) semaphore(%run_scoped3A : memref<!tpu.dma_semaphore, #tpu.memory_space<semaphore_mem>>) {add = true}
        %dma_wait3A = arith.constant 0 : i32
        %dma_wait3A_234 = tpu.memref_slice %arg17[%dma_wait3A] : memref<65536xf32, #tpu.memory_space<vmem_shared>> -> memref<65536xf32, #tpu.memory_space<vmem_shared>>
        tpu.wait_indirect_dma semaphore(%run_scoped3A : memref<!tpu.dma_semaphore, #tpu.memory_space<semaphore_mem>>) src(%arg14 : memref<16xf32, #tpu.memory_space<vmem>>) dst(%dma_wait3A_234 : memref<65536xf32, #tpu.memory_space<vmem_shared>>)
        tpu.yield
      }) : () -> ()
      %get3A_173 = arith.constant 160 : index
      %get3A_174 = tpu.vector_load %arg12[%get3A_173] {strides = array<i32>} : memref<1024xi32, #tpu.memory_space<vmem>>, vector<16xi32>,
      %get3A_175 = vector.shape_cast %get3A_174 : vector<16xi32> to vector<16xi32>
      %get3A_176 = arith.constant 160 : index
      %get3A_177 = tpu.vector_load %arg13[%get3A_176] {strides = array<i32>} : memref<1024xi32, #tpu.memory_space<vmem>>, vector<16xi32>,
      %get3A_178 = vector.shape_cast %get3A_177 : vector<16xi32> to vector<16xi32>
      %mul3A_179 = arith.constant 256 : i32
      %mul3A_180 = vector.broadcast %mul3A_179 : i32 to vector<16xi32>
      %mul3A_181 = arith.muli %get3A_178, %mul3A_180 : vector<16xi32>
      %add3A_182 = arith.addi %mul3A_181, %get3A_175 : vector<16xi32>
      "tpu.region"() ({
        %run_scoped3A = tpu.sem_alloc : memref<!tpu.dma_semaphore, #tpu.memory_space<semaphore_mem>>
        %dma_start3A = arith.constant 0 : i32
        %dma_start3A_233 = tpu.memref_slice %arg17[%dma_start3A] : memref<65536xf32, #tpu.memory_space<vmem_shared>> -> memref<65536xf32, #tpu.memory_space<vmem_shared>>
        tpu.enqueue_indirect_dma source(%arg14 : memref<16xf32, #tpu.memory_space<vmem>>) target(%dma_start3A_233 : memref<65536xf32, #tpu.memory_space<vmem_shared>>) offsets(%add3A_182 : vector<16xi32>) semaphore(%run_scoped3A : memref<!tpu.dma_semaphore, #tpu.memory_space<semaphore_mem>>) {add = true}
        %dma_wait3A = arith.constant 0 : i32
        %dma_wait3A_234 = tpu.memref_slice %arg17[%dma_wait3A] : memref<65536xf32, #tpu.memory_space<vmem_shared>> -> memref<65536xf32, #tpu.memory_space<vmem_shared>>
        tpu.wait_indirect_dma semaphore(%run_scoped3A : memref<!tpu.dma_semaphore, #tpu.memory_space<semaphore_mem>>) src(%arg14 : memref<16xf32, #tpu.memory_space<vmem>>) dst(%dma_wait3A_234 : memref<65536xf32, #tpu.memory_space<vmem_shared>>)
        tpu.yield
      }) : () -> ()
      %get3A_183 = arith.constant 176 : index
      %get3A_184 = tpu.vector_load %arg12[%get3A_183] {strides = array<i32>} : memref<1024xi32, #tpu.memory_space<vmem>>, vector<16xi32>,
      %get3A_185 = vector.shape_cast %get3A_184 : vector<16xi32> to vector<16xi32>
      %get3A_186 = arith.constant 176 : index
      %get3A_187 = tpu.vector_load %arg13[%get3A_186] {strides = array<i32>} : memref<1024xi32, #tpu.memory_space<vmem>>, vector<16xi32>,
      %get3A_188 = vector.shape_cast %get3A_187 : vector<16xi32> to vector<16xi32>
      %mul3A_189 = arith.constant 256 : i32
      %mul3A_190 = vector.broadcast %mul3A_189 : i32 to vector<16xi32>
      %mul3A_191 = arith.muli %get3A_188, %mul3A_190 : vector<16xi32>
      %add3A_192 = arith.addi %mul3A_191, %get3A_185 : vector<16xi32>
      "tpu.region"() ({
        %run_scoped3A = tpu.sem_alloc : memref<!tpu.dma_semaphore, #tpu.memory_space<semaphore_mem>>
        %dma_start3A = arith.constant 0 : i32
        %dma_start3A_233 = tpu.memref_slice %arg17[%dma_start3A] : memref<65536xf32, #tpu.memory_space<vmem_shared>> -> memref<65536xf32, #tpu.memory_space<vmem_shared>>
        tpu.enqueue_indirect_dma source(%arg14 : memref<16xf32, #tpu.memory_space<vmem>>) target(%dma_start3A_233 : memref<65536xf32, #tpu.memory_space<vmem_shared>>) offsets(%add3A_192 : vector<16xi32>) semaphore(%run_scoped3A : memref<!tpu.dma_semaphore, #tpu.memory_space<semaphore_mem>>) {add = true}
        %dma_wait3A = arith.constant 0 : i32
        %dma_wait3A_234 = tpu.memref_slice %arg17[%dma_wait3A] : memref<65536xf32, #tpu.memory_space<vmem_shared>> -> memref<65536xf32, #tpu.memory_space<vmem_shared>>
        tpu.wait_indirect_dma semaphore(%run_scoped3A : memref<!tpu.dma_semaphore, #tpu.memory_space<semaphore_mem>>) src(%arg14 : memref<16xf32, #tpu.memory_space<vmem>>) dst(%dma_wait3A_234 : memref<65536xf32, #tpu.memory_space<vmem_shared>>)
        tpu.yield
      }) : () -> ()
      %get3A_193 = arith.constant 192 : index
      %get3A_194 = tpu.vector_load %arg12[%get3A_193] {strides = array<i32>} : memref<1024xi32, #tpu.memory_space<vmem>>, vector<16xi32>,
      %get3A_195 = vector.shape_cast %get3A_194 : vector<16xi32> to vector<16xi32>
      %get3A_196 = arith.constant 192 : index
      %get3A_197 = tpu.vector_load %arg13[%get3A_196] {strides = array<i32>} : memref<1024xi32, #tpu.memory_space<vmem>>, vector<16xi32>,
      %get3A_198 = vector.shape_cast %get3A_197 : vector<16xi32> to vector<16xi32>
      %mul3A_199 = arith.constant 256 : i32
      %mul3A_200 = vector.broadcast %mul3A_199 : i32 to vector<16xi32>
      %mul3A_201 = arith.muli %get3A_198, %mul3A_200 : vector<16xi32>
      %add3A_202 = arith.addi %mul3A_201, %get3A_195 : vector<16xi32>
      "tpu.region"() ({
        %run_scoped3A = tpu.sem_alloc : memref<!tpu.dma_semaphore, #tpu.memory_space<semaphore_mem>>
        %dma_start3A = arith.constant 0 : i32
        %dma_start3A_233 = tpu.memref_slice %arg17[%dma_start3A] : memref<65536xf32, #tpu.memory_space<vmem_shared>> -> memref<65536xf32, #tpu.memory_space<vmem_shared>>
        tpu.enqueue_indirect_dma source(%arg14 : memref<16xf32, #tpu.memory_space<vmem>>) target(%dma_start3A_233 : memref<65536xf32, #tpu.memory_space<vmem_shared>>) offsets(%add3A_202 : vector<16xi32>) semaphore(%run_scoped3A : memref<!tpu.dma_semaphore, #tpu.memory_space<semaphore_mem>>) {add = true}
        %dma_wait3A = arith.constant 0 : i32
        %dma_wait3A_234 = tpu.memref_slice %arg17[%dma_wait3A] : memref<65536xf32, #tpu.memory_space<vmem_shared>> -> memref<65536xf32, #tpu.memory_space<vmem_shared>>
        tpu.wait_indirect_dma semaphore(%run_scoped3A : memref<!tpu.dma_semaphore, #tpu.memory_space<semaphore_mem>>) src(%arg14 : memref<16xf32, #tpu.memory_space<vmem>>) dst(%dma_wait3A_234 : memref<65536xf32, #tpu.memory_space<vmem_shared>>)
        tpu.yield
      }) : () -> ()
      %get3A_203 = arith.constant 208 : index
      %get3A_204 = tpu.vector_load %arg12[%get3A_203] {strides = array<i32>} : memref<1024xi32, #tpu.memory_space<vmem>>, vector<16xi32>,
      %get3A_205 = vector.shape_cast %get3A_204 : vector<16xi32> to vector<16xi32>
      %get3A_206 = arith.constant 208 : index
      %get3A_207 = tpu.vector_load %arg13[%get3A_206] {strides = array<i32>} : memref<1024xi32, #tpu.memory_space<vmem>>, vector<16xi32>,
      %get3A_208 = vector.shape_cast %get3A_207 : vector<16xi32> to vector<16xi32>
      %mul3A_209 = arith.constant 256 : i32
      %mul3A_210 = vector.broadcast %mul3A_209 : i32 to vector<16xi32>
      %mul3A_211 = arith.muli %get3A_208, %mul3A_210 : vector<16xi32>
      %add3A_212 = arith.addi %mul3A_211, %get3A_205 : vector<16xi32>
      "tpu.region"() ({
        %run_scoped3A = tpu.sem_alloc : memref<!tpu.dma_semaphore, #tpu.memory_space<semaphore_mem>>
        %dma_start3A = arith.constant 0 : i32
        %dma_start3A_233 = tpu.memref_slice %arg17[%dma_start3A] : memref<65536xf32, #tpu.memory_space<vmem_shared>> -> memref<65536xf32, #tpu.memory_space<vmem_shared>>
        tpu.enqueue_indirect_dma source(%arg14 : memref<16xf32, #tpu.memory_space<vmem>>) target(%dma_start3A_233 : memref<65536xf32, #tpu.memory_space<vmem_shared>>) offsets(%add3A_212 : vector<16xi32>) semaphore(%run_scoped3A : memref<!tpu.dma_semaphore, #tpu.memory_space<semaphore_mem>>) {add = true}
        %dma_wait3A = arith.constant 0 : i32
        %dma_wait3A_234 = tpu.memref_slice %arg17[%dma_wait3A] : memref<65536xf32, #tpu.memory_space<vmem_shared>> -> memref<65536xf32, #tpu.memory_space<vmem_shared>>
        tpu.wait_indirect_dma semaphore(%run_scoped3A : memref<!tpu.dma_semaphore, #tpu.memory_space<semaphore_mem>>) src(%arg14 : memref<16xf32, #tpu.memory_space<vmem>>) dst(%dma_wait3A_234 : memref<65536xf32, #tpu.memory_space<vmem_shared>>)
        tpu.yield
      }) : () -> ()
      %get3A_213 = arith.constant 224 : index
      %get3A_214 = tpu.vector_load %arg12[%get3A_213] {strides = array<i32>} : memref<1024xi32, #tpu.memory_space<vmem>>, vector<16xi32>,
      %get3A_215 = vector.shape_cast %get3A_214 : vector<16xi32> to vector<16xi32>
      %get3A_216 = arith.constant 224 : index
      %get3A_217 = tpu.vector_load %arg13[%get3A_216] {strides = array<i32>} : memref<1024xi32, #tpu.memory_space<vmem>>, vector<16xi32>,
      %get3A_218 = vector.shape_cast %get3A_217 : vector<16xi32> to vector<16xi32>
      %mul3A_219 = arith.constant 256 : i32
      %mul3A_220 = vector.broadcast %mul3A_219 : i32 to vector<16xi32>
      %mul3A_221 = arith.muli %get3A_218, %mul3A_220 : vector<16xi32>
      %add3A_222 = arith.addi %mul3A_221, %get3A_215 : vector<16xi32>
      "tpu.region"() ({
        %run_scoped3A = tpu.sem_alloc : memref<!tpu.dma_semaphore, #tpu.memory_space<semaphore_mem>>
        %dma_start3A = arith.constant 0 : i32
        %dma_start3A_233 = tpu.memref_slice %arg17[%dma_start3A] : memref<65536xf32, #tpu.memory_space<vmem_shared>> -> memref<65536xf32, #tpu.memory_space<vmem_shared>>
        tpu.enqueue_indirect_dma source(%arg14 : memref<16xf32, #tpu.memory_space<vmem>>) target(%dma_start3A_233 : memref<65536xf32, #tpu.memory_space<vmem_shared>>) offsets(%add3A_222 : vector<16xi32>) semaphore(%run_scoped3A : memref<!tpu.dma_semaphore, #tpu.memory_space<semaphore_mem>>) {add = true}
        %dma_wait3A = arith.constant 0 : i32
        %dma_wait3A_234 = tpu.memref_slice %arg17[%dma_wait3A] : memref<65536xf32, #tpu.memory_space<vmem_shared>> -> memref<65536xf32, #tpu.memory_space<vmem_shared>>
        tpu.wait_indirect_dma semaphore(%run_scoped3A : memref<!tpu.dma_semaphore, #tpu.memory_space<semaphore_mem>>) src(%arg14 : memref<16xf32, #tpu.memory_space<vmem>>) dst(%dma_wait3A_234 : memref<65536xf32, #tpu.memory_space<vmem_shared>>)
        tpu.yield
      }) : () -> ()
      %get3A_223 = arith.constant 240 : index
      %get3A_224 = tpu.vector_load %arg12[%get3A_223] {strides = array<i32>} : memref<1024xi32, #tpu.memory_space<vmem>>, vector<16xi32>,
      %get3A_225 = vector.shape_cast %get3A_224 : vector<16xi32> to vector<16xi32>
      %get3A_226 = arith.constant 240 : index
      %get3A_227 = tpu.vector_load %arg13[%get3A_226] {strides = array<i32>} : memref<1024xi32, #tpu.memory_space<vmem>>, vector<16xi32>,
      %get3A_228 = vector.shape_cast %get3A_227 : vector<16xi32> to vector<16xi32>
      %mul3A_229 = arith.constant 256 : i32
      %mul3A_230 = vector.broadcast %mul3A_229 : i32 to vector<16xi32>
      %mul3A_231 = arith.muli %get3A_228, %mul3A_230 : vector<16xi32>
      %add3A_232 = arith.addi %mul3A_231, %get3A_225 : vector<16xi32>
      "tpu.region"() ({
        %run_scoped3A = tpu.sem_alloc : memref<!tpu.dma_semaphore, #tpu.memory_space<semaphore_mem>>
        %dma_start3A = arith.constant 0 : i32
        %dma_start3A_233 = tpu.memref_slice %arg17[%dma_start3A] : memref<65536xf32, #tpu.memory_space<vmem_shared>> -> memref<65536xf32, #tpu.memory_space<vmem_shared>>
        tpu.enqueue_indirect_dma source(%arg14 : memref<16xf32, #tpu.memory_space<vmem>>) target(%dma_start3A_233 : memref<65536xf32, #tpu.memory_space<vmem_shared>>) offsets(%add3A_232 : vector<16xi32>) semaphore(%run_scoped3A : memref<!tpu.dma_semaphore, #tpu.memory_space<semaphore_mem>>) {add = true}
        %dma_wait3A = arith.constant 0 : i32
        %dma_wait3A_234 = tpu.memref_slice %arg17[%dma_wait3A] : memref<65536xf32, #tpu.memory_space<vmem_shared>> -> memref<65536xf32, #tpu.memory_space<vmem_shared>>
        tpu.wait_indirect_dma semaphore(%run_scoped3A : memref<!tpu.dma_semaphore, #tpu.memory_space<semaphore_mem>>) src(%arg14 : memref<16xf32, #tpu.memory_space<vmem>>) dst(%dma_wait3A_234 : memref<65536xf32, #tpu.memory_space<vmem_shared>>)
        tpu.yield
      }) : () -> ()
    } else {
    }
    %barrier3A_21 = arith.constant 0 : index
    tpu.barrier barrier_id(%barrier3A_21)
    %eq3A_22 = arith.constant 0 : i32
    %eq3A_23 = arith.cmpi eq, %arg0, %eq3A_22 : i32
    %convert_element_type3A_24 = arith.extui %eq3A_23 : i1 to i32
    %cond3A_25 = arith.constant 0 : i32
    %cond3A_26 = arith.cmpi ne, %convert_element_type3A_24, %cond3A_25 : i32
    scf.if %cond3A_26 {
      %mul3A = arith.constant 65536 : i32
      %mul3A_32 = arith.muli %arg1, %mul3A : i32
      %mul3A_33 = arith.constant 65536 : i32
      %mul3A_34 = arith.muli %arg1, %mul3A_33 : i32
      "tpu.region"() ({
        %run_scoped3A = tpu.sem_alloc : memref<!tpu.dma_semaphore, #tpu.memory_space<semaphore_mem>>
        %dma_start3A = tpu.memref_slice %arg9[%mul3A_34] : memref<1048576xf32, #tpu.memory_space<hbm>> -> memref<65536xf32, #tpu.memory_space<hbm>>
        %dma_start3A_35 = tpu.memref_slice %arg15[%mul3A_32] : memref<1048576xf32, #tpu.memory_space<vmem_shared>> -> memref<65536xf32, #tpu.memory_space<vmem_shared>>
        tpu.enqueue_dma source(%dma_start3A_35 : memref<65536xf32, #tpu.memory_space<vmem_shared>>) target(%dma_start3A : memref<65536xf32, #tpu.memory_space<hbm>>) target_semaphore(%run_scoped3A : memref<!tpu.dma_semaphore, #tpu.memory_space<semaphore_mem>>)
        %dma_wait3A = tpu.memref_slice %arg9[%mul3A_34] : memref<1048576xf32, #tpu.memory_space<hbm>> -> memref<65536xf32, #tpu.memory_space<hbm>>
        %dma_wait3A_36 = tpu.memref_slice %arg15[%mul3A_32] : memref<1048576xf32, #tpu.memory_space<vmem_shared>> -> memref<65536xf32, #tpu.memory_space<vmem_shared>>
        tpu.wait_dma2 semaphore(%run_scoped3A : memref<!tpu.dma_semaphore, #tpu.memory_space<semaphore_mem>>) src(%dma_wait3A_36 : memref<65536xf32, #tpu.memory_space<vmem_shared>>) dst(%dma_wait3A : memref<65536xf32, #tpu.memory_space<hbm>>)
        tpu.yield
      }) : () -> ()
    } else {
    }
    %eq3A_27 = arith.constant 1 : i32
    %eq3A_28 = arith.cmpi eq, %arg0, %eq3A_27 : i32
    %convert_element_type3A_29 = arith.extui %eq3A_28 : i1 to i32
    %cond3A_30 = arith.constant 0 : i32
    %cond3A_31 = arith.cmpi ne, %convert_element_type3A_29, %cond3A_30 : i32
    scf.if %cond3A_31 {
      %mul3A = arith.constant 16384 : i32
      %mul3A_32 = arith.muli %arg1, %mul3A : i32
      %mul3A_33 = arith.constant 16384 : i32
      %mul3A_34 = arith.muli %arg1, %mul3A_33 : i32
      "tpu.region"() ({
        %run_scoped3A = tpu.sem_alloc : memref<!tpu.dma_semaphore, #tpu.memory_space<semaphore_mem>>
        %dma_start3A = tpu.memref_slice %arg10[%mul3A_34] : memref<262144xf32, #tpu.memory_space<hbm>> -> memref<16384xf32, #tpu.memory_space<hbm>>
        %dma_start3A_39 = tpu.memref_slice %arg16[%mul3A_32] : memref<262144xf32, #tpu.memory_space<vmem_shared>> -> memref<16384xf32, #tpu.memory_space<vmem_shared>>
        tpu.enqueue_dma source(%dma_start3A_39 : memref<16384xf32, #tpu.memory_space<vmem_shared>>) target(%dma_start3A : memref<16384xf32, #tpu.memory_space<hbm>>) target_semaphore(%run_scoped3A : memref<!tpu.dma_semaphore, #tpu.memory_space<semaphore_mem>>)
        %dma_wait3A = tpu.memref_slice %arg10[%mul3A_34] : memref<262144xf32, #tpu.memory_space<hbm>> -> memref<16384xf32, #tpu.memory_space<hbm>>
        %dma_wait3A_40 = tpu.memref_slice %arg16[%mul3A_32] : memref<262144xf32, #tpu.memory_space<vmem_shared>> -> memref<16384xf32, #tpu.memory_space<vmem_shared>>
        tpu.wait_dma2 semaphore(%run_scoped3A : memref<!tpu.dma_semaphore, #tpu.memory_space<semaphore_mem>>) src(%dma_wait3A_40 : memref<16384xf32, #tpu.memory_space<vmem_shared>>) dst(%dma_wait3A : memref<16384xf32, #tpu.memory_space<hbm>>)
        tpu.yield
      }) : () -> ()
      %mul3A_35 = arith.constant 4096 : i32
      %mul3A_36 = arith.muli %arg1, %mul3A_35 : i32
      %mul3A_37 = arith.constant 4096 : i32
      %mul3A_38 = arith.muli %arg1, %mul3A_37 : i32
      "tpu.region"() ({
        %run_scoped3A = tpu.sem_alloc : memref<!tpu.dma_semaphore, #tpu.memory_space<semaphore_mem>>
        %dma_start3A = tpu.memref_slice %arg11[%mul3A_38] : memref<65536xf32, #tpu.memory_space<hbm>> -> memref<4096xf32, #tpu.memory_space<hbm>>
        %dma_start3A_39 = tpu.memref_slice %arg17[%mul3A_36] : memref<65536xf32, #tpu.memory_space<vmem_shared>> -> memref<4096xf32, #tpu.memory_space<vmem_shared>>
        tpu.enqueue_dma source(%dma_start3A_39 : memref<4096xf32, #tpu.memory_space<vmem_shared>>) target(%dma_start3A : memref<4096xf32, #tpu.memory_space<hbm>>) target_semaphore(%run_scoped3A : memref<!tpu.dma_semaphore, #tpu.memory_space<semaphore_mem>>)
        %dma_wait3A = tpu.memref_slice %arg11[%mul3A_38] : memref<65536xf32, #tpu.memory_space<hbm>> -> memref<4096xf32, #tpu.memory_space<hbm>>
        %dma_wait3A_40 = tpu.memref_slice %arg17[%mul3A_36] : memref<65536xf32, #tpu.memory_space<vmem_shared>> -> memref<4096xf32, #tpu.memory_space<vmem_shared>>
        tpu.wait_dma2 semaphore(%run_scoped3A : memref<!tpu.dma_semaphore, #tpu.memory_space<semaphore_mem>>) src(%dma_wait3A_40 : memref<4096xf32, #tpu.memory_space<vmem_shared>>) dst(%dma_wait3A : memref<4096xf32, #tpu.memory_space<hbm>>)
        tpu.yield
      }) : () -> ()
    } else {
    }
    return
  }
}

module attributes {stable_mosaic.version = 14 : i64} {
  func.func @_mix1_body(%arg0: i32, %arg1: memref<8192x64xf32, #tpu.memory_space<vmem>>, %arg2: memref<64x64xf32, #tpu.memory_space<vmem>>, %arg3: memref<1024x1024xf32, #tpu.memory_space<vmem>>, %arg4: memref<1x512xf32, #tpu.memory_space<vmem>>, %arg5: memref<1024x512xf32, #tpu.memory_space<vmem>>, %arg6: memref<2x512xf32, #tpu.memory_space<vmem>>) attributes {dimension_semantics = [#tpu.dimension_semantics<arbitrary>], iteration_bounds = array<i64: 8>, scalar_prefetch = 0 : i64, scratch_operands = 0 : i64, tpu.core_type = #tpu.core_type<tc>, window_params = [{transform_indices = @transform_0, window_bounds = array<i64: 8192, 64>}, {pipeline_mode = #tpu.pipeline_mode<synchronous>, transform_indices = @transform_1, window_bounds = array<i64: 64, 64>}, {pipeline_mode = #tpu.pipeline_mode<synchronous>, transform_indices = @transform_2, window_bounds = array<i64: 1024, 1024>}, {transform_indices = @transform_3, window_bounds = array<i64: 1, 512>}, {transform_indices = @transform_4, window_bounds = array<i64: 1024, 512>}, {transform_indices = @transform_5, window_bounds = array<i64: 2, 512>}]} {
    %get3A = arith.constant 0 : index
    %get3A_0 = arith.constant 0 : index
    %get3A_1 = vector.load %arg1[%get3A, %get3A_0] : memref<8192x64xf32, #tpu.memory_space<vmem>>, vector<1024x64xf32>
    %get3A_2 = arith.constant 1024 : index
    %get3A_3 = arith.constant 0 : index
    %get3A_4 = vector.load %arg1[%get3A_2, %get3A_3] : memref<8192x64xf32, #tpu.memory_space<vmem>>, vector<1024x64xf32>
    %get3A_5 = arith.constant 2048 : index
    %get3A_6 = arith.constant 0 : index
    %get3A_7 = vector.load %arg1[%get3A_5, %get3A_6] : memref<8192x64xf32, #tpu.memory_space<vmem>>, vector<1024x64xf32>
    %get3A_8 = arith.constant 3072 : index
    %get3A_9 = arith.constant 0 : index
    %get3A_10 = vector.load %arg1[%get3A_8, %get3A_9] : memref<8192x64xf32, #tpu.memory_space<vmem>>, vector<1024x64xf32>
    %get3A_11 = arith.constant 4096 : index
    %get3A_12 = arith.constant 0 : index
    %get3A_13 = vector.load %arg1[%get3A_11, %get3A_12] : memref<8192x64xf32, #tpu.memory_space<vmem>>, vector<1024x64xf32>
    %get3A_14 = arith.constant 5120 : index
    %get3A_15 = arith.constant 0 : index
    %get3A_16 = vector.load %arg1[%get3A_14, %get3A_15] : memref<8192x64xf32, #tpu.memory_space<vmem>>, vector<1024x64xf32>
    %get3A_17 = arith.constant 6144 : index
    %get3A_18 = arith.constant 0 : index
    %get3A_19 = vector.load %arg1[%get3A_17, %get3A_18] : memref<8192x64xf32, #tpu.memory_space<vmem>>, vector<1024x64xf32>
    %get3A_20 = arith.constant 7168 : index
    %get3A_21 = arith.constant 0 : index
    %get3A_22 = vector.load %arg1[%get3A_20, %get3A_21] : memref<8192x64xf32, #tpu.memory_space<vmem>>, vector<1024x64xf32>
    %concatenate3A = tpu.concatenate %get3A_1, %get3A_4, %get3A_7, %get3A_10, %get3A_13, %get3A_16, %get3A_19, %get3A_22 in 1 : vector<1024x64xf32>, vector<1024x64xf32>, vector<1024x64xf32>, vector<1024x64xf32>, vector<1024x64xf32>, vector<1024x64xf32>, vector<1024x64xf32>, vector<1024x64xf32> -> vector<1024x512xf32>
    %get3A_23 = arith.constant 0 : index
    %get3A_24 = arith.constant 0 : index
    %get3A_25 = vector.load %arg3[%get3A_23, %get3A_24] : memref<1024x1024xf32, #tpu.memory_space<vmem>>, vector<1024x1024xf32>
    %convert_element_type3A = arith.truncf %get3A_25 : vector<1024x1024xf32> to vector<1024x1024xbf16>
    %convert_element_type3A_26 = arith.truncf %concatenate3A : vector<1024x512xf32> to vector<1024x512xbf16>
    %convert_element_type3A_27 = arith.extf %convert_element_type3A_26 : vector<1024x512xbf16> to vector<1024x512xf32>
    %sub3A = arith.subf %concatenate3A, %convert_element_type3A_27 : vector<1024x512xf32>
    %convert_element_type3A_28 = arith.truncf %sub3A : vector<1024x512xf32> to vector<1024x512xbf16>
    %dot_general3A = arith.constant dense<0.000000e+00> : vector<1024x512xf32>
    %dot_general3A_29 = tpu.matmul %convert_element_type3A, %convert_element_type3A_26, %dot_general3A {dimension_numbers = #tpu.dot_dimension_numbers<[1], [0], [0], [1], [0, 0, 1, 1], [], []>, transpose_lhs_hint = false} : vector<1024x1024xbf16>, vector<1024x512xbf16>, vector<1024x512xf32> -> vector<1024x512xf32>
    %dot_general3A_30 = arith.constant dense<0.000000e+00> : vector<1024x512xf32>
    %dot_general3A_31 = tpu.matmul %convert_element_type3A, %convert_element_type3A_28, %dot_general3A_30 {dimension_numbers = #tpu.dot_dimension_numbers<[1], [0], [0], [1], [0, 0, 1, 1], [], []>, transpose_lhs_hint = false} : vector<1024x1024xbf16>, vector<1024x512xbf16>, vector<1024x512xf32> -> vector<1024x512xf32>
    %add3A = arith.addf %dot_general3A_29, %dot_general3A_31 : vector<1024x512xf32>
    %add3A_32 = arith.addf %concatenate3A, %add3A : vector<1024x512xf32>
    %slice3A = vector.extract_strided_slice %add3A_32 {offsets = [0, 0], sizes = [1024, 64], strides = [1, 1]} : vector<1024x512xf32> to vector<1024x64xf32>
    %get3A_33 = arith.constant 0 : index
    %get3A_34 = arith.constant 0 : index
    %get3A_35 = vector.load %arg2[%get3A_33, %get3A_34] : memref<64x64xf32, #tpu.memory_space<vmem>>, vector<64x64xf32>
    %convert_element_type3A_36 = arith.truncf %slice3A : vector<1024x64xf32> to vector<1024x64xbf16>
    %convert_element_type3A_37 = arith.truncf %get3A_35 : vector<64x64xf32> to vector<64x64xbf16>
    %dot_general3A_38 = arith.constant dense<0.000000e+00> : vector<1024x64xf32>
    %dot_general3A_39 = tpu.matmul %convert_element_type3A_36, %convert_element_type3A_37, %dot_general3A_38 {dimension_numbers = #tpu.dot_dimension_numbers<[1], [1], [0], [0], [0, 0, 1, 0], [], []>, transpose_lhs_hint = false} : vector<1024x64xbf16>, vector<64x64xbf16>, vector<1024x64xf32> -> vector<1024x64xf32>
    %slice3A_40 = vector.extract_strided_slice %add3A_32 {offsets = [0, 64], sizes = [1024, 64], strides = [1, 1]} : vector<1024x512xf32> to vector<1024x64xf32>
    %get3A_41 = arith.constant 0 : index
    %get3A_42 = arith.constant 0 : index
    %get3A_43 = vector.load %arg2[%get3A_41, %get3A_42] : memref<64x64xf32, #tpu.memory_space<vmem>>, vector<64x64xf32>
    %convert_element_type3A_44 = arith.truncf %slice3A_40 : vector<1024x64xf32> to vector<1024x64xbf16>
    %convert_element_type3A_45 = arith.truncf %get3A_43 : vector<64x64xf32> to vector<64x64xbf16>
    %dot_general3A_46 = arith.constant dense<0.000000e+00> : vector<1024x64xf32>
    %dot_general3A_47 = tpu.matmul %convert_element_type3A_44, %convert_element_type3A_45, %dot_general3A_46 {dimension_numbers = #tpu.dot_dimension_numbers<[1], [1], [0], [0], [0, 0, 1, 0], [], []>, transpose_lhs_hint = false} : vector<1024x64xbf16>, vector<64x64xbf16>, vector<1024x64xf32> -> vector<1024x64xf32>
    %slice3A_48 = vector.extract_strided_slice %add3A_32 {offsets = [0, 128], sizes = [1024, 64], strides = [1, 1]} : vector<1024x512xf32> to vector<1024x64xf32>
    %get3A_49 = arith.constant 0 : index
    %get3A_50 = arith.constant 0 : index
    %get3A_51 = vector.load %arg2[%get3A_49, %get3A_50] : memref<64x64xf32, #tpu.memory_space<vmem>>, vector<64x64xf32>
    %convert_element_type3A_52 = arith.truncf %slice3A_48 : vector<1024x64xf32> to vector<1024x64xbf16>
    %convert_element_type3A_53 = arith.truncf %get3A_51 : vector<64x64xf32> to vector<64x64xbf16>
    %dot_general3A_54 = arith.constant dense<0.000000e+00> : vector<1024x64xf32>
    %dot_general3A_55 = tpu.matmul %convert_element_type3A_52, %convert_element_type3A_53, %dot_general3A_54 {dimension_numbers = #tpu.dot_dimension_numbers<[1], [1], [0], [0], [0, 0, 1, 0], [], []>, transpose_lhs_hint = false} : vector<1024x64xbf16>, vector<64x64xbf16>, vector<1024x64xf32> -> vector<1024x64xf32>
    %slice3A_56 = vector.extract_strided_slice %add3A_32 {offsets = [0, 192], sizes = [1024, 64], strides = [1, 1]} : vector<1024x512xf32> to vector<1024x64xf32>
    %get3A_57 = arith.constant 0 : index
    %get3A_58 = arith.constant 0 : index
    %get3A_59 = vector.load %arg2[%get3A_57, %get3A_58] : memref<64x64xf32, #tpu.memory_space<vmem>>, vector<64x64xf32>
    %convert_element_type3A_60 = arith.truncf %slice3A_56 : vector<1024x64xf32> to vector<1024x64xbf16>
    %convert_element_type3A_61 = arith.truncf %get3A_59 : vector<64x64xf32> to vector<64x64xbf16>
    %dot_general3A_62 = arith.constant dense<0.000000e+00> : vector<1024x64xf32>
    %dot_general3A_63 = tpu.matmul %convert_element_type3A_60, %convert_element_type3A_61, %dot_general3A_62 {dimension_numbers = #tpu.dot_dimension_numbers<[1], [1], [0], [0], [0, 0, 1, 0], [], []>, transpose_lhs_hint = false} : vector<1024x64xbf16>, vector<64x64xbf16>, vector<1024x64xf32> -> vector<1024x64xf32>
    %slice3A_64 = vector.extract_strided_slice %add3A_32 {offsets = [0, 256], sizes = [1024, 64], strides = [1, 1]} : vector<1024x512xf32> to vector<1024x64xf32>
    %get3A_65 = arith.constant 0 : index
    %get3A_66 = arith.constant 0 : index
    %get3A_67 = vector.load %arg2[%get3A_65, %get3A_66] : memref<64x64xf32, #tpu.memory_space<vmem>>, vector<64x64xf32>
    %convert_element_type3A_68 = arith.truncf %slice3A_64 : vector<1024x64xf32> to vector<1024x64xbf16>
    %convert_element_type3A_69 = arith.truncf %get3A_67 : vector<64x64xf32> to vector<64x64xbf16>
    %dot_general3A_70 = arith.constant dense<0.000000e+00> : vector<1024x64xf32>
    %dot_general3A_71 = tpu.matmul %convert_element_type3A_68, %convert_element_type3A_69, %dot_general3A_70 {dimension_numbers = #tpu.dot_dimension_numbers<[1], [1], [0], [0], [0, 0, 1, 0], [], []>, transpose_lhs_hint = false} : vector<1024x64xbf16>, vector<64x64xbf16>, vector<1024x64xf32> -> vector<1024x64xf32>
    %slice3A_72 = vector.extract_strided_slice %add3A_32 {offsets = [0, 320], sizes = [1024, 64], strides = [1, 1]} : vector<1024x512xf32> to vector<1024x64xf32>
    %get3A_73 = arith.constant 0 : index
    %get3A_74 = arith.constant 0 : index
    %get3A_75 = vector.load %arg2[%get3A_73, %get3A_74] : memref<64x64xf32, #tpu.memory_space<vmem>>, vector<64x64xf32>
    %convert_element_type3A_76 = arith.truncf %slice3A_72 : vector<1024x64xf32> to vector<1024x64xbf16>
    %convert_element_type3A_77 = arith.truncf %get3A_75 : vector<64x64xf32> to vector<64x64xbf16>
    %dot_general3A_78 = arith.constant dense<0.000000e+00> : vector<1024x64xf32>
    %dot_general3A_79 = tpu.matmul %convert_element_type3A_76, %convert_element_type3A_77, %dot_general3A_78 {dimension_numbers = #tpu.dot_dimension_numbers<[1], [1], [0], [0], [0, 0, 1, 0], [], []>, transpose_lhs_hint = false} : vector<1024x64xbf16>, vector<64x64xbf16>, vector<1024x64xf32> -> vector<1024x64xf32>
    %slice3A_80 = vector.extract_strided_slice %add3A_32 {offsets = [0, 384], sizes = [1024, 64], strides = [1, 1]} : vector<1024x512xf32> to vector<1024x64xf32>
    %get3A_81 = arith.constant 0 : index
    %get3A_82 = arith.constant 0 : index
    %get3A_83 = vector.load %arg2[%get3A_81, %get3A_82] : memref<64x64xf32, #tpu.memory_space<vmem>>, vector<64x64xf32>
    %convert_element_type3A_84 = arith.truncf %slice3A_80 : vector<1024x64xf32> to vector<1024x64xbf16>
    %convert_element_type3A_85 = arith.truncf %get3A_83 : vector<64x64xf32> to vector<64x64xbf16>
    %dot_general3A_86 = arith.constant dense<0.000000e+00> : vector<1024x64xf32>
    %dot_general3A_87 = tpu.matmul %convert_element_type3A_84, %convert_element_type3A_85, %dot_general3A_86 {dimension_numbers = #tpu.dot_dimension_numbers<[1], [1], [0], [0], [0, 0, 1, 0], [], []>, transpose_lhs_hint = false} : vector<1024x64xbf16>, vector<64x64xbf16>, vector<1024x64xf32> -> vector<1024x64xf32>
    %slice3A_88 = vector.extract_strided_slice %add3A_32 {offsets = [0, 448], sizes = [1024, 64], strides = [1, 1]} : vector<1024x512xf32> to vector<1024x64xf32>
    %get3A_89 = arith.constant 0 : index
    %get3A_90 = arith.constant 0 : index
    %get3A_91 = vector.load %arg2[%get3A_89, %get3A_90] : memref<64x64xf32, #tpu.memory_space<vmem>>, vector<64x64xf32>
    %convert_element_type3A_92 = arith.truncf %slice3A_88 : vector<1024x64xf32> to vector<1024x64xbf16>
    %convert_element_type3A_93 = arith.truncf %get3A_91 : vector<64x64xf32> to vector<64x64xbf16>
    %dot_general3A_94 = arith.constant dense<0.000000e+00> : vector<1024x64xf32>
    %dot_general3A_95 = tpu.matmul %convert_element_type3A_92, %convert_element_type3A_93, %dot_general3A_94 {dimension_numbers = #tpu.dot_dimension_numbers<[1], [1], [0], [0], [0, 0, 1, 0], [], []>, transpose_lhs_hint = false} : vector<1024x64xbf16>, vector<64x64xbf16>, vector<1024x64xf32> -> vector<1024x64xf32>
    %concatenate3A_96 = tpu.concatenate %dot_general3A_39, %dot_general3A_47, %dot_general3A_55, %dot_general3A_63, %dot_general3A_71, %dot_general3A_79, %dot_general3A_87, %dot_general3A_95 in 1 : vector<1024x64xf32>, vector<1024x64xf32>, vector<1024x64xf32>, vector<1024x64xf32>, vector<1024x64xf32>, vector<1024x64xf32>, vector<1024x64xf32>, vector<1024x64xf32> -> vector<1024x512xf32>
    %get3A_97 = arith.constant 0 : index
    %get3A_98 = arith.constant 0 : index
    %get3A_99 = vector.load %arg4[%get3A_97, %get3A_98] : memref<1x512xf32, #tpu.memory_space<vmem>>, vector<1x512xf32>
    %add3A_100 = vector.broadcast %get3A_99 : vector<1x512xf32> to vector<1024x512xf32>
    %add3A_101 = arith.addf %concatenate3A_96, %add3A_100 : vector<1024x512xf32>
    %swap3A = arith.constant 0 : index
    %swap3A_102 = arith.constant 0 : index
    %swap3A_103 = vector.load %arg5[%swap3A, %swap3A_102] : memref<1024x512xf32, #tpu.memory_space<vmem>>, vector<1024x512xf32>
    tpu.vector_store %arg5[%swap3A, %swap3A_102], %add3A_101 {strides = array<i32>} : memref<1024x512xf32, #tpu.memory_space<vmem>>, vector<1024x512xf32>,
    %reduce_sum3A = arith.constant dense<0.000000e+00> : vector<512xf32>
    %reduce_sum3A_104 = vector.multi_reduction <add>, %add3A_101, %reduce_sum3A [0] : vector<1024x512xf32> to vector<512xf32>
    %broadcast_in_dim3A = vector.shape_cast %reduce_sum3A_104 : vector<512xf32> to vector<1x512xf32>
    %swap3A_105 = arith.constant 0 : index
    %swap3A_106 = arith.constant 0 : index
    %swap3A_107 = vector.load %arg6[%swap3A_105, %swap3A_106] : memref<2x512xf32, #tpu.memory_space<vmem>>, vector<1x512xf32>
    tpu.vector_store %arg6[%swap3A_105, %swap3A_106], %broadcast_in_dim3A {strides = array<i32>} : memref<2x512xf32, #tpu.memory_space<vmem>>, vector<1x512xf32>,
    %mul3A = arith.mulf %add3A_101, %add3A_101 : vector<1024x512xf32>
    %reduce_sum3A_108 = arith.constant dense<0.000000e+00> : vector<512xf32>
    %reduce_sum3A_109 = vector.multi_reduction <add>, %mul3A, %reduce_sum3A_108 [0] : vector<1024x512xf32> to vector<512xf32>
    %broadcast_in_dim3A_110 = vector.shape_cast %reduce_sum3A_109 : vector<512xf32> to vector<1x512xf32>
    %swap3A_111 = arith.constant 1 : index
    %swap3A_112 = arith.constant 0 : index
    %swap3A_113 = vector.load %arg6[%swap3A_111, %swap3A_112] : memref<2x512xf32, #tpu.memory_space<vmem>>, vector<1x512xf32>
    tpu.vector_store %arg6[%swap3A_111, %swap3A_112], %broadcast_in_dim3A_110 {strides = array<i32>} : memref<2x512xf32, #tpu.memory_space<vmem>>, vector<1x512xf32>,
    return
  }
  func.func @transform_0(%arg0: i32) -> (i32, i32) {
    %c0_i32 = arith.constant 0 : i32
    %c0_i32_0 = arith.constant 0 : i32
    return %arg0, %c0_i32 : i32, i32
  }
  func.func @transform_1(%arg0: i32) -> (i32, i32) {
    %c0_i32 = arith.constant 0 : i32
    %c0_i32_0 = arith.constant 0 : i32
    %c0_i32_1 = arith.constant 0 : i32
    return %c0_i32, %c0_i32_0 : i32, i32
  }
  func.func @transform_2(%arg0: i32) -> (i32, i32) {
    %c0_i32 = arith.constant 0 : i32
    %c0_i32_0 = arith.constant 0 : i32
    %c0_i32_1 = arith.constant 0 : i32
    return %c0_i32, %c0_i32_0 : i32, i32
  }
  func.func @transform_3(%arg0: i32) -> (i32, i32) {
    %c0_i32 = arith.constant 0 : i32
    %c0_i32_0 = arith.constant 0 : i32
    return %c0_i32, %arg0 : i32, i32
  }
  func.func @transform_4(%arg0: i32) -> (i32, i32) {
    %c0_i32 = arith.constant 0 : i32
    %c0_i32_0 = arith.constant 0 : i32
    return %c0_i32, %arg0 : i32, i32
  }
  func.func @transform_5(%arg0: i32) -> (i32, i32) {
    %c0_i32 = arith.constant 0 : i32
    %c0_i32_0 = arith.constant 0 : i32
    return %c0_i32, %arg0 : i32, i32
  }
}

module attributes {stable_mosaic.version = 14 : i64} {
  func.func @_bnpool_body(%arg0: i32, %arg1: memref<1024x512xf32, #tpu.memory_space<vmem>>, %arg2: memref<128x64xf32, #tpu.memory_space<vmem>>, %arg3: memref<1x64xf32, #tpu.memory_space<vmem>>, %arg4: memref<1x64xf32, #tpu.memory_space<vmem>>, %arg5: memref<64x64xf32, #tpu.memory_space<vmem>>, %arg6: memref<1x64xf32, #tpu.memory_space<vmem>>, %arg7: memref<256x1024xf32, #tpu.memory_space<vmem>>, %arg8: memref<256x512xf32, #tpu.memory_space<vmem>>) attributes {dimension_semantics = [#tpu.dimension_semantics<arbitrary>], iteration_bounds = array<i64: 8>, scalar_prefetch = 0 : i64, scratch_operands = 0 : i64, tpu.core_type = #tpu.core_type<tc>, window_params = [{transform_indices = @transform_0, window_bounds = array<i64: 1024, 512>}, {pipeline_mode = #tpu.pipeline_mode<synchronous>, transform_indices = @transform_1, window_bounds = array<i64: 128, 64>}, {pipeline_mode = #tpu.pipeline_mode<synchronous>, transform_indices = @transform_2, window_bounds = array<i64: 1, 64>}, {pipeline_mode = #tpu.pipeline_mode<synchronous>, transform_indices = @transform_3, window_bounds = array<i64: 1, 64>}, {pipeline_mode = #tpu.pipeline_mode<synchronous>, transform_indices = @transform_4, window_bounds = array<i64: 64, 64>}, {pipeline_mode = #tpu.pipeline_mode<synchronous>, transform_indices = @transform_5, window_bounds = array<i64: 1, 64>}, {pipeline_mode = #tpu.pipeline_mode<synchronous>, transform_indices = @transform_6, window_bounds = array<i64: 256, 1024>}, {transform_indices = @transform_7, window_bounds = array<i64: 256, 512>}]} {
    %get3A = arith.constant 0 : index
    %get3A_0 = arith.constant 0 : index
    %get3A_1 = vector.load %arg2[%get3A, %get3A_0] : memref<128x64xf32, #tpu.memory_space<vmem>>, vector<64x64xf32>
    %reduce_sum3A = arith.constant dense<0.000000e+00> : vector<64xf32>
    %reduce_sum3A_2 = vector.multi_reduction <add>, %get3A_1, %reduce_sum3A [0] : vector<64x64xf32> to vector<64xf32>
    %broadcast_in_dim3A = vector.shape_cast %reduce_sum3A_2 : vector<64xf32> to vector<1x64xf32>
    %mul3A = arith.constant 1.52587891E-5 : f32
    %mul3A_3 = vector.broadcast %mul3A : f32 to vector<1x64xf32>
    %mul3A_4 = arith.mulf %broadcast_in_dim3A, %mul3A_3 : vector<1x64xf32>
    %get3A_5 = arith.constant 64 : index
    %get3A_6 = arith.constant 0 : index
    %get3A_7 = vector.load %arg2[%get3A_5, %get3A_6] : memref<128x64xf32, #tpu.memory_space<vmem>>, vector<64x64xf32>
    %reduce_sum3A_8 = arith.constant dense<0.000000e+00> : vector<64xf32>
    %reduce_sum3A_9 = vector.multi_reduction <add>, %get3A_7, %reduce_sum3A_8 [0] : vector<64x64xf32> to vector<64xf32>
    %broadcast_in_dim3A_10 = vector.shape_cast %reduce_sum3A_9 : vector<64xf32> to vector<1x64xf32>
    %mul3A_11 = arith.constant 1.52587891E-5 : f32
    %mul3A_12 = vector.broadcast %mul3A_11 : f32 to vector<1x64xf32>
    %mul3A_13 = arith.mulf %broadcast_in_dim3A_10, %mul3A_12 : vector<1x64xf32>
    %mul3A_14 = arith.mulf %mul3A_4, %mul3A_4 : vector<1x64xf32>
    %sub3A = arith.subf %mul3A_13, %mul3A_14 : vector<1x64xf32>
    %get3A_15 = arith.constant 0 : index
    %get3A_16 = arith.constant 0 : index
    %get3A_17 = vector.load %arg3[%get3A_15, %get3A_16] : memref<1x64xf32, #tpu.memory_space<vmem>>, vector<1x64xf32>
    %add3A = arith.constant 9.99999974E-6 : f32
    %add3A_18 = vector.broadcast %add3A : f32 to vector<1x64xf32>
    %add3A_19 = arith.addf %sub3A, %add3A_18 : vector<1x64xf32>
    %rsqrt3A = math.rsqrt %add3A_19 : vector<1x64xf32>
    %mul3A_20 = arith.mulf %get3A_17, %rsqrt3A : vector<1x64xf32>
    %get3A_21 = arith.constant 0 : index
    %get3A_22 = arith.constant 0 : index
    %get3A_23 = vector.load %arg4[%get3A_21, %get3A_22] : memref<1x64xf32, #tpu.memory_space<vmem>>, vector<1x64xf32>
    %mul3A_24 = arith.mulf %mul3A_4, %mul3A_20 : vector<1x64xf32>
    %sub3A_25 = arith.subf %get3A_23, %mul3A_24 : vector<1x64xf32>
    %tile3A = tpu.concatenate %mul3A_20, %mul3A_20, %mul3A_20, %mul3A_20, %mul3A_20, %mul3A_20, %mul3A_20, %mul3A_20 in 1 : vector<1x64xf32>, vector<1x64xf32>, vector<1x64xf32>, vector<1x64xf32>, vector<1x64xf32>, vector<1x64xf32>, vector<1x64xf32>, vector<1x64xf32> -> vector<1x512xf32>
    %tile3A_26 = tpu.concatenate %sub3A_25, %sub3A_25, %sub3A_25, %sub3A_25, %sub3A_25, %sub3A_25, %sub3A_25, %sub3A_25 in 1 : vector<1x64xf32>, vector<1x64xf32>, vector<1x64xf32>, vector<1x64xf32>, vector<1x64xf32>, vector<1x64xf32>, vector<1x64xf32>, vector<1x64xf32> -> vector<1x512xf32>
    %get3A_27 = arith.constant 0 : index
    %get3A_28 = arith.constant 0 : index
    %get3A_29 = vector.load %arg1[%get3A_27, %get3A_28] : memref<1024x512xf32, #tpu.memory_space<vmem>>, vector<1024x512xf32>
    %mul3A_30 = vector.broadcast %tile3A : vector<1x512xf32> to vector<1024x512xf32>
    %mul3A_31 = arith.mulf %get3A_29, %mul3A_30 : vector<1024x512xf32>
    %add3A_32 = vector.broadcast %tile3A_26 : vector<1x512xf32> to vector<1024x512xf32>
    %add3A_33 = arith.addf %mul3A_31, %add3A_32 : vector<1024x512xf32>
    %max3A = arith.constant 0.000000e+00 : f32
    %max3A_34 = vector.broadcast %max3A : f32 to vector<1024x512xf32>
    %max3A_35 = arith.maximumf %add3A_33, %max3A_34 : vector<1024x512xf32>
    %slice3A = vector.extract_strided_slice %max3A_35 {offsets = [0, 0], sizes = [1024, 64], strides = [1, 1]} : vector<1024x512xf32> to vector<1024x64xf32>
    %get3A_36 = arith.constant 0 : index
    %get3A_37 = arith.constant 0 : index
    %get3A_38 = vector.load %arg5[%get3A_36, %get3A_37] : memref<64x64xf32, #tpu.memory_space<vmem>>, vector<64x64xf32>
    %convert_element_type3A = arith.truncf %slice3A : vector<1024x64xf32> to vector<1024x64xbf16>
    %convert_element_type3A_39 = arith.truncf %get3A_38 : vector<64x64xf32> to vector<64x64xbf16>
    %dot_general3A = arith.constant dense<0.000000e+00> : vector<1024x64xf32>
    %dot_general3A_40 = tpu.matmul %convert_element_type3A, %convert_element_type3A_39, %dot_general3A {dimension_numbers = #tpu.dot_dimension_numbers<[1], [1], [0], [0], [0, 0, 1, 0], [], []>, transpose_lhs_hint = false} : vector<1024x64xbf16>, vector<64x64xbf16>, vector<1024x64xf32> -> vector<1024x64xf32>
    %get3A_41 = arith.constant 0 : index
    %get3A_42 = arith.constant 0 : index
    %get3A_43 = vector.load %arg6[%get3A_41, %get3A_42] : memref<1x64xf32, #tpu.memory_space<vmem>>, vector<1x64xf32>
    %add3A_44 = vector.broadcast %get3A_43 : vector<1x64xf32> to vector<1024x64xf32>
    %add3A_45 = arith.addf %dot_general3A_40, %add3A_44 : vector<1024x64xf32>
    %max3A_46 = arith.constant 0.000000e+00 : f32
    %max3A_47 = vector.broadcast %max3A_46 : f32 to vector<1024x64xf32>
    %max3A_48 = arith.maximumf %add3A_45, %max3A_47 : vector<1024x64xf32>
    %slice3A_49 = vector.extract_strided_slice %max3A_35 {offsets = [0, 64], sizes = [1024, 64], strides = [1, 1]} : vector<1024x512xf32> to vector<1024x64xf32>
    %get3A_50 = arith.constant 0 : index
    %get3A_51 = arith.constant 0 : index
    %get3A_52 = vector.load %arg5[%get3A_50, %get3A_51] : memref<64x64xf32, #tpu.memory_space<vmem>>, vector<64x64xf32>
    %convert_element_type3A_53 = arith.truncf %slice3A_49 : vector<1024x64xf32> to vector<1024x64xbf16>
    %convert_element_type3A_54 = arith.truncf %get3A_52 : vector<64x64xf32> to vector<64x64xbf16>
    %dot_general3A_55 = arith.constant dense<0.000000e+00> : vector<1024x64xf32>
    %dot_general3A_56 = tpu.matmul %convert_element_type3A_53, %convert_element_type3A_54, %dot_general3A_55 {dimension_numbers = #tpu.dot_dimension_numbers<[1], [1], [0], [0], [0, 0, 1, 0], [], []>, transpose_lhs_hint = false} : vector<1024x64xbf16>, vector<64x64xbf16>, vector<1024x64xf32> -> vector<1024x64xf32>
    %get3A_57 = arith.constant 0 : index
    %get3A_58 = arith.constant 0 : index
    %get3A_59 = vector.load %arg6[%get3A_57, %get3A_58] : memref<1x64xf32, #tpu.memory_space<vmem>>, vector<1x64xf32>
    %add3A_60 = vector.broadcast %get3A_59 : vector<1x64xf32> to vector<1024x64xf32>
    %add3A_61 = arith.addf %dot_general3A_56, %add3A_60 : vector<1024x64xf32>
    %max3A_62 = arith.constant 0.000000e+00 : f32
    %max3A_63 = vector.broadcast %max3A_62 : f32 to vector<1024x64xf32>
    %max3A_64 = arith.maximumf %add3A_61, %max3A_63 : vector<1024x64xf32>
    %slice3A_65 = vector.extract_strided_slice %max3A_35 {offsets = [0, 128], sizes = [1024, 64], strides = [1, 1]} : vector<1024x512xf32> to vector<1024x64xf32>
    %get3A_66 = arith.constant 0 : index
    %get3A_67 = arith.constant 0 : index
    %get3A_68 = vector.load %arg5[%get3A_66, %get3A_67] : memref<64x64xf32, #tpu.memory_space<vmem>>, vector<64x64xf32>
    %convert_element_type3A_69 = arith.truncf %slice3A_65 : vector<1024x64xf32> to vector<1024x64xbf16>
    %convert_element_type3A_70 = arith.truncf %get3A_68 : vector<64x64xf32> to vector<64x64xbf16>
    %dot_general3A_71 = arith.constant dense<0.000000e+00> : vector<1024x64xf32>
    %dot_general3A_72 = tpu.matmul %convert_element_type3A_69, %convert_element_type3A_70, %dot_general3A_71 {dimension_numbers = #tpu.dot_dimension_numbers<[1], [1], [0], [0], [0, 0, 1, 0], [], []>, transpose_lhs_hint = false} : vector<1024x64xbf16>, vector<64x64xbf16>, vector<1024x64xf32> -> vector<1024x64xf32>
    %get3A_73 = arith.constant 0 : index
    %get3A_74 = arith.constant 0 : index
    %get3A_75 = vector.load %arg6[%get3A_73, %get3A_74] : memref<1x64xf32, #tpu.memory_space<vmem>>, vector<1x64xf32>
    %add3A_76 = vector.broadcast %get3A_75 : vector<1x64xf32> to vector<1024x64xf32>
    %add3A_77 = arith.addf %dot_general3A_72, %add3A_76 : vector<1024x64xf32>
    %max3A_78 = arith.constant 0.000000e+00 : f32
    %max3A_79 = vector.broadcast %max3A_78 : f32 to vector<1024x64xf32>
    %max3A_80 = arith.maximumf %add3A_77, %max3A_79 : vector<1024x64xf32>
    %slice3A_81 = vector.extract_strided_slice %max3A_35 {offsets = [0, 192], sizes = [1024, 64], strides = [1, 1]} : vector<1024x512xf32> to vector<1024x64xf32>
    %get3A_82 = arith.constant 0 : index
    %get3A_83 = arith.constant 0 : index
    %get3A_84 = vector.load %arg5[%get3A_82, %get3A_83] : memref<64x64xf32, #tpu.memory_space<vmem>>, vector<64x64xf32>
    %convert_element_type3A_85 = arith.truncf %slice3A_81 : vector<1024x64xf32> to vector<1024x64xbf16>
    %convert_element_type3A_86 = arith.truncf %get3A_84 : vector<64x64xf32> to vector<64x64xbf16>
    %dot_general3A_87 = arith.constant dense<0.000000e+00> : vector<1024x64xf32>
    %dot_general3A_88 = tpu.matmul %convert_element_type3A_85, %convert_element_type3A_86, %dot_general3A_87 {dimension_numbers = #tpu.dot_dimension_numbers<[1], [1], [0], [0], [0, 0, 1, 0], [], []>, transpose_lhs_hint = false} : vector<1024x64xbf16>, vector<64x64xbf16>, vector<1024x64xf32> -> vector<1024x64xf32>
    %get3A_89 = arith.constant 0 : index
    %get3A_90 = arith.constant 0 : index
    %get3A_91 = vector.load %arg6[%get3A_89, %get3A_90] : memref<1x64xf32, #tpu.memory_space<vmem>>, vector<1x64xf32>
    %add3A_92 = vector.broadcast %get3A_91 : vector<1x64xf32> to vector<1024x64xf32>
    %add3A_93 = arith.addf %dot_general3A_88, %add3A_92 : vector<1024x64xf32>
    %max3A_94 = arith.constant 0.000000e+00 : f32
    %max3A_95 = vector.broadcast %max3A_94 : f32 to vector<1024x64xf32>
    %max3A_96 = arith.maximumf %add3A_93, %max3A_95 : vector<1024x64xf32>
    %slice3A_97 = vector.extract_strided_slice %max3A_35 {offsets = [0, 256], sizes = [1024, 64], strides = [1, 1]} : vector<1024x512xf32> to vector<1024x64xf32>
    %get3A_98 = arith.constant 0 : index
    %get3A_99 = arith.constant 0 : index
    %get3A_100 = vector.load %arg5[%get3A_98, %get3A_99] : memref<64x64xf32, #tpu.memory_space<vmem>>, vector<64x64xf32>
    %convert_element_type3A_101 = arith.truncf %slice3A_97 : vector<1024x64xf32> to vector<1024x64xbf16>
    %convert_element_type3A_102 = arith.truncf %get3A_100 : vector<64x64xf32> to vector<64x64xbf16>
    %dot_general3A_103 = arith.constant dense<0.000000e+00> : vector<1024x64xf32>
    %dot_general3A_104 = tpu.matmul %convert_element_type3A_101, %convert_element_type3A_102, %dot_general3A_103 {dimension_numbers = #tpu.dot_dimension_numbers<[1], [1], [0], [0], [0, 0, 1, 0], [], []>, transpose_lhs_hint = false} : vector<1024x64xbf16>, vector<64x64xbf16>, vector<1024x64xf32> -> vector<1024x64xf32>
    %get3A_105 = arith.constant 0 : index
    %get3A_106 = arith.constant 0 : index
    %get3A_107 = vector.load %arg6[%get3A_105, %get3A_106] : memref<1x64xf32, #tpu.memory_space<vmem>>, vector<1x64xf32>
    %add3A_108 = vector.broadcast %get3A_107 : vector<1x64xf32> to vector<1024x64xf32>
    %add3A_109 = arith.addf %dot_general3A_104, %add3A_108 : vector<1024x64xf32>
    %max3A_110 = arith.constant 0.000000e+00 : f32
    %max3A_111 = vector.broadcast %max3A_110 : f32 to vector<1024x64xf32>
    %max3A_112 = arith.maximumf %add3A_109, %max3A_111 : vector<1024x64xf32>
    %slice3A_113 = vector.extract_strided_slice %max3A_35 {offsets = [0, 320], sizes = [1024, 64], strides = [1, 1]} : vector<1024x512xf32> to vector<1024x64xf32>
    %get3A_114 = arith.constant 0 : index
    %get3A_115 = arith.constant 0 : index
    %get3A_116 = vector.load %arg5[%get3A_114, %get3A_115] : memref<64x64xf32, #tpu.memory_space<vmem>>, vector<64x64xf32>
    %convert_element_type3A_117 = arith.truncf %slice3A_113 : vector<1024x64xf32> to vector<1024x64xbf16>
    %convert_element_type3A_118 = arith.truncf %get3A_116 : vector<64x64xf32> to vector<64x64xbf16>
    %dot_general3A_119 = arith.constant dense<0.000000e+00> : vector<1024x64xf32>
    %dot_general3A_120 = tpu.matmul %convert_element_type3A_117, %convert_element_type3A_118, %dot_general3A_119 {dimension_numbers = #tpu.dot_dimension_numbers<[1], [1], [0], [0], [0, 0, 1, 0], [], []>, transpose_lhs_hint = false} : vector<1024x64xbf16>, vector<64x64xbf16>, vector<1024x64xf32> -> vector<1024x64xf32>
    %get3A_121 = arith.constant 0 : index
    %get3A_122 = arith.constant 0 : index
    %get3A_123 = vector.load %arg6[%get3A_121, %get3A_122] : memref<1x64xf32, #tpu.memory_space<vmem>>, vector<1x64xf32>
    %add3A_124 = vector.broadcast %get3A_123 : vector<1x64xf32> to vector<1024x64xf32>
    %add3A_125 = arith.addf %dot_general3A_120, %add3A_124 : vector<1024x64xf32>
    %max3A_126 = arith.constant 0.000000e+00 : f32
    %max3A_127 = vector.broadcast %max3A_126 : f32 to vector<1024x64xf32>
    %max3A_128 = arith.maximumf %add3A_125, %max3A_127 : vector<1024x64xf32>
    %slice3A_129 = vector.extract_strided_slice %max3A_35 {offsets = [0, 384], sizes = [1024, 64], strides = [1, 1]} : vector<1024x512xf32> to vector<1024x64xf32>
    %get3A_130 = arith.constant 0 : index
    %get3A_131 = arith.constant 0 : index
    %get3A_132 = vector.load %arg5[%get3A_130, %get3A_131] : memref<64x64xf32, #tpu.memory_space<vmem>>, vector<64x64xf32>
    %convert_element_type3A_133 = arith.truncf %slice3A_129 : vector<1024x64xf32> to vector<1024x64xbf16>
    %convert_element_type3A_134 = arith.truncf %get3A_132 : vector<64x64xf32> to vector<64x64xbf16>
    %dot_general3A_135 = arith.constant dense<0.000000e+00> : vector<1024x64xf32>
    %dot_general3A_136 = tpu.matmul %convert_element_type3A_133, %convert_element_type3A_134, %dot_general3A_135 {dimension_numbers = #tpu.dot_dimension_numbers<[1], [1], [0], [0], [0, 0, 1, 0], [], []>, transpose_lhs_hint = false} : vector<1024x64xbf16>, vector<64x64xbf16>, vector<1024x64xf32> -> vector<1024x64xf32>
    %get3A_137 = arith.constant 0 : index
    %get3A_138 = arith.constant 0 : index
    %get3A_139 = vector.load %arg6[%get3A_137, %get3A_138] : memref<1x64xf32, #tpu.memory_space<vmem>>, vector<1x64xf32>
    %add3A_140 = vector.broadcast %get3A_139 : vector<1x64xf32> to vector<1024x64xf32>
    %add3A_141 = arith.addf %dot_general3A_136, %add3A_140 : vector<1024x64xf32>
    %max3A_142 = arith.constant 0.000000e+00 : f32
    %max3A_143 = vector.broadcast %max3A_142 : f32 to vector<1024x64xf32>
    %max3A_144 = arith.maximumf %add3A_141, %max3A_143 : vector<1024x64xf32>
    %slice3A_145 = vector.extract_strided_slice %max3A_35 {offsets = [0, 448], sizes = [1024, 64], strides = [1, 1]} : vector<1024x512xf32> to vector<1024x64xf32>
    %get3A_146 = arith.constant 0 : index
    %get3A_147 = arith.constant 0 : index
    %get3A_148 = vector.load %arg5[%get3A_146, %get3A_147] : memref<64x64xf32, #tpu.memory_space<vmem>>, vector<64x64xf32>
    %convert_element_type3A_149 = arith.truncf %slice3A_145 : vector<1024x64xf32> to vector<1024x64xbf16>
    %convert_element_type3A_150 = arith.truncf %get3A_148 : vector<64x64xf32> to vector<64x64xbf16>
    %dot_general3A_151 = arith.constant dense<0.000000e+00> : vector<1024x64xf32>
    %dot_general3A_152 = tpu.matmul %convert_element_type3A_149, %convert_element_type3A_150, %dot_general3A_151 {dimension_numbers = #tpu.dot_dimension_numbers<[1], [1], [0], [0], [0, 0, 1, 0], [], []>, transpose_lhs_hint = false} : vector<1024x64xbf16>, vector<64x64xbf16>, vector<1024x64xf32> -> vector<1024x64xf32>
    %get3A_153 = arith.constant 0 : index
    %get3A_154 = arith.constant 0 : index
    %get3A_155 = vector.load %arg6[%get3A_153, %get3A_154] : memref<1x64xf32, #tpu.memory_space<vmem>>, vector<1x64xf32>
    %add3A_156 = vector.broadcast %get3A_155 : vector<1x64xf32> to vector<1024x64xf32>
    %add3A_157 = arith.addf %dot_general3A_152, %add3A_156 : vector<1024x64xf32>
    %max3A_158 = arith.constant 0.000000e+00 : f32
    %max3A_159 = vector.broadcast %max3A_158 : f32 to vector<1024x64xf32>
    %max3A_160 = arith.maximumf %add3A_157, %max3A_159 : vector<1024x64xf32>
    %concatenate3A = tpu.concatenate %max3A_48, %max3A_64, %max3A_80, %max3A_96, %max3A_112, %max3A_128, %max3A_144, %max3A_160 in 1 : vector<1024x64xf32>, vector<1024x64xf32>, vector<1024x64xf32>, vector<1024x64xf32>, vector<1024x64xf32>, vector<1024x64xf32>, vector<1024x64xf32>, vector<1024x64xf32> -> vector<1024x512xf32>
    %get3A_161 = arith.constant 0 : index
    %get3A_162 = arith.constant 0 : index
    %get3A_163 = vector.load %arg7[%get3A_161, %get3A_162] : memref<256x1024xf32, #tpu.memory_space<vmem>>, vector<256x1024xf32>
    %reduce_sum3A_164 = arith.constant dense<0.000000e+00> : vector<256xf32>
    %reduce_sum3A_165 = vector.multi_reduction <add>, %get3A_163, %reduce_sum3A_164 [1] : vector<256x1024xf32> to vector<256xf32>
    %broadcast_in_dim3A_166 = vector.shape_cast %reduce_sum3A_165 : vector<256xf32> to vector<256x1xf32>
    %convert_element_type3A_167 = arith.truncf %get3A_163 : vector<256x1024xf32> to vector<256x1024xbf16>
    %convert_element_type3A_168 = arith.truncf %concatenate3A : vector<1024x512xf32> to vector<1024x512xbf16>
    %convert_element_type3A_169 = arith.extf %convert_element_type3A_168 : vector<1024x512xbf16> to vector<1024x512xf32>
    %sub3A_170 = arith.subf %concatenate3A, %convert_element_type3A_169 : vector<1024x512xf32>
    %convert_element_type3A_171 = arith.truncf %sub3A_170 : vector<1024x512xf32> to vector<1024x512xbf16>
    %dot_general3A_172 = arith.constant dense<0.000000e+00> : vector<256x512xf32>
    %dot_general3A_173 = tpu.matmul %convert_element_type3A_167, %convert_element_type3A_168, %dot_general3A_172 {dimension_numbers = #tpu.dot_dimension_numbers<[1], [0], [0], [1], [0, 0, 1, 1], [], []>, transpose_lhs_hint = false} : vector<256x1024xbf16>, vector<1024x512xbf16>, vector<256x512xf32> -> vector<256x512xf32>
    %dot_general3A_174 = arith.constant dense<0.000000e+00> : vector<256x512xf32>
    %dot_general3A_175 = tpu.matmul %convert_element_type3A_167, %convert_element_type3A_171, %dot_general3A_174 {dimension_numbers = #tpu.dot_dimension_numbers<[1], [0], [0], [1], [0, 0, 1, 1], [], []>, transpose_lhs_hint = false} : vector<256x1024xbf16>, vector<1024x512xbf16>, vector<256x512xf32> -> vector<256x512xf32>
    %add3A_176 = arith.addf %dot_general3A_173, %dot_general3A_175 : vector<256x512xf32>
    %max3A_177 = arith.constant 1.000000e+00 : f32
    %max3A_178 = vector.broadcast %max3A_177 : f32 to vector<256x1xf32>
    %max3A_179 = arith.maximumf %broadcast_in_dim3A_166, %max3A_178 : vector<256x1xf32>
    %div3A = arith.constant 1.000000e+00 : f32
    %div3A_180 = vector.broadcast %div3A : f32 to vector<256x1xf32>
    %div3A_181 = arith.divf %div3A_180, %max3A_179 : vector<256x1xf32>
    %mul3A_182 = vector.broadcast %div3A_181 : vector<256x1xf32> to vector<256x512xf32>
    %mul3A_183 = arith.mulf %add3A_176, %mul3A_182 : vector<256x512xf32>
    %swap3A = arith.constant 0 : index
    %swap3A_184 = arith.constant 0 : index
    %swap3A_185 = vector.load %arg8[%swap3A, %swap3A_184] : memref<256x512xf32, #tpu.memory_space<vmem>>, vector<256x512xf32>
    tpu.vector_store %arg8[%swap3A, %swap3A_184], %mul3A_183 {strides = array<i32>} : memref<256x512xf32, #tpu.memory_space<vmem>>, vector<256x512xf32>,
    return
  }
  func.func @transform_0(%arg0: i32) -> (i32, i32) {
    %c0_i32 = arith.constant 0 : i32
    %c0_i32_0 = arith.constant 0 : i32
    return %c0_i32, %arg0 : i32, i32
  }
  func.func @transform_1(%arg0: i32) -> (i32, i32) {
    %c0_i32 = arith.constant 0 : i32
    %c0_i32_0 = arith.constant 0 : i32
    %c0_i32_1 = arith.constant 0 : i32
    return %c0_i32, %c0_i32_0 : i32, i32
  }
  func.func @transform_2(%arg0: i32) -> (i32, i32) {
    %c0_i32 = arith.constant 0 : i32
    %c0_i32_0 = arith.constant 0 : i32
    %c0_i32_1 = arith.constant 0 : i32
    return %c0_i32, %c0_i32_0 : i32, i32
  }
  func.func @transform_3(%arg0: i32) -> (i32, i32) {
    %c0_i32 = arith.constant 0 : i32
    %c0_i32_0 = arith.constant 0 : i32
    %c0_i32_1 = arith.constant 0 : i32
    return %c0_i32, %c0_i32_0 : i32, i32
  }
  func.func @transform_4(%arg0: i32) -> (i32, i32) {
    %c0_i32 = arith.constant 0 : i32
    %c0_i32_0 = arith.constant 0 : i32
    %c0_i32_1 = arith.constant 0 : i32
    return %c0_i32, %c0_i32_0 : i32, i32
  }
  func.func @transform_5(%arg0: i32) -> (i32, i32) {
    %c0_i32 = arith.constant 0 : i32
    %c0_i32_0 = arith.constant 0 : i32
    %c0_i32_1 = arith.constant 0 : i32
    return %c0_i32, %c0_i32_0 : i32, i32
  }
  func.func @transform_6(%arg0: i32) -> (i32, i32) {
    %c0_i32 = arith.constant 0 : i32
    %c0_i32_0 = arith.constant 0 : i32
    %c0_i32_1 = arith.constant 0 : i32
    return %c0_i32, %c0_i32_0 : i32, i32
  }
  func.func @transform_7(%arg0: i32) -> (i32, i32) {
    %c0_i32 = arith.constant 0 : i32
    %c0_i32_0 = arith.constant 0 : i32
    return %c0_i32, %arg0 : i32, i32
  }
}

module attributes {stable_mosaic.version = 14 : i64} {
  func.func @_mix2_body(%arg0: i32, %arg1: memref<256x512xf32, #tpu.memory_space<vmem>>, %arg2: memref<64x64xf32, #tpu.memory_space<vmem>>, %arg3: memref<256x256xf32, #tpu.memory_space<vmem>>, %arg4: memref<1x512xf32, #tpu.memory_space<vmem>>, %arg5: memref<256x512xf32, #tpu.memory_space<vmem>>, %arg6: memref<2x512xf32, #tpu.memory_space<vmem>>) attributes {dimension_semantics = [#tpu.dimension_semantics<arbitrary>], iteration_bounds = array<i64: 8>, scalar_prefetch = 0 : i64, scratch_operands = 0 : i64, tpu.core_type = #tpu.core_type<tc>, window_params = [{transform_indices = @transform_0, window_bounds = array<i64: 256, 512>}, {pipeline_mode = #tpu.pipeline_mode<synchronous>, transform_indices = @transform_1, window_bounds = array<i64: 64, 64>}, {pipeline_mode = #tpu.pipeline_mode<synchronous>, transform_indices = @transform_2, window_bounds = array<i64: 256, 256>}, {transform_indices = @transform_3, window_bounds = array<i64: 1, 512>}, {transform_indices = @transform_4, window_bounds = array<i64: 256, 512>}, {transform_indices = @transform_5, window_bounds = array<i64: 2, 512>}]} {
    %get3A = arith.constant 0 : index
    %get3A_0 = arith.constant 0 : index
    %get3A_1 = vector.load %arg1[%get3A, %get3A_0] : memref<256x512xf32, #tpu.memory_space<vmem>>, vector<256x512xf32>
    %get3A_2 = arith.constant 0 : index
    %get3A_3 = arith.constant 0 : index
    %get3A_4 = vector.load %arg3[%get3A_2, %get3A_3] : memref<256x256xf32, #tpu.memory_space<vmem>>, vector<256x256xf32>
    %convert_element_type3A = arith.truncf %get3A_4 : vector<256x256xf32> to vector<256x256xbf16>
    %convert_element_type3A_5 = arith.truncf %get3A_1 : vector<256x512xf32> to vector<256x512xbf16>
    %convert_element_type3A_6 = arith.extf %convert_element_type3A_5 : vector<256x512xbf16> to vector<256x512xf32>
    %sub3A = arith.subf %get3A_1, %convert_element_type3A_6 : vector<256x512xf32>
    %convert_element_type3A_7 = arith.truncf %sub3A : vector<256x512xf32> to vector<256x512xbf16>
    %dot_general3A = arith.constant dense<0.000000e+00> : vector<256x512xf32>
    %dot_general3A_8 = tpu.matmul %convert_element_type3A, %convert_element_type3A_5, %dot_general3A {dimension_numbers = #tpu.dot_dimension_numbers<[1], [0], [0], [1], [0, 0, 1, 1], [], []>, transpose_lhs_hint = false} : vector<256x256xbf16>, vector<256x512xbf16>, vector<256x512xf32> -> vector<256x512xf32>
    %dot_general3A_9 = arith.constant dense<0.000000e+00> : vector<256x512xf32>
    %dot_general3A_10 = tpu.matmul %convert_element_type3A, %convert_element_type3A_7, %dot_general3A_9 {dimension_numbers = #tpu.dot_dimension_numbers<[1], [0], [0], [1], [0, 0, 1, 1], [], []>, transpose_lhs_hint = false} : vector<256x256xbf16>, vector<256x512xbf16>, vector<256x512xf32> -> vector<256x512xf32>
    %add3A = arith.addf %dot_general3A_8, %dot_general3A_10 : vector<256x512xf32>
    %add3A_11 = arith.addf %get3A_1, %add3A : vector<256x512xf32>
    %slice3A = vector.extract_strided_slice %add3A_11 {offsets = [0, 0], sizes = [256, 64], strides = [1, 1]} : vector<256x512xf32> to vector<256x64xf32>
    %get3A_12 = arith.constant 0 : index
    %get3A_13 = arith.constant 0 : index
    %get3A_14 = vector.load %arg2[%get3A_12, %get3A_13] : memref<64x64xf32, #tpu.memory_space<vmem>>, vector<64x64xf32>
    %convert_element_type3A_15 = arith.truncf %slice3A : vector<256x64xf32> to vector<256x64xbf16>
    %convert_element_type3A_16 = arith.truncf %get3A_14 : vector<64x64xf32> to vector<64x64xbf16>
    %dot_general3A_17 = arith.constant dense<0.000000e+00> : vector<256x64xf32>
    %dot_general3A_18 = tpu.matmul %convert_element_type3A_15, %convert_element_type3A_16, %dot_general3A_17 {dimension_numbers = #tpu.dot_dimension_numbers<[1], [1], [0], [0], [0, 0, 1, 0], [], []>, transpose_lhs_hint = false} : vector<256x64xbf16>, vector<64x64xbf16>, vector<256x64xf32> -> vector<256x64xf32>
    %slice3A_19 = vector.extract_strided_slice %add3A_11 {offsets = [0, 64], sizes = [256, 64], strides = [1, 1]} : vector<256x512xf32> to vector<256x64xf32>
    %get3A_20 = arith.constant 0 : index
    %get3A_21 = arith.constant 0 : index
    %get3A_22 = vector.load %arg2[%get3A_20, %get3A_21] : memref<64x64xf32, #tpu.memory_space<vmem>>, vector<64x64xf32>
    %convert_element_type3A_23 = arith.truncf %slice3A_19 : vector<256x64xf32> to vector<256x64xbf16>
    %convert_element_type3A_24 = arith.truncf %get3A_22 : vector<64x64xf32> to vector<64x64xbf16>
    %dot_general3A_25 = arith.constant dense<0.000000e+00> : vector<256x64xf32>
    %dot_general3A_26 = tpu.matmul %convert_element_type3A_23, %convert_element_type3A_24, %dot_general3A_25 {dimension_numbers = #tpu.dot_dimension_numbers<[1], [1], [0], [0], [0, 0, 1, 0], [], []>, transpose_lhs_hint = false} : vector<256x64xbf16>, vector<64x64xbf16>, vector<256x64xf32> -> vector<256x64xf32>
    %slice3A_27 = vector.extract_strided_slice %add3A_11 {offsets = [0, 128], sizes = [256, 64], strides = [1, 1]} : vector<256x512xf32> to vector<256x64xf32>
    %get3A_28 = arith.constant 0 : index
    %get3A_29 = arith.constant 0 : index
    %get3A_30 = vector.load %arg2[%get3A_28, %get3A_29] : memref<64x64xf32, #tpu.memory_space<vmem>>, vector<64x64xf32>
    %convert_element_type3A_31 = arith.truncf %slice3A_27 : vector<256x64xf32> to vector<256x64xbf16>
    %convert_element_type3A_32 = arith.truncf %get3A_30 : vector<64x64xf32> to vector<64x64xbf16>
    %dot_general3A_33 = arith.constant dense<0.000000e+00> : vector<256x64xf32>
    %dot_general3A_34 = tpu.matmul %convert_element_type3A_31, %convert_element_type3A_32, %dot_general3A_33 {dimension_numbers = #tpu.dot_dimension_numbers<[1], [1], [0], [0], [0, 0, 1, 0], [], []>, transpose_lhs_hint = false} : vector<256x64xbf16>, vector<64x64xbf16>, vector<256x64xf32> -> vector<256x64xf32>
    %slice3A_35 = vector.extract_strided_slice %add3A_11 {offsets = [0, 192], sizes = [256, 64], strides = [1, 1]} : vector<256x512xf32> to vector<256x64xf32>
    %get3A_36 = arith.constant 0 : index
    %get3A_37 = arith.constant 0 : index
    %get3A_38 = vector.load %arg2[%get3A_36, %get3A_37] : memref<64x64xf32, #tpu.memory_space<vmem>>, vector<64x64xf32>
    %convert_element_type3A_39 = arith.truncf %slice3A_35 : vector<256x64xf32> to vector<256x64xbf16>
    %convert_element_type3A_40 = arith.truncf %get3A_38 : vector<64x64xf32> to vector<64x64xbf16>
    %dot_general3A_41 = arith.constant dense<0.000000e+00> : vector<256x64xf32>
    %dot_general3A_42 = tpu.matmul %convert_element_type3A_39, %convert_element_type3A_40, %dot_general3A_41 {dimension_numbers = #tpu.dot_dimension_numbers<[1], [1], [0], [0], [0, 0, 1, 0], [], []>, transpose_lhs_hint = false} : vector<256x64xbf16>, vector<64x64xbf16>, vector<256x64xf32> -> vector<256x64xf32>
    %slice3A_43 = vector.extract_strided_slice %add3A_11 {offsets = [0, 256], sizes = [256, 64], strides = [1, 1]} : vector<256x512xf32> to vector<256x64xf32>
    %get3A_44 = arith.constant 0 : index
    %get3A_45 = arith.constant 0 : index
    %get3A_46 = vector.load %arg2[%get3A_44, %get3A_45] : memref<64x64xf32, #tpu.memory_space<vmem>>, vector<64x64xf32>
    %convert_element_type3A_47 = arith.truncf %slice3A_43 : vector<256x64xf32> to vector<256x64xbf16>
    %convert_element_type3A_48 = arith.truncf %get3A_46 : vector<64x64xf32> to vector<64x64xbf16>
    %dot_general3A_49 = arith.constant dense<0.000000e+00> : vector<256x64xf32>
    %dot_general3A_50 = tpu.matmul %convert_element_type3A_47, %convert_element_type3A_48, %dot_general3A_49 {dimension_numbers = #tpu.dot_dimension_numbers<[1], [1], [0], [0], [0, 0, 1, 0], [], []>, transpose_lhs_hint = false} : vector<256x64xbf16>, vector<64x64xbf16>, vector<256x64xf32> -> vector<256x64xf32>
    %slice3A_51 = vector.extract_strided_slice %add3A_11 {offsets = [0, 320], sizes = [256, 64], strides = [1, 1]} : vector<256x512xf32> to vector<256x64xf32>
    %get3A_52 = arith.constant 0 : index
    %get3A_53 = arith.constant 0 : index
    %get3A_54 = vector.load %arg2[%get3A_52, %get3A_53] : memref<64x64xf32, #tpu.memory_space<vmem>>, vector<64x64xf32>
    %convert_element_type3A_55 = arith.truncf %slice3A_51 : vector<256x64xf32> to vector<256x64xbf16>
    %convert_element_type3A_56 = arith.truncf %get3A_54 : vector<64x64xf32> to vector<64x64xbf16>
    %dot_general3A_57 = arith.constant dense<0.000000e+00> : vector<256x64xf32>
    %dot_general3A_58 = tpu.matmul %convert_element_type3A_55, %convert_element_type3A_56, %dot_general3A_57 {dimension_numbers = #tpu.dot_dimension_numbers<[1], [1], [0], [0], [0, 0, 1, 0], [], []>, transpose_lhs_hint = false} : vector<256x64xbf16>, vector<64x64xbf16>, vector<256x64xf32> -> vector<256x64xf32>
    %slice3A_59 = vector.extract_strided_slice %add3A_11 {offsets = [0, 384], sizes = [256, 64], strides = [1, 1]} : vector<256x512xf32> to vector<256x64xf32>
    %get3A_60 = arith.constant 0 : index
    %get3A_61 = arith.constant 0 : index
    %get3A_62 = vector.load %arg2[%get3A_60, %get3A_61] : memref<64x64xf32, #tpu.memory_space<vmem>>, vector<64x64xf32>
    %convert_element_type3A_63 = arith.truncf %slice3A_59 : vector<256x64xf32> to vector<256x64xbf16>
    %convert_element_type3A_64 = arith.truncf %get3A_62 : vector<64x64xf32> to vector<64x64xbf16>
    %dot_general3A_65 = arith.constant dense<0.000000e+00> : vector<256x64xf32>
    %dot_general3A_66 = tpu.matmul %convert_element_type3A_63, %convert_element_type3A_64, %dot_general3A_65 {dimension_numbers = #tpu.dot_dimension_numbers<[1], [1], [0], [0], [0, 0, 1, 0], [], []>, transpose_lhs_hint = false} : vector<256x64xbf16>, vector<64x64xbf16>, vector<256x64xf32> -> vector<256x64xf32>
    %slice3A_67 = vector.extract_strided_slice %add3A_11 {offsets = [0, 448], sizes = [256, 64], strides = [1, 1]} : vector<256x512xf32> to vector<256x64xf32>
    %get3A_68 = arith.constant 0 : index
    %get3A_69 = arith.constant 0 : index
    %get3A_70 = vector.load %arg2[%get3A_68, %get3A_69] : memref<64x64xf32, #tpu.memory_space<vmem>>, vector<64x64xf32>
    %convert_element_type3A_71 = arith.truncf %slice3A_67 : vector<256x64xf32> to vector<256x64xbf16>
    %convert_element_type3A_72 = arith.truncf %get3A_70 : vector<64x64xf32> to vector<64x64xbf16>
    %dot_general3A_73 = arith.constant dense<0.000000e+00> : vector<256x64xf32>
    %dot_general3A_74 = tpu.matmul %convert_element_type3A_71, %convert_element_type3A_72, %dot_general3A_73 {dimension_numbers = #tpu.dot_dimension_numbers<[1], [1], [0], [0], [0, 0, 1, 0], [], []>, transpose_lhs_hint = false} : vector<256x64xbf16>, vector<64x64xbf16>, vector<256x64xf32> -> vector<256x64xf32>
    %concatenate3A = tpu.concatenate %dot_general3A_18, %dot_general3A_26, %dot_general3A_34, %dot_general3A_42, %dot_general3A_50, %dot_general3A_58, %dot_general3A_66, %dot_general3A_74 in 1 : vector<256x64xf32>, vector<256x64xf32>, vector<256x64xf32>, vector<256x64xf32>, vector<256x64xf32>, vector<256x64xf32>, vector<256x64xf32>, vector<256x64xf32> -> vector<256x512xf32>
    %get3A_75 = arith.constant 0 : index
    %get3A_76 = arith.constant 0 : index
    %get3A_77 = vector.load %arg4[%get3A_75, %get3A_76] : memref<1x512xf32, #tpu.memory_space<vmem>>, vector<1x512xf32>
    %add3A_78 = vector.broadcast %get3A_77 : vector<1x512xf32> to vector<256x512xf32>
    %add3A_79 = arith.addf %concatenate3A, %add3A_78 : vector<256x512xf32>
    %swap3A = arith.constant 0 : index
    %swap3A_80 = arith.constant 0 : index
    %swap3A_81 = vector.load %arg5[%swap3A, %swap3A_80] : memref<256x512xf32, #tpu.memory_space<vmem>>, vector<256x512xf32>
    tpu.vector_store %arg5[%swap3A, %swap3A_80], %add3A_79 {strides = array<i32>} : memref<256x512xf32, #tpu.memory_space<vmem>>, vector<256x512xf32>,
    %reduce_sum3A = arith.constant dense<0.000000e+00> : vector<512xf32>
    %reduce_sum3A_82 = vector.multi_reduction <add>, %add3A_79, %reduce_sum3A [0] : vector<256x512xf32> to vector<512xf32>
    %broadcast_in_dim3A = vector.shape_cast %reduce_sum3A_82 : vector<512xf32> to vector<1x512xf32>
    %swap3A_83 = arith.constant 0 : index
    %swap3A_84 = arith.constant 0 : index
    %swap3A_85 = vector.load %arg6[%swap3A_83, %swap3A_84] : memref<2x512xf32, #tpu.memory_space<vmem>>, vector<1x512xf32>
    tpu.vector_store %arg6[%swap3A_83, %swap3A_84], %broadcast_in_dim3A {strides = array<i32>} : memref<2x512xf32, #tpu.memory_space<vmem>>, vector<1x512xf32>,
    %mul3A = arith.mulf %add3A_79, %add3A_79 : vector<256x512xf32>
    %reduce_sum3A_86 = arith.constant dense<0.000000e+00> : vector<512xf32>
    %reduce_sum3A_87 = vector.multi_reduction <add>, %mul3A, %reduce_sum3A_86 [0] : vector<256x512xf32> to vector<512xf32>
    %broadcast_in_dim3A_88 = vector.shape_cast %reduce_sum3A_87 : vector<512xf32> to vector<1x512xf32>
    %swap3A_89 = arith.constant 1 : index
    %swap3A_90 = arith.constant 0 : index
    %swap3A_91 = vector.load %arg6[%swap3A_89, %swap3A_90] : memref<2x512xf32, #tpu.memory_space<vmem>>, vector<1x512xf32>
    tpu.vector_store %arg6[%swap3A_89, %swap3A_90], %broadcast_in_dim3A_88 {strides = array<i32>} : memref<2x512xf32, #tpu.memory_space<vmem>>, vector<1x512xf32>,
    return
  }
  func.func @transform_0(%arg0: i32) -> (i32, i32) {
    %c0_i32 = arith.constant 0 : i32
    %c0_i32_0 = arith.constant 0 : i32
    return %c0_i32, %arg0 : i32, i32
  }
  func.func @transform_1(%arg0: i32) -> (i32, i32) {
    %c0_i32 = arith.constant 0 : i32
    %c0_i32_0 = arith.constant 0 : i32
    %c0_i32_1 = arith.constant 0 : i32
    return %c0_i32, %c0_i32_0 : i32, i32
  }
  func.func @transform_2(%arg0: i32) -> (i32, i32) {
    %c0_i32 = arith.constant 0 : i32
    %c0_i32_0 = arith.constant 0 : i32
    %c0_i32_1 = arith.constant 0 : i32
    return %c0_i32, %c0_i32_0 : i32, i32
  }
  func.func @transform_3(%arg0: i32) -> (i32, i32) {
    %c0_i32 = arith.constant 0 : i32
    %c0_i32_0 = arith.constant 0 : i32
    return %c0_i32, %arg0 : i32, i32
  }
  func.func @transform_4(%arg0: i32) -> (i32, i32) {
    %c0_i32 = arith.constant 0 : i32
    %c0_i32_0 = arith.constant 0 : i32
    return %c0_i32, %arg0 : i32, i32
  }
  func.func @transform_5(%arg0: i32) -> (i32, i32) {
    %c0_i32 = arith.constant 0 : i32
    %c0_i32_0 = arith.constant 0 : i32
    return %c0_i32, %arg0 : i32, i32
  }
}

module attributes {stable_mosaic.version = 14 : i64} {
  func.func @_bn2_body(%arg0: i32, %arg1: memref<256x512xf32, #tpu.memory_space<vmem>>, %arg2: memref<128x64xf32, #tpu.memory_space<vmem>>, %arg3: memref<1x64xf32, #tpu.memory_space<vmem>>, %arg4: memref<1x64xf32, #tpu.memory_space<vmem>>, %arg5: memref<64x64xf32, #tpu.memory_space<vmem>>, %arg6: memref<1x64xf32, #tpu.memory_space<vmem>>, %arg7: memref<2048x64xf32, #tpu.memory_space<vmem>>) attributes {dimension_semantics = [#tpu.dimension_semantics<arbitrary>], iteration_bounds = array<i64: 8>, scalar_prefetch = 0 : i64, scratch_operands = 0 : i64, tpu.core_type = #tpu.core_type<tc>, window_params = [{transform_indices = @transform_0, window_bounds = array<i64: 256, 512>}, {pipeline_mode = #tpu.pipeline_mode<synchronous>, transform_indices = @transform_1, window_bounds = array<i64: 128, 64>}, {pipeline_mode = #tpu.pipeline_mode<synchronous>, transform_indices = @transform_2, window_bounds = array<i64: 1, 64>}, {pipeline_mode = #tpu.pipeline_mode<synchronous>, transform_indices = @transform_3, window_bounds = array<i64: 1, 64>}, {pipeline_mode = #tpu.pipeline_mode<synchronous>, transform_indices = @transform_4, window_bounds = array<i64: 64, 64>}, {pipeline_mode = #tpu.pipeline_mode<synchronous>, transform_indices = @transform_5, window_bounds = array<i64: 1, 64>}, {transform_indices = @transform_6, window_bounds = array<i64: 2048, 64>}]} {
    %get3A = arith.constant 0 : index
    %get3A_0 = arith.constant 0 : index
    %get3A_1 = vector.load %arg2[%get3A, %get3A_0] : memref<128x64xf32, #tpu.memory_space<vmem>>, vector<64x64xf32>
    %reduce_sum3A = arith.constant dense<0.000000e+00> : vector<64xf32>
    %reduce_sum3A_2 = vector.multi_reduction <add>, %get3A_1, %reduce_sum3A [0] : vector<64x64xf32> to vector<64xf32>
    %broadcast_in_dim3A = vector.shape_cast %reduce_sum3A_2 : vector<64xf32> to vector<1x64xf32>
    %mul3A = arith.constant 6.10351563E-5 : f32
    %mul3A_3 = vector.broadcast %mul3A : f32 to vector<1x64xf32>
    %mul3A_4 = arith.mulf %broadcast_in_dim3A, %mul3A_3 : vector<1x64xf32>
    %get3A_5 = arith.constant 64 : index
    %get3A_6 = arith.constant 0 : index
    %get3A_7 = vector.load %arg2[%get3A_5, %get3A_6] : memref<128x64xf32, #tpu.memory_space<vmem>>, vector<64x64xf32>
    %reduce_sum3A_8 = arith.constant dense<0.000000e+00> : vector<64xf32>
    %reduce_sum3A_9 = vector.multi_reduction <add>, %get3A_7, %reduce_sum3A_8 [0] : vector<64x64xf32> to vector<64xf32>
    %broadcast_in_dim3A_10 = vector.shape_cast %reduce_sum3A_9 : vector<64xf32> to vector<1x64xf32>
    %mul3A_11 = arith.constant 6.10351563E-5 : f32
    %mul3A_12 = vector.broadcast %mul3A_11 : f32 to vector<1x64xf32>
    %mul3A_13 = arith.mulf %broadcast_in_dim3A_10, %mul3A_12 : vector<1x64xf32>
    %mul3A_14 = arith.mulf %mul3A_4, %mul3A_4 : vector<1x64xf32>
    %sub3A = arith.subf %mul3A_13, %mul3A_14 : vector<1x64xf32>
    %get3A_15 = arith.constant 0 : index
    %get3A_16 = arith.constant 0 : index
    %get3A_17 = vector.load %arg3[%get3A_15, %get3A_16] : memref<1x64xf32, #tpu.memory_space<vmem>>, vector<1x64xf32>
    %add3A = arith.constant 9.99999974E-6 : f32
    %add3A_18 = vector.broadcast %add3A : f32 to vector<1x64xf32>
    %add3A_19 = arith.addf %sub3A, %add3A_18 : vector<1x64xf32>
    %rsqrt3A = math.rsqrt %add3A_19 : vector<1x64xf32>
    %mul3A_20 = arith.mulf %get3A_17, %rsqrt3A : vector<1x64xf32>
    %get3A_21 = arith.constant 0 : index
    %get3A_22 = arith.constant 0 : index
    %get3A_23 = vector.load %arg4[%get3A_21, %get3A_22] : memref<1x64xf32, #tpu.memory_space<vmem>>, vector<1x64xf32>
    %mul3A_24 = arith.mulf %mul3A_4, %mul3A_20 : vector<1x64xf32>
    %sub3A_25 = arith.subf %get3A_23, %mul3A_24 : vector<1x64xf32>
    %tile3A = tpu.concatenate %mul3A_20, %mul3A_20, %mul3A_20, %mul3A_20, %mul3A_20, %mul3A_20, %mul3A_20, %mul3A_20 in 1 : vector<1x64xf32>, vector<1x64xf32>, vector<1x64xf32>, vector<1x64xf32>, vector<1x64xf32>, vector<1x64xf32>, vector<1x64xf32>, vector<1x64xf32> -> vector<1x512xf32>
    %tile3A_26 = tpu.concatenate %sub3A_25, %sub3A_25, %sub3A_25, %sub3A_25, %sub3A_25, %sub3A_25, %sub3A_25, %sub3A_25 in 1 : vector<1x64xf32>, vector<1x64xf32>, vector<1x64xf32>, vector<1x64xf32>, vector<1x64xf32>, vector<1x64xf32>, vector<1x64xf32>, vector<1x64xf32> -> vector<1x512xf32>
    %get3A_27 = arith.constant 0 : index
    %get3A_28 = arith.constant 0 : index
    %get3A_29 = vector.load %arg1[%get3A_27, %get3A_28] : memref<256x512xf32, #tpu.memory_space<vmem>>, vector<256x512xf32>
    %mul3A_30 = vector.broadcast %tile3A : vector<1x512xf32> to vector<256x512xf32>
    %mul3A_31 = arith.mulf %get3A_29, %mul3A_30 : vector<256x512xf32>
    %add3A_32 = vector.broadcast %tile3A_26 : vector<1x512xf32> to vector<256x512xf32>
    %add3A_33 = arith.addf %mul3A_31, %add3A_32 : vector<256x512xf32>
    %max3A = arith.constant 0.000000e+00 : f32
    %max3A_34 = vector.broadcast %max3A : f32 to vector<256x512xf32>
    %max3A_35 = arith.maximumf %add3A_33, %max3A_34 : vector<256x512xf32>
    %slice3A = vector.extract_strided_slice %max3A_35 {offsets = [0, 0], sizes = [256, 64], strides = [1, 1]} : vector<256x512xf32> to vector<256x64xf32>
    %get3A_36 = arith.constant 0 : index
    %get3A_37 = arith.constant 0 : index
    %get3A_38 = vector.load %arg5[%get3A_36, %get3A_37] : memref<64x64xf32, #tpu.memory_space<vmem>>, vector<64x64xf32>
    %convert_element_type3A = arith.truncf %slice3A : vector<256x64xf32> to vector<256x64xbf16>
    %convert_element_type3A_39 = arith.truncf %get3A_38 : vector<64x64xf32> to vector<64x64xbf16>
    %dot_general3A = arith.constant dense<0.000000e+00> : vector<256x64xf32>
    %dot_general3A_40 = tpu.matmul %convert_element_type3A, %convert_element_type3A_39, %dot_general3A {dimension_numbers = #tpu.dot_dimension_numbers<[1], [1], [0], [0], [0, 0, 1, 0], [], []>, transpose_lhs_hint = false} : vector<256x64xbf16>, vector<64x64xbf16>, vector<256x64xf32> -> vector<256x64xf32>
    %get3A_41 = arith.constant 0 : index
    %get3A_42 = arith.constant 0 : index
    %get3A_43 = vector.load %arg6[%get3A_41, %get3A_42] : memref<1x64xf32, #tpu.memory_space<vmem>>, vector<1x64xf32>
    %add3A_44 = vector.broadcast %get3A_43 : vector<1x64xf32> to vector<256x64xf32>
    %add3A_45 = arith.addf %dot_general3A_40, %add3A_44 : vector<256x64xf32>
    %max3A_46 = arith.constant 0.000000e+00 : f32
    %max3A_47 = vector.broadcast %max3A_46 : f32 to vector<256x64xf32>
    %max3A_48 = arith.maximumf %add3A_45, %max3A_47 : vector<256x64xf32>
    %swap3A = arith.constant 0 : index
    %swap3A_49 = arith.constant 0 : index
    %swap3A_50 = vector.load %arg7[%swap3A, %swap3A_49] : memref<2048x64xf32, #tpu.memory_space<vmem>>, vector<256x64xf32>
    tpu.vector_store %arg7[%swap3A, %swap3A_49], %max3A_48 {strides = array<i32>} : memref<2048x64xf32, #tpu.memory_space<vmem>>, vector<256x64xf32>,
    %slice3A_51 = vector.extract_strided_slice %max3A_35 {offsets = [0, 64], sizes = [256, 64], strides = [1, 1]} : vector<256x512xf32> to vector<256x64xf32>
    %get3A_52 = arith.constant 0 : index
    %get3A_53 = arith.constant 0 : index
    %get3A_54 = vector.load %arg5[%get3A_52, %get3A_53] : memref<64x64xf32, #tpu.memory_space<vmem>>, vector<64x64xf32>
    %convert_element_type3A_55 = arith.truncf %slice3A_51 : vector<256x64xf32> to vector<256x64xbf16>
    %convert_element_type3A_56 = arith.truncf %get3A_54 : vector<64x64xf32> to vector<64x64xbf16>
    %dot_general3A_57 = arith.constant dense<0.000000e+00> : vector<256x64xf32>
    %dot_general3A_58 = tpu.matmul %convert_element_type3A_55, %convert_element_type3A_56, %dot_general3A_57 {dimension_numbers = #tpu.dot_dimension_numbers<[1], [1], [0], [0], [0, 0, 1, 0], [], []>, transpose_lhs_hint = false} : vector<256x64xbf16>, vector<64x64xbf16>, vector<256x64xf32> -> vector<256x64xf32>
    %get3A_59 = arith.constant 0 : index
    %get3A_60 = arith.constant 0 : index
    %get3A_61 = vector.load %arg6[%get3A_59, %get3A_60] : memref<1x64xf32, #tpu.memory_space<vmem>>, vector<1x64xf32>
    %add3A_62 = vector.broadcast %get3A_61 : vector<1x64xf32> to vector<256x64xf32>
    %add3A_63 = arith.addf %dot_general3A_58, %add3A_62 : vector<256x64xf32>
    %max3A_64 = arith.constant 0.000000e+00 : f32
    %max3A_65 = vector.broadcast %max3A_64 : f32 to vector<256x64xf32>
    %max3A_66 = arith.maximumf %add3A_63, %max3A_65 : vector<256x64xf32>
    %swap3A_67 = arith.constant 256 : index
    %swap3A_68 = arith.constant 0 : index
    %swap3A_69 = vector.load %arg7[%swap3A_67, %swap3A_68] : memref<2048x64xf32, #tpu.memory_space<vmem>>, vector<256x64xf32>
    tpu.vector_store %arg7[%swap3A_67, %swap3A_68], %max3A_66 {strides = array<i32>} : memref<2048x64xf32, #tpu.memory_space<vmem>>, vector<256x64xf32>,
    %slice3A_70 = vector.extract_strided_slice %max3A_35 {offsets = [0, 128], sizes = [256, 64], strides = [1, 1]} : vector<256x512xf32> to vector<256x64xf32>
    %get3A_71 = arith.constant 0 : index
    %get3A_72 = arith.constant 0 : index
    %get3A_73 = vector.load %arg5[%get3A_71, %get3A_72] : memref<64x64xf32, #tpu.memory_space<vmem>>, vector<64x64xf32>
    %convert_element_type3A_74 = arith.truncf %slice3A_70 : vector<256x64xf32> to vector<256x64xbf16>
    %convert_element_type3A_75 = arith.truncf %get3A_73 : vector<64x64xf32> to vector<64x64xbf16>
    %dot_general3A_76 = arith.constant dense<0.000000e+00> : vector<256x64xf32>
    %dot_general3A_77 = tpu.matmul %convert_element_type3A_74, %convert_element_type3A_75, %dot_general3A_76 {dimension_numbers = #tpu.dot_dimension_numbers<[1], [1], [0], [0], [0, 0, 1, 0], [], []>, transpose_lhs_hint = false} : vector<256x64xbf16>, vector<64x64xbf16>, vector<256x64xf32> -> vector<256x64xf32>
    %get3A_78 = arith.constant 0 : index
    %get3A_79 = arith.constant 0 : index
    %get3A_80 = vector.load %arg6[%get3A_78, %get3A_79] : memref<1x64xf32, #tpu.memory_space<vmem>>, vector<1x64xf32>
    %add3A_81 = vector.broadcast %get3A_80 : vector<1x64xf32> to vector<256x64xf32>
    %add3A_82 = arith.addf %dot_general3A_77, %add3A_81 : vector<256x64xf32>
    %max3A_83 = arith.constant 0.000000e+00 : f32
    %max3A_84 = vector.broadcast %max3A_83 : f32 to vector<256x64xf32>
    %max3A_85 = arith.maximumf %add3A_82, %max3A_84 : vector<256x64xf32>
    %swap3A_86 = arith.constant 512 : index
    %swap3A_87 = arith.constant 0 : index
    %swap3A_88 = vector.load %arg7[%swap3A_86, %swap3A_87] : memref<2048x64xf32, #tpu.memory_space<vmem>>, vector<256x64xf32>
    tpu.vector_store %arg7[%swap3A_86, %swap3A_87], %max3A_85 {strides = array<i32>} : memref<2048x64xf32, #tpu.memory_space<vmem>>, vector<256x64xf32>,
    %slice3A_89 = vector.extract_strided_slice %max3A_35 {offsets = [0, 192], sizes = [256, 64], strides = [1, 1]} : vector<256x512xf32> to vector<256x64xf32>
    %get3A_90 = arith.constant 0 : index
    %get3A_91 = arith.constant 0 : index
    %get3A_92 = vector.load %arg5[%get3A_90, %get3A_91] : memref<64x64xf32, #tpu.memory_space<vmem>>, vector<64x64xf32>
    %convert_element_type3A_93 = arith.truncf %slice3A_89 : vector<256x64xf32> to vector<256x64xbf16>
    %convert_element_type3A_94 = arith.truncf %get3A_92 : vector<64x64xf32> to vector<64x64xbf16>
    %dot_general3A_95 = arith.constant dense<0.000000e+00> : vector<256x64xf32>
    %dot_general3A_96 = tpu.matmul %convert_element_type3A_93, %convert_element_type3A_94, %dot_general3A_95 {dimension_numbers = #tpu.dot_dimension_numbers<[1], [1], [0], [0], [0, 0, 1, 0], [], []>, transpose_lhs_hint = false} : vector<256x64xbf16>, vector<64x64xbf16>, vector<256x64xf32> -> vector<256x64xf32>
    %get3A_97 = arith.constant 0 : index
    %get3A_98 = arith.constant 0 : index
    %get3A_99 = vector.load %arg6[%get3A_97, %get3A_98] : memref<1x64xf32, #tpu.memory_space<vmem>>, vector<1x64xf32>
    %add3A_100 = vector.broadcast %get3A_99 : vector<1x64xf32> to vector<256x64xf32>
    %add3A_101 = arith.addf %dot_general3A_96, %add3A_100 : vector<256x64xf32>
    %max3A_102 = arith.constant 0.000000e+00 : f32
    %max3A_103 = vector.broadcast %max3A_102 : f32 to vector<256x64xf32>
    %max3A_104 = arith.maximumf %add3A_101, %max3A_103 : vector<256x64xf32>
    %swap3A_105 = arith.constant 768 : index
    %swap3A_106 = arith.constant 0 : index
    %swap3A_107 = vector.load %arg7[%swap3A_105, %swap3A_106] : memref<2048x64xf32, #tpu.memory_space<vmem>>, vector<256x64xf32>
    tpu.vector_store %arg7[%swap3A_105, %swap3A_106], %max3A_104 {strides = array<i32>} : memref<2048x64xf32, #tpu.memory_space<vmem>>, vector<256x64xf32>,
    %slice3A_108 = vector.extract_strided_slice %max3A_35 {offsets = [0, 256], sizes = [256, 64], strides = [1, 1]} : vector<256x512xf32> to vector<256x64xf32>
    %get3A_109 = arith.constant 0 : index
    %get3A_110 = arith.constant 0 : index
    %get3A_111 = vector.load %arg5[%get3A_109, %get3A_110] : memref<64x64xf32, #tpu.memory_space<vmem>>, vector<64x64xf32>
    %convert_element_type3A_112 = arith.truncf %slice3A_108 : vector<256x64xf32> to vector<256x64xbf16>
    %convert_element_type3A_113 = arith.truncf %get3A_111 : vector<64x64xf32> to vector<64x64xbf16>
    %dot_general3A_114 = arith.constant dense<0.000000e+00> : vector<256x64xf32>
    %dot_general3A_115 = tpu.matmul %convert_element_type3A_112, %convert_element_type3A_113, %dot_general3A_114 {dimension_numbers = #tpu.dot_dimension_numbers<[1], [1], [0], [0], [0, 0, 1, 0], [], []>, transpose_lhs_hint = false} : vector<256x64xbf16>, vector<64x64xbf16>, vector<256x64xf32> -> vector<256x64xf32>
    %get3A_116 = arith.constant 0 : index
    %get3A_117 = arith.constant 0 : index
    %get3A_118 = vector.load %arg6[%get3A_116, %get3A_117] : memref<1x64xf32, #tpu.memory_space<vmem>>, vector<1x64xf32>
    %add3A_119 = vector.broadcast %get3A_118 : vector<1x64xf32> to vector<256x64xf32>
    %add3A_120 = arith.addf %dot_general3A_115, %add3A_119 : vector<256x64xf32>
    %max3A_121 = arith.constant 0.000000e+00 : f32
    %max3A_122 = vector.broadcast %max3A_121 : f32 to vector<256x64xf32>
    %max3A_123 = arith.maximumf %add3A_120, %max3A_122 : vector<256x64xf32>
    %swap3A_124 = arith.constant 1024 : index
    %swap3A_125 = arith.constant 0 : index
    %swap3A_126 = vector.load %arg7[%swap3A_124, %swap3A_125] : memref<2048x64xf32, #tpu.memory_space<vmem>>, vector<256x64xf32>
    tpu.vector_store %arg7[%swap3A_124, %swap3A_125], %max3A_123 {strides = array<i32>} : memref<2048x64xf32, #tpu.memory_space<vmem>>, vector<256x64xf32>,
    %slice3A_127 = vector.extract_strided_slice %max3A_35 {offsets = [0, 320], sizes = [256, 64], strides = [1, 1]} : vector<256x512xf32> to vector<256x64xf32>
    %get3A_128 = arith.constant 0 : index
    %get3A_129 = arith.constant 0 : index
    %get3A_130 = vector.load %arg5[%get3A_128, %get3A_129] : memref<64x64xf32, #tpu.memory_space<vmem>>, vector<64x64xf32>
    %convert_element_type3A_131 = arith.truncf %slice3A_127 : vector<256x64xf32> to vector<256x64xbf16>
    %convert_element_type3A_132 = arith.truncf %get3A_130 : vector<64x64xf32> to vector<64x64xbf16>
    %dot_general3A_133 = arith.constant dense<0.000000e+00> : vector<256x64xf32>
    %dot_general3A_134 = tpu.matmul %convert_element_type3A_131, %convert_element_type3A_132, %dot_general3A_133 {dimension_numbers = #tpu.dot_dimension_numbers<[1], [1], [0], [0], [0, 0, 1, 0], [], []>, transpose_lhs_hint = false} : vector<256x64xbf16>, vector<64x64xbf16>, vector<256x64xf32> -> vector<256x64xf32>
    %get3A_135 = arith.constant 0 : index
    %get3A_136 = arith.constant 0 : index
    %get3A_137 = vector.load %arg6[%get3A_135, %get3A_136] : memref<1x64xf32, #tpu.memory_space<vmem>>, vector<1x64xf32>
    %add3A_138 = vector.broadcast %get3A_137 : vector<1x64xf32> to vector<256x64xf32>
    %add3A_139 = arith.addf %dot_general3A_134, %add3A_138 : vector<256x64xf32>
    %max3A_140 = arith.constant 0.000000e+00 : f32
    %max3A_141 = vector.broadcast %max3A_140 : f32 to vector<256x64xf32>
    %max3A_142 = arith.maximumf %add3A_139, %max3A_141 : vector<256x64xf32>
    %swap3A_143 = arith.constant 1280 : index
    %swap3A_144 = arith.constant 0 : index
    %swap3A_145 = vector.load %arg7[%swap3A_143, %swap3A_144] : memref<2048x64xf32, #tpu.memory_space<vmem>>, vector<256x64xf32>
    tpu.vector_store %arg7[%swap3A_143, %swap3A_144], %max3A_142 {strides = array<i32>} : memref<2048x64xf32, #tpu.memory_space<vmem>>, vector<256x64xf32>,
    %slice3A_146 = vector.extract_strided_slice %max3A_35 {offsets = [0, 384], sizes = [256, 64], strides = [1, 1]} : vector<256x512xf32> to vector<256x64xf32>
    %get3A_147 = arith.constant 0 : index
    %get3A_148 = arith.constant 0 : index
    %get3A_149 = vector.load %arg5[%get3A_147, %get3A_148] : memref<64x64xf32, #tpu.memory_space<vmem>>, vector<64x64xf32>
    %convert_element_type3A_150 = arith.truncf %slice3A_146 : vector<256x64xf32> to vector<256x64xbf16>
    %convert_element_type3A_151 = arith.truncf %get3A_149 : vector<64x64xf32> to vector<64x64xbf16>
    %dot_general3A_152 = arith.constant dense<0.000000e+00> : vector<256x64xf32>
    %dot_general3A_153 = tpu.matmul %convert_element_type3A_150, %convert_element_type3A_151, %dot_general3A_152 {dimension_numbers = #tpu.dot_dimension_numbers<[1], [1], [0], [0], [0, 0, 1, 0], [], []>, transpose_lhs_hint = false} : vector<256x64xbf16>, vector<64x64xbf16>, vector<256x64xf32> -> vector<256x64xf32>
    %get3A_154 = arith.constant 0 : index
    %get3A_155 = arith.constant 0 : index
    %get3A_156 = vector.load %arg6[%get3A_154, %get3A_155] : memref<1x64xf32, #tpu.memory_space<vmem>>, vector<1x64xf32>
    %add3A_157 = vector.broadcast %get3A_156 : vector<1x64xf32> to vector<256x64xf32>
    %add3A_158 = arith.addf %dot_general3A_153, %add3A_157 : vector<256x64xf32>
    %max3A_159 = arith.constant 0.000000e+00 : f32
    %max3A_160 = vector.broadcast %max3A_159 : f32 to vector<256x64xf32>
    %max3A_161 = arith.maximumf %add3A_158, %max3A_160 : vector<256x64xf32>
    %swap3A_162 = arith.constant 1536 : index
    %swap3A_163 = arith.constant 0 : index
    %swap3A_164 = vector.load %arg7[%swap3A_162, %swap3A_163] : memref<2048x64xf32, #tpu.memory_space<vmem>>, vector<256x64xf32>
    tpu.vector_store %arg7[%swap3A_162, %swap3A_163], %max3A_161 {strides = array<i32>} : memref<2048x64xf32, #tpu.memory_space<vmem>>, vector<256x64xf32>,
    %slice3A_165 = vector.extract_strided_slice %max3A_35 {offsets = [0, 448], sizes = [256, 64], strides = [1, 1]} : vector<256x512xf32> to vector<256x64xf32>
    %get3A_166 = arith.constant 0 : index
    %get3A_167 = arith.constant 0 : index
    %get3A_168 = vector.load %arg5[%get3A_166, %get3A_167] : memref<64x64xf32, #tpu.memory_space<vmem>>, vector<64x64xf32>
    %convert_element_type3A_169 = arith.truncf %slice3A_165 : vector<256x64xf32> to vector<256x64xbf16>
    %convert_element_type3A_170 = arith.truncf %get3A_168 : vector<64x64xf32> to vector<64x64xbf16>
    %dot_general3A_171 = arith.constant dense<0.000000e+00> : vector<256x64xf32>
    %dot_general3A_172 = tpu.matmul %convert_element_type3A_169, %convert_element_type3A_170, %dot_general3A_171 {dimension_numbers = #tpu.dot_dimension_numbers<[1], [1], [0], [0], [0, 0, 1, 0], [], []>, transpose_lhs_hint = false} : vector<256x64xbf16>, vector<64x64xbf16>, vector<256x64xf32> -> vector<256x64xf32>
    %get3A_173 = arith.constant 0 : index
    %get3A_174 = arith.constant 0 : index
    %get3A_175 = vector.load %arg6[%get3A_173, %get3A_174] : memref<1x64xf32, #tpu.memory_space<vmem>>, vector<1x64xf32>
    %add3A_176 = vector.broadcast %get3A_175 : vector<1x64xf32> to vector<256x64xf32>
    %add3A_177 = arith.addf %dot_general3A_172, %add3A_176 : vector<256x64xf32>
    %max3A_178 = arith.constant 0.000000e+00 : f32
    %max3A_179 = vector.broadcast %max3A_178 : f32 to vector<256x64xf32>
    %max3A_180 = arith.maximumf %add3A_177, %max3A_179 : vector<256x64xf32>
    %swap3A_181 = arith.constant 1792 : index
    %swap3A_182 = arith.constant 0 : index
    %swap3A_183 = vector.load %arg7[%swap3A_181, %swap3A_182] : memref<2048x64xf32, #tpu.memory_space<vmem>>, vector<256x64xf32>
    tpu.vector_store %arg7[%swap3A_181, %swap3A_182], %max3A_180 {strides = array<i32>} : memref<2048x64xf32, #tpu.memory_space<vmem>>, vector<256x64xf32>,
    return
  }
  func.func @transform_0(%arg0: i32) -> (i32, i32) {
    %c0_i32 = arith.constant 0 : i32
    %c0_i32_0 = arith.constant 0 : i32
    return %c0_i32, %arg0 : i32, i32
  }
  func.func @transform_1(%arg0: i32) -> (i32, i32) {
    %c0_i32 = arith.constant 0 : i32
    %c0_i32_0 = arith.constant 0 : i32
    %c0_i32_1 = arith.constant 0 : i32
    return %c0_i32, %c0_i32_0 : i32, i32
  }
  func.func @transform_2(%arg0: i32) -> (i32, i32) {
    %c0_i32 = arith.constant 0 : i32
    %c0_i32_0 = arith.constant 0 : i32
    %c0_i32_1 = arith.constant 0 : i32
    return %c0_i32, %c0_i32_0 : i32, i32
  }
  func.func @transform_3(%arg0: i32) -> (i32, i32) {
    %c0_i32 = arith.constant 0 : i32
    %c0_i32_0 = arith.constant 0 : i32
    %c0_i32_1 = arith.constant 0 : i32
    return %c0_i32, %c0_i32_0 : i32, i32
  }
  func.func @transform_4(%arg0: i32) -> (i32, i32) {
    %c0_i32 = arith.constant 0 : i32
    %c0_i32_0 = arith.constant 0 : i32
    %c0_i32_1 = arith.constant 0 : i32
    return %c0_i32, %c0_i32_0 : i32, i32
  }
  func.func @transform_5(%arg0: i32) -> (i32, i32) {
    %c0_i32 = arith.constant 0 : i32
    %c0_i32_0 = arith.constant 0 : i32
    %c0_i32_1 = arith.constant 0 : i32
    return %c0_i32, %c0_i32_0 : i32, i32
  }
  func.func @transform_6(%arg0: i32) -> (i32, i32) {
    %c0_i32 = arith.constant 0 : i32
    %c0_i32_0 = arith.constant 0 : i32
    return %arg0, %c0_i32 : i32, i32
  }
}

module attributes {stable_mosaic.version = 14 : i64} {
  func.func @_readout_body(%arg0: memref<64x16384xf32, #tpu.memory_space<vmem>>, %arg1: memref<64x16384xf32, #tpu.memory_space<vmem>>, %arg2: memref<1x64xf32, #tpu.memory_space<vmem>>, %arg3: memref<10x64xf32, #tpu.memory_space<vmem>>, %arg4: memref<1x10xf32, #tpu.memory_space<vmem>>, %arg5: memref<64x10xf32, #tpu.memory_space<vmem>>) attributes {dimension_semantics = [], scalar_prefetch = 0 : i64, scratch_operands = 0 : i64, tpu.core_type = #tpu.core_type<tc>} {
    %get3A = arith.constant 0 : index
    %get3A_0 = arith.constant 0 : index
    %get3A_1 = vector.load %arg0[%get3A, %get3A_0] : memref<64x16384xf32, #tpu.memory_space<vmem>>, vector<64x16384xf32>
    %get3A_2 = arith.constant 0 : index
    %get3A_3 = arith.constant 0 : index
    %get3A_4 = vector.load %arg1[%get3A_2, %get3A_3] : memref<64x16384xf32, #tpu.memory_space<vmem>>, vector<64x16384xf32>
    %convert_element_type3A = arith.truncf %get3A_1 : vector<64x16384xf32> to vector<64x16384xbf16>
    %convert_element_type3A_5 = arith.truncf %get3A_4 : vector<64x16384xf32> to vector<64x16384xbf16>
    %dot_general3A = arith.constant dense<0.000000e+00> : vector<64x64xf32>
    %dot_general3A_6 = tpu.matmul %convert_element_type3A, %convert_element_type3A_5, %dot_general3A {dimension_numbers = #tpu.dot_dimension_numbers<[1], [1], [0], [0], [0, 0, 1, 0], [], []>, transpose_lhs_hint = false} : vector<64x16384xbf16>, vector<64x16384xbf16>, vector<64x64xf32> -> vector<64x64xf32>
    %get3A_7 = arith.constant 0 : index
    %get3A_8 = arith.constant 0 : index
    %get3A_9 = vector.load %arg2[%get3A_7, %get3A_8] : memref<1x64xf32, #tpu.memory_space<vmem>>, vector<1x64xf32>
    %add3A = vector.broadcast %get3A_9 : vector<1x64xf32> to vector<64x64xf32>
    %add3A_10 = arith.addf %dot_general3A_6, %add3A : vector<64x64xf32>
    %max3A = arith.constant 0.000000e+00 : f32
    %max3A_11 = vector.broadcast %max3A : f32 to vector<64x64xf32>
    %max3A_12 = arith.maximumf %add3A_10, %max3A_11 : vector<64x64xf32>
    %get3A_13 = arith.constant 0 : index
    %get3A_14 = arith.constant 0 : index
    %get3A_15 = vector.load %arg3[%get3A_13, %get3A_14] : memref<10x64xf32, #tpu.memory_space<vmem>>, vector<10x64xf32>
    %convert_element_type3A_16 = arith.truncf %max3A_12 : vector<64x64xf32> to vector<64x64xbf16>
    %convert_element_type3A_17 = arith.truncf %get3A_15 : vector<10x64xf32> to vector<10x64xbf16>
    %dot_general3A_18 = arith.constant dense<0.000000e+00> : vector<64x10xf32>
    %dot_general3A_19 = tpu.matmul %convert_element_type3A_16, %convert_element_type3A_17, %dot_general3A_18 {dimension_numbers = #tpu.dot_dimension_numbers<[1], [1], [0], [0], [0, 0, 1, 0], [], []>, transpose_lhs_hint = false} : vector<64x64xbf16>, vector<10x64xbf16>, vector<64x10xf32> -> vector<64x10xf32>
    %get3A_20 = arith.constant 0 : index
    %get3A_21 = arith.constant 0 : index
    %get3A_22 = vector.load %arg4[%get3A_20, %get3A_21] : memref<1x10xf32, #tpu.memory_space<vmem>>, vector<1x10xf32>
    %add3A_23 = vector.broadcast %get3A_22 : vector<1x10xf32> to vector<64x10xf32>
    %add3A_24 = arith.addf %dot_general3A_19, %add3A_23 : vector<64x10xf32>
    %swap3A = arith.constant 0 : index
    %swap3A_25 = arith.constant 0 : index
    %swap3A_26 = vector.load %arg5[%swap3A, %swap3A_25] : memref<64x10xf32, #tpu.memory_space<vmem>>, vector<64x10xf32>
    tpu.vector_store %arg5[%swap3A, %swap3A_25], %add3A_24 {strides = array<i32>} : memref<64x10xf32, #tpu.memory_space<vmem>>, vector<64x10xf32>,
    return
  }
}

</mosaic_0001>

<sc_bundles>
// kernel: kernel.8.cloned.1.call-start
scs
__scs_entry_jumppad:
0x0: {  	(pc) =	sbr.rel $0x88, $3  }
0x1: {  	(tag) =	ssettag $0x0;
	lr =	simm.s32 $0x1  }
0x2: {  	[smem:$0x3F8D] =	sst lr;
	_ =	strace $0xD0000000  }
0x3: {  	_ = 	snop  }
0x4: {  	_ = 	snop  }
0x5: {  	_ = 	snop  }
0x6: {  	_ = 	snop  }
0x7: {  	_ = 	snop  }
__scs_overlays_trampoline_lowered:
0x8: {  	[smem:$0x3F9C] =	sst s0  }
0x9: {  	[smem:$0x3F9D] =	sst s1  }
0xa: {  	[smem:$0x3F9E] =	sst s2  }
0xb: {  	[smem:$0x3F9F] =	sst s3  }
0xc: {  	[smem:$0x3FA0] =	sst s4  }
0xd: {  	[smem:$0x3FA1] =	sst s5  }
0xe: {  	[smem:$0x3FA2] =	sst s6  }
0xf: {  	[smem:$0x3FA3] =	sst s7  }
0x10: {  	[smem:$0x3FA4] =	sst s8  }
0x11: {  	[smem:$0x3FA5] =	sst s9;
	s0 =	simm.s32 @!p0 $0x0  }
0x12: {  	s1 =	sld [smem:$0x3F8B];
	s0 =	simm.s32 @p0 $0x1  }
0x13: {  	[smem:$0x3FA6] =	sst s0;
	s0 =	simm.s32 @!p1 $0x0  }
0x14: {  	s2 =	sld [smem:$0x3F8A];
	s0 =	simm.s32 @p1 $0x1  }
0x15: {  	[smem:$0x3FA7] =	sst s0;
	s0 =	simm.s32 @!p2 $0x0  }
0x16: {  	s3 =	sld [smem:$0x3FDB];
	s0 =	simm.s32 @p2 $0x1  }
0x17: {  	s4 =	simm.s32 $0x1BF5;
	[smem:$0x3FA9] =	sst s0  }
0x18: {  	s0 =	sld [smem:$0x3F8C];
	_ =	swait.ge [sflag:s4], $0x0  }
0x19: {  	s7 =	sld [smem:$0x3F8D]  }
0x1a: {  	s8 =	sadd.s32 $0xFFFFE003, lr  }
0x1b: {  	s9 =	sadd.s32 $0xFFFFFEF7, lr;
	s5 =	simm.s32 $0xFFFFFFFF;
	p2 =	slt.u32 s8, $0xFFFFF086  }
0x1c: {  	p1 =	slt.u32 s9, $0xF7A;
	s5 =	simm.s32 @!p2 $0x0  }
0x1d: {  	s5 =	simm.s32 @p1 $0x1;
	p0 =	seq.s32 s7, s2  }
0x1e: {  	s7 =	smul.u32 @!p0 $0xF7A, s2;
	p2 =	seq.s32 @!p0 s5, $0x0  }
0x1f: {  	s9 =	smul.u32 $0xF7A, s1;
	s8 =	simm.s32 @!p0 $0x1BF5;
	p2 =	por !p2, p0  }
0x20: {  	[sflag:s8] =	ssyncset.s32 @!p0 $0xFFFFF086;
	s6 =	sadd.s32 @!p0 s3, s7;
	s7 =	simm.s32 @!p0 $0x108  }
0x21: {  	s3 =	sadd.s32 s3, s9;
	s6 =	sadd.s32 @!p0 $0x88, s6;
	s7 =	simm.s32 @p2 $0x1082  }
0x22: {  	[simem:s7], [sflag:s8] =	dma.local @!p0 [hbm:s6], $0xF7A  }
0x23: {  	s9 =	sor.u32 $0xD0000000, s2;
	s6 =	simm.s32 $0x108;
	_ =	swait.ge @!p0 [sflag:s8], $0x0  }
0x24: {  	s3 =	sadd.s32 $0x88, s3;
	s6 =	simm.s32 @!p1 $0x1082;
	[sflag:s4] =	ssyncset.s32 $0xFFFFF086  }
0x25: {  	[simem:s6], [sflag:s4] =	dma.local [hbm:s3], $0xF7A  }
0x26: {  	[smem:$0x3F8D] =	sst s1;
	(tag) =	ssettag s2;
	_ =	strace s9  }
0x27: {  	s1 =	sld [smem:$0x3F9D]  }
0x28: {  	s2 =	sld [smem:$0x3F9E]  }
0x29: {  	s4 =	sld [smem:$0x3FA0]  }
0x2a: {  	p0 =	seq.s32 s5, $0x0;
	s5 =	sld [smem:$0x3FA1]  }
0x2b: {  	s6 =	sld [smem:$0x3FA2]  }
0x2c: {  	s7 =	sld [smem:$0x3FA3]  }
0x2d: {  	s3 =	simm.s32 $0x108;
	s8 =	sld [smem:$0x3FA4]  }
0x2e: {  	s3 =	simm.s32 @!p0 $0x1082;
	s9 =	sld [smem:$0x3FA5]  }
0x2f: {  	lr =	sadd.s32 s0, s3;
	s0 =	sld [smem:$0x3F9C]  }
0x30: {  	s3 =	sld [smem:$0x3F9F]  }
0x31: {  	[smem:$0x3FA8] =	sst s10  }
0x32: {  	s10 =	sld [smem:$0x3FA6];
	_ =	sdelay $0x3  }
0x33: {  	p0 =	seq.s32 s10, $0x1;
	s10 =	sld [smem:$0x3FA8];
	_ =	sdelay $0x3  }
0x34: {  	[smem:$0x3FA8] =	sst s10  }
0x35: {  	s10 =	sld [smem:$0x3FA7];
	_ =	sdelay $0x3  }
0x36: {  	p1 =	seq.s32 s10, $0x1;
	s10 =	sld [smem:$0x3FA8];
	_ =	sdelay $0x3  }
0x37: {  	[smem:$0x3FA8] =	sst s10  }
0x38: {  	s10 =	sld [smem:$0x3FA9]  }
0x39: {  	_ = 	snop;
	(pc) =	sbr.ind lr, $3  }
0x3a: {  	_ = 	snop  }
0x3b: {  	_ = 	snop  }
0x3c: {  	p2 =	seq.s32 s10, $0x1;
	s10 =	sld [smem:$0x3FA8]  }
0x3d: {  	_ =	shalt  }
0x3e: {  	_ =	shalt  }
0x3f: {  	_ =	shalt  }
0x40: {  	_ =	shalt  }
0x41: {  	_ =	shalt  }
0x42: {  	_ =	shalt  }
0x43: {  	_ =	shalt  }
0x44: {  	_ =	shalt  }
0x45: {  	_ =	shalt  }
0x46: {  	_ =	shalt  }
0x47: {  	_ =	shalt  }
0x48: {  	_ =	shalt  }
0x49: {  	_ =	shalt  }
0x4a: {  	_ =	shalt  }
0x4b: {  	_ =	shalt  }
0x4c: {  	_ =	shalt  }
0x4d: {  	_ =	shalt  }
0x4e: {  	_ =	shalt  }
0x4f: {  	_ =	shalt  }
0x50: {  	_ =	shalt  }
0x51: {  	_ =	shalt  }
0x52: {  	_ =	shalt  }
0x53: {  	_ =	shalt  }
0x54: {  	_ =	shalt  }
0x55: {  	_ =	shalt  }
0x56: {  	_ =	shalt  }
0x57: {  	_ =	shalt  }
0x58: {  	_ =	shalt  }
0x59: {  	_ =	shalt  }
0x5a: {  	_ =	shalt  }
0x5b: {  	_ =	shalt  }
0x5c: {  	_ =	shalt  }
0x5d: {  	_ =	shalt  }
0x5e: {  	_ =	shalt  }
0x5f: {  	_ =	shalt  }
0x60: {  	_ =	shalt  }
0x61: {  	_ =	shalt  }
0x62: {  	_ =	shalt  }
0x63: {  	_ =	shalt  }
0x64: {  	_ =	shalt  }
0x65: {  	_ =	shalt  }
0x66: {  	_ =	shalt  }
0x67: {  	_ =	shalt  }
0x68: {  	_ =	shalt  }
0x69: {  	_ =	shalt  }
0x6a: {  	_ =	shalt  }
0x6b: {  	_ =	shalt  }
0x6c: {  	_ =	shalt  }
0x6d: {  	_ =	shalt  }
0x6e: {  	_ =	shalt  }
0x6f: {  	_ =	shalt  }
0x70: {  	_ =	shalt  }
0x71: {  	_ =	shalt  }
0x72: {  	_ =	shalt  }
0x73: {  	_ =	shalt  }
0x74: {  	_ =	shalt  }
0x75: {  	_ =	shalt  }
0x76: {  	_ =	shalt  }
0x77: {  	_ =	shalt  }
0x78: {  	_ =	shalt  }
0x79: {  	_ =	shalt  }
0x7a: {  	_ =	shalt  }
0x7b: {  	_ =	shalt  }
0x7c: {  	_ =	shalt  }
0x7d: {  	_ =	shalt  }
0x7e: {  	_ =	shalt  }
0x7f: {  	_ =	shalt  }
0x80: {  	_ =	shalt  }
0x81: {  	_ =	shalt  }
0x82: {  	_ =	shalt  }
0x83: {  	_ =	shalt  }
0x84: {  	_ =	shalt  }
0x85: {  	_ =	shalt  }
0x86: {  	_ =	shalt  }
0x87: {  	_ =	shalt  }
.Lfunc_end0:
.L_simem_size_0:
called_computation_lowered:
.L_overlay_start_0:
0x88: {  	s2 =	sld [smem:$0x3FD9]  }
0x89: {  	s3 =	sld [smem:$0x3FFE];
	_ =	sdelay $0x1  }
0x8a: {  	s1 =	srdreg.scid  }
0x8b: {  	s0 =	sand.u32 $0x1, s1  }
0x8c: {  	s17 =	sshll.u32 s0, $0xA;
	s2 =	sadd.s32 s3, s2  }
0x8d: {  	s2 =	sadd.s32 s2, s17  }
0x8e: {  	[smem:$0x3FB4] =	sst s2  }
0x8f: {  	_ = 	snop  }
0x90: {  	s2 =	sld [smem:$0x3FD0];
	(tm) =	ssettm $0x1  }
0x91: {  	s18 =	sld [smem:$0x3FFB];
	_ =	sdelay $0x3  }
0x92: {  	_ =	strace s18  }
0x93: {  	s3 =	sld [smem:$0x3FFC];
	_ =	sdelay $0x3  }
0x94: {  	_ =	strace s3  }
0x95: {  	s3 =	sld [smem:$0x3FFD];
	_ =	sdelay $0x3  }
0x96: {  	_ =	strace s3  }
0x97: {  	_ =	strace $0x8FFFFFFF  }
0x98: {  	s19 =	sld [smem:$0x3FDB];
	_ =	sdelay $0x1  }
0x99: {  	s4 =	simm.s32 $_scs_section_size  }
0x9a: {  	s5 =	simm.s32 $_size__tile_overlayer_lowered;
	s6 =	simm.s32 $_tile_overlayer_lowered  }
0x9b: {  	s22 =	simm.s32 $0x1BFF;
	s21 =	sshll.u32 s6, $0x1;
	s3 =	sadd.s32 s4, s19  }
0x9c: {  	s7 =	simm.s32 $0x0;
	s20 =	sshll.u32 s5, $0x1;
	s5 =	sadd.s32 s21, s3  }
0x9d: {  	[timem:s7], [sflag:s22] =	dma.local [hbm:s5], s20  }
0x9e: {  	_ =	swait.ge [sflag:s22], s20  }
0x9f: {  	s4 =	ssub.s32 $0x0, s20;
	[sflag:s22] =	ssyncset.done $0x0  }
0xa0: {  	[sflag:s22] =	ssyncadd.s32 s4;
	_ =	sdelay $0x1  }
0xa1: {  	s23 =	simm.s32 $0x1B8B  }
0xa2: {  	_ =	swait.ge [sflag:s23], $0x1  }
0xa3: {  	[sflag:s23] =	ssyncset.done $0x0  }
0xa4: {  	s25 =	simm.s32 $0x1B8E;
	s24 =	sld [smem:$0x3FFE];
	[sflag:s23] =	ssyncadd.s32 $0xFFFFFFFF  }
0xa5: {  	s26 =	simm.s32 $execute0_lowered;
	[smem:$0x3FD2] =	sst s25  }
0xa6: {  	s5 =	sshll.u32 s26, $0x1;
	_ =	strace $0x80000046;
	[dreg:$0x1] =	wrdreg $0xFFFFFFFF  }
0xa7: {  	s28 =	simm.s32 $_size_execute0_lowered;
	s3 =	sadd.s32 s3, s5;
	[dreg:$0x0] =	wrdreg $0x0  }
0xa8: {  	s5 =	sshll.u32 s28, $0x1;
	[dreg:$0x2] =	wrdreg s3  }
0xa9: {  	[dreg:$0x3] =	wrdreg s5  }
0xaa: {  	[dreg:$0x4] =	wrdreg $0xC0  }
0xab: {  	_ =	task [dreg:s7], $0x5FFFF  }
0xac: {  	[dreg:$0x1] =	wrdreg $0xFFFFFFFF  }
0xad: {  	[dreg:$0x0] =	wrdreg $0x60  }
0xae: {  	[dreg:$0x2] =	wrdreg s24  }
0xaf: {  	[dreg:$0x3] =	wrdreg s2  }
0xb0: {  	[dreg:$0x4] =	wrdreg $0x8800  }
0xb1: {  	[dreg:$0x5] =	wrdreg $0x108800  }
0xb2: {  	[dreg:$0x6] =	wrdreg $0x148800  }
0xb3: {  	[dreg:$0x7] =	wrdreg $0x9  }
0xb4: {  	_ =	task.clear_ibuf [dreg:s7], $0x8FFFF;
	_ =	strace $0x90000046  }
0xb5: {  	s29 =	simm.s32 $0x9;
	_ =	strace $0x80000048  }
0xb6: {  	_ =	swait.ge [sflag:s29], $0x1  }
0xb7: {  	[sflag:s29] =	ssyncadd.s32 $0xFFFFFFFF  }
0xb8: {  	_ =	strace $0x90000048  }
0xb9: {  	_ =	sfence  }
0xba: {  	s30 =	sld [smem:$0x0];
	_ =	sdelay $0x2  }
0xbb: {  	s31 =	sshll.u32 s1, $0xD;
	s1 =	sshrl.u32 s1, $0x2  }
0xbc: {  	s3 =	sand.u32 $0x4000, s31;
	s1 =	sadd.s32 s1, s30  }
0xbd: {  	s0 =	sor.u32 s3, s0;
	s1 =	sshll.u32 s1, $0x11  }
0xbe: {  	s0 =	sor.u32 s1, s0  }
0xbf: {  	s0 =	sadd.s32 $0x8F2B, s0  }
0xc0: {  	[sflag:s0] =	ssyncadd.remote.s32 $0x1  }
0xc1: {  	_ =	sfence.sel $0xFFFF  }
0xc2: {  	[dreg:$0x0] =	wrdreg $0xFFFFFFFF;
	(pc) =	sbr.abs _section_cstart, $3  }
0xc3: {  	[dreg:$0x1] =	wrdreg $0xFFFFFFFF  }
0xc4: {  	_ =	task.clear_ibuf [dreg:s7], $0x2FFFF;
	_ =	strace $0x9FFFFFFF  }
0xc5: {  	(tm) =	ssettm $0x7FFFFFFF  }
tec
execute0_lowered:
.L_overlay_start_1:
0x0: {  	(tag) =	ssettag $0x1  }
0x1: {  	s7 =	rddreg [dreg:$0x0]  }
0x2: {  	s8 =	rddreg [dreg:$0x1]  }
0x3: {  	s1 =	rddreg [dreg:$0x2]  }
0x4: {  	s2 =	rddreg [dreg:$0x3]  }
0x5: {  	s4 =	rddreg [dreg:$0x4]  }
0x6: {  	s0 =	rddreg [dreg:$0x5]  }
0x7: {  	s5 =	simm.s32 $0x0;
	s3 =	stileid.u32;
	s15 =	srdreg.scid  }
0x8: {  	s21 =	simm.s32 $0x800;
	[smem:$0x7FF] =	sst s5;
	s6 =	sshll.u32 s3, $0x7  }
0x9: {  	s9 =	sshll.u32 s3, $0x3;
	s24 =	sshll.u32 s3, $0x5;
	s12 =	sshll.u32 s3, $0xD  }
0xa: {  	s13 =	sshll.u32 s3, $0xB;
	s18 =	sand.u32 $0x1, s15;
	s26 =	sshll.u32 s3, $0x9  }
0xb: {  	s17 =	sshll.u32 s3, $0x10;
	s29 =	sshll.u32 s3, $0xC;
	s31 =	sshll.u32 s3, $0x6  }
0xc: {  	_ =	strace $0x80000047;
	s14 =	sadd.s32 s6, s7;
	s10 =	sadd.s32 s9, s7  }
0xd: {  	s11 =	sadd.s32 s24, s7;
	s6 =	sadd.s32 $0x5000, s7;
	s16 =	sadd.s32 s12, s7  }
0xe: {  	s25 =	sadd.s32 s13, s7;
	s15 =	ssub.s32 $0x2, s18;
	s13 =	sadd.s32 s26, s7  }
0xf: {  	s19 =	sshrl.u32 s17, $0x2;
	s23 =	sadd.s32 s29, s4;
	s8 =	sadd.s32 s8, s9  }
0x10: {  	s30 =	sadd.s32 s17, s1;
	s17 =	sor.u32 $0x1C01, s31;
	p0 =	sne.s32 s18, $0x0  }
0x11: {  	s28 =	sshrl.u32 s15, $0x1;
	s22 =	sadd.s32 s19, s2;
	s7 =	sadd.s32 $0x4E00, s10  }
.Ltmp0:
0x12: {  	s9 =	sadd.s32 $0x4C00, s11;
	s10 =	sadd.s32 $0x4A00, s11;
	(pc) =	sbr.rel .LBB2_1-.Ltmp0, $4  }
0x13: {  	s11 =	sadd.s32 $0x27000, s25;
	s12 =	sadd.s32 $0x2F000, s13;
	s13 =	sadd.s32 $0x4200, s14  }
0x14: {  	s14 =	sadd.s32 $0x3A00, s14;
	s18 =	sshrl.u32 s30, $0x3;
	s19 =	simm.s32 $0x1  }
0x15: {  	s23 =	sshrl.u32 s23, $0x3;
	s20 =	ssub.s32 s15, s28;
	s15 =	sadd.s32 $0x7000, s16  }
0x16: {  	v0 =	vimm.f32 $1.000000000e+00;
	vm0 =	vmmov $0xffff;
	s22 =	sshrl.u32 s22, $0x3;
	s16 =	smax.u32 s20, $0x1;
	s20 =	simm.s32 $0x400  }
.LBB2_3:
0x17: {  	[spmem:s22], [sflag:s17] =	dma.local [hbm:s6], $0x800  }
0x18: {  	_ =	swait.ge [sflag:s19], $0x800  }
0x19: {  	[sflag:s19] =	ssyncset.done $0x0  }
0x1a: {  	[sflag:s19] =	ssyncadd.s32 $0xFFFFF800  }
0x1b: {  	[spmem:s23], [sflag:s17] =	dma.local [hbm:s6], $0x200  }
0x1c: {  	_ =	swait.ge [sflag:s19], $0x200  }
0x1d: {  	[sflag:s19] =	ssyncset.done $0x0  }
0x1e: {  	[sflag:s19] =	ssyncadd.s32 $0xFFFFFE00  }
0x1f: {  	[bflag:$0x0] =	sbarrier.arrive $0xFFFF  }
0x20: {  	[tilespmem:s5], [sflag:$0x1] =	stream.linear.gather [hbm4b:s7+s5], $0x40, $0x38;
	[tilespmem:$0x15880] =	vst v63  }
0x21: {  	_ =	swait.ge [sflag:s19], $0x40  }
0x22: {  	[sflag:s19] =	ssyncset.done $0x0  }
0x23: {  	[sflag:s19] =	ssyncadd.s32 $0xFFFFFFC0  }
0x24: {  	[tilespmem:s20], [sflag:$0x1] =	stream.linear.gather [hbm4b:s8+s5], $0x40, $0x38;
	[tilespmem:$0x15880] =	vst v63  }
0x25: {  	_ =	swait.ge [sflag:s19], $0x40  }
0x26: {  	[sflag:s19] =	ssyncset.done $0x0  }
0x27: {  	[sflag:s19] =	ssyncadd.s32 $0xFFFFFFC0  }
0x28: {  	v1 =	vld [tilespmem:$0x400]  }
0x29: {  	v2 =	vld [tilespmem:$0x0];
	_ =	sdelay $0x3  }
0x2a: {  	v1 =	vshll.u32 v1, $0xA  }
0x2b: {  	v1 =	vadd.s32 v2, v1;
	_ =	sdelay $0x4  }
0x2c: {  	[spmem:s2] =	stream.indirect_vreg.scatter.add.f32 [tilespmem:s21], [sflag:$0x1], $0x1, v1, vm0, $0xb8;
	[tilespmem:$0x15880] =	vst v63  }
0x2d: {  	_ =	swait.ge [sflag:s19], $0x10  }
0x2e: {  	[sflag:s19] =	ssyncset.done $0x0  }
0x2f: {  	[sflag:s19] =	ssyncadd.s32 $0xFFFFFFF0  }
0x30: {  	v1 =	vld [tilespmem:$0x410]  }
0x31: {  	v2 =	vld [tilespmem:$0x10];
	_ =	sdelay $0x3  }
0x32: {  	v1 =	vshll.u32 v1, $0xA  }
0x33: {  	v1 =	vadd.s32 v2, v1;
	_ =	sdelay $0x4  }
0x34: {  	[spmem:s2] =	stream.indirect_vreg.scatter.add.f32 [tilespmem:s21], [sflag:$0x1], $0x1, v1, vm0, $0xb8;
	[tilespmem:$0x15880] =	vst v63  }
0x35: {  	_ =	swait.ge [sflag:s19], $0x10  }
0x36: {  	[sflag:s19] =	ssyncset.done $0x0  }
0x37: {  	[sflag:s19] =	ssyncadd.s32 $0xFFFFFFF0  }
0x38: {  	v1 =	vld [tilespmem:$0x420]  }
0x39: {  	v2 =	vld [tilespmem:$0x20];
	_ =	sdelay $0x3  }
0x3a: {  	v1 =	vshll.u32 v1, $0xA  }
0x3b: {  	v1 =	vadd.s32 v2, v1;
	_ =	sdelay $0x4  }
0x3c: {  	[spmem:s2] =	stream.indirect_vreg.scatter.add.f32 [tilespmem:s21], [sflag:$0x1], $0x1, v1, vm0, $0xb8;
	[tilespmem:$0x15880] =	vst v63  }
0x3d: {  	_ =	swait.ge [sflag:s19], $0x10  }
0x3e: {  	[sflag:s19] =	ssyncset.done $0x0  }
0x3f: {  	[sflag:s19] =	ssyncadd.s32 $0xFFFFFFF0  }
0x40: {  	v1 =	vld [tilespmem:$0x430]  }
0x41: {  	v2 =	vld [tilespmem:$0x30];
	_ =	sdelay $0x3  }
0x42: {  	v1 =	vshll.u32 v1, $0xA  }
0x43: {  	v1 =	vadd.s32 v2, v1;
	_ =	sdelay $0x4  }
0x44: {  	[spmem:s2] =	stream.indirect_vreg.scatter.add.f32 [tilespmem:s21], [sflag:$0x1], $0x1, v1, vm0, $0xb8;
	[tilespmem:$0x15880] =	vst v63  }
0x45: {  	_ =	swait.ge [sflag:s19], $0x10  }
0x46: {  	[sflag:s19] =	ssyncset.done $0x0  }
0x47: {  	[sflag:s19] =	ssyncadd.s32 $0xFFFFFFF0  }
0x48: {  	[tilespmem:s5], [sflag:$0x1] =	stream.linear.gather [hbm4b:s9+s5], $0x100, $0x38;
	[tilespmem:$0x15880] =	vst v63  }
0x49: {  	_ =	swait.ge [sflag:s19], $0x100  }
0x4a: {  	[sflag:s19] =	ssyncset.done $0x0  }
0x4b: {  	[sflag:s19] =	ssyncadd.s32 $0xFFFFFF00  }
0x4c: {  	[tilespmem:s20], [sflag:$0x1] =	stream.linear.gather [hbm4b:s10+s5], $0x100, $0x38;
	[tilespmem:$0x15880] =	vst v63  }
0x4d: {  	_ =	swait.ge [sflag:s19], $0x100  }
0x4e: {  	[sflag:s19] =	ssyncset.done $0x0  }
0x4f: {  	[sflag:s19] =	ssyncadd.s32 $0xFFFFFF00  }
0x50: {  	v1 =	vld [tilespmem:$0x400]  }
0x51: {  	v2 =	vld [tilespmem:$0x0];
	_ =	sdelay $0x3  }
0x52: {  	v1 =	vshll.u32 v1, $0x8  }
0x53: {  	v1 =	vadd.s32 v2, v1;
	_ =	sdelay $0x4  }
0x54: {  	[spmem:s4] =	stream.indirect_vreg.scatter.add.f32 [tilespmem:s21], [sflag:$0x1], $0x1, v1, vm0, $0xb8;
	[tilespmem:$0x15880] =	vst v63  }
0x55: {  	_ =	swait.ge [sflag:s19], $0x10  }
0x56: {  	[sflag:s19] =	ssyncset.done $0x0  }
0x57: {  	[sflag:s19] =	ssyncadd.s32 $0xFFFFFFF0  }
0x58: {  	v1 =	vld [tilespmem:$0x410]  }
0x59: {  	v2 =	vld [tilespmem:$0x10];
	_ =	sdelay $0x3  }
0x5a: {  	v1 =	vshll.u32 v1, $0x8  }
0x5b: {  	v1 =	vadd.s32 v2, v1;
	_ =	sdelay $0x4  }
0x5c: {  	[spmem:s4] =	stream.indirect_vreg.scatter.add.f32 [tilespmem:s21], [sflag:$0x1], $0x1, v1, vm0, $0xb8;
	[tilespmem:$0x15880] =	vst v63  }
0x5d: {  	_ =	swait.ge [sflag:s19], $0x10  }
0x5e: {  	[sflag:s19] =	ssyncset.done $0x0  }
0x5f: {  	[sflag:s19] =	ssyncadd.s32 $0xFFFFFFF0  }
0x60: {  	v1 =	vld [tilespmem:$0x420]  }
0x61: {  	v2 =	vld [tilespmem:$0x20];
	_ =	sdelay $0x3  }
0x62: {  	v1 =	vshll.u32 v1, $0x8  }
0x63: {  	v1 =	vadd.s32 v2, v1;
	_ =	sdelay $0x4  }
0x64: {  	[spmem:s4] =	stream.indirect_vreg.scatter.add.f32 [tilespmem:s21], [sflag:$0x1], $0x1, v1, vm0, $0xb8;
	[tilespmem:$0x15880] =	vst v63  }
0x65: {  	_ =	swait.ge [sflag:s19], $0x10  }
0x66: {  	[sflag:s19] =	ssyncset.done $0x0  }
0x67: {  	[sflag:s19] =	ssyncadd.s32 $0xFFFFFFF0  }
0x68: {  	v1 =	vld [tilespmem:$0x430]  }
0x69: {  	v2 =	vld [tilespmem:$0x30];
	_ =	sdelay $0x3  }
0x6a: {  	v1 =	vshll.u32 v1, $0x8  }
0x6b: {  	v1 =	vadd.s32 v2, v1;
	_ =	sdelay $0x4  }
0x6c: {  	[spmem:s4] =	stream.indirect_vreg.scatter.add.f32 [tilespmem:s21], [sflag:$0x1], $0x1, v1, vm0, $0xb8;
	[tilespmem:$0x15880] =	vst v63  }
0x6d: {  	_ =	swait.ge [sflag:s19], $0x10  }
0x6e: {  	[sflag:s19] =	ssyncset.done $0x0  }
0x6f: {  	[sflag:s19] =	ssyncadd.s32 $0xFFFFFFF0  }
0x70: {  	v1 =	vld [tilespmem:$0x440]  }
0x71: {  	v2 =	vld [tilespmem:$0x40];
	_ =	sdelay $0x3  }
0x72: {  	v1 =	vshll.u32 v1, $0x8  }
0x73: {  	v1 =	vadd.s32 v2, v1;
	_ =	sdelay $0x4  }
0x74: {  	[spmem:s4] =	stream.indirect_vreg.scatter.add.f32 [tilespmem:s21], [sflag:$0x1], $0x1, v1, vm0, $0xb8;
	[tilespmem:$0x15880] =	vst v63  }
0x75: {  	_ =	swait.ge [sflag:s19], $0x10  }
0x76: {  	[sflag:s19] =	ssyncset.done $0x0  }
0x77: {  	[sflag:s19] =	ssyncadd.s32 $0xFFFFFFF0  }
0x78: {  	v1 =	vld [tilespmem:$0x450]  }
0x79: {  	v2 =	vld [tilespmem:$0x50];
	_ =	sdelay $0x3  }
0x7a: {  	v1 =	vshll.u32 v1, $0x8  }
0x7b: {  	v1 =	vadd.s32 v2, v1;
	_ =	sdelay $0x4  }
0x7c: {  	[spmem:s4] =	stream.indirect_vreg.scatter.add.f32 [tilespmem:s21], [sflag:$0x1], $0x1, v1, vm0, $0xb8;
	[tilespmem:$0x15880] =	vst v63  }
0x7d: {  	_ =	swait.ge [sflag:s19], $0x10  }
0x7e: {  	[sflag:s19] =	ssyncset.done $0x0  }
0x7f: {  	[sflag:s19] =	ssyncadd.s32 $0xFFFFFFF0  }
0x80: {  	v1 =	vld [tilespmem:$0x460]  }
0x81: {  	v2 =	vld [tilespmem:$0x60];
	_ =	sdelay $0x3  }
0x82: {  	v1 =	vshll.u32 v1, $0x8  }
0x83: {  	v1 =	vadd.s32 v2, v1;
	_ =	sdelay $0x4  }
0x84: {  	[spmem:s4] =	stream.indirect_vreg.scatter.add.f32 [tilespmem:s21], [sflag:$0x1], $0x1, v1, vm0, $0xb8;
	[tilespmem:$0x15880] =	vst v63  }
0x85: {  	_ =	swait.ge [sflag:s19], $0x10  }
0x86: {  	[sflag:s19] =	ssyncset.done $0x0  }
0x87: {  	[sflag:s19] =	ssyncadd.s32 $0xFFFFFFF0  }
0x88: {  	v1 =	vld [tilespmem:$0x470]  }
0x89: {  	v2 =	vld [tilespmem:$0x70];
	_ =	sdelay $0x3  }
0x8a: {  	v1 =	vshll.u32 v1, $0x8  }
0x8b: {  	v1 =	vadd.s32 v2, v1;
	_ =	sdelay $0x4  }
0x8c: {  	[spmem:s4] =	stream.indirect_vreg.scatter.add.f32 [tilespmem:s21], [sflag:$0x1], $0x1, v1, vm0, $0xb8;
	[tilespmem:$0x15880] =	vst v63  }
0x8d: {  	_ =	swait.ge [sflag:s19], $0x10  }
0x8e: {  	[sflag:s19] =	ssyncset.done $0x0  }
0x8f: {  	[sflag:s19] =	ssyncadd.s32 $0xFFFFFFF0  }
0x90: {  	v1 =	vld [tilespmem:$0x480]  }
0x91: {  	v2 =	vld [tilespmem:$0x80];
	_ =	sdelay $0x3  }
0x92: {  	v1 =	vshll.u32 v1, $0x8  }
0x93: {  	v1 =	vadd.s32 v2, v1;
	_ =	sdelay $0x4  }
0x94: {  	[spmem:s4] =	stream.indirect_vreg.scatter.add.f32 [tilespmem:s21], [sflag:$0x1], $0x1, v1, vm0, $0xb8;
	[tilespmem:$0x15880] =	vst v63  }
0x95: {  	_ =	swait.ge [sflag:s19], $0x10  }
0x96: {  	[sflag:s19] =	ssyncset.done $0x0  }
0x97: {  	[sflag:s19] =	ssyncadd.s32 $0xFFFFFFF0  }
0x98: {  	v1 =	vld [tilespmem:$0x490]  }
0x99: {  	v2 =	vld [tilespmem:$0x90];
	_ =	sdelay $0x3  }
0x9a: {  	v1 =	vshll.u32 v1, $0x8  }
0x9b: {  	v1 =	vadd.s32 v2, v1;
	_ =	sdelay $0x4  }
0x9c: {  	[spmem:s4] =	stream.indirect_vreg.scatter.add.f32 [tilespmem:s21], [sflag:$0x1], $0x1, v1, vm0, $0xb8;
	[tilespmem:$0x15880] =	vst v63  }
0x9d: {  	_ =	swait.ge [sflag:s19], $0x10  }
0x9e: {  	[sflag:s19] =	ssyncset.done $0x0  }
0x9f: {  	[sflag:s19] =	ssyncadd.s32 $0xFFFFFFF0  }
0xa0: {  	v1 =	vld [tilespmem:$0x4A0]  }
0xa1: {  	v2 =	vld [tilespmem:$0xA0];
	_ =	sdelay $0x3  }
0xa2: {  	v1 =	vshll.u32 v1, $0x8  }
0xa3: {  	v1 =	vadd.s32 v2, v1;
	_ =	sdelay $0x4  }
0xa4: {  	[spmem:s4] =	stream.indirect_vreg.scatter.add.f32 [tilespmem:s21], [sflag:$0x1], $0x1, v1, vm0, $0xb8;
	[tilespmem:$0x15880] =	vst v63  }
0xa5: {  	_ =	swait.ge [sflag:s19], $0x10  }
0xa6: {  	[sflag:s19] =	ssyncset.done $0x0  }
0xa7: {  	[sflag:s19] =	ssyncadd.s32 $0xFFFFFFF0  }
0xa8: {  	v1 =	vld [tilespmem:$0x4B0]  }
0xa9: {  	v2 =	vld [tilespmem:$0xB0];
	_ =	sdelay $0x3  }
0xaa: {  	v1 =	vshll.u32 v1, $0x8  }
0xab: {  	v1 =	vadd.s32 v2, v1;
	_ =	sdelay $0x4  }
0xac: {  	[spmem:s4] =	stream.indirect_vreg.scatter.add.f32 [tilespmem:s21], [sflag:$0x1], $0x1, v1, vm0, $0xb8;
	[tilespmem:$0x15880] =	vst v63  }
0xad: {  	_ =	swait.ge [sflag:s19], $0x10  }
0xae: {  	[sflag:s19] =	ssyncset.done $0x0  }
0xaf: {  	[sflag:s19] =	ssyncadd.s32 $0xFFFFFFF0  }
0xb0: {  	v1 =	vld [tilespmem:$0x4C0]  }
0xb1: {  	v2 =	vld [tilespmem:$0xC0];
	_ =	sdelay $0x3  }
0xb2: {  	v1 =	vshll.u32 v1, $0x8  }
0xb3: {  	v1 =	vadd.s32 v2, v1;
	_ =	sdelay $0x4  }
0xb4: {  	[spmem:s4] =	stream.indirect_vreg.scatter.add.f32 [tilespmem:s21], [sflag:$0x1], $0x1, v1, vm0, $0xb8;
	[tilespmem:$0x15880] =	vst v63  }
0xb5: {  	_ =	swait.ge [sflag:s19], $0x10  }
0xb6: {  	[sflag:s19] =	ssyncset.done $0x0  }
0xb7: {  	[sflag:s19] =	ssyncadd.s32 $0xFFFFFFF0  }
0xb8: {  	v1 =	vld [tilespmem:$0x4D0]  }
0xb9: {  	v2 =	vld [tilespmem:$0xD0];
	_ =	sdelay $0x3  }
0xba: {  	v1 =	vshll.u32 v1, $0x8  }
0xbb: {  	v1 =	vadd.s32 v2, v1;
	_ =	sdelay $0x4  }
0xbc: {  	[spmem:s4] =	stream.indirect_vreg.scatter.add.f32 [tilespmem:s21], [sflag:$0x1], $0x1, v1, vm0, $0xb8;
	[tilespmem:$0x15880] =	vst v63  }
0xbd: {  	_ =	swait.ge [sflag:s19], $0x10  }
0xbe: {  	[sflag:s19] =	ssyncset.done $0x0  }
0xbf: {  	[sflag:s19] =	ssyncadd.s32 $0xFFFFFFF0  }
0xc0: {  	v1 =	vld [tilespmem:$0x4E0]  }
0xc1: {  	v2 =	vld [tilespmem:$0xE0];
	_ =	sdelay $0x3  }
0xc2: {  	v1 =	vshll.u32 v1, $0x8  }
0xc3: {  	v1 =	vadd.s32 v2, v1;
	_ =	sdelay $0x4  }
0xc4: {  	[spmem:s4] =	stream.indirect_vreg.scatter.add.f32 [tilespmem:s21], [sflag:$0x1], $0x1, v1, vm0, $0xb8;
	[tilespmem:$0x15880] =	vst v63  }
0xc5: {  	_ =	swait.ge [sflag:s19], $0x10  }
0xc6: {  	[sflag:s19] =	ssyncset.done $0x0  }
0xc7: {  	[sflag:s19] =	ssyncadd.s32 $0xFFFFFFF0  }
0xc8: {  	v1 =	vld [tilespmem:$0x4F0]  }
0xc9: {  	v2 =	vld [tilespmem:$0xF0];
	_ =	sdelay $0x3  }
0xca: {  	v1 =	vshll.u32 v1, $0x8  }
0xcb: {  	v1 =	vadd.s32 v2, v1;
	_ =	sdelay $0x4  }
0xcc: {  	[spmem:s4] =	stream.indirect_vreg.scatter.add.f32 [tilespmem:s21], [sflag:$0x1], $0x1, v1, vm0, $0xb8;
	[tilespmem:$0x15880] =	vst v63  }
0xcd: {  	_ =	swait.ge [sflag:s19], $0x10  }
0xce: {  	[sflag:s19] =	ssyncset.done $0x0  }
0xcf: {  	[sflag:s19] =	ssyncadd.s32 $0xFFFFFFF0  }
0xd0: {  	[bflag:$0x0] =	sbarrier.arrive $0xFFFF  }
0xd1: {  	[hbm:s11], [sflag:s17] =	dma.local [spmem:s22], $0x800  }
0xd2: {  	_ =	swait.ge [sflag:s19], $0x800  }
0xd3: {  	[sflag:s19] =	ssyncset.done $0x0  }
0xd4: {  	[sflag:s19] =	ssyncadd.s32 $0xFFFFF800  }
0xd5: {  	[hbm:s12], [sflag:s17] =	dma.local [spmem:s23], $0x200  }
0xd6: {  	_ =	swait.ge [sflag:s19], $0x200  }
0xd7: {  	[sflag:s19] =	ssyncset.done $0x0  }
0xd8: {  	[sflag:s19] =	ssyncadd.s32 $0xFFFFFE00  }
.LBB2_4:
0xd9: {  	s16 =	sadd.s32 $0xFFFFFFFF, s16  }
0xda: {  	p1 =	sne.s32 s16, $0x0  }
.Ltmp1:
0xdb: {  	_ = 	snop;
	(pc) =	sbr.rel @!p1 .LBB2_5-.Ltmp1, $1  }
0xdc: {  	_ =	sdelay $0x3  }
.LBB2_1:
.Ltmp2:
0xdd: {  	(pc) =	sbr.rel @p0 .LBB2_3-.Ltmp2, $2  }
0xde: {  	_ =	sdelay $0x2  }
0xdf: {  	[tilespmem:$0x800] =	vst v0  }
0xe0: {  	[spmem:s18], [sflag:s17] =	dma.local [hbm:s6], $0x2000  }
0xe1: {  	_ =	swait.ge [sflag:s19], $0x2000  }
0xe2: {  	[sflag:s19] =	ssyncset.done $0x0  }
0xe3: {  	[sflag:s19] =	ssyncadd.s32 $0xFFFFE000  }
0xe4: {  	[bflag:$0x0] =	sbarrier.arrive $0xFFFF  }
0xe5: {  	[tilespmem:s5], [sflag:$0x1] =	stream.linear.gather [hbm4b:s13+s5], $0x400, $0x38;
	[tilespmem:$0x15880] =	vst v63  }
0xe6: {  	_ =	swait.ge [sflag:s19], $0x400  }
0xe7: {  	[sflag:s19] =	ssyncset.done $0x0  }
0xe8: {  	[sflag:s19] =	ssyncadd.s32 $0xFFFFFC00  }
0xe9: {  	[tilespmem:s20], [sflag:$0x1] =	stream.linear.gather [hbm4b:s14+s5], $0x400, $0x38;
	[tilespmem:$0x15880] =	vst v63  }
0xea: {  	_ =	swait.ge [sflag:s19], $0x400  }
0xeb: {  	[sflag:s19] =	ssyncset.done $0x0  }
0xec: {  	[sflag:s19] =	ssyncadd.s32 $0xFFFFFC00  }
0xed: {  	v1 =	vld [tilespmem:$0x400]  }
0xee: {  	v2 =	vld [tilespmem:$0x0];
	_ =	sdelay $0x3  }
0xef: {  	v1 =	vshll.u32 v1, $0xA  }
0xf0: {  	v1 =	vadd.s32 v2, v1;
	_ =	sdelay $0x4  }
0xf1: {  	[spmem:s1] =	stream.indirect_vreg.scatter.add.f32 [tilespmem:s21], [sflag:$0x1], $0x1, v1, vm0, $0xb8;
	[tilespmem:$0x15880] =	vst v63  }
0xf2: {  	_ =	swait.ge [sflag:s19], $0x10  }
0xf3: {  	[sflag:s19] =	ssyncset.done $0x0  }
0xf4: {  	[sflag:s19] =	ssyncadd.s32 $0xFFFFFFF0  }
0xf5: {  	v1 =	vld [tilespmem:$0x410]  }
0xf6: {  	v2 =	vld [tilespmem:$0x10];
	_ =	sdelay $0x3  }
0xf7: {  	v1 =	vshll.u32 v1, $0xA  }
0xf8: {  	v1 =	vadd.s32 v2, v1;
	_ =	sdelay $0x4  }
0xf9: {  	[spmem:s1] =	stream.indirect_vreg.scatter.add.f32 [tilespmem:s21], [sflag:$0x1], $0x1, v1, vm0, $0xb8;
	[tilespmem:$0x15880] =	vst v63  }
0xfa: {  	_ =	swait.ge [sflag:s19], $0x10  }
0xfb: {  	[sflag:s19] =	ssyncset.done $0x0  }
0xfc: {  	[sflag:s19] =	ssyncadd.s32 $0xFFFFFFF0  }
0xfd: {  	v1 =	vld [tilespmem:$0x420]  }
0xfe: {  	v2 =	vld [tilespmem:$0x20];
	_ =	sdelay $0x3  }
0xff: {  	v1 =	vshll.u32 v1, $0xA  }
0x100: {  	v1 =	vadd.s32 v2, v1;
	_ =	sdelay $0x4  }
0x101: {  	[spmem:s1] =	stream.indirect_vreg.scatter.add.f32 [tilespmem:s21], [sflag:$0x1], $0x1, v1, vm0, $0xb8;
	[tilespmem:$0x15880] =	vst v63  }
0x102: {  	_ =	swait.ge [sflag:s19], $0x10  }
0x103: {  	[sflag:s19] =	ssyncset.done $0x0  }
0x104: {  	[sflag:s19] =	ssyncadd.s32 $0xFFFFFFF0  }
0x105: {  	v1 =	vld [tilespmem:$0x430]  }
0x106: {  	v2 =	vld [tilespmem:$0x30];
	_ =	sdelay $0x3  }
0x107: {  	v1 =	vshll.u32 v1, $0xA  }
0x108: {  	v1 =	vadd.s32 v2, v1;
	_ =	sdelay $0x4  }
0x109: {  	[spmem:s1] =	stream.indirect_vreg.scatter.add.f32 [tilespmem:s21], [sflag:$0x1], $0x1, v1, vm0, $0xb8;
	[tilespmem:$0x15880] =	vst v63  }
0x10a: {  	_ =	swait.ge [sflag:s19], $0x10  }
0x10b: {  	[sflag:s19] =	ssyncset.done $0x0  }
0x10c: {  	[sflag:s19] =	ssyncadd.s32 $0xFFFFFFF0  }
0x10d: {  	v1 =	vld [tilespmem:$0x440]  }
0x10e: {  	v2 =	vld [tilespmem:$0x40];
	_ =	sdelay $0x3  }
0x10f: {  	v1 =	vshll.u32 v1, $0xA  }
0x110: {  	v1 =	vadd.s32 v2, v1;
	_ =	sdelay $0x4  }
0x111: {  	[spmem:s1] =	stream.indirect_vreg.scatter.add.f32 [tilespmem:s21], [sflag:$0x1], $0x1, v1, vm0, $0xb8;
	[tilespmem:$0x15880] =	vst v63  }
0x112: {  	_ =	swait.ge [sflag:s19], $0x10  }
0x113: {  	[sflag:s19] =	ssyncset.done $0x0  }
0x114: {  	[sflag:s19] =	ssyncadd.s32 $0xFFFFFFF0  }
0x115: {  	v1 =	vld [tilespmem:$0x450]  }
0x116: {  	v2 =	vld [tilespmem:$0x50];
	_ =	sdelay $0x3  }
0x117: {  	v1 =	vshll.u32 v1, $0xA  }
0x118: {  	v1 =	vadd.s32 v2, v1;
	_ =	sdelay $0x4  }
0x119: {  	[spmem:s1] =	stream.indirect_vreg.scatter.add.f32 [tilespmem:s21], [sflag:$0x1], $0x1, v1, vm0, $0xb8;
	[tilespmem:$0x15880] =	vst v63  }
0x11a: {  	_ =	swait.ge [sflag:s19], $0x10  }
0x11b: {  	[sflag:s19] =	ssyncset.done $0x0  }
0x11c: {  	[sflag:s19] =	ssyncadd.s32 $0xFFFFFFF0  }
0x11d: {  	v1 =	vld [tilespmem:$0x460]  }
0x11e: {  	v2 =	vld [tilespmem:$0x60];
	_ =	sdelay $0x3  }
0x11f: {  	v1 =	vshll.u32 v1, $0xA  }
0x120: {  	v1 =	vadd.s32 v2, v1;
	_ =	sdelay $0x4  }
0x121: {  	[spmem:s1] =	stream.indirect_vreg.scatter.add.f32 [tilespmem:s21], [sflag:$0x1], $0x1, v1, vm0, $0xb8;
	[tilespmem:$0x15880] =	vst v63  }
0x122: {  	_ =	swait.ge [sflag:s19], $0x10  }
0x123: {  	[sflag:s19] =	ssyncset.done $0x0  }
0x124: {  	[sflag:s19] =	ssyncadd.s32 $0xFFFFFFF0  }
0x125: {  	v1 =	vld [tilespmem:$0x470]  }
0x126: {  	v2 =	vld [tilespmem:$0x70];
	_ =	sdelay $0x3  }
0x127: {  	v1 =	vshll.u32 v1, $0xA  }
0x128: {  	v1 =	vadd.s32 v2, v1;
	_ =	sdelay $0x4  }
0x129: {  	[spmem:s1] =	stream.indirect_vreg.scatter.add.f32 [tilespmem:s21], [sflag:$0x1], $0x1, v1, vm0, $0xb8;
	[tilespmem:$0x15880] =	vst v63  }
0x12a: {  	_ =	swait.ge [sflag:s19], $0x10  }
0x12b: {  	[sflag:s19] =	ssyncset.done $0x0  }
0x12c: {  	[sflag:s19] =	ssyncadd.s32 $0xFFFFFFF0  }
0x12d: {  	v1 =	vld [tilespmem:$0x480]  }
0x12e: {  	v2 =	vld [tilespmem:$0x80];
	_ =	sdelay $0x3  }
0x12f: {  	v1 =	vshll.u32 v1, $0xA  }
0x130: {  	v1 =	vadd.s32 v2, v1;
	_ =	sdelay $0x4  }
0x131: {  	[spmem:s1] =	stream.indirect_vreg.scatter.add.f32 [tilespmem:s21], [sflag:$0x1], $0x1, v1, vm0, $0xb8;
	[tilespmem:$0x15880] =	vst v63  }
0x132: {  	_ =	swait.ge [sflag:s19], $0x10  }
0x133: {  	[sflag:s19] =	ssyncset.done $0x0  }
0x134: {  	[sflag:s19] =	ssyncadd.s32 $0xFFFFFFF0  }
0x135: {  	v1 =	vld [tilespmem:$0x490]  }
0x136: {  	v2 =	vld [tilespmem:$0x90];
	_ =	sdelay $0x3  }
0x137: {  	v1 =	vshll.u32 v1, $0xA  }
0x138: {  	v1 =	vadd.s32 v2, v1;
	_ =	sdelay $0x4  }
0x139: {  	[spmem:s1] =	stream.indirect_vreg.scatter.add.f32 [tilespmem:s21], [sflag:$0x1], $0x1, v1, vm0, $0xb8;
	[tilespmem:$0x15880] =	vst v63  }
0x13a: {  	_ =	swait.ge [sflag:s19], $0x10  }
0x13b: {  	[sflag:s19] =	ssyncset.done $0x0  }
0x13c: {  	[sflag:s19] =	ssyncadd.s32 $0xFFFFFFF0  }
0x13d: {  	v1 =	vld [tilespmem:$0x4A0]  }
0x13e: {  	v2 =	vld [tilespmem:$0xA0];
	_ =	sdelay $0x3  }
0x13f: {  	v1 =	vshll.u32 v1, $0xA  }
0x140: {  	v1 =	vadd.s32 v2, v1;
	_ =	sdelay $0x4  }
0x141: {  	[spmem:s1] =	stream.indirect_vreg.scatter.add.f32 [tilespmem:s21], [sflag:$0x1], $0x1, v1, vm0, $0xb8;
	[tilespmem:$0x15880] =	vst v63  }
0x142: {  	_ =	swait.ge [sflag:s19], $0x10  }
0x143: {  	[sflag:s19] =	ssyncset.done $0x0  }
0x144: {  	[sflag:s19] =	ssyncadd.s32 $0xFFFFFFF0  }
0x145: {  	v1 =	vld [tilespmem:$0x4B0]  }
0x146: {  	v2 =	vld [tilespmem:$0xB0];
	_ =	sdelay $0x3  }
0x147: {  	v1 =	vshll.u32 v1, $0xA  }
0x148: {  	v1 =	vadd.s32 v2, v1;
	_ =	sdelay $0x4  }
0x149: {  	[spmem:s1] =	stream.indirect_vreg.scatter.add.f32 [tilespmem:s21], [sflag:$0x1], $0x1, v1, vm0, $0xb8;
	[tilespmem:$0x15880] =	vst v63  }
0x14a: {  	_ =	swait.ge [sflag:s19], $0x10  }
0x14b: {  	[sflag:s19] =	ssyncset.done $0x0  }
0x14c: {  	[sflag:s19] =	ssyncadd.s32 $0xFFFFFFF0  }
0x14d: {  	v1 =	vld [tilespmem:$0x4C0]  }
0x14e: {  	v2 =	vld [tilespmem:$0xC0];
	_ =	sdelay $0x3  }
0x14f: {  	v1 =	vshll.u32 v1, $0xA  }
0x150: {  	v1 =	vadd.s32 v2, v1;
	_ =	sdelay $0x4  }
0x151: {  	[spmem:s1] =	stream.indirect_vreg.scatter.add.f32 [tilespmem:s21], [sflag:$0x1], $0x1, v1, vm0, $0xb8;
	[tilespmem:$0x15880] =	vst v63  }
0x152: {  	_ =	swait.ge [sflag:s19], $0x10  }
0x153: {  	[sflag:s19] =	ssyncset.done $0x0  }
0x154: {  	[sflag:s19] =	ssyncadd.s32 $0xFFFFFFF0  }
0x155: {  	v1 =	vld [tilespmem:$0x4D0]  }
0x156: {  	v2 =	vld [tilespmem:$0xD0];
	_ =	sdelay $0x3  }
0x157: {  	v1 =	vshll.u32 v1, $0xA  }
0x158: {  	v1 =	vadd.s32 v2, v1;
	_ =	sdelay $0x4  }
0x159: {  	[spmem:s1] =	stream.indirect_vreg.scatter.add.f32 [tilespmem:s21], [sflag:$0x1], $0x1, v1, vm0, $0xb8;
	[tilespmem:$0x15880] =	vst v63  }
0x15a: {  	_ =	swait.ge [sflag:s19], $0x10  }
0x15b: {  	[sflag:s19] =	ssyncset.done $0x0  }
0x15c: {  	[sflag:s19] =	ssyncadd.s32 $0xFFFFFFF0  }
0x15d: {  	v1 =	vld [tilespmem:$0x4E0]  }
0x15e: {  	v2 =	vld [tilespmem:$0xE0];
	_ =	sdelay $0x3  }
0x15f: {  	v1 =	vshll.u32 v1, $0xA  }
0x160: {  	v1 =	vadd.s32 v2, v1;
	_ =	sdelay $0x4  }
0x161: {  	[spmem:s1] =	stream.indirect_vreg.scatter.add.f32 [tilespmem:s21], [sflag:$0x1], $0x1, v1, vm0, $0xb8;
	[tilespmem:$0x15880] =	vst v63  }
0x162: {  	_ =	swait.ge [sflag:s19], $0x10  }
0x163: {  	[sflag:s19] =	ssyncset.done $0x0  }
0x164: {  	[sflag:s19] =	ssyncadd.s32 $0xFFFFFFF0  }
0x165: {  	v1 =	vld [tilespmem:$0x4F0]  }
0x166: {  	v2 =	vld [tilespmem:$0xF0];
	_ =	sdelay $0x3  }
0x167: {  	v1 =	vshll.u32 v1, $0xA  }
0x168: {  	v1 =	vadd.s32 v2, v1;
	_ =	sdelay $0x4  }
0x169: {  	[spmem:s1] =	stream.indirect_vreg.scatter.add.f32 [tilespmem:s21], [sflag:$0x1], $0x1, v1, vm0, $0xb8;
	[tilespmem:$0x15880] =	vst v63  }
0x16a: {  	_ =	swait.ge [sflag:s19], $0x10  }
0x16b: {  	[sflag:s19] =	ssyncset.done $0x0  }
0x16c: {  	[sflag:s19] =	ssyncadd.s32 $0xFFFFFFF0  }
0x16d: {  	v1 =	vld [tilespmem:$0x500]  }
0x16e: {  	v2 =	vld [tilespmem:$0x100];
	_ =	sdelay $0x3  }
0x16f: {  	v1 =	vshll.u32 v1, $0xA  }
0x170: {  	v1 =	vadd.s32 v2, v1;
	_ =	sdelay $0x4  }
0x171: {  	[spmem:s1] =	stream.indirect_vreg.scatter.add.f32 [tilespmem:s21], [sflag:$0x1], $0x1, v1, vm0, $0xb8;
	[tilespmem:$0x15880] =	vst v63  }
0x172: {  	_ =	swait.ge [sflag:s19], $0x10  }
0x173: {  	[sflag:s19] =	ssyncset.done $0x0  }
0x174: {  	[sflag:s19] =	ssyncadd.s32 $0xFFFFFFF0  }
0x175: {  	v1 =	vld [tilespmem:$0x510]  }
0x176: {  	v2 =	vld [tilespmem:$0x110];
	_ =	sdelay $0x3  }
0x177: {  	v1 =	vshll.u32 v1, $0xA  }
0x178: {  	v1 =	vadd.s32 v2, v1;
	_ =	sdelay $0x4  }
0x179: {  	[spmem:s1] =	stream.indirect_vreg.scatter.add.f32 [tilespmem:s21], [sflag:$0x1], $0x1, v1, vm0, $0xb8;
	[tilespmem:$0x15880] =	vst v63  }
0x17a: {  	_ =	swait.ge [sflag:s19], $0x10  }
0x17b: {  	[sflag:s19] =	ssyncset.done $0x0  }
0x17c: {  	[sflag:s19] =	ssyncadd.s32 $0xFFFFFFF0  }
0x17d: {  	v1 =	vld [tilespmem:$0x520]  }
0x17e: {  	v2 =	vld [tilespmem:$0x120];
	_ =	sdelay $0x3  }
0x17f: {  	v1 =	vshll.u32 v1, $0xA  }
0x180: {  	v1 =	vadd.s32 v2, v1;
	_ =	sdelay $0x4  }
0x181: {  	[spmem:s1] =	stream.indirect_vreg.scatter.add.f32 [tilespmem:s21], [sflag:$0x1], $0x1, v1, vm0, $0xb8;
	[tilespmem:$0x15880] =	vst v63  }
0x182: {  	_ =	swait.ge [sflag:s19], $0x10  }
0x183: {  	[sflag:s19] =	ssyncset.done $0x0  }
0x184: {  	[sflag:s19] =	ssyncadd.s32 $0xFFFFFFF0  }
0x185: {  	v1 =	vld [tilespmem:$0x530]  }
0x186: {  	v2 =	vld [tilespmem:$0x130];
	_ =	sdelay $0x3  }
0x187: {  	v1 =	vshll.u32 v1, $0xA  }
0x188: {  	v1 =	vadd.s32 v2, v1;
	_ =	sdelay $0x4  }
0x189: {  	[spmem:s1] =	stream.indirect_vreg.scatter.add.f32 [tilespmem:s21], [sflag:$0x1], $0x1, v1, vm0, $0xb8;
	[tilespmem:$0x15880] =	vst v63  }
0x18a: {  	_ =	swait.ge [sflag:s19], $0x10  }
0x18b: {  	[sflag:s19] =	ssyncset.done $0x0  }
0x18c: {  	[sflag:s19] =	ssyncadd.s32 $0xFFFFFFF0  }
0x18d: {  	v1 =	vld [tilespmem:$0x540]  }
0x18e: {  	v2 =	vld [tilespmem:$0x140];
	_ =	sdelay $0x3  }
0x18f: {  	v1 =	vshll.u32 v1, $0xA  }
0x190: {  	v1 =	vadd.s32 v2, v1;
	_ =	sdelay $0x4  }
0x191: {  	[spmem:s1] =	stream.indirect_vreg.scatter.add.f32 [tilespmem:s21], [sflag:$0x1], $0x1, v1, vm0, $0xb8;
	[tilespmem:$0x15880] =	vst v63  }
0x192: {  	_ =	swait.ge [sflag:s19], $0x10  }
0x193: {  	[sflag:s19] =	ssyncset.done $0x0  }
0x194: {  	[sflag:s19] =	ssyncadd.s32 $0xFFFFFFF0  }
0x195: {  	v1 =	vld [tilespmem:$0x550]  }
0x196: {  	v2 =	vld [tilespmem:$0x150];
	_ =	sdelay $0x3  }
0x197: {  	v1 =	vshll.u32 v1, $0xA  }
0x198: {  	v1 =	vadd.s32 v2, v1;
	_ =	sdelay $0x4  }
0x199: {  	[spmem:s1] =	stream.indirect_vreg.scatter.add.f32 [tilespmem:s21], [sflag:$0x1], $0x1, v1, vm0, $0xb8;
	[tilespmem:$0x15880] =	vst v63  }
0x19a: {  	_ =	swait.ge [sflag:s19], $0x10  }
0x19b: {  	[sflag:s19] =	ssyncset.done $0x0  }
0x19c: {  	[sflag:s19] =	ssyncadd.s32 $0xFFFFFFF0  }
0x19d: {  	v1 =	vld [tilespmem:$0x560]  }
0x19e: {  	v2 =	vld [tilespmem:$0x160];
	_ =	sdelay $0x3  }
0x19f: {  	v1 =	vshll.u32 v1, $0xA  }
0x1a0: {  	v1 =	vadd.s32 v2, v1;
	_ =	sdelay $0x4  }
0x1a1: {  	[spmem:s1] =	stream.indirect_vreg.scatter.add.f32 [tilespmem:s21], [sflag:$0x1], $0x1, v1, vm0, $0xb8;
	[tilespmem:$0x15880] =	vst v63  }
0x1a2: {  	_ =	swait.ge [sflag:s19], $0x10  }
0x1a3: {  	[sflag:s19] =	ssyncset.done $0x0  }
0x1a4: {  	[sflag:s19] =	ssyncadd.s32 $0xFFFFFFF0  }
0x1a5: {  	v1 =	vld [tilespmem:$0x570]  }
0x1a6: {  	v2 =	vld [tilespmem:$0x170];
	_ =	sdelay $0x3  }
0x1a7: {  	v1 =	vshll.u32 v1, $0xA  }
0x1a8: {  	v1 =	vadd.s32 v2, v1;
	_ =	sdelay $0x4  }
0x1a9: {  	[spmem:s1] =	stream.indirect_vreg.scatter.add.f32 [tilespmem:s21], [sflag:$0x1], $0x1, v1, vm0, $0xb8;
	[tilespmem:$0x15880] =	vst v63  }
0x1aa: {  	_ =	swait.ge [sflag:s19], $0x10  }
0x1ab: {  	[sflag:s19] =	ssyncset.done $0x0  }
0x1ac: {  	[sflag:s19] =	ssyncadd.s32 $0xFFFFFFF0  }
0x1ad: {  	v1 =	vld [tilespmem:$0x580]  }
0x1ae: {  	v2 =	vld [tilespmem:$0x180];
	_ =	sdelay $0x3  }
0x1af: {  	v1 =	vshll.u32 v1, $0xA  }
0x1b0: {  	v1 =	vadd.s32 v2, v1;
	_ =	sdelay $0x4  }
0x1b1: {  	[spmem:s1] =	stream.indirect_vreg.scatter.add.f32 [tilespmem:s21], [sflag:$0x1], $0x1, v1, vm0, $0xb8;
	[tilespmem:$0x15880] =	vst v63  }
0x1b2: {  	_ =	swait.ge [sflag:s19], $0x10  }
0x1b3: {  	[sflag:s19] =	ssyncset.done $0x0  }
0x1b4: {  	[sflag:s19] =	ssyncadd.s32 $0xFFFFFFF0  }
0x1b5: {  	v1 =	vld [tilespmem:$0x590]  }
0x1b6: {  	v2 =	vld [tilespmem:$0x190];
	_ =	sdelay $0x3  }
0x1b7: {  	v1 =	vshll.u32 v1, $0xA  }
0x1b8: {  	v1 =	vadd.s32 v2, v1;
	_ =	sdelay $0x4  }
0x1b9: {  	[spmem:s1] =	stream.indirect_vreg.scatter.add.f32 [tilespmem:s21], [sflag:$0x1], $0x1, v1, vm0, $0xb8;
	[tilespmem:$0x15880] =	vst v63  }
0x1ba: {  	_ =	swait.ge [sflag:s19], $0x10  }
0x1bb: {  	[sflag:s19] =	ssyncset.done $0x0  }
0x1bc: {  	[sflag:s19] =	ssyncadd.s32 $0xFFFFFFF0  }
0x1bd: {  	v1 =	vld [tilespmem:$0x5A0]  }
0x1be: {  	v2 =	vld [tilespmem:$0x1A0];
	_ =	sdelay $0x3  }
0x1bf: {  	v1 =	vshll.u32 v1, $0xA  }
0x1c0: {  	v1 =	vadd.s32 v2, v1;
	_ =	sdelay $0x4  }
0x1c1: {  	[spmem:s1] =	stream.indirect_vreg.scatter.add.f32 [tilespmem:s21], [sflag:$0x1], $0x1, v1, vm0, $0xb8;
	[tilespmem:$0x15880] =	vst v63  }
0x1c2: {  	_ =	swait.ge [sflag:s19], $0x10  }
0x1c3: {  	[sflag:s19] =	ssyncset.done $0x0  }
0x1c4: {  	[sflag:s19] =	ssyncadd.s32 $0xFFFFFFF0  }
0x1c5: {  	v1 =	vld [tilespmem:$0x5B0]  }
0x1c6: {  	v2 =	vld [tilespmem:$0x1B0];
	_ =	sdelay $0x3  }
0x1c7: {  	v1 =	vshll.u32 v1, $0xA  }
0x1c8: {  	v1 =	vadd.s32 v2, v1;
	_ =	sdelay $0x4  }
0x1c9: {  	[spmem:s1] =	stream.indirect_vreg.scatter.add.f32 [tilespmem:s21], [sflag:$0x1], $0x1, v1, vm0, $0xb8;
	[tilespmem:$0x15880] =	vst v63  }
0x1ca: {  	_ =	swait.ge [sflag:s19], $0x10  }
0x1cb: {  	[sflag:s19] =	ssyncset.done $0x0  }
0x1cc: {  	[sflag:s19] =	ssyncadd.s32 $0xFFFFFFF0  }
0x1cd: {  	v1 =	vld [tilespmem:$0x5C0]  }
0x1ce: {  	v2 =	vld [tilespmem:$0x1C0];
	_ =	sdelay $0x3  }
0x1cf: {  	v1 =	vshll.u32 v1, $0xA  }
0x1d0: {  	v1 =	vadd.s32 v2, v1;
	_ =	sdelay $0x4  }
0x1d1: {  	[spmem:s1] =	stream.indirect_vreg.scatter.add.f32 [tilespmem:s21], [sflag:$0x1], $0x1, v1, vm0, $0xb8;
	[tilespmem:$0x15880] =	vst v63  }
0x1d2: {  	_ =	swait.ge [sflag:s19], $0x10  }
0x1d3: {  	[sflag:s19] =	ssyncset.done $0x0  }
0x1d4: {  	[sflag:s19] =	ssyncadd.s32 $0xFFFFFFF0  }
0x1d5: {  	v1 =	vld [tilespmem:$0x5D0]  }
0x1d6: {  	v2 =	vld [tilespmem:$0x1D0];
	_ =	sdelay $0x3  }
0x1d7: {  	v1 =	vshll.u32 v1, $0xA  }
0x1d8: {  	v1 =	vadd.s32 v2, v1;
	_ =	sdelay $0x4  }
0x1d9: {  	[spmem:s1] =	stream.indirect_vreg.scatter.add.f32 [tilespmem:s21], [sflag:$0x1], $0x1, v1, vm0, $0xb8;
	[tilespmem:$0x15880] =	vst v63  }
0x1da: {  	_ =	swait.ge [sflag:s19], $0x10  }
0x1db: {  	[sflag:s19] =	ssyncset.done $0x0  }
0x1dc: {  	[sflag:s19] =	ssyncadd.s32 $0xFFFFFFF0  }
0x1dd: {  	v1 =	vld [tilespmem:$0x5E0]  }
0x1de: {  	v2 =	vld [tilespmem:$0x1E0];
	_ =	sdelay $0x3  }
0x1df: {  	v1 =	vshll.u32 v1, $0xA  }
0x1e0: {  	v1 =	vadd.s32 v2, v1;
	_ =	sdelay $0x4  }
0x1e1: {  	[spmem:s1] =	stream.indirect_vreg.scatter.add.f32 [tilespmem:s21], [sflag:$0x1], $0x1, v1, vm0, $0xb8;
	[tilespmem:$0x15880] =	vst v63  }
0x1e2: {  	_ =	swait.ge [sflag:s19], $0x10  }
0x1e3: {  	[sflag:s19] =	ssyncset.done $0x0  }
0x1e4: {  	[sflag:s19] =	ssyncadd.s32 $0xFFFFFFF0  }
0x1e5: {  	v1 =	vld [tilespmem:$0x5F0]  }
0x1e6: {  	v2 =	vld [tilespmem:$0x1F0];
	_ =	sdelay $0x3  }
0x1e7: {  	v1 =	vshll.u32 v1, $0xA  }
0x1e8: {  	v1 =	vadd.s32 v2, v1;
	_ =	sdelay $0x4  }
0x1e9: {  	[spmem:s1] =	stream.indirect_vreg.scatter.add.f32 [tilespmem:s21], [sflag:$0x1], $0x1, v1, vm0, $0xb8;
	[tilespmem:$0x15880] =	vst v63  }
0x1ea: {  	_ =	swait.ge [sflag:s19], $0x10  }
0x1eb: {  	[sflag:s19] =	ssyncset.done $0x0  }
0x1ec: {  	[sflag:s19] =	ssyncadd.s32 $0xFFFFFFF0  }
0x1ed: {  	v1 =	vld [tilespmem:$0x600]  }
0x1ee: {  	v2 =	vld [tilespmem:$0x200];
	_ =	sdelay $0x3  }
0x1ef: {  	v1 =	vshll.u32 v1, $0xA  }
0x1f0: {  	v1 =	vadd.s32 v2, v1;
	_ =	sdelay $0x4  }
0x1f1: {  	[spmem:s1] =	stream.indirect_vreg.scatter.add.f32 [tilespmem:s21], [sflag:$0x1], $0x1, v1, vm0, $0xb8;
	[tilespmem:$0x15880] =	vst v63  }
0x1f2: {  	_ =	swait.ge [sflag:s19], $0x10  }
0x1f3: {  	[sflag:s19] =	ssyncset.done $0x0  }
0x1f4: {  	[sflag:s19] =	ssyncadd.s32 $0xFFFFFFF0  }
0x1f5: {  	v1 =	vld [tilespmem:$0x610]  }
0x1f6: {  	v2 =	vld [tilespmem:$0x210];
	_ =	sdelay $0x3  }
0x1f7: {  	v1 =	vshll.u32 v1, $0xA  }
0x1f8: {  	v1 =	vadd.s32 v2, v1;
	_ =	sdelay $0x4  }
0x1f9: {  	[spmem:s1] =	stream.indirect_vreg.scatter.add.f32 [tilespmem:s21], [sflag:$0x1], $0x1, v1, vm0, $0xb8;
	[tilespmem:$0x15880] =	vst v63  }
0x1fa: {  	_ =	swait.ge [sflag:s19], $0x10  }
0x1fb: {  	[sflag:s19] =	ssyncset.done $0x0  }
0x1fc: {  	[sflag:s19] =	ssyncadd.s32 $0xFFFFFFF0  }
0x1fd: {  	v1 =	vld [tilespmem:$0x620]  }
0x1fe: {  	v2 =	vld [tilespmem:$0x220];
	_ =	sdelay $0x3  }
0x1ff: {  	v1 =	vshll.u32 v1, $0xA  }
0x200: {  	v1 =	vadd.s32 v2, v1;
	_ =	sdelay $0x4  }
0x201: {  	[spmem:s1] =	stream.indirect_vreg.scatter.add.f32 [tilespmem:s21], [sflag:$0x1], $0x1, v1, vm0, $0xb8;
	[tilespmem:$0x15880] =	vst v63  }
0x202: {  	_ =	swait.ge [sflag:s19], $0x10  }
0x203: {  	[sflag:s19] =	ssyncset.done $0x0  }
0x204: {  	[sflag:s19] =	ssyncadd.s32 $0xFFFFFFF0  }
0x205: {  	v1 =	vld [tilespmem:$0x630]  }
0x206: {  	v2 =	vld [tilespmem:$0x230];
	_ =	sdelay $0x3  }
0x207: {  	v1 =	vshll.u32 v1, $0xA  }
0x208: {  	v1 =	vadd.s32 v2, v1;
	_ =	sdelay $0x4  }
0x209: {  	[spmem:s1] =	stream.indirect_vreg.scatter.add.f32 [tilespmem:s21], [sflag:$0x1], $0x1, v1, vm0, $0xb8;
	[tilespmem:$0x15880] =	vst v63  }
0x20a: {  	_ =	swait.ge [sflag:s19], $0x10  }
0x20b: {  	[sflag:s19] =	ssyncset.done $0x0  }
0x20c: {  	[sflag:s19] =	ssyncadd.s32 $0xFFFFFFF0  }
0x20d: {  	v1 =	vld [tilespmem:$0x640]  }
0x20e: {  	v2 =	vld [tilespmem:$0x240];
	_ =	sdelay $0x3  }
0x20f: {  	v1 =	vshll.u32 v1, $0xA  }
0x210: {  	v1 =	vadd.s32 v2, v1;
	_ =	sdelay $0x4  }
0x211: {  	[spmem:s1] =	stream.indirect_vreg.scatter.add.f32 [tilespmem:s21], [sflag:$0x1], $0x1, v1, vm0, $0xb8;
	[tilespmem:$0x15880] =	vst v63  }
0x212: {  	_ =	swait.ge [sflag:s19], $0x10  }
0x213: {  	[sflag:s19] =	ssyncset.done $0x0  }
0x214: {  	[sflag:s19] =	ssyncadd.s32 $0xFFFFFFF0  }
0x215: {  	v1 =	vld [tilespmem:$0x650]  }
0x216: {  	v2 =	vld [tilespmem:$0x250];
	_ =	sdelay $0x3  }
0x217: {  	v1 =	vshll.u32 v1, $0xA  }
0x218: {  	v1 =	vadd.s32 v2, v1;
	_ =	sdelay $0x4  }
0x219: {  	[spmem:s1] =	stream.indirect_vreg.scatter.add.f32 [tilespmem:s21], [sflag:$0x1], $0x1, v1, vm0, $0xb8;
	[tilespmem:$0x15880] =	vst v63  }
0x21a: {  	_ =	swait.ge [sflag:s19], $0x10  }
0x21b: {  	[sflag:s19] =	ssyncset.done $0x0  }
0x21c: {  	[sflag:s19] =	ssyncadd.s32 $0xFFFFFFF0  }
0x21d: {  	v1 =	vld [tilespmem:$0x660]  }
0x21e: {  	v2 =	vld [tilespmem:$0x260];
	_ =	sdelay $0x3  }
0x21f: {  	v1 =	vshll.u32 v1, $0xA  }
0x220: {  	v1 =	vadd.s32 v2, v1;
	_ =	sdelay $0x4  }
0x221: {  	[spmem:s1] =	stream.indirect_vreg.scatter.add.f32 [tilespmem:s21], [sflag:$0x1], $0x1, v1, vm0, $0xb8;
	[tilespmem:$0x15880] =	vst v63  }
0x222: {  	_ =	swait.ge [sflag:s19], $0x10  }
0x223: {  	[sflag:s19] =	ssyncset.done $0x0  }
0x224: {  	[sflag:s19] =	ssyncadd.s32 $0xFFFFFFF0  }
0x225: {  	v1 =	vld [tilespmem:$0x670]  }
0x226: {  	v2 =	vld [tilespmem:$0x270];
	_ =	sdelay $0x3  }
0x227: {  	v1 =	vshll.u32 v1, $0xA  }
0x228: {  	v1 =	vadd.s32 v2, v1;
	_ =	sdelay $0x4  }
0x229: {  	[spmem:s1] =	stream.indirect_vreg.scatter.add.f32 [tilespmem:s21], [sflag:$0x1], $0x1, v1, vm0, $0xb8;
	[tilespmem:$0x15880] =	vst v63  }
0x22a: {  	_ =	swait.ge [sflag:s19], $0x10  }
0x22b: {  	[sflag:s19] =	ssyncset.done $0x0  }
0x22c: {  	[sflag:s19] =	ssyncadd.s32 $0xFFFFFFF0  }
0x22d: {  	v1 =	vld [tilespmem:$0x680]  }
0x22e: {  	v2 =	vld [tilespmem:$0x280];
	_ =	sdelay $0x3  }
0x22f: {  	v1 =	vshll.u32 v1, $0xA  }
0x230: {  	v1 =	vadd.s32 v2, v1;
	_ =	sdelay $0x4  }
0x231: {  	[spmem:s1] =	stream.indirect_vreg.scatter.add.f32 [tilespmem:s21], [sflag:$0x1], $0x1, v1, vm0, $0xb8;
	[tilespmem:$0x15880] =	vst v63  }
0x232: {  	_ =	swait.ge [sflag:s19], $0x10  }
0x233: {  	[sflag:s19] =	ssyncset.done $0x0  }
0x234: {  	[sflag:s19] =	ssyncadd.s32 $0xFFFFFFF0  }
0x235: {  	v1 =	vld [tilespmem:$0x690]  }
0x236: {  	v2 =	vld [tilespmem:$0x290];
	_ =	sdelay $0x3  }
0x237: {  	v1 =	vshll.u32 v1, $0xA  }
0x238: {  	v1 =	vadd.s32 v2, v1;
	_ =	sdelay $0x4  }
0x239: {  	[spmem:s1] =	stream.indirect_vreg.scatter.add.f32 [tilespmem:s21], [sflag:$0x1], $0x1, v1, vm0, $0xb8;
	[tilespmem:$0x15880] =	vst v63  }
0x23a: {  	_ =	swait.ge [sflag:s19], $0x10  }
0x23b: {  	[sflag:s19] =	ssyncset.done $0x0  }
0x23c: {  	[sflag:s19] =	ssyncadd.s32 $0xFFFFFFF0  }
0x23d: {  	v1 =	vld [tilespmem:$0x6A0]  }
0x23e: {  	v2 =	vld [tilespmem:$0x2A0];
	_ =	sdelay $0x3  }
0x23f: {  	v1 =	vshll.u32 v1, $0xA  }
0x240: {  	v1 =	vadd.s32 v2, v1;
	_ =	sdelay $0x4  }
0x241: {  	[spmem:s1] =	stream.indirect_vreg.scatter.add.f32 [tilespmem:s21], [sflag:$0x1], $0x1, v1, vm0, $0xb8;
	[tilespmem:$0x15880] =	vst v63  }
0x242: {  	_ =	swait.ge [sflag:s19], $0x10  }
0x243: {  	[sflag:s19] =	ssyncset.done $0x0  }
0x244: {  	[sflag:s19] =	ssyncadd.s32 $0xFFFFFFF0  }
0x245: {  	v1 =	vld [tilespmem:$0x6B0]  }
0x246: {  	v2 =	vld [tilespmem:$0x2B0];
	_ =	sdelay $0x3  }
0x247: {  	v1 =	vshll.u32 v1, $0xA  }
0x248: {  	v1 =	vadd.s32 v2, v1;
	_ =	sdelay $0x4  }
0x249: {  	[spmem:s1] =	stream.indirect_vreg.scatter.add.f32 [tilespmem:s21], [sflag:$0x1], $0x1, v1, vm0, $0xb8;
	[tilespmem:$0x15880] =	vst v63  }
0x24a: {  	_ =	swait.ge [sflag:s19], $0x10  }
0x24b: {  	[sflag:s19] =	ssyncset.done $0x0  }
0x24c: {  	[sflag:s19] =	ssyncadd.s32 $0xFFFFFFF0  }
0x24d: {  	v1 =	vld [tilespmem:$0x6C0]  }
0x24e: {  	v2 =	vld [tilespmem:$0x2C0];
	_ =	sdelay $0x3  }
0x24f: {  	v1 =	vshll.u32 v1, $0xA  }
0x250: {  	v1 =	vadd.s32 v2, v1;
	_ =	sdelay $0x4  }
0x251: {  	[spmem:s1] =	stream.indirect_vreg.scatter.add.f32 [tilespmem:s21], [sflag:$0x1], $0x1, v1, vm0, $0xb8;
	[tilespmem:$0x15880] =	vst v63  }
0x252: {  	_ =	swait.ge [sflag:s19], $0x10  }
0x253: {  	[sflag:s19] =	ssyncset.done $0x0  }
0x254: {  	[sflag:s19] =	ssyncadd.s32 $0xFFFFFFF0  }
0x255: {  	v1 =	vld [tilespmem:$0x6D0]  }
0x256: {  	v2 =	vld [tilespmem:$0x2D0];
	_ =	sdelay $0x3  }
0x257: {  	v1 =	vshll.u32 v1, $0xA  }
0x258: {  	v1 =	vadd.s32 v2, v1;
	_ =	sdelay $0x4  }
0x259: {  	[spmem:s1] =	stream.indirect_vreg.scatter.add.f32 [tilespmem:s21], [sflag:$0x1], $0x1, v1, vm0, $0xb8;
	[tilespmem:$0x15880] =	vst v63  }
0x25a: {  	_ =	swait.ge [sflag:s19], $0x10  }
0x25b: {  	[sflag:s19] =	ssyncset.done $0x0  }
0x25c: {  	[sflag:s19] =	ssyncadd.s32 $0xFFFFFFF0  }
0x25d: {  	v1 =	vld [tilespmem:$0x6E0]  }
0x25e: {  	v2 =	vld [tilespmem:$0x2E0];
	_ =	sdelay $0x3  }
0x25f: {  	v1 =	vshll.u32 v1, $0xA  }
0x260: {  	v1 =	vadd.s32 v2, v1;
	_ =	sdelay $0x4  }
0x261: {  	[spmem:s1] =	stream.indirect_vreg.scatter.add.f32 [tilespmem:s21], [sflag:$0x1], $0x1, v1, vm0, $0xb8;
	[tilespmem:$0x15880] =	vst v63  }
0x262: {  	_ =	swait.ge [sflag:s19], $0x10  }
0x263: {  	[sflag:s19] =	ssyncset.done $0x0  }
0x264: {  	[sflag:s19] =	ssyncadd.s32 $0xFFFFFFF0  }
0x265: {  	v1 =	vld [tilespmem:$0x6F0]  }
0x266: {  	v2 =	vld [tilespmem:$0x2F0];
	_ =	sdelay $0x3  }
0x267: {  	v1 =	vshll.u32 v1, $0xA  }
0x268: {  	v1 =	vadd.s32 v2, v1;
	_ =	sdelay $0x4  }
0x269: {  	[spmem:s1] =	stream.indirect_vreg.scatter.add.f32 [tilespmem:s21], [sflag:$0x1], $0x1, v1, vm0, $0xb8;
	[tilespmem:$0x15880] =	vst v63  }
0x26a: {  	_ =	swait.ge [sflag:s19], $0x10  }
0x26b: {  	[sflag:s19] =	ssyncset.done $0x0  }
0x26c: {  	[sflag:s19] =	ssyncadd.s32 $0xFFFFFFF0  }
0x26d: {  	v1 =	vld [tilespmem:$0x700]  }
0x26e: {  	v2 =	vld [tilespmem:$0x300];
	_ =	sdelay $0x3  }
0x26f: {  	v1 =	vshll.u32 v1, $0xA  }
0x270: {  	v1 =	vadd.s32 v2, v1;
	_ =	sdelay $0x4  }
0x271: {  	[spmem:s1] =	stream.indirect_vreg.scatter.add.f32 [tilespmem:s21], [sflag:$0x1], $0x1, v1, vm0, $0xb8;
	[tilespmem:$0x15880] =	vst v63  }
0x272: {  	_ =	swait.ge [sflag:s19], $0x10  }
0x273: {  	[sflag:s19] =	ssyncset.done $0x0  }
0x274: {  	[sflag:s19] =	ssyncadd.s32 $0xFFFFFFF0  }
0x275: {  	v1 =	vld [tilespmem:$0x710]  }
0x276: {  	v2 =	vld [tilespmem:$0x310];
	_ =	sdelay $0x3  }
0x277: {  	v1 =	vshll.u32 v1, $0xA  }
0x278: {  	v1 =	vadd.s32 v2, v1;
	_ =	sdelay $0x4  }
0x279: {  	[spmem:s1] =	stream.indirect_vreg.scatter.add.f32 [tilespmem:s21], [sflag:$0x1], $0x1, v1, vm0, $0xb8;
	[tilespmem:$0x15880] =	vst v63  }
0x27a: {  	_ =	swait.ge [sflag:s19], $0x10  }
0x27b: {  	[sflag:s19] =	ssyncset.done $0x0  }
0x27c: {  	[sflag:s19] =	ssyncadd.s32 $0xFFFFFFF0  }
0x27d: {  	v1 =	vld [tilespmem:$0x720]  }
0x27e: {  	v2 =	vld [tilespmem:$0x320];
	_ =	sdelay $0x3  }
0x27f: {  	v1 =	vshll.u32 v1, $0xA  }
0x280: {  	v1 =	vadd.s32 v2, v1;
	_ =	sdelay $0x4  }
0x281: {  	[spmem:s1] =	stream.indirect_vreg.scatter.add.f32 [tilespmem:s21], [sflag:$0x1], $0x1, v1, vm0, $0xb8;
	[tilespmem:$0x15880] =	vst v63  }
0x282: {  	_ =	swait.ge [sflag:s19], $0x10  }
0x283: {  	[sflag:s19] =	ssyncset.done $0x0  }
0x284: {  	[sflag:s19] =	ssyncadd.s32 $0xFFFFFFF0  }
0x285: {  	v1 =	vld [tilespmem:$0x730]  }
0x286: {  	v2 =	vld [tilespmem:$0x330];
	_ =	sdelay $0x3  }
0x287: {  	v1 =	vshll.u32 v1, $0xA  }
0x288: {  	v1 =	vadd.s32 v2, v1;
	_ =	sdelay $0x4  }
0x289: {  	[spmem:s1] =	stream.indirect_vreg.scatter.add.f32 [tilespmem:s21], [sflag:$0x1], $0x1, v1, vm0, $0xb8;
	[tilespmem:$0x15880] =	vst v63  }
0x28a: {  	_ =	swait.ge [sflag:s19], $0x10  }
0x28b: {  	[sflag:s19] =	ssyncset.done $0x0  }
0x28c: {  	[sflag:s19] =	ssyncadd.s32 $0xFFFFFFF0  }
0x28d: {  	v1 =	vld [tilespmem:$0x740]  }
0x28e: {  	v2 =	vld [tilespmem:$0x340];
	_ =	sdelay $0x3  }
0x28f: {  	v1 =	vshll.u32 v1, $0xA  }
0x290: {  	v1 =	vadd.s32 v2, v1;
	_ =	sdelay $0x4  }
0x291: {  	[spmem:s1] =	stream.indirect_vreg.scatter.add.f32 [tilespmem:s21], [sflag:$0x1], $0x1, v1, vm0, $0xb8;
	[tilespmem:$0x15880] =	vst v63  }
0x292: {  	_ =	swait.ge [sflag:s19], $0x10  }
0x293: {  	[sflag:s19] =	ssyncset.done $0x0  }
0x294: {  	[sflag:s19] =	ssyncadd.s32 $0xFFFFFFF0  }
0x295: {  	v1 =	vld [tilespmem:$0x750]  }
0x296: {  	v2 =	vld [tilespmem:$0x350];
	_ =	sdelay $0x3  }
0x297: {  	v1 =	vshll.u32 v1, $0xA  }
0x298: {  	v1 =	vadd.s32 v2, v1;
	_ =	sdelay $0x4  }
0x299: {  	[spmem:s1] =	stream.indirect_vreg.scatter.add.f32 [tilespmem:s21], [sflag:$0x1], $0x1, v1, vm0, $0xb8;
	[tilespmem:$0x15880] =	vst v63  }
0x29a: {  	_ =	swait.ge [sflag:s19], $0x10  }
0x29b: {  	[sflag:s19] =	ssyncset.done $0x0  }
0x29c: {  	[sflag:s19] =	ssyncadd.s32 $0xFFFFFFF0  }
0x29d: {  	v1 =	vld [tilespmem:$0x760]  }
0x29e: {  	v2 =	vld [tilespmem:$0x360];
	_ =	sdelay $0x3  }
0x29f: {  	v1 =	vshll.u32 v1, $0xA  }
0x2a0: {  	v1 =	vadd.s32 v2, v1;
	_ =	sdelay $0x4  }
0x2a1: {  	[spmem:s1] =	stream.indirect_vreg.scatter.add.f32 [tilespmem:s21], [sflag:$0x1], $0x1, v1, vm0, $0xb8;
	[tilespmem:$0x15880] =	vst v63  }
0x2a2: {  	_ =	swait.ge [sflag:s19], $0x10  }
0x2a3: {  	[sflag:s19] =	ssyncset.done $0x0  }
0x2a4: {  	[sflag:s19] =	ssyncadd.s32 $0xFFFFFFF0  }
0x2a5: {  	v1 =	vld [tilespmem:$0x770]  }
0x2a6: {  	v2 =	vld [tilespmem:$0x370];
	_ =	sdelay $0x3  }
0x2a7: {  	v1 =	vshll.u32 v1, $0xA  }
0x2a8: {  	v1 =	vadd.s32 v2, v1;
	_ =	sdelay $0x4  }
0x2a9: {  	[spmem:s1] =	stream.indirect_vreg.scatter.add.f32 [tilespmem:s21], [sflag:$0x1], $0x1, v1, vm0, $0xb8;
	[tilespmem:$0x15880] =	vst v63  }
0x2aa: {  	_ =	swait.ge [sflag:s19], $0x10  }
0x2ab: {  	[sflag:s19] =	ssyncset.done $0x0  }
0x2ac: {  	[sflag:s19] =	ssyncadd.s32 $0xFFFFFFF0  }
0x2ad: {  	v1 =	vld [tilespmem:$0x780]  }
0x2ae: {  	v2 =	vld [tilespmem:$0x380];
	_ =	sdelay $0x3  }
0x2af: {  	v1 =	vshll.u32 v1, $0xA  }
0x2b0: {  	v1 =	vadd.s32 v2, v1;
	_ =	sdelay $0x4  }
0x2b1: {  	[spmem:s1] =	stream.indirect_vreg.scatter.add.f32 [tilespmem:s21], [sflag:$0x1], $0x1, v1, vm0, $0xb8;
	[tilespmem:$0x15880] =	vst v63  }
0x2b2: {  	_ =	swait.ge [sflag:s19], $0x10  }
0x2b3: {  	[sflag:s19] =	ssyncset.done $0x0  }
0x2b4: {  	[sflag:s19] =	ssyncadd.s32 $0xFFFFFFF0  }
0x2b5: {  	v1 =	vld [tilespmem:$0x790]  }
0x2b6: {  	v2 =	vld [tilespmem:$0x390];
	_ =	sdelay $0x3  }
0x2b7: {  	v1 =	vshll.u32 v1, $0xA  }
0x2b8: {  	v1 =	vadd.s32 v2, v1;
	_ =	sdelay $0x4  }
0x2b9: {  	[spmem:s1] =	stream.indirect_vreg.scatter.add.f32 [tilespmem:s21], [sflag:$0x1], $0x1, v1, vm0, $0xb8;
	[tilespmem:$0x15880] =	vst v63  }
0x2ba: {  	_ =	swait.ge [sflag:s19], $0x10  }
0x2bb: {  	[sflag:s19] =	ssyncset.done $0x0  }
0x2bc: {  	[sflag:s19] =	ssyncadd.s32 $0xFFFFFFF0  }
0x2bd: {  	v1 =	vld [tilespmem:$0x7A0]  }
0x2be: {  	v2 =	vld [tilespmem:$0x3A0];
	_ =	sdelay $0x3  }
0x2bf: {  	v1 =	vshll.u32 v1, $0xA  }
0x2c0: {  	v1 =	vadd.s32 v2, v1;
	_ =	sdelay $0x4  }
0x2c1: {  	[spmem:s1] =	stream.indirect_vreg.scatter.add.f32 [tilespmem:s21], [sflag:$0x1], $0x1, v1, vm0, $0xb8;
	[tilespmem:$0x15880] =	vst v63  }
0x2c2: {  	_ =	swait.ge [sflag:s19], $0x10  }
0x2c3: {  	[sflag:s19] =	ssyncset.done $0x0  }
0x2c4: {  	[sflag:s19] =	ssyncadd.s32 $0xFFFFFFF0  }
0x2c5: {  	v1 =	vld [tilespmem:$0x7B0]  }
0x2c6: {  	v2 =	vld [tilespmem:$0x3B0];
	_ =	sdelay $0x3  }
0x2c7: {  	v1 =	vshll.u32 v1, $0xA  }
0x2c8: {  	v1 =	vadd.s32 v2, v1;
	_ =	sdelay $0x4  }
0x2c9: {  	[spmem:s1] =	stream.indirect_vreg.scatter.add.f32 [tilespmem:s21], [sflag:$0x1], $0x1, v1, vm0, $0xb8;
	[tilespmem:$0x15880] =	vst v63  }
0x2ca: {  	_ =	swait.ge [sflag:s19], $0x10  }
0x2cb: {  	[sflag:s19] =	ssyncset.done $0x0  }
0x2cc: {  	[sflag:s19] =	ssyncadd.s32 $0xFFFFFFF0  }
0x2cd: {  	v1 =	vld [tilespmem:$0x7C0]  }
0x2ce: {  	v2 =	vld [tilespmem:$0x3C0];
	_ =	sdelay $0x3  }
0x2cf: {  	v1 =	vshll.u32 v1, $0xA  }
0x2d0: {  	v1 =	vadd.s32 v2, v1;
	_ =	sdelay $0x4  }
0x2d1: {  	[spmem:s1] =	stream.indirect_vreg.scatter.add.f32 [tilespmem:s21], [sflag:$0x1], $0x1, v1, vm0, $0xb8;
	[tilespmem:$0x15880] =	vst v63  }
0x2d2: {  	_ =	swait.ge [sflag:s19], $0x10  }
0x2d3: {  	[sflag:s19] =	ssyncset.done $0x0  }
0x2d4: {  	[sflag:s19] =	ssyncadd.s32 $0xFFFFFFF0  }
0x2d5: {  	v1 =	vld [tilespmem:$0x7D0]  }
0x2d6: {  	v2 =	vld [tilespmem:$0x3D0];
	_ =	sdelay $0x3  }
0x2d7: {  	v1 =	vshll.u32 v1, $0xA  }
0x2d8: {  	v1 =	vadd.s32 v2, v1;
	_ =	sdelay $0x4  }
0x2d9: {  	[spmem:s1] =	stream.indirect_vreg.scatter.add.f32 [tilespmem:s21], [sflag:$0x1], $0x1, v1, vm0, $0xb8;
	[tilespmem:$0x15880] =	vst v63  }
0x2da: {  	_ =	swait.ge [sflag:s19], $0x10  }
0x2db: {  	[sflag:s19] =	ssyncset.done $0x0  }
0x2dc: {  	[sflag:s19] =	ssyncadd.s32 $0xFFFFFFF0  }
0x2dd: {  	v1 =	vld [tilespmem:$0x7E0]  }
0x2de: {  	v2 =	vld [tilespmem:$0x3E0];
	_ =	sdelay $0x3  }
0x2df: {  	v1 =	vshll.u32 v1, $0xA  }
0x2e0: {  	v1 =	vadd.s32 v2, v1;
	_ =	sdelay $0x4  }
0x2e1: {  	[spmem:s1] =	stream.indirect_vreg.scatter.add.f32 [tilespmem:s21], [sflag:$0x1], $0x1, v1, vm0, $0xb8;
	[tilespmem:$0x15880] =	vst v63  }
0x2e2: {  	_ =	swait.ge [sflag:s19], $0x10  }
0x2e3: {  	[sflag:s19] =	ssyncset.done $0x0  }
0x2e4: {  	[sflag:s19] =	ssyncadd.s32 $0xFFFFFFF0  }
0x2e5: {  	v1 =	vld [tilespmem:$0x7F0]  }
0x2e6: {  	v2 =	vld [tilespmem:$0x3F0];
	_ =	sdelay $0x3  }
0x2e7: {  	v1 =	vshll.u32 v1, $0xA  }
0x2e8: {  	v1 =	vadd.s32 v2, v1;
	_ =	sdelay $0x4  }
0x2e9: {  	[spmem:s1] =	stream.indirect_vreg.scatter.add.f32 [tilespmem:s21], [sflag:$0x1], $0x1, v1, vm0, $0xb8;
	[tilespmem:$0x15880] =	vst v63  }
0x2ea: {  	_ =	swait.ge [sflag:s19], $0x10  }
0x2eb: {  	[sflag:s19] =	ssyncset.done $0x0  }
0x2ec: {  	[sflag:s19] =	ssyncadd.s32 $0xFFFFFFF0  }
.Ltmp3:
0x2ed: {  	[bflag:$0x0] =	sbarrier.arrive $0xFFFF;
	(pc) =	sbr.rel .LBB2_4-.Ltmp3, $4  }
0x2ee: {  	[hbm:s15], [sflag:s17] =	dma.local [spmem:s18], $0x2000  }
0x2ef: {  	_ =	swait.ge [sflag:s19], $0x2000  }
0x2f0: {  	[sflag:s19] =	ssyncset.done $0x0  }
0x2f1: {  	[sflag:s19] =	ssyncadd.s32 $0xFFFFE000  }
.LBB2_5:
0x2f2: {  	_ =	sfence.sel $0x180000  }
0x2f3: {  	[bflag:$0x0] =	sbarrier.arrive $0xFFFF  }
0x2f4: {  	p0 =	sne.s32 s3, $0x0;
	_ =	strace $0x90000047  }
0x2f5: {  	s0 =	sadd.s32 @!p0 $0x100000, s0;
	[bflag:$0x2] =	sbarrier.arrive $0xFFFF  }
0x2f6: {  	[sflag:s0] =	ssyncadd.tile.s32 @!p0 $0x1;
	_ =	shalt  }
.Lfunc_end2:
_tile_overlayer_lowered:
.L_overlay_start_2:
0x2f7: {  	(tag) =	ssettag $0x2  }
0x2f8: {  	s0 =	rddreg [dreg:$0x0];
	s2 =	stileid.u32  }
0x2f9: {  	s1 =	rddreg [dreg:$0x1];
	p0 =	sne.s32 s2, $0x0  }
0x2fa: {  	s3 =	rddreg [dreg:$0x2];
	[bflag:$0x3] =	sbarrier.arrive $0xFFFF;
	s2 =	simm.s32 @!p0 $0x1C01  }
0x2fb: {  	[timem:s3], [sflag:s2] =	dma.local @!p0 [hbm:s0], s1  }
0x2fc: {  	s0 =	simm.s32 @!p0 $0x1  }
0x2fd: {  	_ =	swait.ge @!p0 [sflag:s0], s1  }
0x2fe: {  	s1 =	ssub.s32 @!p0 $0x0, s1;
	[sflag:s0] =	ssyncset.done @!p0 $0x0  }
0x2ff: {  	[sflag:s0] =	ssyncadd.s32 @!p0 s1  }
0x300: {  	[bflag:$0x3] =	sbarrier.arrive $0xFFFF  }
0x301: {  	_ =	shalt  }

</sc_bundles>
